<compile_context>
chip_gen: v7x
topology: tpu7x:2x2x1
jax: 0.10.2.dev20260603
libtpu: 0.0.44.dev20260713+nightly
codegen_flags: <defaults>
</compile_context>

<pallas_src>
import functools

import jax
import jax.numpy as jnp
from jax import lax
from jax.experimental import pallas as pl
from jax.experimental.pallas import tpu as pltpu
from jax.experimental.pallas import tpu_sc as plsc

N = 10000
E = 160000
D = 256
H = 512

ROWS = 1000

EB = 128
NT = 16
EPAD = 163840
TILE_E = EPAD // NT
TILE_B = TILE_E // EB
NPAD = 10240
ROWS_T = NPAD // NT
NBUF = 5
G = 10
NGRP = TILE_B // G

_MESH = plsc.VectorSubcoreMesh(core_axis_name="c", subcore_axis_name="s")


def _dot_t(a, b):
    return lax.dot_general(a, b, (((1,), (1,)), ((), ())),
                           preferred_element_type=jnp.float32)



def _stage1_body(x_ref, wp1_ref, bp1_ref, wr1_ref, h1_ref, xr1_ref):
    xb = x_ref[...]
    h1_ref[...] = jnp.maximum(_dot_t(xb, wp1_ref[...]) + bp1_ref[...], 0.0)
    xr1_ref[...] = _dot_t(xb, wr1_ref[...])


def _stage1(x, Wp1, bp1, Wr1):
    return pl.pallas_call(
        _stage1_body,
        grid=(N // ROWS,),
        in_specs=[
            pl.BlockSpec((ROWS, D), lambda i: (i, 0)),
            pl.BlockSpec((D, D), lambda i: (0, 0)),
            pl.BlockSpec((1, D), lambda i: (0, 0)),
            pl.BlockSpec((H, D), lambda i: (0, 0)),
        ],
        out_specs=[
            pl.BlockSpec((ROWS, D), lambda i: (i, 0)),
            pl.BlockSpec((ROWS, H), lambda i: (i, 0)),
        ],
        out_shape=[
            jax.ShapeDtypeStruct((N, D), jnp.float32),
            jax.ShapeDtypeStruct((N, H), jnp.float32),
        ],
    )(x, Wp1, bp1.reshape(1, D), Wr1)



def _agg1_body(h_hbm, idx_hbm, ssum_hbm, cnt_hbm,
               zb, ones_v, ib0, ib1, rows0, rows1,
               acc_sh, cnt_sh, sem_i, sem_g, sem_s, sem_c, sem_z):
    c = lax.axis_index("c")
    s = lax.axis_index("s")
    rows = (rows0, rows1)
    ibs = (ib0, ib1)
    zero16 = jnp.zeros((16,), jnp.float32)

    def _zrow(r, _):
        def _zcol(j, _):
            zb[r, pl.ds(j * 16, 16)] = zero16
            return 0
        return lax.fori_loop(0, 8, _zcol, 0)
    lax.fori_loop(0, 32, _zrow, 0)

    def _ones(j, _):
        ones_v[pl.ds(j * 16, 16)] = zero16 + 1.0
        return 0
    lax.fori_loop(0, EB // 16, _ones, 0)

    def _idx_start(o, q):
        pltpu.async_copy(idx_hbm.at[c, pl.ds(s * TILE_B + o * G, G), :, :],
                         ibs[q], sem_i.at[q])

    def _idx_wait(o, q):
        pltpu.make_async_copy(
            idx_hbm.at[c, pl.ds(s * TILE_B + o * G, G), :, :],
            ibs[q], sem_i.at[q]).wait()

    def _gather_start(q, i, slot):
        pltpu.async_copy(h_hbm.at[ibs[q].at[i, 0]], rows[slot],
                         sem_g.at[slot])

    def _gather_wait(q, i, slot):
        pltpu.make_async_copy(h_hbm.at[ibs[q].at[i, 0]], rows[slot],
                              sem_g.at[slot]).wait()

    _idx_start(jnp.int32(0), 0)

    for i in range(ROWS_T // 32):
        pltpu.async_copy(zb, acc_sh.at[pl.ds(s * ROWS_T + i * 32, 32), :],
                         sem_z)
    for i in range(ROWS_T // 128):
        pltpu.async_copy(zb.at[0, :],
                         cnt_sh.at[pl.ds(s * ROWS_T + i * 128, 128)], sem_z)
    for i in range(ROWS_T // 32):
        pltpu.make_async_copy(zb, acc_sh.at[pl.ds(s * ROWS_T, 32), :],
                              sem_z).wait()
    for i in range(ROWS_T // 128):
        pltpu.make_async_copy(zb.at[0, :], cnt_sh.at[pl.ds(s * ROWS_T, 128)],
                              sem_z).wait()
    _idx_wait(jnp.int32(0), 0)
    _idx_start(jnp.int32(1), 1)
    _gather_start(0, 0, 0)
    _gather_start(0, 1, 1)
    plsc.subcore_barrier()

    def _outer(oo, _):
        for q in range(2):
            o = oo * 2 + q
            g0 = o * G
            for i in range(G):
                si = i % 2
                g = g0 + i
                _gather_wait(q, i, si)
                pltpu.async_copy(rows[si], acc_sh.at[ibs[q].at[i, 1]],
                                 sem_s.at[si], add=True)

                @pl.when(c == 0)
                def _():
                    @pl.when(g >= 4)
                    def _():
                        pltpu.make_async_copy(
                            ones_v, cnt_sh.at[ibs[q].at[i, 1]],
                            sem_c).wait()
                    pltpu.async_copy(ones_v, cnt_sh.at[ibs[q].at[i, 1]],
                                     sem_c, add=True)

                pltpu.make_async_copy(rows[si], acc_sh.at[ibs[q].at[i, 1]],
                                      sem_s.at[si]).wait()
                if i < G - 2:
                    _gather_start(q, i + 2, si)

            @pl.when(o < NGRP - 1)
            def _():
                _idx_wait(o + 1, 1 - q)
                _gather_start(1 - q, 0, 0)
                _gather_start(1 - q, 1, 1)

                @pl.when(o < NGRP - 2)
                def _():
                    _idx_start(o + 2, q)
        return 0
    lax.fori_loop(0, NGRP // 2, _outer, 0)

    @pl.when(c == 0)
    def _():
        for i in range(4):
            pltpu.make_async_copy(ones_v,
                                  cnt_sh.at[ibs[0].at[jnp.int32(i), 1]],
                                  sem_c).wait()
    plsc.subcore_barrier()

    pltpu.sync_copy(acc_sh.at[pl.ds(s * ROWS_T, ROWS_T), :],
                    ssum_hbm.at[c, pl.ds(s * ROWS_T, ROWS_T), :])

    @pl.when(c == 0)
    def _():
        pltpu.sync_copy(cnt_sh.at[pl.ds(s * ROWS_T, ROWS_T)],
                        cnt_hbm.at[pl.ds(s * ROWS_T, ROWS_T)])


_agg1 = functools.partial(
    pl.kernel, _agg1_body, mesh=_MESH,
    out_type=[
        jax.ShapeDtypeStruct((2, NPAD, 128), jnp.float32),
        jax.ShapeDtypeStruct((NPAD,), jnp.float32),
    ],
    scratch_types=[
        pltpu.VMEM((32, 128), jnp.float32),
        pltpu.VMEM((EB,), jnp.float32),
        pltpu.VMEM((G, 2, EB), jnp.int32),
        pltpu.VMEM((G, 2, EB), jnp.int32),
        pltpu.VMEM((EB, 128), jnp.float32),
        pltpu.VMEM((EB, 128), jnp.float32),
        pltpu.VMEM_SHARED((NPAD, 128), jnp.float32),
        pltpu.VMEM_SHARED((NPAD,), jnp.float32),
        pltpu.SemaphoreType.DMA((2,)),
        pltpu.SemaphoreType.DMA((2,)),
        pltpu.SemaphoreType.DMA((2,)),
        pltpu.SemaphoreType.DMA,
        pltpu.SemaphoreType.DMA,
    ],
)()



def _stage2_body(sa_ref, sb_ref, cnt_ref, xr1_ref, wl1a_ref, wl1b_ref,
                 bl1_ref, wp2_ref, bp2_ref, wl2_ref, wr2_ref,
                 s2_ref, r2_ref):
    inv = 1.0 / jnp.maximum(cnt_ref[...], 1.0)
    lsum = _dot_t(sa_ref[...], wl1a_ref[...]) + _dot_t(sb_ref[...],
                                                       wl1b_ref[...])
    out1 = jnp.maximum(lsum * inv + bl1_ref[...] + xr1_ref[...], 0.0)
    h2 = jnp.maximum(_dot_t(out1, wp2_ref[...]) + bp2_ref[...], 0.0)
    s2_ref[...] = _dot_t(h2, wl2_ref[...])
    r2_ref[...] = _dot_t(out1, wr2_ref[...])


def _stage2(sa, sb, cnt, xr1, Wl1, bl1, Wp2, bp2, Wl2, Wr2):
    return pl.pallas_call(
        _stage2_body,
        grid=(N // ROWS,),
        in_specs=[
            pl.BlockSpec((ROWS, 128), lambda i: (i, 0)),
            pl.BlockSpec((ROWS, 128), lambda i: (i, 0)),
            pl.BlockSpec((ROWS, 1), lambda i: (i, 0)),
            pl.BlockSpec((ROWS, H), lambda i: (i, 0)),
            pl.BlockSpec((H, 128), lambda i: (0, 0)),
            pl.BlockSpec((H, 128), lambda i: (0, 0)),
            pl.BlockSpec((1, H), lambda i: (0, 0)),
            pl.BlockSpec((H, H), lambda i: (0, 0)),
            pl.BlockSpec((1, H), lambda i: (0, 0)),
            pl.BlockSpec((1, H), lambda i: (0, 0)),
            pl.BlockSpec((1, H), lambda i: (0, 0)),
        ],
        out_specs=[
            pl.BlockSpec((ROWS, 1), lambda i: (i, 0)),
            pl.BlockSpec((ROWS, 1), lambda i: (i, 0)),
        ],
        out_shape=[
            jax.ShapeDtypeStruct((N, 1), jnp.float32),
            jax.ShapeDtypeStruct((N, 1), jnp.float32),
        ],
    )(sa, sb, cnt.reshape(N, 1), xr1, Wl1[:, :128], Wl1[:, 128:],
      bl1.reshape(1, H), Wp2, bp2.reshape(1, H), Wl2, Wr2)



def _agg2_body(s2_hbm, src_hbm, dst_hbm, cnt_hbm, r2_hbm, out_hbm,
               zcnt, s2_v, src3, dst3, vals0, vals1, vals2, vals3, vals4,
               a_v, c_v, r_v, o_v, acc_sh, sem_g, sem_s):
    c = lax.axis_index("c")
    s = lax.axis_index("s")
    vals = (vals0, vals1, vals2, vals3, vals4)
    zero16 = jnp.zeros((16,), jnp.float32)

    @pl.when(c == 0)
    def _():
        def _zc(j, _):
            zcnt[pl.ds(j * 16, 16)] = zero16
            return 0
        lax.fori_loop(0, ROWS_T // 16, _zc, 0)
        pltpu.async_copy(src_hbm.at[pl.ds(s * TILE_B, TILE_B), :], src3,
                         sem_g.at[0])
        pltpu.async_copy(dst_hbm.at[pl.ds(s * TILE_B, TILE_B), :], dst3,
                         sem_g.at[1])
        pltpu.async_copy(s2_hbm, s2_v, sem_g.at[2])
        pltpu.sync_copy(zcnt, acc_sh.at[pl.ds(s * ROWS_T, ROWS_T)])
        pltpu.make_async_copy(src_hbm.at[pl.ds(s * TILE_B, TILE_B), :],
                              src3, sem_g.at[0]).wait()
        pltpu.make_async_copy(dst_hbm.at[pl.ds(s * TILE_B, TILE_B), :],
                              dst3, sem_g.at[1]).wait()
        pltpu.make_async_copy(s2_hbm, s2_v, sem_g.at[2]).wait()
    plsc.subcore_barrier()

    @pl.when(c == 0)
    def _():
        def _scat_wait(g, slot):
            pltpu.make_async_copy(vals[slot], acc_sh.at[dst3.at[g]],
                                  sem_s.at[slot]).wait()

        def _group(o, _):
            for i in range(NBUF):
                g = o * NBUF + i

                @pl.when(g >= NBUF)
                def _():
                    _scat_wait(g, i)

                def _gather(j, _):
                    idx16 = src3[g, pl.ds(j * 16, 16)]
                    row16 = lax.shift_right_logical(idx16, 7)
                    col16 = lax.bitwise_and(idx16, 127)
                    vals[i][pl.ds(j * 16, 16)] = plsc.load_gather(
                        s2_v, [row16, col16])
                    return 0
                lax.fori_loop(0, EB // 16, _gather, 0)
                pltpu.async_copy(vals[i], acc_sh.at[dst3.at[g]],
                                 sem_s.at[i], add=True)
            return 0
        lax.fori_loop(0, TILE_B // NBUF, _group, 0)
        for i in range(NBUF):
            _scat_wait(jnp.int32(TILE_B - NBUF + i), i)
    plsc.subcore_barrier()

    @pl.when(c == 0)
    def _():
        pltpu.sync_copy(acc_sh.at[pl.ds(s * ROWS_T, ROWS_T)], a_v)
        pltpu.sync_copy(cnt_hbm.at[pl.ds(s * ROWS_T, ROWS_T)], c_v)
        pltpu.sync_copy(r2_hbm.at[pl.ds(s * ROWS_T, ROWS_T)], r_v)

        def _fin(j, _):
            sl = pl.ds(j * 16, 16)
            z = a_v[sl] / jnp.maximum(c_v[sl], 1.0) + r_v[sl]
            o_v[sl] = 1.0 / (1.0 + jnp.exp(-z))
            return 0
        lax.fori_loop(0, ROWS_T // 16, _fin, 0)
        pltpu.sync_copy(o_v, out_hbm.at[pl.ds(s * ROWS_T, ROWS_T)])


_agg2 = functools.partial(
    pl.kernel, _agg2_body, mesh=_MESH,
    compiler_params=pltpu.CompilerParams(needs_layout_passes=False),
    out_type=jax.ShapeDtypeStruct((NPAD,), jnp.float32),
    scratch_types=[
        pltpu.VMEM((ROWS_T,), jnp.float32),
        pltpu.VMEM((NPAD // 128, 128), jnp.float32),
        pltpu.VMEM((TILE_B, EB), jnp.int32),
        pltpu.VMEM((TILE_B, EB), jnp.int32),
        pltpu.VMEM((EB,), jnp.float32),
        pltpu.VMEM((EB,), jnp.float32),
        pltpu.VMEM((EB,), jnp.float32),
        pltpu.VMEM((EB,), jnp.float32),
        pltpu.VMEM((EB,), jnp.float32),
        pltpu.VMEM((ROWS_T,), jnp.float32),
        pltpu.VMEM((ROWS_T,), jnp.float32),
        pltpu.VMEM((ROWS_T,), jnp.float32),
        pltpu.VMEM((ROWS_T,), jnp.float32),
        pltpu.VMEM_SHARED((NPAD,), jnp.float32),
        pltpu.SemaphoreType.DMA((NBUF,)),
        pltpu.SemaphoreType.DMA((NBUF,)),
    ],
)()


def kernel(x, edge_index, Wp1, bp1, Wl1, bl1, Wr1, Wp2, bp2, Wl2, bl2, Wr2):
    src = edge_index[0]
    dst = edge_index[1]
    pad = EPAD - E
    src_p = jnp.concatenate([src, jnp.zeros((pad,), jnp.int32)])
    dst_p = jnp.concatenate([dst, jnp.full((pad,), N, jnp.int32)])
    src2 = src_p.reshape(EPAD // EB, EB)
    dst2 = dst_p.reshape(EPAD // EB, EB)
    idxcat = jnp.stack([
        jnp.stack([src2 * 2, dst2], axis=1),
        jnp.stack([src2 * 2 + 1, dst2], axis=1),
    ])

    h1, xr1 = _stage1(x, Wp1, bp1, Wr1)
    ssum, cnt = _agg1(h1.reshape(2 * N, 128), idxcat)
    s2, r2 = _stage2(ssum[0, :N, :], ssum[1, :N, :], cnt[:N], xr1,
                     Wl1, bl1, Wp2, bp2, Wl2, Wr2)
    zpad = jnp.zeros((NPAD - N,), jnp.float32)
    s2_p = jnp.concatenate([s2.reshape(N), zpad])
    r2_p = jnp.concatenate([r2.reshape(N) + bl2[0], zpad])
    out = _agg2(s2_p.reshape(NPAD // 128, 128), src2, dst2, cnt, r2_p)
    return out[:N].reshape(N, 1)

# --- scband reference (transcript-rebuilt; emitter-appended) ---
"""Pipeline reference for scband-node-sage-566935683374 (READ-ONLY COPY).

The authoritative reference and input builder live on the scoring server;
editing this copy changes nothing except your own understanding.
"""

import jax, jax.numpy as jnp
import numpy as np

N = 10000
E = 160000
D = 256
H = 512

def setup_inputs(seed: int = 0):
    key = jax.random.key(seed)
    ks = jax.random.split(key, 12)
    s = 0.05
    inp = {}
    inp['x'] = jax.random.normal(ks[0], (N, D), dtype=jnp.float32)
    inp['edge_index'] = jax.random.randint(ks[1], (2, E), 0, N, dtype=jnp.int32)
    # conv1 (SAGEConv(D, H, project=True)): proj lin (D->D), lin_l (D->H, bias), lin_r (D->H, no bias)
    inp['Wp1'] = jax.random.normal(ks[2], (D, D), dtype=jnp.float32) * s
    inp['bp1'] = jnp.zeros((D,), jnp.float32)
    inp['Wl1'] = jax.random.normal(ks[3], (H, D), dtype=jnp.float32) * s
    inp['bl1'] = jnp.zeros((H,), jnp.float32)
    inp['Wr1'] = jax.random.normal(ks[4], (H, D), dtype=jnp.float32) * s
    # conv2 (SAGEConv(H, 1, project=True)): proj lin (H->H), lin_l (H->1, bias), lin_r (H->1, no bias)
    inp['Wp2'] = jax.random.normal(ks[5], (H, H), dtype=jnp.float32) * s
    inp['bp2'] = jnp.zeros((H,), jnp.float32)
    inp['Wl2'] = jax.random.normal(ks[6], (1, H), dtype=jnp.float32) * s
    inp['bl2'] = jnp.zeros((1,), jnp.float32)
    inp['Wr2'] = jax.random.normal(ks[7], (1, H), dtype=jnp.float32) * s
    return inp

def _sage(x, edge_index, Wp, bp, Wl, bl, Wr):
    # PyG SAGEConv with project=True: only source features are projected; root uses raw x
    h = jax.nn.relu(x @ Wp.T + bp)
    src = edge_index[0]
    dst = edge_index[1]
    msgs = jnp.take(h, src, axis=0)
    ssum = jax.ops.segment_sum(msgs, dst, num_segments=N)
    cnt = jax.ops.segment_sum(jnp.ones((msgs.shape[0],), x.dtype), dst, num_segments=N)
    agg = ssum / jnp.maximum(cnt, 1.0)[:, None]
    return agg @ Wl.T + bl + x @ Wr.T

def reference(x, edge_index, Wp1, bp1, Wl1, bl1, Wr1, Wp2, bp2, Wl2, bl2, Wr2):
    h = _sage(x, edge_index, Wp1, bp1, Wl1, bl1, Wr1)
    h = jax.nn.relu(h)
    # F.dropout in eval mode (training=False default at inference) is identity
    out = _sage(h, edge_index, Wp2, bp2, Wl2, bl2, Wr2)
    return jax.nn.sigmoid(out)

if __name__ == "__main__":
    import jax
    _d = setup_inputs()
    print(jax.jit(kernel)(*tuple(_d.values())))

</pallas_src>

<mosaic_0001>
#map = affine_map<(d0, d1) -> (0, 0)>
#map1 = affine_map<(d0, d1) -> (0)>
module attributes {stable_mosaic.version = 14 : i64} {
  func.func @_agg2_body(%arg0: i32, %arg1: i32, %arg2: memref<80x128xf32, #tpu.memory_space<hbm>>, %arg3: memref<1280x128xi32, #tpu.memory_space<hbm>>, %arg4: memref<1280x128xi32, #tpu.memory_space<hbm>>, %arg5: memref<10240xf32, #tpu.memory_space<hbm>>, %arg6: memref<10240xf32, #tpu.memory_space<hbm>>, %arg7: memref<10240xf32, #tpu.memory_space<hbm>>, %arg8: memref<640xf32, #tpu.memory_space<vmem>>, %arg9: memref<80x128xf32, #tpu.memory_space<vmem>>, %arg10: memref<80x128xi32, #tpu.memory_space<vmem>>, %arg11: memref<80x128xi32, #tpu.memory_space<vmem>>, %arg12: memref<128xf32, #tpu.memory_space<vmem>>, %arg13: memref<128xf32, #tpu.memory_space<vmem>>, %arg14: memref<128xf32, #tpu.memory_space<vmem>>, %arg15: memref<128xf32, #tpu.memory_space<vmem>>, %arg16: memref<128xf32, #tpu.memory_space<vmem>>, %arg17: memref<640xf32, #tpu.memory_space<vmem>>, %arg18: memref<640xf32, #tpu.memory_space<vmem>>, %arg19: memref<640xf32, #tpu.memory_space<vmem>>, %arg20: memref<640xf32, #tpu.memory_space<vmem>>, %arg21: memref<10240xf32, #tpu.memory_space<vmem_shared>>, %arg22: memref<5x!tpu.dma_semaphore, #tpu.memory_space<semaphore_mem>>, %arg23: memref<5x!tpu.dma_semaphore, #tpu.memory_space<semaphore_mem>>) attributes {dimension_semantics = [#tpu.dimension_semantics<core_parallel>, #tpu.dimension_semantics<subcore_parallel>], iteration_bounds = array<i64: 2, 16>, scalar_prefetch = 0 : i64, scratch_operands = 16 : i64, tpu.core_type = #tpu.core_type<sc_vector_subcore>, window_params = [{transform_indices = #map}, {transform_indices = #map}, {transform_indices = #map}, {transform_indices = #map1}, {transform_indices = #map1}, {transform_indices = #map1}]} {
    %broadcast_in_dim3A = arith.constant 0.000000e+00 : f32
    %broadcast_in_dim3A_0 = vector.broadcast %broadcast_in_dim3A : f32 to vector<16xf32>
    %eq3A = arith.constant 0 : i32
    %eq3A_1 = arith.cmpi eq, %arg0, %eq3A : i32
    %convert_element_type3A = arith.extui %eq3A_1 : i1 to i32
    %cond3A = arith.constant 0 : i32
    %cond3A_2 = arith.cmpi ne, %convert_element_type3A, %cond3A : i32
    scf.if %cond3A_2 {
      %scan3A = arith.constant 0 : i32
      %scan3A_14 = arith.constant 0 : i32
      %scan3A_15 = arith.constant 40 : i32
      %scan3A_16 = arith.addi %scan3A_14, %scan3A_15 : i32
      %scan3A_17 = arith.constant 1 : i32
      %scan3A_18 = scf.for %scan3A_61 = %scan3A_14 to %scan3A_16 step %scan3A_17 iter_args(%scan3A_62 = %scan3A) -> (i32)  : i32 {
        %mul3A_63 = arith.constant 16 : i32
        %mul3A_64 = arith.muli %scan3A_61, %mul3A_63 : i32
        %swap3A = arith.index_cast %mul3A_64 : i32 to index
        %swap3A_65 = tpu.vector_load %arg8[%swap3A] {strides = array<i32>} : memref<640xf32, #tpu.memory_space<vmem>>, vector<16xf32>,
        tpu.vector_store %arg8[%swap3A], %broadcast_in_dim3A_0 {strides = array<i32>} : memref<640xf32, #tpu.memory_space<vmem>>, vector<16xf32>,
        %scan3A_66 = arith.constant 0 : i32
        scf.yield %scan3A_66 : i32
      }
      %scan3A_19 = arith.constant 40 : i32
      %mul3A = arith.constant 80 : i32
      %mul3A_20 = arith.muli %arg1, %mul3A : i32
      %dma_start3A = arith.constant 0 : i32
      %dma_start3A_21 = arith.constant 0 : i32
      %dma_start3A_22 = tpu.memref_slice %arg3[%mul3A_20, %dma_start3A_21] : memref<1280x128xi32, #tpu.memory_space<hbm>> -> memref<80x128xi32, #tpu.memory_space<hbm>>
      %dma_start3A_23 = tpu.memref_slice %arg22[%dma_start3A] : memref<5x!tpu.dma_semaphore, #tpu.memory_space<semaphore_mem>> -> memref<1x!tpu.dma_semaphore, #tpu.memory_space<semaphore_mem>>
      %dma_start3A_24 = tpu.memref_squeeze %dma_start3A_23 : memref<1x!tpu.dma_semaphore, #tpu.memory_space<semaphore_mem>> -> memref<!tpu.dma_semaphore, #tpu.memory_space<semaphore_mem>>
      %dma_start3A_25 = arith.constant 0 : i32
      %dma_start3A_26 = tpu.memref_slice %arg3[%mul3A_20, %dma_start3A_25] : memref<1280x128xi32, #tpu.memory_space<hbm>> -> memref<80x128xi32, #tpu.memory_space<hbm>>
      tpu.enqueue_dma source(%dma_start3A_26 : memref<80x128xi32, #tpu.memory_space<hbm>>) target(%arg10 : memref<80x128xi32, #tpu.memory_space<vmem>>) target_semaphore(%dma_start3A_24 : memref<!tpu.dma_semaphore, #tpu.memory_space<semaphore_mem>>)
      %mul3A_27 = arith.constant 80 : i32
      %mul3A_28 = arith.muli %arg1, %mul3A_27 : i32
      %dma_start3A_29 = arith.constant 1 : i32
      %dma_start3A_30 = arith.constant 0 : i32
      %dma_start3A_31 = tpu.memref_slice %arg4[%mul3A_28, %dma_start3A_30] : memref<1280x128xi32, #tpu.memory_space<hbm>> -> memref<80x128xi32, #tpu.memory_space<hbm>>
      %dma_start3A_32 = tpu.memref_slice %arg22[%dma_start3A_29] : memref<5x!tpu.dma_semaphore, #tpu.memory_space<semaphore_mem>> -> memref<1x!tpu.dma_semaphore, #tpu.memory_space<semaphore_mem>>
      %dma_start3A_33 = tpu.memref_squeeze %dma_start3A_32 : memref<1x!tpu.dma_semaphore, #tpu.memory_space<semaphore_mem>> -> memref<!tpu.dma_semaphore, #tpu.memory_space<semaphore_mem>>
      %dma_start3A_34 = arith.constant 0 : i32
      %dma_start3A_35 = tpu.memref_slice %arg4[%mul3A_28, %dma_start3A_34] : memref<1280x128xi32, #tpu.memory_space<hbm>> -> memref<80x128xi32, #tpu.memory_space<hbm>>
      tpu.enqueue_dma source(%dma_start3A_35 : memref<80x128xi32, #tpu.memory_space<hbm>>) target(%arg11 : memref<80x128xi32, #tpu.memory_space<vmem>>) target_semaphore(%dma_start3A_33 : memref<!tpu.dma_semaphore, #tpu.memory_space<semaphore_mem>>)
      %dma_start3A_36 = arith.constant 2 : i32
      %dma_start3A_37 = tpu.memref_slice %arg22[%dma_start3A_36] : memref<5x!tpu.dma_semaphore, #tpu.memory_space<semaphore_mem>> -> memref<1x!tpu.dma_semaphore, #tpu.memory_space<semaphore_mem>>
      %dma_start3A_38 = tpu.memref_squeeze %dma_start3A_37 : memref<1x!tpu.dma_semaphore, #tpu.memory_space<semaphore_mem>> -> memref<!tpu.dma_semaphore, #tpu.memory_space<semaphore_mem>>
      tpu.enqueue_dma source(%arg2 : memref<80x128xf32, #tpu.memory_space<hbm>>) target(%arg9 : memref<80x128xf32, #tpu.memory_space<vmem>>) target_semaphore(%dma_start3A_38 : memref<!tpu.dma_semaphore, #tpu.memory_space<semaphore_mem>>)
      %mul3A_39 = arith.constant 640 : i32
      %mul3A_40 = arith.muli %arg1, %mul3A_39 : i32
      "tpu.region"() ({
        %run_scoped3A = tpu.sem_alloc : memref<!tpu.dma_semaphore, #tpu.memory_space<semaphore_mem>>
        %dma_start3A_61 = tpu.memref_slice %arg21[%mul3A_40] : memref<10240xf32, #tpu.memory_space<vmem_shared>> -> memref<640xf32, #tpu.memory_space<vmem_shared>>
        %dma_start3A_62 = tpu.memref_slice %arg21[%mul3A_40] : memref<10240xf32, #tpu.memory_space<vmem_shared>> -> memref<640xf32, #tpu.memory_space<vmem_shared>>
        tpu.enqueue_dma source(%arg8 : memref<640xf32, #tpu.memory_space<vmem>>) target(%dma_start3A_62 : memref<640xf32, #tpu.memory_space<vmem_shared>>) target_semaphore(%run_scoped3A : memref<!tpu.dma_semaphore, #tpu.memory_space<semaphore_mem>>)
        %dma_wait3A_63 = tpu.memref_slice %arg21[%mul3A_40] : memref<10240xf32, #tpu.memory_space<vmem_shared>> -> memref<640xf32, #tpu.memory_space<vmem_shared>>
        %dma_wait3A_64 = tpu.memref_slice %arg21[%mul3A_40] : memref<10240xf32, #tpu.memory_space<vmem_shared>> -> memref<640xf32, #tpu.memory_space<vmem_shared>>
        tpu.wait_dma2 semaphore(%run_scoped3A : memref<!tpu.dma_semaphore, #tpu.memory_space<semaphore_mem>>) src(%arg8 : memref<640xf32, #tpu.memory_space<vmem>>) dst(%dma_wait3A_64 : memref<640xf32, #tpu.memory_space<vmem_shared>>)
        tpu.yield
      }) : () -> ()
      %mul3A_41 = arith.constant 80 : i32
      %mul3A_42 = arith.muli %arg1, %mul3A_41 : i32
      %dma_wait3A = arith.constant 0 : i32
      %dma_wait3A_43 = arith.constant 0 : i32
      %dma_wait3A_44 = tpu.memref_slice %arg3[%mul3A_42, %dma_wait3A_43] : memref<1280x128xi32, #tpu.memory_space<hbm>> -> memref<80x128xi32, #tpu.memory_space<hbm>>
      %dma_wait3A_45 = tpu.memref_slice %arg22[%dma_wait3A] : memref<5x!tpu.dma_semaphore, #tpu.memory_space<semaphore_mem>> -> memref<1x!tpu.dma_semaphore, #tpu.memory_space<semaphore_mem>>
      %dma_wait3A_46 = tpu.memref_squeeze %dma_wait3A_45 : memref<1x!tpu.dma_semaphore, #tpu.memory_space<semaphore_mem>> -> memref<!tpu.dma_semaphore, #tpu.memory_space<semaphore_mem>>
      %dma_wait3A_47 = arith.constant 0 : i32
      %dma_wait3A_48 = tpu.memref_slice %arg3[%mul3A_42, %dma_wait3A_47] : memref<1280x128xi32, #tpu.memory_space<hbm>> -> memref<80x128xi32, #tpu.memory_space<hbm>>
      tpu.wait_dma2 semaphore(%dma_wait3A_46 : memref<!tpu.dma_semaphore, #tpu.memory_space<semaphore_mem>>) src(%dma_wait3A_48 : memref<80x128xi32, #tpu.memory_space<hbm>>) dst(%arg10 : memref<80x128xi32, #tpu.memory_space<vmem>>)
      %mul3A_49 = arith.constant 80 : i32
      %mul3A_50 = arith.muli %arg1, %mul3A_49 : i32
      %dma_wait3A_51 = arith.constant 1 : i32
      %dma_wait3A_52 = arith.constant 0 : i32
      %dma_wait3A_53 = tpu.memref_slice %arg4[%mul3A_50, %dma_wait3A_52] : memref<1280x128xi32, #tpu.memory_space<hbm>> -> memref<80x128xi32, #tpu.memory_space<hbm>>
      %dma_wait3A_54 = tpu.memref_slice %arg22[%dma_wait3A_51] : memref<5x!tpu.dma_semaphore, #tpu.memory_space<semaphore_mem>> -> memref<1x!tpu.dma_semaphore, #tpu.memory_space<semaphore_mem>>
      %dma_wait3A_55 = tpu.memref_squeeze %dma_wait3A_54 : memref<1x!tpu.dma_semaphore, #tpu.memory_space<semaphore_mem>> -> memref<!tpu.dma_semaphore, #tpu.memory_space<semaphore_mem>>
      %dma_wait3A_56 = arith.constant 0 : i32
      %dma_wait3A_57 = tpu.memref_slice %arg4[%mul3A_50, %dma_wait3A_56] : memref<1280x128xi32, #tpu.memory_space<hbm>> -> memref<80x128xi32, #tpu.memory_space<hbm>>
      tpu.wait_dma2 semaphore(%dma_wait3A_55 : memref<!tpu.dma_semaphore, #tpu.memory_space<semaphore_mem>>) src(%dma_wait3A_57 : memref<80x128xi32, #tpu.memory_space<hbm>>) dst(%arg11 : memref<80x128xi32, #tpu.memory_space<vmem>>)
      %dma_wait3A_58 = arith.constant 2 : i32
      %dma_wait3A_59 = tpu.memref_slice %arg22[%dma_wait3A_58] : memref<5x!tpu.dma_semaphore, #tpu.memory_space<semaphore_mem>> -> memref<1x!tpu.dma_semaphore, #tpu.memory_space<semaphore_mem>>
      %dma_wait3A_60 = tpu.memref_squeeze %dma_wait3A_59 : memref<1x!tpu.dma_semaphore, #tpu.memory_space<semaphore_mem>> -> memref<!tpu.dma_semaphore, #tpu.memory_space<semaphore_mem>>
      tpu.wait_dma2 semaphore(%dma_wait3A_60 : memref<!tpu.dma_semaphore, #tpu.memory_space<semaphore_mem>>) src(%arg2 : memref<80x128xf32, #tpu.memory_space<hbm>>) dst(%arg9 : memref<80x128xf32, #tpu.memory_space<vmem>>)
    } else {
    }
    %barrier3A = arith.constant 0 : index
    tpu.barrier barrier_id(%barrier3A)
    %eq3A_3 = arith.constant 0 : i32
    %eq3A_4 = arith.cmpi eq, %arg0, %eq3A_3 : i32
    %convert_element_type3A_5 = arith.extui %eq3A_4 : i1 to i32
    %cond3A_6 = arith.constant 0 : i32
    %cond3A_7 = arith.cmpi ne, %convert_element_type3A_5, %cond3A_6 : i32
    scf.if %cond3A_7 {
      %scan3A = arith.constant 0 : i32
      %scan3A_14 = arith.constant 0 : i32
      %scan3A_15 = arith.constant 16 : i32
      %scan3A_16 = arith.addi %scan3A_14, %scan3A_15 : i32
      %scan3A_17 = arith.constant 1 : i32
      %scan3A_18 = scf.for %scan3A_64 = %scan3A_14 to %scan3A_16 step %scan3A_17 iter_args(%scan3A_65 = %scan3A) -> (i32)  : i32 {
        %mul3A = arith.constant 5 : i32
        %mul3A_66 = arith.muli %scan3A_64, %mul3A : i32
        %add3A = arith.constant 0 : i32
        %add3A_67 = arith.addi %mul3A_66, %add3A : i32
        %ge3A = arith.constant 5 : i32
        %ge3A_68 = arith.cmpi sge, %add3A_67, %ge3A : i32
        %convert_element_type3A_69 = arith.extui %ge3A_68 : i1 to i32
        %cond3A_70 = arith.constant 0 : i32
        %cond3A_71 = arith.cmpi ne, %convert_element_type3A_69, %cond3A_70 : i32
        scf.if %cond3A_71 {
          %dma_wait3A_183 = arith.constant 0 : i32
          %dma_wait3A_184 = arith.constant 0 : i32
          %dma_wait3A_185 = tpu.memref_slice %arg11[%add3A_67, %dma_wait3A_184] : memref<80x128xi32, #tpu.memory_space<vmem>> -> memref<1x128xi32, #tpu.memory_space<vmem>>
          %dma_wait3A_186 = tpu.memref_squeeze %dma_wait3A_185 : memref<1x128xi32, #tpu.memory_space<vmem>> -> memref<128xi32, #tpu.memory_space<vmem>>
          %dma_wait3A_187 = arith.constant 0 : i32
          %dma_wait3A_188 = tpu.memref_slice %arg21[%dma_wait3A_187] : memref<10240xf32, #tpu.memory_space<vmem_shared>> -> memref<10240xf32, #tpu.memory_space<vmem_shared>>
          %dma_wait3A_189 = tpu.memref_slice %arg23[%dma_wait3A_183] : memref<5x!tpu.dma_semaphore, #tpu.memory_space<semaphore_mem>> -> memref<1x!tpu.dma_semaphore, #tpu.memory_space<semaphore_mem>>
          %dma_wait3A_190 = tpu.memref_squeeze %dma_wait3A_189 : memref<1x!tpu.dma_semaphore, #tpu.memory_space<semaphore_mem>> -> memref<!tpu.dma_semaphore, #tpu.memory_space<semaphore_mem>>
          tpu.wait_indirect_dma semaphore(%dma_wait3A_190 : memref<!tpu.dma_semaphore, #tpu.memory_space<semaphore_mem>>) src(%arg12 : memref<128xf32, #tpu.memory_space<vmem>>) dst(%dma_wait3A_188 : memref<10240xf32, #tpu.memory_space<vmem_shared>>)
        } else {
        }
        %scan3A_72 = arith.constant 0 : i32
        %scan3A_73 = arith.constant 0 : i32
        %scan3A_74 = arith.constant 8 : i32
        %scan3A_75 = arith.addi %scan3A_73, %scan3A_74 : i32
        %scan3A_76 = arith.constant 1 : i32
        %scan3A_77 = scf.for %scan3A_183 = %scan3A_73 to %scan3A_75 step %scan3A_76 iter_args(%scan3A_184 = %scan3A_72) -> (i32)  : i32 {
          %mul3A_185 = arith.constant 16 : i32
          %mul3A_186 = arith.muli %scan3A_183, %mul3A_185 : i32
          %get3A = arith.index_cast %add3A_67 : i32 to index
          %get3A_187 = arith.index_cast %mul3A_186 : i32 to index
          %get3A_188 = tpu.vector_load %arg10[%get3A, %get3A_187] {strides = array<i32>} : memref<80x128xi32, #tpu.memory_space<vmem>>, vector<16xi32>,
          %shift_right_logical3A = arith.constant 7 : i32
          %shift_right_logical3A_189 = vector.broadcast %shift_right_logical3A : i32 to vector<16xi32>
          %shift_right_logical3A_190 = arith.shrui %get3A_188, %shift_right_logical3A_189 : vector<16xi32>
          %and3A = arith.constant 127 : i32
          %and3A_191 = vector.broadcast %and3A : i32 to vector<16xi32>
          %and3A_192 = arith.andi %get3A_188, %and3A_191 : vector<16xi32>
          %gather3A = tpu.vector_load_idx %arg9[%shift_right_logical3A_190, %and3A_192] : memref<80x128xf32, #tpu.memory_space<vmem>>[vector<16xi32>, vector<16xi32>], vector<16xf32>,
          %mul3A_193 = arith.constant 16 : i32
          %mul3A_194 = arith.muli %scan3A_183, %mul3A_193 : i32
          %swap3A = arith.index_cast %mul3A_194 : i32 to index
          %swap3A_195 = tpu.vector_load %arg12[%swap3A] {strides = array<i32>} : memref<128xf32, #tpu.memory_space<vmem>>, vector<16xf32>,
          %swap3A_196 = vector.shape_cast %swap3A_195 : vector<16xf32> to vector<16xf32>
          %swap3A_197 = vector.shape_cast %gather3A : vector<16xf32> to vector<16xf32>
          tpu.vector_store %arg12[%swap3A], %swap3A_197 {strides = array<i32>} : memref<128xf32, #tpu.memory_space<vmem>>, vector<16xf32>,
          %scan3A_198 = arith.constant 0 : i32
          scf.yield %scan3A_198 : i32
        }
        %scan3A_78 = arith.constant 8 : i32
        %dma_start3A = arith.constant 0 : i32
        %dma_start3A_79 = arith.constant 0 : i32
        %dma_start3A_80 = tpu.memref_slice %arg11[%add3A_67, %dma_start3A_79] : memref<80x128xi32, #tpu.memory_space<vmem>> -> memref<1x128xi32, #tpu.memory_space<vmem>>
        %dma_start3A_81 = tpu.memref_squeeze %dma_start3A_80 : memref<1x128xi32, #tpu.memory_space<vmem>> -> memref<128xi32, #tpu.memory_space<vmem>>
        %dma_start3A_82 = arith.constant 0 : i32
        %dma_start3A_83 = tpu.memref_slice %arg21[%dma_start3A_82] : memref<10240xf32, #tpu.memory_space<vmem_shared>> -> memref<10240xf32, #tpu.memory_space<vmem_shared>>
        %dma_start3A_84 = tpu.memref_slice %arg23[%dma_start3A] : memref<5x!tpu.dma_semaphore, #tpu.memory_space<semaphore_mem>> -> memref<1x!tpu.dma_semaphore, #tpu.memory_space<semaphore_mem>>
        %dma_start3A_85 = tpu.memref_squeeze %dma_start3A_84 : memref<1x!tpu.dma_semaphore, #tpu.memory_space<semaphore_mem>> -> memref<!tpu.dma_semaphore, #tpu.memory_space<semaphore_mem>>
        tpu.enqueue_indirect_dma source(%arg12 : memref<128xf32, #tpu.memory_space<vmem>>) target(%dma_start3A_83 : memref<10240xf32, #tpu.memory_space<vmem_shared>>) offsets(%dma_start3A_81 : memref<128xi32, #tpu.memory_space<vmem>>) semaphore(%dma_start3A_85 : memref<!tpu.dma_semaphore, #tpu.memory_space<semaphore_mem>>) {add = true}
        %mul3A_86 = arith.constant 5 : i32
        %mul3A_87 = arith.muli %scan3A_64, %mul3A_86 : i32
        %add3A_88 = arith.constant 1 : i32
        %add3A_89 = arith.addi %mul3A_87, %add3A_88 : i32
        %ge3A_90 = arith.constant 5 : i32
        %ge3A_91 = arith.cmpi sge, %add3A_89, %ge3A_90 : i32
        %convert_element_type3A_92 = arith.extui %ge3A_91 : i1 to i32
        %cond3A_93 = arith.constant 0 : i32
        %cond3A_94 = arith.cmpi ne, %convert_element_type3A_92, %cond3A_93 : i32
        scf.if %cond3A_94 {
          %dma_wait3A_183 = arith.constant 1 : i32
          %dma_wait3A_184 = arith.constant 0 : i32
          %dma_wait3A_185 = tpu.memref_slice %arg11[%add3A_89, %dma_wait3A_184] : memref<80x128xi32, #tpu.memory_space<vmem>> -> memref<1x128xi32, #tpu.memory_space<vmem>>
          %dma_wait3A_186 = tpu.memref_squeeze %dma_wait3A_185 : memref<1x128xi32, #tpu.memory_space<vmem>> -> memref<128xi32, #tpu.memory_space<vmem>>
          %dma_wait3A_187 = arith.constant 0 : i32
          %dma_wait3A_188 = tpu.memref_slice %arg21[%dma_wait3A_187] : memref<10240xf32, #tpu.memory_space<vmem_shared>> -> memref<10240xf32, #tpu.memory_space<vmem_shared>>
          %dma_wait3A_189 = tpu.memref_slice %arg23[%dma_wait3A_183] : memref<5x!tpu.dma_semaphore, #tpu.memory_space<semaphore_mem>> -> memref<1x!tpu.dma_semaphore, #tpu.memory_space<semaphore_mem>>
          %dma_wait3A_190 = tpu.memref_squeeze %dma_wait3A_189 : memref<1x!tpu.dma_semaphore, #tpu.memory_space<semaphore_mem>> -> memref<!tpu.dma_semaphore, #tpu.memory_space<semaphore_mem>>
          tpu.wait_indirect_dma semaphore(%dma_wait3A_190 : memref<!tpu.dma_semaphore, #tpu.memory_space<semaphore_mem>>) src(%arg13 : memref<128xf32, #tpu.memory_space<vmem>>) dst(%dma_wait3A_188 : memref<10240xf32, #tpu.memory_space<vmem_shared>>)
        } else {
        }
        %scan3A_95 = arith.constant 0 : i32
        %scan3A_96 = arith.constant 0 : i32
        %scan3A_97 = arith.constant 8 : i32
        %scan3A_98 = arith.addi %scan3A_96, %scan3A_97 : i32
        %scan3A_99 = arith.constant 1 : i32
        %scan3A_100 = scf.for %scan3A_183 = %scan3A_96 to %scan3A_98 step %scan3A_99 iter_args(%scan3A_184 = %scan3A_95) -> (i32)  : i32 {
          %mul3A_185 = arith.constant 16 : i32
          %mul3A_186 = arith.muli %scan3A_183, %mul3A_185 : i32
          %get3A = arith.index_cast %add3A_89 : i32 to index
          %get3A_187 = arith.index_cast %mul3A_186 : i32 to index
          %get3A_188 = tpu.vector_load %arg10[%get3A, %get3A_187] {strides = array<i32>} : memref<80x128xi32, #tpu.memory_space<vmem>>, vector<16xi32>,
          %shift_right_logical3A = arith.constant 7 : i32
          %shift_right_logical3A_189 = vector.broadcast %shift_right_logical3A : i32 to vector<16xi32>
          %shift_right_logical3A_190 = arith.shrui %get3A_188, %shift_right_logical3A_189 : vector<16xi32>
          %and3A = arith.constant 127 : i32
          %and3A_191 = vector.broadcast %and3A : i32 to vector<16xi32>
          %and3A_192 = arith.andi %get3A_188, %and3A_191 : vector<16xi32>
          %gather3A = tpu.vector_load_idx %arg9[%shift_right_logical3A_190, %and3A_192] : memref<80x128xf32, #tpu.memory_space<vmem>>[vector<16xi32>, vector<16xi32>], vector<16xf32>,
          %mul3A_193 = arith.constant 16 : i32
          %mul3A_194 = arith.muli %scan3A_183, %mul3A_193 : i32
          %swap3A = arith.index_cast %mul3A_194 : i32 to index
          %swap3A_195 = tpu.vector_load %arg13[%swap3A] {strides = array<i32>} : memref<128xf32, #tpu.memory_space<vmem>>, vector<16xf32>,
          %swap3A_196 = vector.shape_cast %swap3A_195 : vector<16xf32> to vector<16xf32>
          %swap3A_197 = vector.shape_cast %gather3A : vector<16xf32> to vector<16xf32>
          tpu.vector_store %arg13[%swap3A], %swap3A_197 {strides = array<i32>} : memref<128xf32, #tpu.memory_space<vmem>>, vector<16xf32>,
          %scan3A_198 = arith.constant 0 : i32
          scf.yield %scan3A_198 : i32
        }
        %scan3A_101 = arith.constant 8 : i32
        %dma_start3A_102 = arith.constant 1 : i32
        %dma_start3A_103 = arith.constant 0 : i32
        %dma_start3A_104 = tpu.memref_slice %arg11[%add3A_89, %dma_start3A_103] : memref<80x128xi32, #tpu.memory_space<vmem>> -> memref<1x128xi32, #tpu.memory_space<vmem>>
        %dma_start3A_105 = tpu.memref_squeeze %dma_start3A_104 : memref<1x128xi32, #tpu.memory_space<vmem>> -> memref<128xi32, #tpu.memory_space<vmem>>
        %dma_start3A_106 = arith.constant 0 : i32
        %dma_start3A_107 = tpu.memref_slice %arg21[%dma_start3A_106] : memref<10240xf32, #tpu.memory_space<vmem_shared>> -> memref<10240xf32, #tpu.memory_space<vmem_shared>>
        %dma_start3A_108 = tpu.memref_slice %arg23[%dma_start3A_102] : memref<5x!tpu.dma_semaphore, #tpu.memory_space<semaphore_mem>> -> memref<1x!tpu.dma_semaphore, #tpu.memory_space<semaphore_mem>>
        %dma_start3A_109 = tpu.memref_squeeze %dma_start3A_108 : memref<1x!tpu.dma_semaphore, #tpu.memory_space<semaphore_mem>> -> memref<!tpu.dma_semaphore, #tpu.memory_space<semaphore_mem>>
        tpu.enqueue_indirect_dma source(%arg13 : memref<128xf32, #tpu.memory_space<vmem>>) target(%dma_start3A_107 : memref<10240xf32, #tpu.memory_space<vmem_shared>>) offsets(%dma_start3A_105 : memref<128xi32, #tpu.memory_space<vmem>>) semaphore(%dma_start3A_109 : memref<!tpu.dma_semaphore, #tpu.memory_space<semaphore_mem>>) {add = true}
        %mul3A_110 = arith.constant 5 : i32
        %mul3A_111 = arith.muli %scan3A_64, %mul3A_110 : i32
        %add3A_112 = arith.constant 2 : i32
        %add3A_113 = arith.addi %mul3A_111, %add3A_112 : i32
        %ge3A_114 = arith.constant 5 : i32
        %ge3A_115 = arith.cmpi sge, %add3A_113, %ge3A_114 : i32
        %convert_element_type3A_116 = arith.extui %ge3A_115 : i1 to i32
        %cond3A_117 = arith.constant 0 : i32
        %cond3A_118 = arith.cmpi ne, %convert_element_type3A_116, %cond3A_117 : i32
        scf.if %cond3A_118 {
          %dma_wait3A_183 = arith.constant 2 : i32
          %dma_wait3A_184 = arith.constant 0 : i32
          %dma_wait3A_185 = tpu.memref_slice %arg11[%add3A_113, %dma_wait3A_184] : memref<80x128xi32, #tpu.memory_space<vmem>> -> memref<1x128xi32, #tpu.memory_space<vmem>>
          %dma_wait3A_186 = tpu.memref_squeeze %dma_wait3A_185 : memref<1x128xi32, #tpu.memory_space<vmem>> -> memref<128xi32, #tpu.memory_space<vmem>>
          %dma_wait3A_187 = arith.constant 0 : i32
          %dma_wait3A_188 = tpu.memref_slice %arg21[%dma_wait3A_187] : memref<10240xf32, #tpu.memory_space<vmem_shared>> -> memref<10240xf32, #tpu.memory_space<vmem_shared>>
          %dma_wait3A_189 = tpu.memref_slice %arg23[%dma_wait3A_183] : memref<5x!tpu.dma_semaphore, #tpu.memory_space<semaphore_mem>> -> memref<1x!tpu.dma_semaphore, #tpu.memory_space<semaphore_mem>>
          %dma_wait3A_190 = tpu.memref_squeeze %dma_wait3A_189 : memref<1x!tpu.dma_semaphore, #tpu.memory_space<semaphore_mem>> -> memref<!tpu.dma_semaphore, #tpu.memory_space<semaphore_mem>>
          tpu.wait_indirect_dma semaphore(%dma_wait3A_190 : memref<!tpu.dma_semaphore, #tpu.memory_space<semaphore_mem>>) src(%arg14 : memref<128xf32, #tpu.memory_space<vmem>>) dst(%dma_wait3A_188 : memref<10240xf32, #tpu.memory_space<vmem_shared>>)
        } else {
        }
        %scan3A_119 = arith.constant 0 : i32
        %scan3A_120 = arith.constant 0 : i32
        %scan3A_121 = arith.constant 8 : i32
        %scan3A_122 = arith.addi %scan3A_120, %scan3A_121 : i32
        %scan3A_123 = arith.constant 1 : i32
        %scan3A_124 = scf.for %scan3A_183 = %scan3A_120 to %scan3A_122 step %scan3A_123 iter_args(%scan3A_184 = %scan3A_119) -> (i32)  : i32 {
          %mul3A_185 = arith.constant 16 : i32
          %mul3A_186 = arith.muli %scan3A_183, %mul3A_185 : i32
          %get3A = arith.index_cast %add3A_113 : i32 to index
          %get3A_187 = arith.index_cast %mul3A_186 : i32 to index
          %get3A_188 = tpu.vector_load %arg10[%get3A, %get3A_187] {strides = array<i32>} : memref<80x128xi32, #tpu.memory_space<vmem>>, vector<16xi32>,
          %shift_right_logical3A = arith.constant 7 : i32
          %shift_right_logical3A_189 = vector.broadcast %shift_right_logical3A : i32 to vector<16xi32>
          %shift_right_logical3A_190 = arith.shrui %get3A_188, %shift_right_logical3A_189 : vector<16xi32>
          %and3A = arith.constant 127 : i32
          %and3A_191 = vector.broadcast %and3A : i32 to vector<16xi32>
          %and3A_192 = arith.andi %get3A_188, %and3A_191 : vector<16xi32>
          %gather3A = tpu.vector_load_idx %arg9[%shift_right_logical3A_190, %and3A_192] : memref<80x128xf32, #tpu.memory_space<vmem>>[vector<16xi32>, vector<16xi32>], vector<16xf32>,
          %mul3A_193 = arith.constant 16 : i32
          %mul3A_194 = arith.muli %scan3A_183, %mul3A_193 : i32
          %swap3A = arith.index_cast %mul3A_194 : i32 to index
          %swap3A_195 = tpu.vector_load %arg14[%swap3A] {strides = array<i32>} : memref<128xf32, #tpu.memory_space<vmem>>, vector<16xf32>,
          %swap3A_196 = vector.shape_cast %swap3A_195 : vector<16xf32> to vector<16xf32>
          %swap3A_197 = vector.shape_cast %gather3A : vector<16xf32> to vector<16xf32>
          tpu.vector_store %arg14[%swap3A], %swap3A_197 {strides = array<i32>} : memref<128xf32, #tpu.memory_space<vmem>>, vector<16xf32>,
          %scan3A_198 = arith.constant 0 : i32
          scf.yield %scan3A_198 : i32
        }
        %scan3A_125 = arith.constant 8 : i32
        %dma_start3A_126 = arith.constant 2 : i32
        %dma_start3A_127 = arith.constant 0 : i32
        %dma_start3A_128 = tpu.memref_slice %arg11[%add3A_113, %dma_start3A_127] : memref<80x128xi32, #tpu.memory_space<vmem>> -> memref<1x128xi32, #tpu.memory_space<vmem>>
        %dma_start3A_129 = tpu.memref_squeeze %dma_start3A_128 : memref<1x128xi32, #tpu.memory_space<vmem>> -> memref<128xi32, #tpu.memory_space<vmem>>
        %dma_start3A_130 = arith.constant 0 : i32
        %dma_start3A_131 = tpu.memref_slice %arg21[%dma_start3A_130] : memref<10240xf32, #tpu.memory_space<vmem_shared>> -> memref<10240xf32, #tpu.memory_space<vmem_shared>>
        %dma_start3A_132 = tpu.memref_slice %arg23[%dma_start3A_126] : memref<5x!tpu.dma_semaphore, #tpu.memory_space<semaphore_mem>> -> memref<1x!tpu.dma_semaphore, #tpu.memory_space<semaphore_mem>>
        %dma_start3A_133 = tpu.memref_squeeze %dma_start3A_132 : memref<1x!tpu.dma_semaphore, #tpu.memory_space<semaphore_mem>> -> memref<!tpu.dma_semaphore, #tpu.memory_space<semaphore_mem>>
        tpu.enqueue_indirect_dma source(%arg14 : memref<128xf32, #tpu.memory_space<vmem>>) target(%dma_start3A_131 : memref<10240xf32, #tpu.memory_space<vmem_shared>>) offsets(%dma_start3A_129 : memref<128xi32, #tpu.memory_space<vmem>>) semaphore(%dma_start3A_133 : memref<!tpu.dma_semaphore, #tpu.memory_space<semaphore_mem>>) {add = true}
        %mul3A_134 = arith.constant 5 : i32
        %mul3A_135 = arith.muli %scan3A_64, %mul3A_134 : i32
        %add3A_136 = arith.constant 3 : i32
        %add3A_137 = arith.addi %mul3A_135, %add3A_136 : i32
        %ge3A_138 = arith.constant 5 : i32
        %ge3A_139 = arith.cmpi sge, %add3A_137, %ge3A_138 : i32
        %convert_element_type3A_140 = arith.extui %ge3A_139 : i1 to i32
        %cond3A_141 = arith.constant 0 : i32
        %cond3A_142 = arith.cmpi ne, %convert_element_type3A_140, %cond3A_141 : i32
        scf.if %cond3A_142 {
          %dma_wait3A_183 = arith.constant 3 : i32
          %dma_wait3A_184 = arith.constant 0 : i32
          %dma_wait3A_185 = tpu.memref_slice %arg11[%add3A_137, %dma_wait3A_184] : memref<80x128xi32, #tpu.memory_space<vmem>> -> memref<1x128xi32, #tpu.memory_space<vmem>>
          %dma_wait3A_186 = tpu.memref_squeeze %dma_wait3A_185 : memref<1x128xi32, #tpu.memory_space<vmem>> -> memref<128xi32, #tpu.memory_space<vmem>>
          %dma_wait3A_187 = arith.constant 0 : i32
          %dma_wait3A_188 = tpu.memref_slice %arg21[%dma_wait3A_187] : memref<10240xf32, #tpu.memory_space<vmem_shared>> -> memref<10240xf32, #tpu.memory_space<vmem_shared>>
          %dma_wait3A_189 = tpu.memref_slice %arg23[%dma_wait3A_183] : memref<5x!tpu.dma_semaphore, #tpu.memory_space<semaphore_mem>> -> memref<1x!tpu.dma_semaphore, #tpu.memory_space<semaphore_mem>>
          %dma_wait3A_190 = tpu.memref_squeeze %dma_wait3A_189 : memref<1x!tpu.dma_semaphore, #tpu.memory_space<semaphore_mem>> -> memref<!tpu.dma_semaphore, #tpu.memory_space<semaphore_mem>>
          tpu.wait_indirect_dma semaphore(%dma_wait3A_190 : memref<!tpu.dma_semaphore, #tpu.memory_space<semaphore_mem>>) src(%arg15 : memref<128xf32, #tpu.memory_space<vmem>>) dst(%dma_wait3A_188 : memref<10240xf32, #tpu.memory_space<vmem_shared>>)
        } else {
        }
        %scan3A_143 = arith.constant 0 : i32
        %scan3A_144 = arith.constant 0 : i32
        %scan3A_145 = arith.constant 8 : i32
        %scan3A_146 = arith.addi %scan3A_144, %scan3A_145 : i32
        %scan3A_147 = arith.constant 1 : i32
        %scan3A_148 = scf.for %scan3A_183 = %scan3A_144 to %scan3A_146 step %scan3A_147 iter_args(%scan3A_184 = %scan3A_143) -> (i32)  : i32 {
          %mul3A_185 = arith.constant 16 : i32
          %mul3A_186 = arith.muli %scan3A_183, %mul3A_185 : i32
          %get3A = arith.index_cast %add3A_137 : i32 to index
          %get3A_187 = arith.index_cast %mul3A_186 : i32 to index
          %get3A_188 = tpu.vector_load %arg10[%get3A, %get3A_187] {strides = array<i32>} : memref<80x128xi32, #tpu.memory_space<vmem>>, vector<16xi32>,
          %shift_right_logical3A = arith.constant 7 : i32
          %shift_right_logical3A_189 = vector.broadcast %shift_right_logical3A : i32 to vector<16xi32>
          %shift_right_logical3A_190 = arith.shrui %get3A_188, %shift_right_logical3A_189 : vector<16xi32>
          %and3A = arith.constant 127 : i32
          %and3A_191 = vector.broadcast %and3A : i32 to vector<16xi32>
          %and3A_192 = arith.andi %get3A_188, %and3A_191 : vector<16xi32>
          %gather3A = tpu.vector_load_idx %arg9[%shift_right_logical3A_190, %and3A_192] : memref<80x128xf32, #tpu.memory_space<vmem>>[vector<16xi32>, vector<16xi32>], vector<16xf32>,
          %mul3A_193 = arith.constant 16 : i32
          %mul3A_194 = arith.muli %scan3A_183, %mul3A_193 : i32
          %swap3A = arith.index_cast %mul3A_194 : i32 to index
          %swap3A_195 = tpu.vector_load %arg15[%swap3A] {strides = array<i32>} : memref<128xf32, #tpu.memory_space<vmem>>, vector<16xf32>,
          %swap3A_196 = vector.shape_cast %swap3A_195 : vector<16xf32> to vector<16xf32>
          %swap3A_197 = vector.shape_cast %gather3A : vector<16xf32> to vector<16xf32>
          tpu.vector_store %arg15[%swap3A], %swap3A_197 {strides = array<i32>} : memref<128xf32, #tpu.memory_space<vmem>>, vector<16xf32>,
          %scan3A_198 = arith.constant 0 : i32
          scf.yield %scan3A_198 : i32
        }
        %scan3A_149 = arith.constant 8 : i32
        %dma_start3A_150 = arith.constant 3 : i32
        %dma_start3A_151 = arith.constant 0 : i32
        %dma_start3A_152 = tpu.memref_slice %arg11[%add3A_137, %dma_start3A_151] : memref<80x128xi32, #tpu.memory_space<vmem>> -> memref<1x128xi32, #tpu.memory_space<vmem>>
        %dma_start3A_153 = tpu.memref_squeeze %dma_start3A_152 : memref<1x128xi32, #tpu.memory_space<vmem>> -> memref<128xi32, #tpu.memory_space<vmem>>
        %dma_start3A_154 = arith.constant 0 : i32
        %dma_start3A_155 = tpu.memref_slice %arg21[%dma_start3A_154] : memref<10240xf32, #tpu.memory_space<vmem_shared>> -> memref<10240xf32, #tpu.memory_space<vmem_shared>>
        %dma_start3A_156 = tpu.memref_slice %arg23[%dma_start3A_150] : memref<5x!tpu.dma_semaphore, #tpu.memory_space<semaphore_mem>> -> memref<1x!tpu.dma_semaphore, #tpu.memory_space<semaphore_mem>>
        %dma_start3A_157 = tpu.memref_squeeze %dma_start3A_156 : memref<1x!tpu.dma_semaphore, #tpu.memory_space<semaphore_mem>> -> memref<!tpu.dma_semaphore, #tpu.memory_space<semaphore_mem>>
        tpu.enqueue_indirect_dma source(%arg15 : memref<128xf32, #tpu.memory_space<vmem>>) target(%dma_start3A_155 : memref<10240xf32, #tpu.memory_space<vmem_shared>>) offsets(%dma_start3A_153 : memref<128xi32, #tpu.memory_space<vmem>>) semaphore(%dma_start3A_157 : memref<!tpu.dma_semaphore, #tpu.memory_space<semaphore_mem>>) {add = true}
        %mul3A_158 = arith.constant 5 : i32
        %mul3A_159 = arith.muli %scan3A_64, %mul3A_158 : i32
        %add3A_160 = arith.constant 4 : i32
        %add3A_161 = arith.addi %mul3A_159, %add3A_160 : i32
        %ge3A_162 = arith.constant 5 : i32
        %ge3A_163 = arith.cmpi sge, %add3A_161, %ge3A_162 : i32
        %convert_element_type3A_164 = arith.extui %ge3A_163 : i1 to i32
        %cond3A_165 = arith.constant 0 : i32
        %cond3A_166 = arith.cmpi ne, %convert_element_type3A_164, %cond3A_165 : i32
        scf.if %cond3A_166 {
          %dma_wait3A_183 = arith.constant 4 : i32
          %dma_wait3A_184 = arith.constant 0 : i32
          %dma_wait3A_185 = tpu.memref_slice %arg11[%add3A_161, %dma_wait3A_184] : memref<80x128xi32, #tpu.memory_space<vmem>> -> memref<1x128xi32, #tpu.memory_space<vmem>>
          %dma_wait3A_186 = tpu.memref_squeeze %dma_wait3A_185 : memref<1x128xi32, #tpu.memory_space<vmem>> -> memref<128xi32, #tpu.memory_space<vmem>>
          %dma_wait3A_187 = arith.constant 0 : i32
          %dma_wait3A_188 = tpu.memref_slice %arg21[%dma_wait3A_187] : memref<10240xf32, #tpu.memory_space<vmem_shared>> -> memref<10240xf32, #tpu.memory_space<vmem_shared>>
          %dma_wait3A_189 = tpu.memref_slice %arg23[%dma_wait3A_183] : memref<5x!tpu.dma_semaphore, #tpu.memory_space<semaphore_mem>> -> memref<1x!tpu.dma_semaphore, #tpu.memory_space<semaphore_mem>>
          %dma_wait3A_190 = tpu.memref_squeeze %dma_wait3A_189 : memref<1x!tpu.dma_semaphore, #tpu.memory_space<semaphore_mem>> -> memref<!tpu.dma_semaphore, #tpu.memory_space<semaphore_mem>>
          tpu.wait_indirect_dma semaphore(%dma_wait3A_190 : memref<!tpu.dma_semaphore, #tpu.memory_space<semaphore_mem>>) src(%arg16 : memref<128xf32, #tpu.memory_space<vmem>>) dst(%dma_wait3A_188 : memref<10240xf32, #tpu.memory_space<vmem_shared>>)
        } else {
        }
        %scan3A_167 = arith.constant 0 : i32
        %scan3A_168 = arith.constant 0 : i32
        %scan3A_169 = arith.constant 8 : i32
        %scan3A_170 = arith.addi %scan3A_168, %scan3A_169 : i32
        %scan3A_171 = arith.constant 1 : i32
        %scan3A_172 = scf.for %scan3A_183 = %scan3A_168 to %scan3A_170 step %scan3A_171 iter_args(%scan3A_184 = %scan3A_167) -> (i32)  : i32 {
          %mul3A_185 = arith.constant 16 : i32
          %mul3A_186 = arith.muli %scan3A_183, %mul3A_185 : i32
          %get3A = arith.index_cast %add3A_161 : i32 to index
          %get3A_187 = arith.index_cast %mul3A_186 : i32 to index
          %get3A_188 = tpu.vector_load %arg10[%get3A, %get3A_187] {strides = array<i32>} : memref<80x128xi32, #tpu.memory_space<vmem>>, vector<16xi32>,
          %shift_right_logical3A = arith.constant 7 : i32
          %shift_right_logical3A_189 = vector.broadcast %shift_right_logical3A : i32 to vector<16xi32>
          %shift_right_logical3A_190 = arith.shrui %get3A_188, %shift_right_logical3A_189 : vector<16xi32>
          %and3A = arith.constant 127 : i32
          %and3A_191 = vector.broadcast %and3A : i32 to vector<16xi32>
          %and3A_192 = arith.andi %get3A_188, %and3A_191 : vector<16xi32>
          %gather3A = tpu.vector_load_idx %arg9[%shift_right_logical3A_190, %and3A_192] : memref<80x128xf32, #tpu.memory_space<vmem>>[vector<16xi32>, vector<16xi32>], vector<16xf32>,
          %mul3A_193 = arith.constant 16 : i32
          %mul3A_194 = arith.muli %scan3A_183, %mul3A_193 : i32
          %swap3A = arith.index_cast %mul3A_194 : i32 to index
          %swap3A_195 = tpu.vector_load %arg16[%swap3A] {strides = array<i32>} : memref<128xf32, #tpu.memory_space<vmem>>, vector<16xf32>,
          %swap3A_196 = vector.shape_cast %swap3A_195 : vector<16xf32> to vector<16xf32>
          %swap3A_197 = vector.shape_cast %gather3A : vector<16xf32> to vector<16xf32>
          tpu.vector_store %arg16[%swap3A], %swap3A_197 {strides = array<i32>} : memref<128xf32, #tpu.memory_space<vmem>>, vector<16xf32>,
          %scan3A_198 = arith.constant 0 : i32
          scf.yield %scan3A_198 : i32
        }
        %scan3A_173 = arith.constant 8 : i32
        %dma_start3A_174 = arith.constant 4 : i32
        %dma_start3A_175 = arith.constant 0 : i32
        %dma_start3A_176 = tpu.memref_slice %arg11[%add3A_161, %dma_start3A_175] : memref<80x128xi32, #tpu.memory_space<vmem>> -> memref<1x128xi32, #tpu.memory_space<vmem>>
        %dma_start3A_177 = tpu.memref_squeeze %dma_start3A_176 : memref<1x128xi32, #tpu.memory_space<vmem>> -> memref<128xi32, #tpu.memory_space<vmem>>
        %dma_start3A_178 = arith.constant 0 : i32
        %dma_start3A_179 = tpu.memref_slice %arg21[%dma_start3A_178] : memref<10240xf32, #tpu.memory_space<vmem_shared>> -> memref<10240xf32, #tpu.memory_space<vmem_shared>>
        %dma_start3A_180 = tpu.memref_slice %arg23[%dma_start3A_174] : memref<5x!tpu.dma_semaphore, #tpu.memory_space<semaphore_mem>> -> memref<1x!tpu.dma_semaphore, #tpu.memory_space<semaphore_mem>>
        %dma_start3A_181 = tpu.memref_squeeze %dma_start3A_180 : memref<1x!tpu.dma_semaphore, #tpu.memory_space<semaphore_mem>> -> memref<!tpu.dma_semaphore, #tpu.memory_space<semaphore_mem>>
        tpu.enqueue_indirect_dma source(%arg16 : memref<128xf32, #tpu.memory_space<vmem>>) target(%dma_start3A_179 : memref<10240xf32, #tpu.memory_space<vmem_shared>>) offsets(%dma_start3A_177 : memref<128xi32, #tpu.memory_space<vmem>>) semaphore(%dma_start3A_181 : memref<!tpu.dma_semaphore, #tpu.memory_space<semaphore_mem>>) {add = true}
        %scan3A_182 = arith.constant 0 : i32
        scf.yield %scan3A_182 : i32
      }
      %scan3A_19 = arith.constant 16 : i32
      %dma_wait3A = arith.constant 75 : i32
      %dma_wait3A_20 = arith.constant 0 : i32
      %dma_wait3A_21 = arith.constant 0 : i32
      %dma_wait3A_22 = tpu.memref_slice %arg11[%dma_wait3A, %dma_wait3A_21] : memref<80x128xi32, #tpu.memory_space<vmem>> -> memref<1x128xi32, #tpu.memory_space<vmem>>
      %dma_wait3A_23 = tpu.memref_squeeze %dma_wait3A_22 : memref<1x128xi32, #tpu.memory_space<vmem>> -> memref<128xi32, #tpu.memory_space<vmem>>
      %dma_wait3A_24 = arith.constant 0 : i32
      %dma_wait3A_25 = tpu.memref_slice %arg21[%dma_wait3A_24] : memref<10240xf32, #tpu.memory_space<vmem_shared>> -> memref<10240xf32, #tpu.memory_space<vmem_shared>>
      %dma_wait3A_26 = tpu.memref_slice %arg23[%dma_wait3A_20] : memref<5x!tpu.dma_semaphore, #tpu.memory_space<semaphore_mem>> -> memref<1x!tpu.dma_semaphore, #tpu.memory_space<semaphore_mem>>
      %dma_wait3A_27 = tpu.memref_squeeze %dma_wait3A_26 : memref<1x!tpu.dma_semaphore, #tpu.memory_space<semaphore_mem>> -> memref<!tpu.dma_semaphore, #tpu.memory_space<semaphore_mem>>
      tpu.wait_indirect_dma semaphore(%dma_wait3A_27 : memref<!tpu.dma_semaphore, #tpu.memory_space<semaphore_mem>>) src(%arg12 : memref<128xf32, #tpu.memory_space<vmem>>) dst(%dma_wait3A_25 : memref<10240xf32, #tpu.memory_space<vmem_shared>>)
      %dma_wait3A_28 = arith.constant 76 : i32
      %dma_wait3A_29 = arith.constant 1 : i32
      %dma_wait3A_30 = arith.constant 0 : i32
      %dma_wait3A_31 = tpu.memref_slice %arg11[%dma_wait3A_28, %dma_wait3A_30] : memref<80x128xi32, #tpu.memory_space<vmem>> -> memref<1x128xi32, #tpu.memory_space<vmem>>
      %dma_wait3A_32 = tpu.memref_squeeze %dma_wait3A_31 : memref<1x128xi32, #tpu.memory_space<vmem>> -> memref<128xi32, #tpu.memory_space<vmem>>
      %dma_wait3A_33 = arith.constant 0 : i32
      %dma_wait3A_34 = tpu.memref_slice %arg21[%dma_wait3A_33] : memref<10240xf32, #tpu.memory_space<vmem_shared>> -> memref<10240xf32, #tpu.memory_space<vmem_shared>>
      %dma_wait3A_35 = tpu.memref_slice %arg23[%dma_wait3A_29] : memref<5x!tpu.dma_semaphore, #tpu.memory_space<semaphore_mem>> -> memref<1x!tpu.dma_semaphore, #tpu.memory_space<semaphore_mem>>
      %dma_wait3A_36 = tpu.memref_squeeze %dma_wait3A_35 : memref<1x!tpu.dma_semaphore, #tpu.memory_space<semaphore_mem>> -> memref<!tpu.dma_semaphore, #tpu.memory_space<semaphore_mem>>
      tpu.wait_indirect_dma semaphore(%dma_wait3A_36 : memref<!tpu.dma_semaphore, #tpu.memory_space<semaphore_mem>>) src(%arg13 : memref<128xf32, #tpu.memory_space<vmem>>) dst(%dma_wait3A_34 : memref<10240xf32, #tpu.memory_space<vmem_shared>>)
      %dma_wait3A_37 = arith.constant 77 : i32
      %dma_wait3A_38 = arith.constant 2 : i32
      %dma_wait3A_39 = arith.constant 0 : i32
      %dma_wait3A_40 = tpu.memref_slice %arg11[%dma_wait3A_37, %dma_wait3A_39] : memref<80x128xi32, #tpu.memory_space<vmem>> -> memref<1x128xi32, #tpu.memory_space<vmem>>
      %dma_wait3A_41 = tpu.memref_squeeze %dma_wait3A_40 : memref<1x128xi32, #tpu.memory_space<vmem>> -> memref<128xi32, #tpu.memory_space<vmem>>
      %dma_wait3A_42 = arith.constant 0 : i32
      %dma_wait3A_43 = tpu.memref_slice %arg21[%dma_wait3A_42] : memref<10240xf32, #tpu.memory_space<vmem_shared>> -> memref<10240xf32, #tpu.memory_space<vmem_shared>>
      %dma_wait3A_44 = tpu.memref_slice %arg23[%dma_wait3A_38] : memref<5x!tpu.dma_semaphore, #tpu.memory_space<semaphore_mem>> -> memref<1x!tpu.dma_semaphore, #tpu.memory_space<semaphore_mem>>
      %dma_wait3A_45 = tpu.memref_squeeze %dma_wait3A_44 : memref<1x!tpu.dma_semaphore, #tpu.memory_space<semaphore_mem>> -> memref<!tpu.dma_semaphore, #tpu.memory_space<semaphore_mem>>
      tpu.wait_indirect_dma semaphore(%dma_wait3A_45 : memref<!tpu.dma_semaphore, #tpu.memory_space<semaphore_mem>>) src(%arg14 : memref<128xf32, #tpu.memory_space<vmem>>) dst(%dma_wait3A_43 : memref<10240xf32, #tpu.memory_space<vmem_shared>>)
      %dma_wait3A_46 = arith.constant 78 : i32
      %dma_wait3A_47 = arith.constant 3 : i32
      %dma_wait3A_48 = arith.constant 0 : i32
      %dma_wait3A_49 = tpu.memref_slice %arg11[%dma_wait3A_46, %dma_wait3A_48] : memref<80x128xi32, #tpu.memory_space<vmem>> -> memref<1x128xi32, #tpu.memory_space<vmem>>
      %dma_wait3A_50 = tpu.memref_squeeze %dma_wait3A_49 : memref<1x128xi32, #tpu.memory_space<vmem>> -> memref<128xi32, #tpu.memory_space<vmem>>
      %dma_wait3A_51 = arith.constant 0 : i32
      %dma_wait3A_52 = tpu.memref_slice %arg21[%dma_wait3A_51] : memref<10240xf32, #tpu.memory_space<vmem_shared>> -> memref<10240xf32, #tpu.memory_space<vmem_shared>>
      %dma_wait3A_53 = tpu.memref_slice %arg23[%dma_wait3A_47] : memref<5x!tpu.dma_semaphore, #tpu.memory_space<semaphore_mem>> -> memref<1x!tpu.dma_semaphore, #tpu.memory_space<semaphore_mem>>
      %dma_wait3A_54 = tpu.memref_squeeze %dma_wait3A_53 : memref<1x!tpu.dma_semaphore, #tpu.memory_space<semaphore_mem>> -> memref<!tpu.dma_semaphore, #tpu.memory_space<semaphore_mem>>
      tpu.wait_indirect_dma semaphore(%dma_wait3A_54 : memref<!tpu.dma_semaphore, #tpu.memory_space<semaphore_mem>>) src(%arg15 : memref<128xf32, #tpu.memory_space<vmem>>) dst(%dma_wait3A_52 : memref<10240xf32, #tpu.memory_space<vmem_shared>>)
      %dma_wait3A_55 = arith.constant 79 : i32
      %dma_wait3A_56 = arith.constant 4 : i32
      %dma_wait3A_57 = arith.constant 0 : i32
      %dma_wait3A_58 = tpu.memref_slice %arg11[%dma_wait3A_55, %dma_wait3A_57] : memref<80x128xi32, #tpu.memory_space<vmem>> -> memref<1x128xi32, #tpu.memory_space<vmem>>
      %dma_wait3A_59 = tpu.memref_squeeze %dma_wait3A_58 : memref<1x128xi32, #tpu.memory_space<vmem>> -> memref<128xi32, #tpu.memory_space<vmem>>
      %dma_wait3A_60 = arith.constant 0 : i32
      %dma_wait3A_61 = tpu.memref_slice %arg21[%dma_wait3A_60] : memref<10240xf32, #tpu.memory_space<vmem_shared>> -> memref<10240xf32, #tpu.memory_space<vmem_shared>>
      %dma_wait3A_62 = tpu.memref_slice %arg23[%dma_wait3A_56] : memref<5x!tpu.dma_semaphore, #tpu.memory_space<semaphore_mem>> -> memref<1x!tpu.dma_semaphore, #tpu.memory_space<semaphore_mem>>
      %dma_wait3A_63 = tpu.memref_squeeze %dma_wait3A_62 : memref<1x!tpu.dma_semaphore, #tpu.memory_space<semaphore_mem>> -> memref<!tpu.dma_semaphore, #tpu.memory_space<semaphore_mem>>
      tpu.wait_indirect_dma semaphore(%dma_wait3A_63 : memref<!tpu.dma_semaphore, #tpu.memory_space<semaphore_mem>>) src(%arg16 : memref<128xf32, #tpu.memory_space<vmem>>) dst(%dma_wait3A_61 : memref<10240xf32, #tpu.memory_space<vmem_shared>>)
    } else {
    }
    %barrier3A_8 = arith.constant 0 : index
    tpu.barrier barrier_id(%barrier3A_8)
    %eq3A_9 = arith.constant 0 : i32
    %eq3A_10 = arith.cmpi eq, %arg0, %eq3A_9 : i32
    %convert_element_type3A_11 = arith.extui %eq3A_10 : i1 to i32
    %cond3A_12 = arith.constant 0 : i32
    %cond3A_13 = arith.cmpi ne, %convert_element_type3A_11, %cond3A_12 : i32
    scf.if %cond3A_13 {
      %mul3A = arith.constant 640 : i32
      %mul3A_14 = arith.muli %arg1, %mul3A : i32
      "tpu.region"() ({
        %run_scoped3A = tpu.sem_alloc : memref<!tpu.dma_semaphore, #tpu.memory_space<semaphore_mem>>
        %dma_start3A = tpu.memref_slice %arg21[%mul3A_14] : memref<10240xf32, #tpu.memory_space<vmem_shared>> -> memref<640xf32, #tpu.memory_space<vmem_shared>>
        %dma_start3A_27 = tpu.memref_slice %arg21[%mul3A_14] : memref<10240xf32, #tpu.memory_space<vmem_shared>> -> memref<640xf32, #tpu.memory_space<vmem_shared>>
        tpu.enqueue_dma source(%dma_start3A_27 : memref<640xf32, #tpu.memory_space<vmem_shared>>) target(%arg17 : memref<640xf32, #tpu.memory_space<vmem>>) target_semaphore(%run_scoped3A : memref<!tpu.dma_semaphore, #tpu.memory_space<semaphore_mem>>)
        %dma_wait3A = tpu.memref_slice %arg21[%mul3A_14] : memref<10240xf32, #tpu.memory_space<vmem_shared>> -> memref<640xf32, #tpu.memory_space<vmem_shared>>
        %dma_wait3A_28 = tpu.memref_slice %arg21[%mul3A_14] : memref<10240xf32, #tpu.memory_space<vmem_shared>> -> memref<640xf32, #tpu.memory_space<vmem_shared>>
        tpu.wait_dma2 semaphore(%run_scoped3A : memref<!tpu.dma_semaphore, #tpu.memory_space<semaphore_mem>>) src(%dma_wait3A_28 : memref<640xf32, #tpu.memory_space<vmem_shared>>) dst(%arg17 : memref<640xf32, #tpu.memory_space<vmem>>)
        tpu.yield
      }) : () -> ()
      %mul3A_15 = arith.constant 640 : i32
      %mul3A_16 = arith.muli %arg1, %mul3A_15 : i32
      "tpu.region"() ({
        %run_scoped3A = tpu.sem_alloc : memref<!tpu.dma_semaphore, #tpu.memory_space<semaphore_mem>>
        %dma_start3A = tpu.memref_slice %arg5[%mul3A_16] : memref<10240xf32, #tpu.memory_space<hbm>> -> memref<640xf32, #tpu.memory_space<hbm>>
        %dma_start3A_27 = tpu.memref_slice %arg5[%mul3A_16] : memref<10240xf32, #tpu.memory_space<hbm>> -> memref<640xf32, #tpu.memory_space<hbm>>
        tpu.enqueue_dma source(%dma_start3A_27 : memref<640xf32, #tpu.memory_space<hbm>>) target(%arg18 : memref<640xf32, #tpu.memory_space<vmem>>) target_semaphore(%run_scoped3A : memref<!tpu.dma_semaphore, #tpu.memory_space<semaphore_mem>>)
        %dma_wait3A = tpu.memref_slice %arg5[%mul3A_16] : memref<10240xf32, #tpu.memory_space<hbm>> -> memref<640xf32, #tpu.memory_space<hbm>>
        %dma_wait3A_28 = tpu.memref_slice %arg5[%mul3A_16] : memref<10240xf32, #tpu.memory_space<hbm>> -> memref<640xf32, #tpu.memory_space<hbm>>
        tpu.wait_dma2 semaphore(%run_scoped3A : memref<!tpu.dma_semaphore, #tpu.memory_space<semaphore_mem>>) src(%dma_wait3A_28 : memref<640xf32, #tpu.memory_space<hbm>>) dst(%arg18 : memref<640xf32, #tpu.memory_space<vmem>>)
        tpu.yield
      }) : () -> ()
      %mul3A_17 = arith.constant 640 : i32
      %mul3A_18 = arith.muli %arg1, %mul3A_17 : i32
      "tpu.region"() ({
        %run_scoped3A = tpu.sem_alloc : memref<!tpu.dma_semaphore, #tpu.memory_space<semaphore_mem>>
        %dma_start3A = tpu.memref_slice %arg6[%mul3A_18] : memref<10240xf32, #tpu.memory_space<hbm>> -> memref<640xf32, #tpu.memory_space<hbm>>
        %dma_start3A_27 = tpu.memref_slice %arg6[%mul3A_18] : memref<10240xf32, #tpu.memory_space<hbm>> -> memref<640xf32, #tpu.memory_space<hbm>>
        tpu.enqueue_dma source(%dma_start3A_27 : memref<640xf32, #tpu.memory_space<hbm>>) target(%arg19 : memref<640xf32, #tpu.memory_space<vmem>>) target_semaphore(%run_scoped3A : memref<!tpu.dma_semaphore, #tpu.memory_space<semaphore_mem>>)
        %dma_wait3A = tpu.memref_slice %arg6[%mul3A_18] : memref<10240xf32, #tpu.memory_space<hbm>> -> memref<640xf32, #tpu.memory_space<hbm>>
        %dma_wait3A_28 = tpu.memref_slice %arg6[%mul3A_18] : memref<10240xf32, #tpu.memory_space<hbm>> -> memref<640xf32, #tpu.memory_space<hbm>>
        tpu.wait_dma2 semaphore(%run_scoped3A : memref<!tpu.dma_semaphore, #tpu.memory_space<semaphore_mem>>) src(%dma_wait3A_28 : memref<640xf32, #tpu.memory_space<hbm>>) dst(%arg19 : memref<640xf32, #tpu.memory_space<vmem>>)
        tpu.yield
      }) : () -> ()
      %scan3A = arith.constant 0 : i32
      %scan3A_19 = arith.constant 0 : i32
      %scan3A_20 = arith.constant 40 : i32
      %scan3A_21 = arith.addi %scan3A_19, %scan3A_20 : i32
      %scan3A_22 = arith.constant 1 : i32
      %scan3A_23 = scf.for %scan3A_27 = %scan3A_19 to %scan3A_21 step %scan3A_22 iter_args(%scan3A_28 = %scan3A) -> (i32)  : i32 {
        %mul3A_29 = arith.constant 16 : i32
        %mul3A_30 = arith.muli %scan3A_27, %mul3A_29 : i32
        %get3A = arith.index_cast %mul3A_30 : i32 to index
        %get3A_31 = tpu.vector_load %arg17[%get3A] {strides = array<i32>} : memref<640xf32, #tpu.memory_space<vmem>>, vector<16xf32>,
        %get3A_32 = arith.index_cast %mul3A_30 : i32 to index
        %get3A_33 = tpu.vector_load %arg18[%get3A_32] {strides = array<i32>} : memref<640xf32, #tpu.memory_space<vmem>>, vector<16xf32>,
        %max3A = arith.constant 1.000000e+00 : f32
        %max3A_34 = vector.broadcast %max3A : f32 to vector<16xf32>
        %max3A_35 = arith.maximumf %get3A_33, %max3A_34 : vector<16xf32>
        %div3A = arith.divf %get3A_31, %max3A_35 : vector<16xf32>
        %get3A_36 = arith.index_cast %mul3A_30 : i32 to index
        %get3A_37 = tpu.vector_load %arg19[%get3A_36] {strides = array<i32>} : memref<640xf32, #tpu.memory_space<vmem>>, vector<16xf32>,
        %add3A = arith.addf %div3A, %get3A_37 : vector<16xf32>
        %neg3A = arith.constant 0.000000e+00 : f32
        %neg3A_38 = vector.broadcast %neg3A : f32 to vector<16xf32>
        %neg3A_39 = arith.subf %neg3A_38, %add3A : vector<16xf32>
        %exp3A = math.exp %neg3A_39 : vector<16xf32>
        %add3A_40 = arith.constant 1.000000e+00 : f32
        %add3A_41 = vector.broadcast %add3A_40 : f32 to vector<16xf32>
        %add3A_42 = arith.addf %add3A_41, %exp3A : vector<16xf32>
        %div3A_43 = arith.constant 1.000000e+00 : f32
        %div3A_44 = vector.broadcast %div3A_43 : f32 to vector<16xf32>
        %div3A_45 = arith.divf %div3A_44, %add3A_42 : vector<16xf32>
        %swap3A = arith.index_cast %mul3A_30 : i32 to index
        %swap3A_46 = tpu.vector_load %arg20[%swap3A] {strides = array<i32>} : memref<640xf32, #tpu.memory_space<vmem>>, vector<16xf32>,
        tpu.vector_store %arg20[%swap3A], %div3A_45 {strides = array<i32>} : memref<640xf32, #tpu.memory_space<vmem>>, vector<16xf32>,
        %scan3A_47 = arith.constant 0 : i32
        scf.yield %scan3A_47 : i32
      }
      %scan3A_24 = arith.constant 40 : i32
      %mul3A_25 = arith.constant 640 : i32
      %mul3A_26 = arith.muli %arg1, %mul3A_25 : i32
      "tpu.region"() ({
        %run_scoped3A = tpu.sem_alloc : memref<!tpu.dma_semaphore, #tpu.memory_space<semaphore_mem>>
        %dma_start3A = tpu.memref_slice %arg7[%mul3A_26] : memref<10240xf32, #tpu.memory_space<hbm>> -> memref<640xf32, #tpu.memory_space<hbm>>
        %dma_start3A_27 = tpu.memref_slice %arg7[%mul3A_26] : memref<10240xf32, #tpu.memory_space<hbm>> -> memref<640xf32, #tpu.memory_space<hbm>>
        tpu.enqueue_dma source(%arg20 : memref<640xf32, #tpu.memory_space<vmem>>) target(%dma_start3A_27 : memref<640xf32, #tpu.memory_space<hbm>>) target_semaphore(%run_scoped3A : memref<!tpu.dma_semaphore, #tpu.memory_space<semaphore_mem>>)
        %dma_wait3A = tpu.memref_slice %arg7[%mul3A_26] : memref<10240xf32, #tpu.memory_space<hbm>> -> memref<640xf32, #tpu.memory_space<hbm>>
        %dma_wait3A_28 = tpu.memref_slice %arg7[%mul3A_26] : memref<10240xf32, #tpu.memory_space<hbm>> -> memref<640xf32, #tpu.memory_space<hbm>>
        tpu.wait_dma2 semaphore(%run_scoped3A : memref<!tpu.dma_semaphore, #tpu.memory_space<semaphore_mem>>) src(%arg20 : memref<640xf32, #tpu.memory_space<vmem>>) dst(%dma_wait3A_28 : memref<640xf32, #tpu.memory_space<hbm>>)
        tpu.yield
      }) : () -> ()
    } else {
    }
    return
  }
}

#map = affine_map<(d0, d1) -> (0, 0)>
#map1 = affine_map<(d0, d1) -> (0, 0, 0, 0)>
#map2 = affine_map<(d0, d1) -> (0, 0, 0)>
#map3 = affine_map<(d0, d1) -> (0)>
module attributes {stable_mosaic.version = 14 : i64} {
  func.func @_agg1_body(%arg0: i32, %arg1: i32, %arg2: memref<20000x128xf32, #tpu.memory_space<hbm>>, %arg3: memref<2x1280x2x128xi32, #tpu.memory_space<hbm>>, %arg4: memref<2x10240x128xf32, #tpu.memory_space<hbm>>, %arg5: memref<10240xf32, #tpu.memory_space<hbm>>, %arg6: memref<32x128xf32, #tpu.memory_space<vmem>>, %arg7: memref<128xf32, #tpu.memory_space<vmem>>, %arg8: memref<10x2x128xi32, #tpu.memory_space<vmem>>, %arg9: memref<10x2x128xi32, #tpu.memory_space<vmem>>, %arg10: memref<128x128xf32, #tpu.memory_space<vmem>>, %arg11: memref<128x128xf32, #tpu.memory_space<vmem>>, %arg12: memref<10240x128xf32, #tpu.memory_space<vmem_shared>>, %arg13: memref<10240xf32, #tpu.memory_space<vmem_shared>>, %arg14: memref<2x!tpu.dma_semaphore, #tpu.memory_space<semaphore_mem>>, %arg15: memref<2x!tpu.dma_semaphore, #tpu.memory_space<semaphore_mem>>, %arg16: memref<2x!tpu.dma_semaphore, #tpu.memory_space<semaphore_mem>>, %arg17: memref<!tpu.dma_semaphore, #tpu.memory_space<semaphore_mem>>, %arg18: memref<!tpu.dma_semaphore, #tpu.memory_space<semaphore_mem>>) attributes {dimension_semantics = [#tpu.dimension_semantics<core_parallel>, #tpu.dimension_semantics<subcore_parallel>], iteration_bounds = array<i64: 2, 16>, scalar_prefetch = 0 : i64, scratch_operands = 13 : i64, tpu.core_type = #tpu.core_type<sc_vector_subcore>, window_params = [{transform_indices = #map}, {transform_indices = #map1}, {transform_indices = #map2}, {transform_indices = #map3}]} {
    %broadcast_in_dim3A = arith.constant 0.000000e+00 : f32
    %broadcast_in_dim3A_0 = vector.broadcast %broadcast_in_dim3A : f32 to vector<16xf32>
    %scan3A = arith.constant 0 : i32
    %scan3A_1 = arith.constant 0 : i32
    %scan3A_2 = arith.constant 32 : i32
    %scan3A_3 = arith.addi %scan3A_1, %scan3A_2 : i32
    %scan3A_4 = arith.constant 1 : i32
    %scan3A_5 = scf.for %scan3A_502 = %scan3A_1 to %scan3A_3 step %scan3A_4 iter_args(%scan3A_503 = %scan3A) -> (i32)  : i32 {
      %scan3A_504 = arith.constant 0 : i32
      %scan3A_505 = arith.constant 0 : i32
      %scan3A_506 = arith.constant 8 : i32
      %scan3A_507 = arith.addi %scan3A_505, %scan3A_506 : i32
      %scan3A_508 = arith.constant 1 : i32
      %scan3A_509 = scf.for %scan3A_511 = %scan3A_505 to %scan3A_507 step %scan3A_508 iter_args(%scan3A_512 = %scan3A_504) -> (i32)  : i32 {
        %mul3A_513 = arith.constant 16 : i32
        %mul3A_514 = arith.muli %scan3A_511, %mul3A_513 : i32
        %swap3A = arith.index_cast %scan3A_502 : i32 to index
        %swap3A_515 = arith.index_cast %mul3A_514 : i32 to index
        %swap3A_516 = tpu.vector_load %arg6[%swap3A, %swap3A_515] {strides = array<i32>} : memref<32x128xf32, #tpu.memory_space<vmem>>, vector<1x16xf32>,
        %swap3A_517 = vector.shape_cast %swap3A_516 : vector<1x16xf32> to vector<16xf32>
        %swap3A_518 = vector.shape_cast %broadcast_in_dim3A_0 : vector<16xf32> to vector<1x16xf32>
        tpu.vector_store %arg6[%swap3A, %swap3A_515], %swap3A_518 {strides = array<i32>} : memref<32x128xf32, #tpu.memory_space<vmem>>, vector<1x16xf32>,
        %scan3A_519 = arith.constant 0 : i32
        scf.yield %scan3A_519 : i32
      }
      %scan3A_510 = arith.constant 8 : i32
      scf.yield %scan3A_509 : i32
    }
    %scan3A_6 = arith.constant 32 : i32
    %scan3A_7 = arith.constant 0 : i32
    %scan3A_8 = arith.constant 0 : i32
    %scan3A_9 = arith.constant 8 : i32
    %scan3A_10 = arith.addi %scan3A_8, %scan3A_9 : i32
    %scan3A_11 = arith.constant 1 : i32
    %scan3A_12 = scf.for %scan3A_502 = %scan3A_8 to %scan3A_10 step %scan3A_11 iter_args(%scan3A_503 = %scan3A_7) -> (i32)  : i32 {
      %add3A_504 = arith.constant 1.000000e+00 : f32
      %add3A_505 = vector.broadcast %add3A_504 : f32 to vector<16xf32>
      %add3A_506 = arith.addf %broadcast_in_dim3A_0, %add3A_505 : vector<16xf32>
      %mul3A_507 = arith.constant 16 : i32
      %mul3A_508 = arith.muli %scan3A_502, %mul3A_507 : i32
      %swap3A = arith.index_cast %mul3A_508 : i32 to index
      %swap3A_509 = tpu.vector_load %arg7[%swap3A] {strides = array<i32>} : memref<128xf32, #tpu.memory_space<vmem>>, vector<16xf32>,
      %swap3A_510 = vector.shape_cast %swap3A_509 : vector<16xf32> to vector<16xf32>
      %swap3A_511 = vector.shape_cast %add3A_506 : vector<16xf32> to vector<16xf32>
      tpu.vector_store %arg7[%swap3A], %swap3A_511 {strides = array<i32>} : memref<128xf32, #tpu.memory_space<vmem>>, vector<16xf32>,
      %scan3A_512 = arith.constant 0 : i32
      scf.yield %scan3A_512 : i32
    }
    %scan3A_13 = arith.constant 8 : i32
    %mul3A = arith.constant 80 : i32
    %mul3A_14 = arith.muli %arg1, %mul3A : i32
    %mul3A_15 = arith.constant 0 : i32
    %mul3A_16 = arith.constant 10 : i32
    %mul3A_17 = arith.muli %mul3A_15, %mul3A_16 : i32
    %add3A = arith.addi %mul3A_14, %mul3A_17 : i32
    %dma_start3A = arith.constant 0 : i32
    %dma_start3A_18 = arith.constant 0 : i32
    %dma_start3A_19 = arith.constant 0 : i32
    %dma_start3A_20 = tpu.memref_slice %arg3[%arg0, %add3A, %dma_start3A_18, %dma_start3A_19] : memref<2x1280x2x128xi32, #tpu.memory_space<hbm>> -> memref<1x10x2x128xi32, #tpu.memory_space<hbm>>
    %dma_start3A_21 = tpu.memref_squeeze %dma_start3A_20 : memref<1x10x2x128xi32, #tpu.memory_space<hbm>> -> memref<10x2x128xi32, #tpu.memory_space<hbm>>
    %dma_start3A_22 = tpu.memref_slice %arg14[%dma_start3A] : memref<2x!tpu.dma_semaphore, #tpu.memory_space<semaphore_mem>> -> memref<1x!tpu.dma_semaphore, #tpu.memory_space<semaphore_mem>>
    %dma_start3A_23 = tpu.memref_squeeze %dma_start3A_22 : memref<1x!tpu.dma_semaphore, #tpu.memory_space<semaphore_mem>> -> memref<!tpu.dma_semaphore, #tpu.memory_space<semaphore_mem>>
    %dma_start3A_24 = arith.constant 0 : i32
    %dma_start3A_25 = arith.constant 0 : i32
    %dma_start3A_26 = tpu.memref_slice %arg3[%arg0, %add3A, %dma_start3A_24, %dma_start3A_25] : memref<2x1280x2x128xi32, #tpu.memory_space<hbm>> -> memref<1x10x2x128xi32, #tpu.memory_space<hbm>>
    %dma_start3A_27 = tpu.memref_squeeze %dma_start3A_26 : memref<1x10x2x128xi32, #tpu.memory_space<hbm>> -> memref<10x2x128xi32, #tpu.memory_space<hbm>>
    tpu.enqueue_dma source(%dma_start3A_27 : memref<10x2x128xi32, #tpu.memory_space<hbm>>) target(%arg8 : memref<10x2x128xi32, #tpu.memory_space<vmem>>) target_semaphore(%dma_start3A_23 : memref<!tpu.dma_semaphore, #tpu.memory_space<semaphore_mem>>)
    %mul3A_28 = arith.constant 640 : i32
    %mul3A_29 = arith.muli %arg1, %mul3A_28 : i32
    %add3A_30 = arith.constant 0 : i32
    %add3A_31 = arith.addi %mul3A_29, %add3A_30 : i32
    %dma_start3A_32 = arith.constant 0 : i32
    %dma_start3A_33 = tpu.memref_slice %arg12[%add3A_31, %dma_start3A_32] : memref<10240x128xf32, #tpu.memory_space<vmem_shared>> -> memref<32x128xf32, #tpu.memory_space<vmem_shared>>
    %dma_start3A_34 = arith.constant 0 : i32
    %dma_start3A_35 = tpu.memref_slice %arg12[%add3A_31, %dma_start3A_34] : memref<10240x128xf32, #tpu.memory_space<vmem_shared>> -> memref<32x128xf32, #tpu.memory_space<vmem_shared>>
    tpu.enqueue_dma source(%arg6 : memref<32x128xf32, #tpu.memory_space<vmem>>) target(%dma_start3A_35 : memref<32x128xf32, #tpu.memory_space<vmem_shared>>) target_semaphore(%arg18 : memref<!tpu.dma_semaphore, #tpu.memory_space<semaphore_mem>>)
    %mul3A_36 = arith.constant 640 : i32
    %mul3A_37 = arith.muli %arg1, %mul3A_36 : i32
    %add3A_38 = arith.constant 32 : i32
    %add3A_39 = arith.addi %mul3A_37, %add3A_38 : i32
    %dma_start3A_40 = arith.constant 0 : i32
    %dma_start3A_41 = tpu.memref_slice %arg12[%add3A_39, %dma_start3A_40] : memref<10240x128xf32, #tpu.memory_space<vmem_shared>> -> memref<32x128xf32, #tpu.memory_space<vmem_shared>>
    %dma_start3A_42 = arith.constant 0 : i32
    %dma_start3A_43 = tpu.memref_slice %arg12[%add3A_39, %dma_start3A_42] : memref<10240x128xf32, #tpu.memory_space<vmem_shared>> -> memref<32x128xf32, #tpu.memory_space<vmem_shared>>
    tpu.enqueue_dma source(%arg6 : memref<32x128xf32, #tpu.memory_space<vmem>>) target(%dma_start3A_43 : memref<32x128xf32, #tpu.memory_space<vmem_shared>>) target_semaphore(%arg18 : memref<!tpu.dma_semaphore, #tpu.memory_space<semaphore_mem>>)
    %mul3A_44 = arith.constant 640 : i32
    %mul3A_45 = arith.muli %arg1, %mul3A_44 : i32
    %add3A_46 = arith.constant 64 : i32
    %add3A_47 = arith.addi %mul3A_45, %add3A_46 : i32
    %dma_start3A_48 = arith.constant 0 : i32
    %dma_start3A_49 = tpu.memref_slice %arg12[%add3A_47, %dma_start3A_48] : memref<10240x128xf32, #tpu.memory_space<vmem_shared>> -> memref<32x128xf32, #tpu.memory_space<vmem_shared>>
    %dma_start3A_50 = arith.constant 0 : i32
    %dma_start3A_51 = tpu.memref_slice %arg12[%add3A_47, %dma_start3A_50] : memref<10240x128xf32, #tpu.memory_space<vmem_shared>> -> memref<32x128xf32, #tpu.memory_space<vmem_shared>>
    tpu.enqueue_dma source(%arg6 : memref<32x128xf32, #tpu.memory_space<vmem>>) target(%dma_start3A_51 : memref<32x128xf32, #tpu.memory_space<vmem_shared>>) target_semaphore(%arg18 : memref<!tpu.dma_semaphore, #tpu.memory_space<semaphore_mem>>)
    %mul3A_52 = arith.constant 640 : i32
    %mul3A_53 = arith.muli %arg1, %mul3A_52 : i32
    %add3A_54 = arith.constant 96 : i32
    %add3A_55 = arith.addi %mul3A_53, %add3A_54 : i32
    %dma_start3A_56 = arith.constant 0 : i32
    %dma_start3A_57 = tpu.memref_slice %arg12[%add3A_55, %dma_start3A_56] : memref<10240x128xf32, #tpu.memory_space<vmem_shared>> -> memref<32x128xf32, #tpu.memory_space<vmem_shared>>
    %dma_start3A_58 = arith.constant 0 : i32
    %dma_start3A_59 = tpu.memref_slice %arg12[%add3A_55, %dma_start3A_58] : memref<10240x128xf32, #tpu.memory_space<vmem_shared>> -> memref<32x128xf32, #tpu.memory_space<vmem_shared>>
    tpu.enqueue_dma source(%arg6 : memref<32x128xf32, #tpu.memory_space<vmem>>) target(%dma_start3A_59 : memref<32x128xf32, #tpu.memory_space<vmem_shared>>) target_semaphore(%arg18 : memref<!tpu.dma_semaphore, #tpu.memory_space<semaphore_mem>>)
    %mul3A_60 = arith.constant 640 : i32
    %mul3A_61 = arith.muli %arg1, %mul3A_60 : i32
    %add3A_62 = arith.constant 128 : i32
    %add3A_63 = arith.addi %mul3A_61, %add3A_62 : i32
    %dma_start3A_64 = arith.constant 0 : i32
    %dma_start3A_65 = tpu.memref_slice %arg12[%add3A_63, %dma_start3A_64] : memref<10240x128xf32, #tpu.memory_space<vmem_shared>> -> memref<32x128xf32, #tpu.memory_space<vmem_shared>>
    %dma_start3A_66 = arith.constant 0 : i32
    %dma_start3A_67 = tpu.memref_slice %arg12[%add3A_63, %dma_start3A_66] : memref<10240x128xf32, #tpu.memory_space<vmem_shared>> -> memref<32x128xf32, #tpu.memory_space<vmem_shared>>
    tpu.enqueue_dma source(%arg6 : memref<32x128xf32, #tpu.memory_space<vmem>>) target(%dma_start3A_67 : memref<32x128xf32, #tpu.memory_space<vmem_shared>>) target_semaphore(%arg18 : memref<!tpu.dma_semaphore, #tpu.memory_space<semaphore_mem>>)
    %mul3A_68 = arith.constant 640 : i32
    %mul3A_69 = arith.muli %arg1, %mul3A_68 : i32
    %add3A_70 = arith.constant 160 : i32
    %add3A_71 = arith.addi %mul3A_69, %add3A_70 : i32
    %dma_start3A_72 = arith.constant 0 : i32
    %dma_start3A_73 = tpu.memref_slice %arg12[%add3A_71, %dma_start3A_72] : memref<10240x128xf32, #tpu.memory_space<vmem_shared>> -> memref<32x128xf32, #tpu.memory_space<vmem_shared>>
    %dma_start3A_74 = arith.constant 0 : i32
    %dma_start3A_75 = tpu.memref_slice %arg12[%add3A_71, %dma_start3A_74] : memref<10240x128xf32, #tpu.memory_space<vmem_shared>> -> memref<32x128xf32, #tpu.memory_space<vmem_shared>>
    tpu.enqueue_dma source(%arg6 : memref<32x128xf32, #tpu.memory_space<vmem>>) target(%dma_start3A_75 : memref<32x128xf32, #tpu.memory_space<vmem_shared>>) target_semaphore(%arg18 : memref<!tpu.dma_semaphore, #tpu.memory_space<semaphore_mem>>)
    %mul3A_76 = arith.constant 640 : i32
    %mul3A_77 = arith.muli %arg1, %mul3A_76 : i32
    %add3A_78 = arith.constant 192 : i32
    %add3A_79 = arith.addi %mul3A_77, %add3A_78 : i32
    %dma_start3A_80 = arith.constant 0 : i32
    %dma_start3A_81 = tpu.memref_slice %arg12[%add3A_79, %dma_start3A_80] : memref<10240x128xf32, #tpu.memory_space<vmem_shared>> -> memref<32x128xf32, #tpu.memory_space<vmem_shared>>
    %dma_start3A_82 = arith.constant 0 : i32
    %dma_start3A_83 = tpu.memref_slice %arg12[%add3A_79, %dma_start3A_82] : memref<10240x128xf32, #tpu.memory_space<vmem_shared>> -> memref<32x128xf32, #tpu.memory_space<vmem_shared>>
    tpu.enqueue_dma source(%arg6 : memref<32x128xf32, #tpu.memory_space<vmem>>) target(%dma_start3A_83 : memref<32x128xf32, #tpu.memory_space<vmem_shared>>) target_semaphore(%arg18 : memref<!tpu.dma_semaphore, #tpu.memory_space<semaphore_mem>>)
    %mul3A_84 = arith.constant 640 : i32
    %mul3A_85 = arith.muli %arg1, %mul3A_84 : i32
    %add3A_86 = arith.constant 224 : i32
    %add3A_87 = arith.addi %mul3A_85, %add3A_86 : i32
    %dma_start3A_88 = arith.constant 0 : i32
    %dma_start3A_89 = tpu.memref_slice %arg12[%add3A_87, %dma_start3A_88] : memref<10240x128xf32, #tpu.memory_space<vmem_shared>> -> memref<32x128xf32, #tpu.memory_space<vmem_shared>>
    %dma_start3A_90 = arith.constant 0 : i32
    %dma_start3A_91 = tpu.memref_slice %arg12[%add3A_87, %dma_start3A_90] : memref<10240x128xf32, #tpu.memory_space<vmem_shared>> -> memref<32x128xf32, #tpu.memory_space<vmem_shared>>
    tpu.enqueue_dma source(%arg6 : memref<32x128xf32, #tpu.memory_space<vmem>>) target(%dma_start3A_91 : memref<32x128xf32, #tpu.memory_space<vmem_shared>>) target_semaphore(%arg18 : memref<!tpu.dma_semaphore, #tpu.memory_space<semaphore_mem>>)
    %mul3A_92 = arith.constant 640 : i32
    %mul3A_93 = arith.muli %arg1, %mul3A_92 : i32
    %add3A_94 = arith.constant 256 : i32
    %add3A_95 = arith.addi %mul3A_93, %add3A_94 : i32
    %dma_start3A_96 = arith.constant 0 : i32
    %dma_start3A_97 = tpu.memref_slice %arg12[%add3A_95, %dma_start3A_96] : memref<10240x128xf32, #tpu.memory_space<vmem_shared>> -> memref<32x128xf32, #tpu.memory_space<vmem_shared>>
    %dma_start3A_98 = arith.constant 0 : i32
    %dma_start3A_99 = tpu.memref_slice %arg12[%add3A_95, %dma_start3A_98] : memref<10240x128xf32, #tpu.memory_space<vmem_shared>> -> memref<32x128xf32, #tpu.memory_space<vmem_shared>>
    tpu.enqueue_dma source(%arg6 : memref<32x128xf32, #tpu.memory_space<vmem>>) target(%dma_start3A_99 : memref<32x128xf32, #tpu.memory_space<vmem_shared>>) target_semaphore(%arg18 : memref<!tpu.dma_semaphore, #tpu.memory_space<semaphore_mem>>)
    %mul3A_100 = arith.constant 640 : i32
    %mul3A_101 = arith.muli %arg1, %mul3A_100 : i32
    %add3A_102 = arith.constant 288 : i32
    %add3A_103 = arith.addi %mul3A_101, %add3A_102 : i32
    %dma_start3A_104 = arith.constant 0 : i32
    %dma_start3A_105 = tpu.memref_slice %arg12[%add3A_103, %dma_start3A_104] : memref<10240x128xf32, #tpu.memory_space<vmem_shared>> -> memref<32x128xf32, #tpu.memory_space<vmem_shared>>
    %dma_start3A_106 = arith.constant 0 : i32
    %dma_start3A_107 = tpu.memref_slice %arg12[%add3A_103, %dma_start3A_106] : memref<10240x128xf32, #tpu.memory_space<vmem_shared>> -> memref<32x128xf32, #tpu.memory_space<vmem_shared>>
    tpu.enqueue_dma source(%arg6 : memref<32x128xf32, #tpu.memory_space<vmem>>) target(%dma_start3A_107 : memref<32x128xf32, #tpu.memory_space<vmem_shared>>) target_semaphore(%arg18 : memref<!tpu.dma_semaphore, #tpu.memory_space<semaphore_mem>>)
    %mul3A_108 = arith.constant 640 : i32
    %mul3A_109 = arith.muli %arg1, %mul3A_108 : i32
    %add3A_110 = arith.constant 320 : i32
    %add3A_111 = arith.addi %mul3A_109, %add3A_110 : i32
    %dma_start3A_112 = arith.constant 0 : i32
    %dma_start3A_113 = tpu.memref_slice %arg12[%add3A_111, %dma_start3A_112] : memref<10240x128xf32, #tpu.memory_space<vmem_shared>> -> memref<32x128xf32, #tpu.memory_space<vmem_shared>>
    %dma_start3A_114 = arith.constant 0 : i32
    %dma_start3A_115 = tpu.memref_slice %arg12[%add3A_111, %dma_start3A_114] : memref<10240x128xf32, #tpu.memory_space<vmem_shared>> -> memref<32x128xf32, #tpu.memory_space<vmem_shared>>
    tpu.enqueue_dma source(%arg6 : memref<32x128xf32, #tpu.memory_space<vmem>>) target(%dma_start3A_115 : memref<32x128xf32, #tpu.memory_space<vmem_shared>>) target_semaphore(%arg18 : memref<!tpu.dma_semaphore, #tpu.memory_space<semaphore_mem>>)
    %mul3A_116 = arith.constant 640 : i32
    %mul3A_117 = arith.muli %arg1, %mul3A_116 : i32
    %add3A_118 = arith.constant 352 : i32
    %add3A_119 = arith.addi %mul3A_117, %add3A_118 : i32
    %dma_start3A_120 = arith.constant 0 : i32
    %dma_start3A_121 = tpu.memref_slice %arg12[%add3A_119, %dma_start3A_120] : memref<10240x128xf32, #tpu.memory_space<vmem_shared>> -> memref<32x128xf32, #tpu.memory_space<vmem_shared>>
    %dma_start3A_122 = arith.constant 0 : i32
    %dma_start3A_123 = tpu.memref_slice %arg12[%add3A_119, %dma_start3A_122] : memref<10240x128xf32, #tpu.memory_space<vmem_shared>> -> memref<32x128xf32, #tpu.memory_space<vmem_shared>>
    tpu.enqueue_dma source(%arg6 : memref<32x128xf32, #tpu.memory_space<vmem>>) target(%dma_start3A_123 : memref<32x128xf32, #tpu.memory_space<vmem_shared>>) target_semaphore(%arg18 : memref<!tpu.dma_semaphore, #tpu.memory_space<semaphore_mem>>)
    %mul3A_124 = arith.constant 640 : i32
    %mul3A_125 = arith.muli %arg1, %mul3A_124 : i32
    %add3A_126 = arith.constant 384 : i32
    %add3A_127 = arith.addi %mul3A_125, %add3A_126 : i32
    %dma_start3A_128 = arith.constant 0 : i32
    %dma_start3A_129 = tpu.memref_slice %arg12[%add3A_127, %dma_start3A_128] : memref<10240x128xf32, #tpu.memory_space<vmem_shared>> -> memref<32x128xf32, #tpu.memory_space<vmem_shared>>
    %dma_start3A_130 = arith.constant 0 : i32
    %dma_start3A_131 = tpu.memref_slice %arg12[%add3A_127, %dma_start3A_130] : memref<10240x128xf32, #tpu.memory_space<vmem_shared>> -> memref<32x128xf32, #tpu.memory_space<vmem_shared>>
    tpu.enqueue_dma source(%arg6 : memref<32x128xf32, #tpu.memory_space<vmem>>) target(%dma_start3A_131 : memref<32x128xf32, #tpu.memory_space<vmem_shared>>) target_semaphore(%arg18 : memref<!tpu.dma_semaphore, #tpu.memory_space<semaphore_mem>>)
    %mul3A_132 = arith.constant 640 : i32
    %mul3A_133 = arith.muli %arg1, %mul3A_132 : i32
    %add3A_134 = arith.constant 416 : i32
    %add3A_135 = arith.addi %mul3A_133, %add3A_134 : i32
    %dma_start3A_136 = arith.constant 0 : i32
    %dma_start3A_137 = tpu.memref_slice %arg12[%add3A_135, %dma_start3A_136] : memref<10240x128xf32, #tpu.memory_space<vmem_shared>> -> memref<32x128xf32, #tpu.memory_space<vmem_shared>>
    %dma_start3A_138 = arith.constant 0 : i32
    %dma_start3A_139 = tpu.memref_slice %arg12[%add3A_135, %dma_start3A_138] : memref<10240x128xf32, #tpu.memory_space<vmem_shared>> -> memref<32x128xf32, #tpu.memory_space<vmem_shared>>
    tpu.enqueue_dma source(%arg6 : memref<32x128xf32, #tpu.memory_space<vmem>>) target(%dma_start3A_139 : memref<32x128xf32, #tpu.memory_space<vmem_shared>>) target_semaphore(%arg18 : memref<!tpu.dma_semaphore, #tpu.memory_space<semaphore_mem>>)
    %mul3A_140 = arith.constant 640 : i32
    %mul3A_141 = arith.muli %arg1, %mul3A_140 : i32
    %add3A_142 = arith.constant 448 : i32
    %add3A_143 = arith.addi %mul3A_141, %add3A_142 : i32
    %dma_start3A_144 = arith.constant 0 : i32
    %dma_start3A_145 = tpu.memref_slice %arg12[%add3A_143, %dma_start3A_144] : memref<10240x128xf32, #tpu.memory_space<vmem_shared>> -> memref<32x128xf32, #tpu.memory_space<vmem_shared>>
    %dma_start3A_146 = arith.constant 0 : i32
    %dma_start3A_147 = tpu.memref_slice %arg12[%add3A_143, %dma_start3A_146] : memref<10240x128xf32, #tpu.memory_space<vmem_shared>> -> memref<32x128xf32, #tpu.memory_space<vmem_shared>>
    tpu.enqueue_dma source(%arg6 : memref<32x128xf32, #tpu.memory_space<vmem>>) target(%dma_start3A_147 : memref<32x128xf32, #tpu.memory_space<vmem_shared>>) target_semaphore(%arg18 : memref<!tpu.dma_semaphore, #tpu.memory_space<semaphore_mem>>)
    %mul3A_148 = arith.constant 640 : i32
    %mul3A_149 = arith.muli %arg1, %mul3A_148 : i32
    %add3A_150 = arith.constant 480 : i32
    %add3A_151 = arith.addi %mul3A_149, %add3A_150 : i32
    %dma_start3A_152 = arith.constant 0 : i32
    %dma_start3A_153 = tpu.memref_slice %arg12[%add3A_151, %dma_start3A_152] : memref<10240x128xf32, #tpu.memory_space<vmem_shared>> -> memref<32x128xf32, #tpu.memory_space<vmem_shared>>
    %dma_start3A_154 = arith.constant 0 : i32
    %dma_start3A_155 = tpu.memref_slice %arg12[%add3A_151, %dma_start3A_154] : memref<10240x128xf32, #tpu.memory_space<vmem_shared>> -> memref<32x128xf32, #tpu.memory_space<vmem_shared>>
    tpu.enqueue_dma source(%arg6 : memref<32x128xf32, #tpu.memory_space<vmem>>) target(%dma_start3A_155 : memref<32x128xf32, #tpu.memory_space<vmem_shared>>) target_semaphore(%arg18 : memref<!tpu.dma_semaphore, #tpu.memory_space<semaphore_mem>>)
    %mul3A_156 = arith.constant 640 : i32
    %mul3A_157 = arith.muli %arg1, %mul3A_156 : i32
    %add3A_158 = arith.constant 512 : i32
    %add3A_159 = arith.addi %mul3A_157, %add3A_158 : i32
    %dma_start3A_160 = arith.constant 0 : i32
    %dma_start3A_161 = tpu.memref_slice %arg12[%add3A_159, %dma_start3A_160] : memref<10240x128xf32, #tpu.memory_space<vmem_shared>> -> memref<32x128xf32, #tpu.memory_space<vmem_shared>>
    %dma_start3A_162 = arith.constant 0 : i32
    %dma_start3A_163 = tpu.memref_slice %arg12[%add3A_159, %dma_start3A_162] : memref<10240x128xf32, #tpu.memory_space<vmem_shared>> -> memref<32x128xf32, #tpu.memory_space<vmem_shared>>
    tpu.enqueue_dma source(%arg6 : memref<32x128xf32, #tpu.memory_space<vmem>>) target(%dma_start3A_163 : memref<32x128xf32, #tpu.memory_space<vmem_shared>>) target_semaphore(%arg18 : memref<!tpu.dma_semaphore, #tpu.memory_space<semaphore_mem>>)
    %mul3A_164 = arith.constant 640 : i32
    %mul3A_165 = arith.muli %arg1, %mul3A_164 : i32
    %add3A_166 = arith.constant 544 : i32
    %add3A_167 = arith.addi %mul3A_165, %add3A_166 : i32
    %dma_start3A_168 = arith.constant 0 : i32
    %dma_start3A_169 = tpu.memref_slice %arg12[%add3A_167, %dma_start3A_168] : memref<10240x128xf32, #tpu.memory_space<vmem_shared>> -> memref<32x128xf32, #tpu.memory_space<vmem_shared>>
    %dma_start3A_170 = arith.constant 0 : i32
    %dma_start3A_171 = tpu.memref_slice %arg12[%add3A_167, %dma_start3A_170] : memref<10240x128xf32, #tpu.memory_space<vmem_shared>> -> memref<32x128xf32, #tpu.memory_space<vmem_shared>>
    tpu.enqueue_dma source(%arg6 : memref<32x128xf32, #tpu.memory_space<vmem>>) target(%dma_start3A_171 : memref<32x128xf32, #tpu.memory_space<vmem_shared>>) target_semaphore(%arg18 : memref<!tpu.dma_semaphore, #tpu.memory_space<semaphore_mem>>)
    %mul3A_172 = arith.constant 640 : i32
    %mul3A_173 = arith.muli %arg1, %mul3A_172 : i32
    %add3A_174 = arith.constant 576 : i32
    %add3A_175 = arith.addi %mul3A_173, %add3A_174 : i32
    %dma_start3A_176 = arith.constant 0 : i32
    %dma_start3A_177 = tpu.memref_slice %arg12[%add3A_175, %dma_start3A_176] : memref<10240x128xf32, #tpu.memory_space<vmem_shared>> -> memref<32x128xf32, #tpu.memory_space<vmem_shared>>
    %dma_start3A_178 = arith.constant 0 : i32
    %dma_start3A_179 = tpu.memref_slice %arg12[%add3A_175, %dma_start3A_178] : memref<10240x128xf32, #tpu.memory_space<vmem_shared>> -> memref<32x128xf32, #tpu.memory_space<vmem_shared>>
    tpu.enqueue_dma source(%arg6 : memref<32x128xf32, #tpu.memory_space<vmem>>) target(%dma_start3A_179 : memref<32x128xf32, #tpu.memory_space<vmem_shared>>) target_semaphore(%arg18 : memref<!tpu.dma_semaphore, #tpu.memory_space<semaphore_mem>>)
    %mul3A_180 = arith.constant 640 : i32
    %mul3A_181 = arith.muli %arg1, %mul3A_180 : i32
    %add3A_182 = arith.constant 608 : i32
    %add3A_183 = arith.addi %mul3A_181, %add3A_182 : i32
    %dma_start3A_184 = arith.constant 0 : i32
    %dma_start3A_185 = tpu.memref_slice %arg12[%add3A_183, %dma_start3A_184] : memref<10240x128xf32, #tpu.memory_space<vmem_shared>> -> memref<32x128xf32, #tpu.memory_space<vmem_shared>>
    %dma_start3A_186 = arith.constant 0 : i32
    %dma_start3A_187 = tpu.memref_slice %arg12[%add3A_183, %dma_start3A_186] : memref<10240x128xf32, #tpu.memory_space<vmem_shared>> -> memref<32x128xf32, #tpu.memory_space<vmem_shared>>
    tpu.enqueue_dma source(%arg6 : memref<32x128xf32, #tpu.memory_space<vmem>>) target(%dma_start3A_187 : memref<32x128xf32, #tpu.memory_space<vmem_shared>>) target_semaphore(%arg18 : memref<!tpu.dma_semaphore, #tpu.memory_space<semaphore_mem>>)
    %mul3A_188 = arith.constant 640 : i32
    %mul3A_189 = arith.muli %arg1, %mul3A_188 : i32
    %add3A_190 = arith.constant 0 : i32
    %add3A_191 = arith.addi %mul3A_189, %add3A_190 : i32
    %dma_start3A_192 = arith.constant 0 : i32
    %dma_start3A_193 = arith.constant 0 : i32
    %dma_start3A_194 = tpu.memref_slice %arg6[%dma_start3A_192, %dma_start3A_193] : memref<32x128xf32, #tpu.memory_space<vmem>> -> memref<1x128xf32, #tpu.memory_space<vmem>>
    %dma_start3A_195 = tpu.memref_squeeze %dma_start3A_194 : memref<1x128xf32, #tpu.memory_space<vmem>> -> memref<128xf32, #tpu.memory_space<vmem>>
    %dma_start3A_196 = tpu.memref_slice %arg13[%add3A_191] : memref<10240xf32, #tpu.memory_space<vmem_shared>> -> memref<128xf32, #tpu.memory_space<vmem_shared>>
    %dma_start3A_197 = tpu.memref_slice %arg13[%add3A_191] : memref<10240xf32, #tpu.memory_space<vmem_shared>> -> memref<128xf32, #tpu.memory_space<vmem_shared>>
    %dma_start3A_198 = arith.constant 0 : i32
    %dma_start3A_199 = tpu.memref_slice %arg6[%dma_start3A_192, %dma_start3A_198] : memref<32x128xf32, #tpu.memory_space<vmem>> -> memref<1x128xf32, #tpu.memory_space<vmem>>
    %dma_start3A_200 = tpu.memref_squeeze %dma_start3A_199 : memref<1x128xf32, #tpu.memory_space<vmem>> -> memref<128xf32, #tpu.memory_space<vmem>>
    tpu.enqueue_dma source(%dma_start3A_200 : memref<128xf32, #tpu.memory_space<vmem>>) target(%dma_start3A_197 : memref<128xf32, #tpu.memory_space<vmem_shared>>) target_semaphore(%arg18 : memref<!tpu.dma_semaphore, #tpu.memory_space<semaphore_mem>>)
    %mul3A_201 = arith.constant 640 : i32
    %mul3A_202 = arith.muli %arg1, %mul3A_201 : i32
    %add3A_203 = arith.constant 128 : i32
    %add3A_204 = arith.addi %mul3A_202, %add3A_203 : i32
    %dma_start3A_205 = arith.constant 0 : i32
    %dma_start3A_206 = arith.constant 0 : i32
    %dma_start3A_207 = tpu.memref_slice %arg6[%dma_start3A_205, %dma_start3A_206] : memref<32x128xf32, #tpu.memory_space<vmem>> -> memref<1x128xf32, #tpu.memory_space<vmem>>
    %dma_start3A_208 = tpu.memref_squeeze %dma_start3A_207 : memref<1x128xf32, #tpu.memory_space<vmem>> -> memref<128xf32, #tpu.memory_space<vmem>>
    %dma_start3A_209 = tpu.memref_slice %arg13[%add3A_204] : memref<10240xf32, #tpu.memory_space<vmem_shared>> -> memref<128xf32, #tpu.memory_space<vmem_shared>>
    %dma_start3A_210 = tpu.memref_slice %arg13[%add3A_204] : memref<10240xf32, #tpu.memory_space<vmem_shared>> -> memref<128xf32, #tpu.memory_space<vmem_shared>>
    %dma_start3A_211 = arith.constant 0 : i32
    %dma_start3A_212 = tpu.memref_slice %arg6[%dma_start3A_205, %dma_start3A_211] : memref<32x128xf32, #tpu.memory_space<vmem>> -> memref<1x128xf32, #tpu.memory_space<vmem>>
    %dma_start3A_213 = tpu.memref_squeeze %dma_start3A_212 : memref<1x128xf32, #tpu.memory_space<vmem>> -> memref<128xf32, #tpu.memory_space<vmem>>
    tpu.enqueue_dma source(%dma_start3A_213 : memref<128xf32, #tpu.memory_space<vmem>>) target(%dma_start3A_210 : memref<128xf32, #tpu.memory_space<vmem_shared>>) target_semaphore(%arg18 : memref<!tpu.dma_semaphore, #tpu.memory_space<semaphore_mem>>)
    %mul3A_214 = arith.constant 640 : i32
    %mul3A_215 = arith.muli %arg1, %mul3A_214 : i32
    %add3A_216 = arith.constant 256 : i32
    %add3A_217 = arith.addi %mul3A_215, %add3A_216 : i32
    %dma_start3A_218 = arith.constant 0 : i32
    %dma_start3A_219 = arith.constant 0 : i32
    %dma_start3A_220 = tpu.memref_slice %arg6[%dma_start3A_218, %dma_start3A_219] : memref<32x128xf32, #tpu.memory_space<vmem>> -> memref<1x128xf32, #tpu.memory_space<vmem>>
    %dma_start3A_221 = tpu.memref_squeeze %dma_start3A_220 : memref<1x128xf32, #tpu.memory_space<vmem>> -> memref<128xf32, #tpu.memory_space<vmem>>
    %dma_start3A_222 = tpu.memref_slice %arg13[%add3A_217] : memref<10240xf32, #tpu.memory_space<vmem_shared>> -> memref<128xf32, #tpu.memory_space<vmem_shared>>
    %dma_start3A_223 = tpu.memref_slice %arg13[%add3A_217] : memref<10240xf32, #tpu.memory_space<vmem_shared>> -> memref<128xf32, #tpu.memory_space<vmem_shared>>
    %dma_start3A_224 = arith.constant 0 : i32
    %dma_start3A_225 = tpu.memref_slice %arg6[%dma_start3A_218, %dma_start3A_224] : memref<32x128xf32, #tpu.memory_space<vmem>> -> memref<1x128xf32, #tpu.memory_space<vmem>>
    %dma_start3A_226 = tpu.memref_squeeze %dma_start3A_225 : memref<1x128xf32, #tpu.memory_space<vmem>> -> memref<128xf32, #tpu.memory_space<vmem>>
    tpu.enqueue_dma source(%dma_start3A_226 : memref<128xf32, #tpu.memory_space<vmem>>) target(%dma_start3A_223 : memref<128xf32, #tpu.memory_space<vmem_shared>>) target_semaphore(%arg18 : memref<!tpu.dma_semaphore, #tpu.memory_space<semaphore_mem>>)
    %mul3A_227 = arith.constant 640 : i32
    %mul3A_228 = arith.muli %arg1, %mul3A_227 : i32
    %add3A_229 = arith.constant 384 : i32
    %add3A_230 = arith.addi %mul3A_228, %add3A_229 : i32
    %dma_start3A_231 = arith.constant 0 : i32
    %dma_start3A_232 = arith.constant 0 : i32
    %dma_start3A_233 = tpu.memref_slice %arg6[%dma_start3A_231, %dma_start3A_232] : memref<32x128xf32, #tpu.memory_space<vmem>> -> memref<1x128xf32, #tpu.memory_space<vmem>>
    %dma_start3A_234 = tpu.memref_squeeze %dma_start3A_233 : memref<1x128xf32, #tpu.memory_space<vmem>> -> memref<128xf32, #tpu.memory_space<vmem>>
    %dma_start3A_235 = tpu.memref_slice %arg13[%add3A_230] : memref<10240xf32, #tpu.memory_space<vmem_shared>> -> memref<128xf32, #tpu.memory_space<vmem_shared>>
    %dma_start3A_236 = tpu.memref_slice %arg13[%add3A_230] : memref<10240xf32, #tpu.memory_space<vmem_shared>> -> memref<128xf32, #tpu.memory_space<vmem_shared>>
    %dma_start3A_237 = arith.constant 0 : i32
    %dma_start3A_238 = tpu.memref_slice %arg6[%dma_start3A_231, %dma_start3A_237] : memref<32x128xf32, #tpu.memory_space<vmem>> -> memref<1x128xf32, #tpu.memory_space<vmem>>
    %dma_start3A_239 = tpu.memref_squeeze %dma_start3A_238 : memref<1x128xf32, #tpu.memory_space<vmem>> -> memref<128xf32, #tpu.memory_space<vmem>>
    tpu.enqueue_dma source(%dma_start3A_239 : memref<128xf32, #tpu.memory_space<vmem>>) target(%dma_start3A_236 : memref<128xf32, #tpu.memory_space<vmem_shared>>) target_semaphore(%arg18 : memref<!tpu.dma_semaphore, #tpu.memory_space<semaphore_mem>>)
    %mul3A_240 = arith.constant 640 : i32
    %mul3A_241 = arith.muli %arg1, %mul3A_240 : i32
    %add3A_242 = arith.constant 512 : i32
    %add3A_243 = arith.addi %mul3A_241, %add3A_242 : i32
    %dma_start3A_244 = arith.constant 0 : i32
    %dma_start3A_245 = arith.constant 0 : i32
    %dma_start3A_246 = tpu.memref_slice %arg6[%dma_start3A_244, %dma_start3A_245] : memref<32x128xf32, #tpu.memory_space<vmem>> -> memref<1x128xf32, #tpu.memory_space<vmem>>
    %dma_start3A_247 = tpu.memref_squeeze %dma_start3A_246 : memref<1x128xf32, #tpu.memory_space<vmem>> -> memref<128xf32, #tpu.memory_space<vmem>>
    %dma_start3A_248 = tpu.memref_slice %arg13[%add3A_243] : memref<10240xf32, #tpu.memory_space<vmem_shared>> -> memref<128xf32, #tpu.memory_space<vmem_shared>>
    %dma_start3A_249 = tpu.memref_slice %arg13[%add3A_243] : memref<10240xf32, #tpu.memory_space<vmem_shared>> -> memref<128xf32, #tpu.memory_space<vmem_shared>>
    %dma_start3A_250 = arith.constant 0 : i32
    %dma_start3A_251 = tpu.memref_slice %arg6[%dma_start3A_244, %dma_start3A_250] : memref<32x128xf32, #tpu.memory_space<vmem>> -> memref<1x128xf32, #tpu.memory_space<vmem>>
    %dma_start3A_252 = tpu.memref_squeeze %dma_start3A_251 : memref<1x128xf32, #tpu.memory_space<vmem>> -> memref<128xf32, #tpu.memory_space<vmem>>
    tpu.enqueue_dma source(%dma_start3A_252 : memref<128xf32, #tpu.memory_space<vmem>>) target(%dma_start3A_249 : memref<128xf32, #tpu.memory_space<vmem_shared>>) target_semaphore(%arg18 : memref<!tpu.dma_semaphore, #tpu.memory_space<semaphore_mem>>)
    %mul3A_253 = arith.constant 640 : i32
    %mul3A_254 = arith.muli %arg1, %mul3A_253 : i32
    %dma_wait3A = arith.constant 0 : i32
    %dma_wait3A_255 = tpu.memref_slice %arg12[%mul3A_254, %dma_wait3A] : memref<10240x128xf32, #tpu.memory_space<vmem_shared>> -> memref<32x128xf32, #tpu.memory_space<vmem_shared>>
    %dma_wait3A_256 = arith.constant 0 : i32
    %dma_wait3A_257 = tpu.memref_slice %arg12[%mul3A_254, %dma_wait3A_256] : memref<10240x128xf32, #tpu.memory_space<vmem_shared>> -> memref<32x128xf32, #tpu.memory_space<vmem_shared>>
    tpu.wait_dma2 semaphore(%arg18 : memref<!tpu.dma_semaphore, #tpu.memory_space<semaphore_mem>>) src(%arg6 : memref<32x128xf32, #tpu.memory_space<vmem>>) dst(%dma_wait3A_257 : memref<32x128xf32, #tpu.memory_space<vmem_shared>>)
    %mul3A_258 = arith.constant 640 : i32
    %mul3A_259 = arith.muli %arg1, %mul3A_258 : i32
    %dma_wait3A_260 = arith.constant 0 : i32
    %dma_wait3A_261 = tpu.memref_slice %arg12[%mul3A_259, %dma_wait3A_260] : memref<10240x128xf32, #tpu.memory_space<vmem_shared>> -> memref<32x128xf32, #tpu.memory_space<vmem_shared>>
    %dma_wait3A_262 = arith.constant 0 : i32
    %dma_wait3A_263 = tpu.memref_slice %arg12[%mul3A_259, %dma_wait3A_262] : memref<10240x128xf32, #tpu.memory_space<vmem_shared>> -> memref<32x128xf32, #tpu.memory_space<vmem_shared>>
    tpu.wait_dma2 semaphore(%arg18 : memref<!tpu.dma_semaphore, #tpu.memory_space<semaphore_mem>>) src(%arg6 : memref<32x128xf32, #tpu.memory_space<vmem>>) dst(%dma_wait3A_263 : memref<32x128xf32, #tpu.memory_space<vmem_shared>>)
    %mul3A_264 = arith.constant 640 : i32
    %mul3A_265 = arith.muli %arg1, %mul3A_264 : i32
    %dma_wait3A_266 = arith.constant 0 : i32
    %dma_wait3A_267 = tpu.memref_slice %arg12[%mul3A_265, %dma_wait3A_266] : memref<10240x128xf32, #tpu.memory_space<vmem_shared>> -> memref<32x128xf32, #tpu.memory_space<vmem_shared>>
    %dma_wait3A_268 = arith.constant 0 : i32
    %dma_wait3A_269 = tpu.memref_slice %arg12[%mul3A_265, %dma_wait3A_268] : memref<10240x128xf32, #tpu.memory_space<vmem_shared>> -> memref<32x128xf32, #tpu.memory_space<vmem_shared>>
    tpu.wait_dma2 semaphore(%arg18 : memref<!tpu.dma_semaphore, #tpu.memory_space<semaphore_mem>>) src(%arg6 : memref<32x128xf32, #tpu.memory_space<vmem>>) dst(%dma_wait3A_269 : memref<32x128xf32, #tpu.memory_space<vmem_shared>>)
    %mul3A_270 = arith.constant 640 : i32
    %mul3A_271 = arith.muli %arg1, %mul3A_270 : i32
    %dma_wait3A_272 = arith.constant 0 : i32
    %dma_wait3A_273 = tpu.memref_slice %arg12[%mul3A_271, %dma_wait3A_272] : memref<10240x128xf32, #tpu.memory_space<vmem_shared>> -> memref<32x128xf32, #tpu.memory_space<vmem_shared>>
    %dma_wait3A_274 = arith.constant 0 : i32
    %dma_wait3A_275 = tpu.memref_slice %arg12[%mul3A_271, %dma_wait3A_274] : memref<10240x128xf32, #tpu.memory_space<vmem_shared>> -> memref<32x128xf32, #tpu.memory_space<vmem_shared>>
    tpu.wait_dma2 semaphore(%arg18 : memref<!tpu.dma_semaphore, #tpu.memory_space<semaphore_mem>>) src(%arg6 : memref<32x128xf32, #tpu.memory_space<vmem>>) dst(%dma_wait3A_275 : memref<32x128xf32, #tpu.memory_space<vmem_shared>>)
    %mul3A_276 = arith.constant 640 : i32
    %mul3A_277 = arith.muli %arg1, %mul3A_276 : i32
    %dma_wait3A_278 = arith.constant 0 : i32
    %dma_wait3A_279 = tpu.memref_slice %arg12[%mul3A_277, %dma_wait3A_278] : memref<10240x128xf32, #tpu.memory_space<vmem_shared>> -> memref<32x128xf32, #tpu.memory_space<vmem_shared>>
    %dma_wait3A_280 = arith.constant 0 : i32
    %dma_wait3A_281 = tpu.memref_slice %arg12[%mul3A_277, %dma_wait3A_280] : memref<10240x128xf32, #tpu.memory_space<vmem_shared>> -> memref<32x128xf32, #tpu.memory_space<vmem_shared>>
    tpu.wait_dma2 semaphore(%arg18 : memref<!tpu.dma_semaphore, #tpu.memory_space<semaphore_mem>>) src(%arg6 : memref<32x128xf32, #tpu.memory_space<vmem>>) dst(%dma_wait3A_281 : memref<32x128xf32, #tpu.memory_space<vmem_shared>>)
    %mul3A_282 = arith.constant 640 : i32
    %mul3A_283 = arith.muli %arg1, %mul3A_282 : i32
    %dma_wait3A_284 = arith.constant 0 : i32
    %dma_wait3A_285 = tpu.memref_slice %arg12[%mul3A_283, %dma_wait3A_284] : memref<10240x128xf32, #tpu.memory_space<vmem_shared>> -> memref<32x128xf32, #tpu.memory_space<vmem_shared>>
    %dma_wait3A_286 = arith.constant 0 : i32
    %dma_wait3A_287 = tpu.memref_slice %arg12[%mul3A_283, %dma_wait3A_286] : memref<10240x128xf32, #tpu.memory_space<vmem_shared>> -> memref<32x128xf32, #tpu.memory_space<vmem_shared>>
    tpu.wait_dma2 semaphore(%arg18 : memref<!tpu.dma_semaphore, #tpu.memory_space<semaphore_mem>>) src(%arg6 : memref<32x128xf32, #tpu.memory_space<vmem>>) dst(%dma_wait3A_287 : memref<32x128xf32, #tpu.memory_space<vmem_shared>>)
    %mul3A_288 = arith.constant 640 : i32
    %mul3A_289 = arith.muli %arg1, %mul3A_288 : i32
    %dma_wait3A_290 = arith.constant 0 : i32
    %dma_wait3A_291 = tpu.memref_slice %arg12[%mul3A_289, %dma_wait3A_290] : memref<10240x128xf32, #tpu.memory_space<vmem_shared>> -> memref<32x128xf32, #tpu.memory_space<vmem_shared>>
    %dma_wait3A_292 = arith.constant 0 : i32
    %dma_wait3A_293 = tpu.memref_slice %arg12[%mul3A_289, %dma_wait3A_292] : memref<10240x128xf32, #tpu.memory_space<vmem_shared>> -> memref<32x128xf32, #tpu.memory_space<vmem_shared>>
    tpu.wait_dma2 semaphore(%arg18 : memref<!tpu.dma_semaphore, #tpu.memory_space<semaphore_mem>>) src(%arg6 : memref<32x128xf32, #tpu.memory_space<vmem>>) dst(%dma_wait3A_293 : memref<32x128xf32, #tpu.memory_space<vmem_shared>>)
    %mul3A_294 = arith.constant 640 : i32
    %mul3A_295 = arith.muli %arg1, %mul3A_294 : i32
    %dma_wait3A_296 = arith.constant 0 : i32
    %dma_wait3A_297 = tpu.memref_slice %arg12[%mul3A_295, %dma_wait3A_296] : memref<10240x128xf32, #tpu.memory_space<vmem_shared>> -> memref<32x128xf32, #tpu.memory_space<vmem_shared>>
    %dma_wait3A_298 = arith.constant 0 : i32
    %dma_wait3A_299 = tpu.memref_slice %arg12[%mul3A_295, %dma_wait3A_298] : memref<10240x128xf32, #tpu.memory_space<vmem_shared>> -> memref<32x128xf32, #tpu.memory_space<vmem_shared>>
    tpu.wait_dma2 semaphore(%arg18 : memref<!tpu.dma_semaphore, #tpu.memory_space<semaphore_mem>>) src(%arg6 : memref<32x128xf32, #tpu.memory_space<vmem>>) dst(%dma_wait3A_299 : memref<32x128xf32, #tpu.memory_space<vmem_shared>>)
    %mul3A_300 = arith.constant 640 : i32
    %mul3A_301 = arith.muli %arg1, %mul3A_300 : i32
    %dma_wait3A_302 = arith.constant 0 : i32
    %dma_wait3A_303 = tpu.memref_slice %arg12[%mul3A_301, %dma_wait3A_302] : memref<10240x128xf32, #tpu.memory_space<vmem_shared>> -> memref<32x128xf32, #tpu.memory_space<vmem_shared>>
    %dma_wait3A_304 = arith.constant 0 : i32
    %dma_wait3A_305 = tpu.memref_slice %arg12[%mul3A_301, %dma_wait3A_304] : memref<10240x128xf32, #tpu.memory_space<vmem_shared>> -> memref<32x128xf32, #tpu.memory_space<vmem_shared>>
    tpu.wait_dma2 semaphore(%arg18 : memref<!tpu.dma_semaphore, #tpu.memory_space<semaphore_mem>>) src(%arg6 : memref<32x128xf32, #tpu.memory_space<vmem>>) dst(%dma_wait3A_305 : memref<32x128xf32, #tpu.memory_space<vmem_shared>>)
    %mul3A_306 = arith.constant 640 : i32
    %mul3A_307 = arith.muli %arg1, %mul3A_306 : i32
    %dma_wait3A_308 = arith.constant 0 : i32
    %dma_wait3A_309 = tpu.memref_slice %arg12[%mul3A_307, %dma_wait3A_308] : memref<10240x128xf32, #tpu.memory_space<vmem_shared>> -> memref<32x128xf32, #tpu.memory_space<vmem_shared>>
    %dma_wait3A_310 = arith.constant 0 : i32
    %dma_wait3A_311 = tpu.memref_slice %arg12[%mul3A_307, %dma_wait3A_310] : memref<10240x128xf32, #tpu.memory_space<vmem_shared>> -> memref<32x128xf32, #tpu.memory_space<vmem_shared>>
    tpu.wait_dma2 semaphore(%arg18 : memref<!tpu.dma_semaphore, #tpu.memory_space<semaphore_mem>>) src(%arg6 : memref<32x128xf32, #tpu.memory_space<vmem>>) dst(%dma_wait3A_311 : memref<32x128xf32, #tpu.memory_space<vmem_shared>>)
    %mul3A_312 = arith.constant 640 : i32
    %mul3A_313 = arith.muli %arg1, %mul3A_312 : i32
    %dma_wait3A_314 = arith.constant 0 : i32
    %dma_wait3A_315 = tpu.memref_slice %arg12[%mul3A_313, %dma_wait3A_314] : memref<10240x128xf32, #tpu.memory_space<vmem_shared>> -> memref<32x128xf32, #tpu.memory_space<vmem_shared>>
    %dma_wait3A_316 = arith.constant 0 : i32
    %dma_wait3A_317 = tpu.memref_slice %arg12[%mul3A_313, %dma_wait3A_316] : memref<10240x128xf32, #tpu.memory_space<vmem_shared>> -> memref<32x128xf32, #tpu.memory_space<vmem_shared>>
    tpu.wait_dma2 semaphore(%arg18 : memref<!tpu.dma_semaphore, #tpu.memory_space<semaphore_mem>>) src(%arg6 : memref<32x128xf32, #tpu.memory_space<vmem>>) dst(%dma_wait3A_317 : memref<32x128xf32, #tpu.memory_space<vmem_shared>>)
    %mul3A_318 = arith.constant 640 : i32
    %mul3A_319 = arith.muli %arg1, %mul3A_318 : i32
    %dma_wait3A_320 = arith.constant 0 : i32
    %dma_wait3A_321 = tpu.memref_slice %arg12[%mul3A_319, %dma_wait3A_320] : memref<10240x128xf32, #tpu.memory_space<vmem_shared>> -> memref<32x128xf32, #tpu.memory_space<vmem_shared>>
    %dma_wait3A_322 = arith.constant 0 : i32
    %dma_wait3A_323 = tpu.memref_slice %arg12[%mul3A_319, %dma_wait3A_322] : memref<10240x128xf32, #tpu.memory_space<vmem_shared>> -> memref<32x128xf32, #tpu.memory_space<vmem_shared>>
    tpu.wait_dma2 semaphore(%arg18 : memref<!tpu.dma_semaphore, #tpu.memory_space<semaphore_mem>>) src(%arg6 : memref<32x128xf32, #tpu.memory_space<vmem>>) dst(%dma_wait3A_323 : memref<32x128xf32, #tpu.memory_space<vmem_shared>>)
    %mul3A_324 = arith.constant 640 : i32
    %mul3A_325 = arith.muli %arg1, %mul3A_324 : i32
    %dma_wait3A_326 = arith.constant 0 : i32
    %dma_wait3A_327 = tpu.memref_slice %arg12[%mul3A_325, %dma_wait3A_326] : memref<10240x128xf32, #tpu.memory_space<vmem_shared>> -> memref<32x128xf32, #tpu.memory_space<vmem_shared>>
    %dma_wait3A_328 = arith.constant 0 : i32
    %dma_wait3A_329 = tpu.memref_slice %arg12[%mul3A_325, %dma_wait3A_328] : memref<10240x128xf32, #tpu.memory_space<vmem_shared>> -> memref<32x128xf32, #tpu.memory_space<vmem_shared>>
    tpu.wait_dma2 semaphore(%arg18 : memref<!tpu.dma_semaphore, #tpu.memory_space<semaphore_mem>>) src(%arg6 : memref<32x128xf32, #tpu.memory_space<vmem>>) dst(%dma_wait3A_329 : memref<32x128xf32, #tpu.memory_space<vmem_shared>>)
    %mul3A_330 = arith.constant 640 : i32
    %mul3A_331 = arith.muli %arg1, %mul3A_330 : i32
    %dma_wait3A_332 = arith.constant 0 : i32
    %dma_wait3A_333 = tpu.memref_slice %arg12[%mul3A_331, %dma_wait3A_332] : memref<10240x128xf32, #tpu.memory_space<vmem_shared>> -> memref<32x128xf32, #tpu.memory_space<vmem_shared>>
    %dma_wait3A_334 = arith.constant 0 : i32
    %dma_wait3A_335 = tpu.memref_slice %arg12[%mul3A_331, %dma_wait3A_334] : memref<10240x128xf32, #tpu.memory_space<vmem_shared>> -> memref<32x128xf32, #tpu.memory_space<vmem_shared>>
    tpu.wait_dma2 semaphore(%arg18 : memref<!tpu.dma_semaphore, #tpu.memory_space<semaphore_mem>>) src(%arg6 : memref<32x128xf32, #tpu.memory_space<vmem>>) dst(%dma_wait3A_335 : memref<32x128xf32, #tpu.memory_space<vmem_shared>>)
    %mul3A_336 = arith.constant 640 : i32
    %mul3A_337 = arith.muli %arg1, %mul3A_336 : i32
    %dma_wait3A_338 = arith.constant 0 : i32
    %dma_wait3A_339 = tpu.memref_slice %arg12[%mul3A_337, %dma_wait3A_338] : memref<10240x128xf32, #tpu.memory_space<vmem_shared>> -> memref<32x128xf32, #tpu.memory_space<vmem_shared>>
    %dma_wait3A_340 = arith.constant 0 : i32
    %dma_wait3A_341 = tpu.memref_slice %arg12[%mul3A_337, %dma_wait3A_340] : memref<10240x128xf32, #tpu.memory_space<vmem_shared>> -> memref<32x128xf32, #tpu.memory_space<vmem_shared>>
    tpu.wait_dma2 semaphore(%arg18 : memref<!tpu.dma_semaphore, #tpu.memory_space<semaphore_mem>>) src(%arg6 : memref<32x128xf32, #tpu.memory_space<vmem>>) dst(%dma_wait3A_341 : memref<32x128xf32, #tpu.memory_space<vmem_shared>>)
    %mul3A_342 = arith.constant 640 : i32
    %mul3A_343 = arith.muli %arg1, %mul3A_342 : i32
    %dma_wait3A_344 = arith.constant 0 : i32
    %dma_wait3A_345 = tpu.memref_slice %arg12[%mul3A_343, %dma_wait3A_344] : memref<10240x128xf32, #tpu.memory_space<vmem_shared>> -> memref<32x128xf32, #tpu.memory_space<vmem_shared>>
    %dma_wait3A_346 = arith.constant 0 : i32
    %dma_wait3A_347 = tpu.memref_slice %arg12[%mul3A_343, %dma_wait3A_346] : memref<10240x128xf32, #tpu.memory_space<vmem_shared>> -> memref<32x128xf32, #tpu.memory_space<vmem_shared>>
    tpu.wait_dma2 semaphore(%arg18 : memref<!tpu.dma_semaphore, #tpu.memory_space<semaphore_mem>>) src(%arg6 : memref<32x128xf32, #tpu.memory_space<vmem>>) dst(%dma_wait3A_347 : memref<32x128xf32, #tpu.memory_space<vmem_shared>>)
    %mul3A_348 = arith.constant 640 : i32
    %mul3A_349 = arith.muli %arg1, %mul3A_348 : i32
    %dma_wait3A_350 = arith.constant 0 : i32
    %dma_wait3A_351 = tpu.memref_slice %arg12[%mul3A_349, %dma_wait3A_350] : memref<10240x128xf32, #tpu.memory_space<vmem_shared>> -> memref<32x128xf32, #tpu.memory_space<vmem_shared>>
    %dma_wait3A_352 = arith.constant 0 : i32
    %dma_wait3A_353 = tpu.memref_slice %arg12[%mul3A_349, %dma_wait3A_352] : memref<10240x128xf32, #tpu.memory_space<vmem_shared>> -> memref<32x128xf32, #tpu.memory_space<vmem_shared>>
    tpu.wait_dma2 semaphore(%arg18 : memref<!tpu.dma_semaphore, #tpu.memory_space<semaphore_mem>>) src(%arg6 : memref<32x128xf32, #tpu.memory_space<vmem>>) dst(%dma_wait3A_353 : memref<32x128xf32, #tpu.memory_space<vmem_shared>>)
    %mul3A_354 = arith.constant 640 : i32
    %mul3A_355 = arith.muli %arg1, %mul3A_354 : i32
    %dma_wait3A_356 = arith.constant 0 : i32
    %dma_wait3A_357 = tpu.memref_slice %arg12[%mul3A_355, %dma_wait3A_356] : memref<10240x128xf32, #tpu.memory_space<vmem_shared>> -> memref<32x128xf32, #tpu.memory_space<vmem_shared>>
    %dma_wait3A_358 = arith.constant 0 : i32
    %dma_wait3A_359 = tpu.memref_slice %arg12[%mul3A_355, %dma_wait3A_358] : memref<10240x128xf32, #tpu.memory_space<vmem_shared>> -> memref<32x128xf32, #tpu.memory_space<vmem_shared>>
    tpu.wait_dma2 semaphore(%arg18 : memref<!tpu.dma_semaphore, #tpu.memory_space<semaphore_mem>>) src(%arg6 : memref<32x128xf32, #tpu.memory_space<vmem>>) dst(%dma_wait3A_359 : memref<32x128xf32, #tpu.memory_space<vmem_shared>>)
    %mul3A_360 = arith.constant 640 : i32
    %mul3A_361 = arith.muli %arg1, %mul3A_360 : i32
    %dma_wait3A_362 = arith.constant 0 : i32
    %dma_wait3A_363 = tpu.memref_slice %arg12[%mul3A_361, %dma_wait3A_362] : memref<10240x128xf32, #tpu.memory_space<vmem_shared>> -> memref<32x128xf32, #tpu.memory_space<vmem_shared>>
    %dma_wait3A_364 = arith.constant 0 : i32
    %dma_wait3A_365 = tpu.memref_slice %arg12[%mul3A_361, %dma_wait3A_364] : memref<10240x128xf32, #tpu.memory_space<vmem_shared>> -> memref<32x128xf32, #tpu.memory_space<vmem_shared>>
    tpu.wait_dma2 semaphore(%arg18 : memref<!tpu.dma_semaphore, #tpu.memory_space<semaphore_mem>>) src(%arg6 : memref<32x128xf32, #tpu.memory_space<vmem>>) dst(%dma_wait3A_365 : memref<32x128xf32, #tpu.memory_space<vmem_shared>>)
    %mul3A_366 = arith.constant 640 : i32
    %mul3A_367 = arith.muli %arg1, %mul3A_366 : i32
    %dma_wait3A_368 = arith.constant 0 : i32
    %dma_wait3A_369 = tpu.memref_slice %arg12[%mul3A_367, %dma_wait3A_368] : memref<10240x128xf32, #tpu.memory_space<vmem_shared>> -> memref<32x128xf32, #tpu.memory_space<vmem_shared>>
    %dma_wait3A_370 = arith.constant 0 : i32
    %dma_wait3A_371 = tpu.memref_slice %arg12[%mul3A_367, %dma_wait3A_370] : memref<10240x128xf32, #tpu.memory_space<vmem_shared>> -> memref<32x128xf32, #tpu.memory_space<vmem_shared>>
    tpu.wait_dma2 semaphore(%arg18 : memref<!tpu.dma_semaphore, #tpu.memory_space<semaphore_mem>>) src(%arg6 : memref<32x128xf32, #tpu.memory_space<vmem>>) dst(%dma_wait3A_371 : memref<32x128xf32, #tpu.memory_space<vmem_shared>>)
    %mul3A_372 = arith.constant 640 : i32
    %mul3A_373 = arith.muli %arg1, %mul3A_372 : i32
    %dma_wait3A_374 = arith.constant 0 : i32
    %dma_wait3A_375 = arith.constant 0 : i32
    %dma_wait3A_376 = tpu.memref_slice %arg6[%dma_wait3A_374, %dma_wait3A_375] : memref<32x128xf32, #tpu.memory_space<vmem>> -> memref<1x128xf32, #tpu.memory_space<vmem>>
    %dma_wait3A_377 = tpu.memref_squeeze %dma_wait3A_376 : memref<1x128xf32, #tpu.memory_space<vmem>> -> memref<128xf32, #tpu.memory_space<vmem>>
    %dma_wait3A_378 = tpu.memref_slice %arg13[%mul3A_373] : memref<10240xf32, #tpu.memory_space<vmem_shared>> -> memref<128xf32, #tpu.memory_space<vmem_shared>>
    %dma_wait3A_379 = tpu.memref_slice %arg13[%mul3A_373] : memref<10240xf32, #tpu.memory_space<vmem_shared>> -> memref<128xf32, #tpu.memory_space<vmem_shared>>
    %dma_wait3A_380 = arith.constant 0 : i32
    %dma_wait3A_381 = tpu.memref_slice %arg6[%dma_wait3A_374, %dma_wait3A_380] : memref<32x128xf32, #tpu.memory_space<vmem>> -> memref<1x128xf32, #tpu.memory_space<vmem>>
    %dma_wait3A_382 = tpu.memref_squeeze %dma_wait3A_381 : memref<1x128xf32, #tpu.memory_space<vmem>> -> memref<128xf32, #tpu.memory_space<vmem>>
    tpu.wait_dma2 semaphore(%arg18 : memref<!tpu.dma_semaphore, #tpu.memory_space<semaphore_mem>>) src(%dma_wait3A_382 : memref<128xf32, #tpu.memory_space<vmem>>) dst(%dma_wait3A_379 : memref<128xf32, #tpu.memory_space<vmem_shared>>)
    %mul3A_383 = arith.constant 640 : i32
    %mul3A_384 = arith.muli %arg1, %mul3A_383 : i32
    %dma_wait3A_385 = arith.constant 0 : i32
    %dma_wait3A_386 = arith.constant 0 : i32
    %dma_wait3A_387 = tpu.memref_slice %arg6[%dma_wait3A_385, %dma_wait3A_386] : memref<32x128xf32, #tpu.memory_space<vmem>> -> memref<1x128xf32, #tpu.memory_space<vmem>>
    %dma_wait3A_388 = tpu.memref_squeeze %dma_wait3A_387 : memref<1x128xf32, #tpu.memory_space<vmem>> -> memref<128xf32, #tpu.memory_space<vmem>>
    %dma_wait3A_389 = tpu.memref_slice %arg13[%mul3A_384] : memref<10240xf32, #tpu.memory_space<vmem_shared>> -> memref<128xf32, #tpu.memory_space<vmem_shared>>
    %dma_wait3A_390 = tpu.memref_slice %arg13[%mul3A_384] : memref<10240xf32, #tpu.memory_space<vmem_shared>> -> memref<128xf32, #tpu.memory_space<vmem_shared>>
    %dma_wait3A_391 = arith.constant 0 : i32
    %dma_wait3A_392 = tpu.memref_slice %arg6[%dma_wait3A_385, %dma_wait3A_391] : memref<32x128xf32, #tpu.memory_space<vmem>> -> memref<1x128xf32, #tpu.memory_space<vmem>>
    %dma_wait3A_393 = tpu.memref_squeeze %dma_wait3A_392 : memref<1x128xf32, #tpu.memory_space<vmem>> -> memref<128xf32, #tpu.memory_space<vmem>>
    tpu.wait_dma2 semaphore(%arg18 : memref<!tpu.dma_semaphore, #tpu.memory_space<semaphore_mem>>) src(%dma_wait3A_393 : memref<128xf32, #tpu.memory_space<vmem>>) dst(%dma_wait3A_390 : memref<128xf32, #tpu.memory_space<vmem_shared>>)
    %mul3A_394 = arith.constant 640 : i32
    %mul3A_395 = arith.muli %arg1, %mul3A_394 : i32
    %dma_wait3A_396 = arith.constant 0 : i32
    %dma_wait3A_397 = arith.constant 0 : i32
    %dma_wait3A_398 = tpu.memref_slice %arg6[%dma_wait3A_396, %dma_wait3A_397] : memref<32x128xf32, #tpu.memory_space<vmem>> -> memref<1x128xf32, #tpu.memory_space<vmem>>
    %dma_wait3A_399 = tpu.memref_squeeze %dma_wait3A_398 : memref<1x128xf32, #tpu.memory_space<vmem>> -> memref<128xf32, #tpu.memory_space<vmem>>
    %dma_wait3A_400 = tpu.memref_slice %arg13[%mul3A_395] : memref<10240xf32, #tpu.memory_space<vmem_shared>> -> memref<128xf32, #tpu.memory_space<vmem_shared>>
    %dma_wait3A_401 = tpu.memref_slice %arg13[%mul3A_395] : memref<10240xf32, #tpu.memory_space<vmem_shared>> -> memref<128xf32, #tpu.memory_space<vmem_shared>>
    %dma_wait3A_402 = arith.constant 0 : i32
    %dma_wait3A_403 = tpu.memref_slice %arg6[%dma_wait3A_396, %dma_wait3A_402] : memref<32x128xf32, #tpu.memory_space<vmem>> -> memref<1x128xf32, #tpu.memory_space<vmem>>
    %dma_wait3A_404 = tpu.memref_squeeze %dma_wait3A_403 : memref<1x128xf32, #tpu.memory_space<vmem>> -> memref<128xf32, #tpu.memory_space<vmem>>
    tpu.wait_dma2 semaphore(%arg18 : memref<!tpu.dma_semaphore, #tpu.memory_space<semaphore_mem>>) src(%dma_wait3A_404 : memref<128xf32, #tpu.memory_space<vmem>>) dst(%dma_wait3A_401 : memref<128xf32, #tpu.memory_space<vmem_shared>>)
    %mul3A_405 = arith.constant 640 : i32
    %mul3A_406 = arith.muli %arg1, %mul3A_405 : i32
    %dma_wait3A_407 = arith.constant 0 : i32
    %dma_wait3A_408 = arith.constant 0 : i32
    %dma_wait3A_409 = tpu.memref_slice %arg6[%dma_wait3A_407, %dma_wait3A_408] : memref<32x128xf32, #tpu.memory_space<vmem>> -> memref<1x128xf32, #tpu.memory_space<vmem>>
    %dma_wait3A_410 = tpu.memref_squeeze %dma_wait3A_409 : memref<1x128xf32, #tpu.memory_space<vmem>> -> memref<128xf32, #tpu.memory_space<vmem>>
    %dma_wait3A_411 = tpu.memref_slice %arg13[%mul3A_406] : memref<10240xf32, #tpu.memory_space<vmem_shared>> -> memref<128xf32, #tpu.memory_space<vmem_shared>>
    %dma_wait3A_412 = tpu.memref_slice %arg13[%mul3A_406] : memref<10240xf32, #tpu.memory_space<vmem_shared>> -> memref<128xf32, #tpu.memory_space<vmem_shared>>
    %dma_wait3A_413 = arith.constant 0 : i32
    %dma_wait3A_414 = tpu.memref_slice %arg6[%dma_wait3A_407, %dma_wait3A_413] : memref<32x128xf32, #tpu.memory_space<vmem>> -> memref<1x128xf32, #tpu.memory_space<vmem>>
    %dma_wait3A_415 = tpu.memref_squeeze %dma_wait3A_414 : memref<1x128xf32, #tpu.memory_space<vmem>> -> memref<128xf32, #tpu.memory_space<vmem>>
    tpu.wait_dma2 semaphore(%arg18 : memref<!tpu.dma_semaphore, #tpu.memory_space<semaphore_mem>>) src(%dma_wait3A_415 : memref<128xf32, #tpu.memory_space<vmem>>) dst(%dma_wait3A_412 : memref<128xf32, #tpu.memory_space<vmem_shared>>)
    %mul3A_416 = arith.constant 640 : i32
    %mul3A_417 = arith.muli %arg1, %mul3A_416 : i32
    %dma_wait3A_418 = arith.constant 0 : i32
    %dma_wait3A_419 = arith.constant 0 : i32
    %dma_wait3A_420 = tpu.memref_slice %arg6[%dma_wait3A_418, %dma_wait3A_419] : memref<32x128xf32, #tpu.memory_space<vmem>> -> memref<1x128xf32, #tpu.memory_space<vmem>>
    %dma_wait3A_421 = tpu.memref_squeeze %dma_wait3A_420 : memref<1x128xf32, #tpu.memory_space<vmem>> -> memref<128xf32, #tpu.memory_space<vmem>>
    %dma_wait3A_422 = tpu.memref_slice %arg13[%mul3A_417] : memref<10240xf32, #tpu.memory_space<vmem_shared>> -> memref<128xf32, #tpu.memory_space<vmem_shared>>
    %dma_wait3A_423 = tpu.memref_slice %arg13[%mul3A_417] : memref<10240xf32, #tpu.memory_space<vmem_shared>> -> memref<128xf32, #tpu.memory_space<vmem_shared>>
    %dma_wait3A_424 = arith.constant 0 : i32
    %dma_wait3A_425 = tpu.memref_slice %arg6[%dma_wait3A_418, %dma_wait3A_424] : memref<32x128xf32, #tpu.memory_space<vmem>> -> memref<1x128xf32, #tpu.memory_space<vmem>>
    %dma_wait3A_426 = tpu.memref_squeeze %dma_wait3A_425 : memref<1x128xf32, #tpu.memory_space<vmem>> -> memref<128xf32, #tpu.memory_space<vmem>>
    tpu.wait_dma2 semaphore(%arg18 : memref<!tpu.dma_semaphore, #tpu.memory_space<semaphore_mem>>) src(%dma_wait3A_426 : memref<128xf32, #tpu.memory_space<vmem>>) dst(%dma_wait3A_423 : memref<128xf32, #tpu.memory_space<vmem_shared>>)
    %mul3A_427 = arith.constant 80 : i32
    %mul3A_428 = arith.muli %arg1, %mul3A_427 : i32
    %mul3A_429 = arith.constant 0 : i32
    %mul3A_430 = arith.constant 10 : i32
    %mul3A_431 = arith.muli %mul3A_429, %mul3A_430 : i32
    %add3A_432 = arith.addi %mul3A_428, %mul3A_431 : i32
    %dma_wait3A_433 = arith.constant 0 : i32
    %dma_wait3A_434 = arith.constant 0 : i32
    %dma_wait3A_435 = arith.constant 0 : i32
    %dma_wait3A_436 = tpu.memref_slice %arg3[%arg0, %add3A_432, %dma_wait3A_434, %dma_wait3A_435] : memref<2x1280x2x128xi32, #tpu.memory_space<hbm>> -> memref<1x10x2x128xi32, #tpu.memory_space<hbm>>
    %dma_wait3A_437 = tpu.memref_squeeze %dma_wait3A_436 : memref<1x10x2x128xi32, #tpu.memory_space<hbm>> -> memref<10x2x128xi32, #tpu.memory_space<hbm>>
    %dma_wait3A_438 = tpu.memref_slice %arg14[%dma_wait3A_433] : memref<2x!tpu.dma_semaphore, #tpu.memory_space<semaphore_mem>> -> memref<1x!tpu.dma_semaphore, #tpu.memory_space<semaphore_mem>>
    %dma_wait3A_439 = tpu.memref_squeeze %dma_wait3A_438 : memref<1x!tpu.dma_semaphore, #tpu.memory_space<semaphore_mem>> -> memref<!tpu.dma_semaphore, #tpu.memory_space<semaphore_mem>>
    %dma_wait3A_440 = arith.constant 0 : i32
    %dma_wait3A_441 = arith.constant 0 : i32
    %dma_wait3A_442 = tpu.memref_slice %arg3[%arg0, %add3A_432, %dma_wait3A_440, %dma_wait3A_441] : memref<2x1280x2x128xi32, #tpu.memory_space<hbm>> -> memref<1x10x2x128xi32, #tpu.memory_space<hbm>>
    %dma_wait3A_443 = tpu.memref_squeeze %dma_wait3A_442 : memref<1x10x2x128xi32, #tpu.memory_space<hbm>> -> memref<10x2x128xi32, #tpu.memory_space<hbm>>
    tpu.wait_dma2 semaphore(%dma_wait3A_439 : memref<!tpu.dma_semaphore, #tpu.memory_space<semaphore_mem>>) src(%dma_wait3A_443 : memref<10x2x128xi32, #tpu.memory_space<hbm>>) dst(%arg8 : memref<10x2x128xi32, #tpu.memory_space<vmem>>)
    %mul3A_444 = arith.constant 80 : i32
    %mul3A_445 = arith.muli %arg1, %mul3A_444 : i32
    %mul3A_446 = arith.constant 1 : i32
    %mul3A_447 = arith.constant 10 : i32
    %mul3A_448 = arith.muli %mul3A_446, %mul3A_447 : i32
    %add3A_449 = arith.addi %mul3A_445, %mul3A_448 : i32
    %dma_start3A_450 = arith.constant 1 : i32
    %dma_start3A_451 = arith.constant 0 : i32
    %dma_start3A_452 = arith.constant 0 : i32
    %dma_start3A_453 = tpu.memref_slice %arg3[%arg0, %add3A_449, %dma_start3A_451, %dma_start3A_452] : memref<2x1280x2x128xi32, #tpu.memory_space<hbm>> -> memref<1x10x2x128xi32, #tpu.memory_space<hbm>>
    %dma_start3A_454 = tpu.memref_squeeze %dma_start3A_453 : memref<1x10x2x128xi32, #tpu.memory_space<hbm>> -> memref<10x2x128xi32, #tpu.memory_space<hbm>>
    %dma_start3A_455 = tpu.memref_slice %arg14[%dma_start3A_450] : memref<2x!tpu.dma_semaphore, #tpu.memory_space<semaphore_mem>> -> memref<1x!tpu.dma_semaphore, #tpu.memory_space<semaphore_mem>>
    %dma_start3A_456 = tpu.memref_squeeze %dma_start3A_455 : memref<1x!tpu.dma_semaphore, #tpu.memory_space<semaphore_mem>> -> memref<!tpu.dma_semaphore, #tpu.memory_space<semaphore_mem>>
    %dma_start3A_457 = arith.constant 0 : i32
    %dma_start3A_458 = arith.constant 0 : i32
    %dma_start3A_459 = tpu.memref_slice %arg3[%arg0, %add3A_449, %dma_start3A_457, %dma_start3A_458] : memref<2x1280x2x128xi32, #tpu.memory_space<hbm>> -> memref<1x10x2x128xi32, #tpu.memory_space<hbm>>
    %dma_start3A_460 = tpu.memref_squeeze %dma_start3A_459 : memref<1x10x2x128xi32, #tpu.memory_space<hbm>> -> memref<10x2x128xi32, #tpu.memory_space<hbm>>
    tpu.enqueue_dma source(%dma_start3A_460 : memref<10x2x128xi32, #tpu.memory_space<hbm>>) target(%arg9 : memref<10x2x128xi32, #tpu.memory_space<vmem>>) target_semaphore(%dma_start3A_456 : memref<!tpu.dma_semaphore, #tpu.memory_space<semaphore_mem>>)
    %dma_start3A_461 = arith.constant 0 : i32
    %dma_start3A_462 = arith.constant 0 : i32
    %dma_start3A_463 = arith.constant 0 : i32
    %dma_start3A_464 = arith.constant 0 : i32
    %dma_start3A_465 = tpu.memref_slice %arg8[%dma_start3A_461, %dma_start3A_462, %dma_start3A_464] : memref<10x2x128xi32, #tpu.memory_space<vmem>> -> memref<1x1x128xi32, #tpu.memory_space<vmem>>
    %dma_start3A_466 = tpu.memref_squeeze %dma_start3A_465 : memref<1x1x128xi32, #tpu.memory_space<vmem>> -> memref<128xi32, #tpu.memory_space<vmem>>
    %dma_start3A_467 = arith.constant 0 : i32
    %dma_start3A_468 = arith.constant 0 : i32
    %dma_start3A_469 = tpu.memref_slice %arg2[%dma_start3A_467, %dma_start3A_468] : memref<20000x128xf32, #tpu.memory_space<hbm>> -> memref<20000x128xf32, #tpu.memory_space<hbm>>
    %dma_start3A_470 = tpu.memref_slice %arg15[%dma_start3A_463] : memref<2x!tpu.dma_semaphore, #tpu.memory_space<semaphore_mem>> -> memref<1x!tpu.dma_semaphore, #tpu.memory_space<semaphore_mem>>
    %dma_start3A_471 = tpu.memref_squeeze %dma_start3A_470 : memref<1x!tpu.dma_semaphore, #tpu.memory_space<semaphore_mem>> -> memref<!tpu.dma_semaphore, #tpu.memory_space<semaphore_mem>>
    tpu.enqueue_indirect_dma source(%dma_start3A_469 : memref<20000x128xf32, #tpu.memory_space<hbm>>) target(%arg10 : memref<128x128xf32, #tpu.memory_space<vmem>>) offsets(%dma_start3A_466 : memref<128xi32, #tpu.memory_space<vmem>>) semaphore(%dma_start3A_471 : memref<!tpu.dma_semaphore, #tpu.memory_space<semaphore_mem>>)
    %dma_start3A_472 = arith.constant 1 : i32
    %dma_start3A_473 = arith.constant 0 : i32
    %dma_start3A_474 = arith.constant 1 : i32
    %dma_start3A_475 = arith.constant 0 : i32
    %dma_start3A_476 = tpu.memref_slice %arg8[%dma_start3A_472, %dma_start3A_473, %dma_start3A_475] : memref<10x2x128xi32, #tpu.memory_space<vmem>> -> memref<1x1x128xi32, #tpu.memory_space<vmem>>
    %dma_start3A_477 = tpu.memref_squeeze %dma_start3A_476 : memref<1x1x128xi32, #tpu.memory_space<vmem>> -> memref<128xi32, #tpu.memory_space<vmem>>
    %dma_start3A_478 = arith.constant 0 : i32
    %dma_start3A_479 = arith.constant 0 : i32
    %dma_start3A_480 = tpu.memref_slice %arg2[%dma_start3A_478, %dma_start3A_479] : memref<20000x128xf32, #tpu.memory_space<hbm>> -> memref<20000x128xf32, #tpu.memory_space<hbm>>
    %dma_start3A_481 = tpu.memref_slice %arg15[%dma_start3A_474] : memref<2x!tpu.dma_semaphore, #tpu.memory_space<semaphore_mem>> -> memref<1x!tpu.dma_semaphore, #tpu.memory_space<semaphore_mem>>
    %dma_start3A_482 = tpu.memref_squeeze %dma_start3A_481 : memref<1x!tpu.dma_semaphore, #tpu.memory_space<semaphore_mem>> -> memref<!tpu.dma_semaphore, #tpu.memory_space<semaphore_mem>>
    tpu.enqueue_indirect_dma source(%dma_start3A_480 : memref<20000x128xf32, #tpu.memory_space<hbm>>) target(%arg11 : memref<128x128xf32, #tpu.memory_space<vmem>>) offsets(%dma_start3A_477 : memref<128xi32, #tpu.memory_space<vmem>>) semaphore(%dma_start3A_482 : memref<!tpu.dma_semaphore, #tpu.memory_space<semaphore_mem>>)
    %barrier3A = arith.constant 0 : index
    tpu.barrier barrier_id(%barrier3A)
    %scan3A_483 = arith.constant 0 : i32
    %scan3A_484 = arith.constant 0 : i32
    %scan3A_485 = arith.constant 4 : i32
    %scan3A_486 = arith.addi %scan3A_484, %scan3A_485 : i32
    %scan3A_487 = arith.constant 1 : i32
    %scan3A_488 = scf.for %scan3A_502 = %scan3A_484 to %scan3A_486 step %scan3A_487 iter_args(%scan3A_503 = %scan3A_483) -> (i32)  : i32 {
      %mul3A_504 = arith.constant 2 : i32
      %mul3A_505 = arith.muli %scan3A_502, %mul3A_504 : i32
      %add3A_506 = arith.constant 0 : i32
      %add3A_507 = arith.addi %mul3A_505, %add3A_506 : i32
      %mul3A_508 = arith.constant 10 : i32
      %mul3A_509 = arith.muli %add3A_507, %mul3A_508 : i32
      %add3A_510 = arith.constant 0 : i32
      %add3A_511 = arith.addi %mul3A_509, %add3A_510 : i32
      %dma_wait3A_512 = arith.constant 0 : i32
      %dma_wait3A_513 = arith.constant 0 : i32
      %dma_wait3A_514 = arith.constant 0 : i32
      %dma_wait3A_515 = arith.constant 0 : i32
      %dma_wait3A_516 = tpu.memref_slice %arg8[%dma_wait3A_512, %dma_wait3A_513, %dma_wait3A_515] : memref<10x2x128xi32, #tpu.memory_space<vmem>> -> memref<1x1x128xi32, #tpu.memory_space<vmem>>
      %dma_wait3A_517 = tpu.memref_squeeze %dma_wait3A_516 : memref<1x1x128xi32, #tpu.memory_space<vmem>> -> memref<128xi32, #tpu.memory_space<vmem>>
      %dma_wait3A_518 = arith.constant 0 : i32
      %dma_wait3A_519 = arith.constant 0 : i32
      %dma_wait3A_520 = tpu.memref_slice %arg2[%dma_wait3A_518, %dma_wait3A_519] : memref<20000x128xf32, #tpu.memory_space<hbm>> -> memref<20000x128xf32, #tpu.memory_space<hbm>>
      %dma_wait3A_521 = tpu.memref_slice %arg15[%dma_wait3A_514] : memref<2x!tpu.dma_semaphore, #tpu.memory_space<semaphore_mem>> -> memref<1x!tpu.dma_semaphore, #tpu.memory_space<semaphore_mem>>
      %dma_wait3A_522 = tpu.memref_squeeze %dma_wait3A_521 : memref<1x!tpu.dma_semaphore, #tpu.memory_space<semaphore_mem>> -> memref<!tpu.dma_semaphore, #tpu.memory_space<semaphore_mem>>
      tpu.wait_indirect_dma semaphore(%dma_wait3A_522 : memref<!tpu.dma_semaphore, #tpu.memory_space<semaphore_mem>>) src(%dma_wait3A_520 : memref<20000x128xf32, #tpu.memory_space<hbm>>) dst(%arg10 : memref<128x128xf32, #tpu.memory_space<vmem>>)
      %dma_start3A_523 = arith.constant 0 : i32
      %dma_start3A_524 = arith.constant 1 : i32
      %dma_start3A_525 = arith.constant 0 : i32
      %dma_start3A_526 = arith.constant 0 : i32
      %dma_start3A_527 = tpu.memref_slice %arg8[%dma_start3A_523, %dma_start3A_524, %dma_start3A_526] : memref<10x2x128xi32, #tpu.memory_space<vmem>> -> memref<1x1x128xi32, #tpu.memory_space<vmem>>
      %dma_start3A_528 = tpu.memref_squeeze %dma_start3A_527 : memref<1x1x128xi32, #tpu.memory_space<vmem>> -> memref<128xi32, #tpu.memory_space<vmem>>
      %dma_start3A_529 = arith.constant 0 : i32
      %dma_start3A_530 = arith.constant 0 : i32
      %dma_start3A_531 = tpu.memref_slice %arg12[%dma_start3A_529, %dma_start3A_530] : memref<10240x128xf32, #tpu.memory_space<vmem_shared>> -> memref<10240x128xf32, #tpu.memory_space<vmem_shared>>
      %dma_start3A_532 = tpu.memref_slice %arg16[%dma_start3A_525] : memref<2x!tpu.dma_semaphore, #tpu.memory_space<semaphore_mem>> -> memref<1x!tpu.dma_semaphore, #tpu.memory_space<semaphore_mem>>
      %dma_start3A_533 = tpu.memref_squeeze %dma_start3A_532 : memref<1x!tpu.dma_semaphore, #tpu.memory_space<semaphore_mem>> -> memref<!tpu.dma_semaphore, #tpu.memory_space<semaphore_mem>>
      tpu.enqueue_indirect_dma source(%arg10 : memref<128x128xf32, #tpu.memory_space<vmem>>) target(%dma_start3A_531 : memref<10240x128xf32, #tpu.memory_space<vmem_shared>>) offsets(%dma_start3A_528 : memref<128xi32, #tpu.memory_space<vmem>>) semaphore(%dma_start3A_533 : memref<!tpu.dma_semaphore, #tpu.memory_space<semaphore_mem>>) {add = true}
      %eq3A_534 = arith.constant 0 : i32
      %eq3A_535 = arith.cmpi eq, %arg0, %eq3A_534 : i32
      %convert_element_type3A_536 = arith.extui %eq3A_535 : i1 to i32
      %cond3A_537 = arith.constant 0 : i32
      %cond3A_538 = arith.cmpi ne, %convert_element_type3A_536, %cond3A_537 : i32
      scf.if %cond3A_538 {
        %ge3A = arith.constant 4 : i32
        %ge3A_1502 = arith.cmpi sge, %add3A_511, %ge3A : i32
        %convert_element_type3A_1503 = arith.extui %ge3A_1502 : i1 to i32
        %cond3A_1504 = arith.constant 0 : i32
        %cond3A_1505 = arith.cmpi ne, %convert_element_type3A_1503, %cond3A_1504 : i32
        scf.if %cond3A_1505 {
          %dma_wait3A_1513 = arith.constant 0 : i32
          %dma_wait3A_1514 = arith.constant 1 : i32
          %dma_wait3A_1515 = arith.constant 0 : i32
          %dma_wait3A_1516 = tpu.memref_slice %arg8[%dma_wait3A_1513, %dma_wait3A_1514, %dma_wait3A_1515] : memref<10x2x128xi32, #tpu.memory_space<vmem>> -> memref<1x1x128xi32, #tpu.memory_space<vmem>>
          %dma_wait3A_1517 = tpu.memref_squeeze %dma_wait3A_1516 : memref<1x1x128xi32, #tpu.memory_space<vmem>> -> memref<128xi32, #tpu.memory_space<vmem>>
          %dma_wait3A_1518 = arith.constant 0 : i32
          %dma_wait3A_1519 = tpu.memref_slice %arg13[%dma_wait3A_1518] : memref<10240xf32, #tpu.memory_space<vmem_shared>> -> memref<10240xf32, #tpu.memory_space<vmem_shared>>
          tpu.wait_indirect_dma semaphore(%arg17 : memref<!tpu.dma_semaphore, #tpu.memory_space<semaphore_mem>>) src(%arg7 : memref<128xf32, #tpu.memory_space<vmem>>) dst(%dma_wait3A_1519 : memref<10240xf32, #tpu.memory_space<vmem_shared>>)
        } else {
        }
        %dma_start3A_1506 = arith.constant 0 : i32
        %dma_start3A_1507 = arith.constant 1 : i32
        %dma_start3A_1508 = arith.constant 0 : i32
        %dma_start3A_1509 = tpu.memref_slice %arg8[%dma_start3A_1506, %dma_start3A_1507, %dma_start3A_1508] : memref<10x2x128xi32, #tpu.memory_space<vmem>> -> memref<1x1x128xi32, #tpu.memory_space<vmem>>
        %dma_start3A_1510 = tpu.memref_squeeze %dma_start3A_1509 : memref<1x1x128xi32, #tpu.memory_space<vmem>> -> memref<128xi32, #tpu.memory_space<vmem>>
        %dma_start3A_1511 = arith.constant 0 : i32
        %dma_start3A_1512 = tpu.memref_slice %arg13[%dma_start3A_1511] : memref<10240xf32, #tpu.memory_space<vmem_shared>> -> memref<10240xf32, #tpu.memory_space<vmem_shared>>
        tpu.enqueue_indirect_dma source(%arg7 : memref<128xf32, #tpu.memory_space<vmem>>) target(%dma_start3A_1512 : memref<10240xf32, #tpu.memory_space<vmem_shared>>) offsets(%dma_start3A_1510 : memref<128xi32, #tpu.memory_space<vmem>>) semaphore(%arg17 : memref<!tpu.dma_semaphore, #tpu.memory_space<semaphore_mem>>) {add = true}
      } else {
      }
      %dma_wait3A_539 = arith.constant 0 : i32
      %dma_wait3A_540 = arith.constant 1 : i32
      %dma_wait3A_541 = arith.constant 0 : i32
      %dma_wait3A_542 = arith.constant 0 : i32
      %dma_wait3A_543 = tpu.memref_slice %arg8[%dma_wait3A_539, %dma_wait3A_540, %dma_wait3A_542] : memref<10x2x128xi32, #tpu.memory_space<vmem>> -> memref<1x1x128xi32, #tpu.memory_space<vmem>>
      %dma_wait3A_544 = tpu.memref_squeeze %dma_wait3A_543 : memref<1x1x128xi32, #tpu.memory_space<vmem>> -> memref<128xi32, #tpu.memory_space<vmem>>
      %dma_wait3A_545 = arith.constant 0 : i32
      %dma_wait3A_546 = arith.constant 0 : i32
      %dma_wait3A_547 = tpu.memref_slice %arg12[%dma_wait3A_545, %dma_wait3A_546] : memref<10240x128xf32, #tpu.memory_space<vmem_shared>> -> memref<10240x128xf32, #tpu.memory_space<vmem_shared>>
      %dma_wait3A_548 = tpu.memref_slice %arg16[%dma_wait3A_541] : memref<2x!tpu.dma_semaphore, #tpu.memory_space<semaphore_mem>> -> memref<1x!tpu.dma_semaphore, #tpu.memory_space<semaphore_mem>>
      %dma_wait3A_549 = tpu.memref_squeeze %dma_wait3A_548 : memref<1x!tpu.dma_semaphore, #tpu.memory_space<semaphore_mem>> -> memref<!tpu.dma_semaphore, #tpu.memory_space<semaphore_mem>>
      tpu.wait_indirect_dma semaphore(%dma_wait3A_549 : memref<!tpu.dma_semaphore, #tpu.memory_space<semaphore_mem>>) src(%arg10 : memref<128x128xf32, #tpu.memory_space<vmem>>) dst(%dma_wait3A_547 : memref<10240x128xf32, #tpu.memory_space<vmem_shared>>)
      %dma_start3A_550 = arith.constant 2 : i32
      %dma_start3A_551 = arith.constant 0 : i32
      %dma_start3A_552 = arith.constant 0 : i32
      %dma_start3A_553 = arith.constant 0 : i32
      %dma_start3A_554 = tpu.memref_slice %arg8[%dma_start3A_550, %dma_start3A_551, %dma_start3A_553] : memref<10x2x128xi32, #tpu.memory_space<vmem>> -> memref<1x1x128xi32, #tpu.memory_space<vmem>>
      %dma_start3A_555 = tpu.memref_squeeze %dma_start3A_554 : memref<1x1x128xi32, #tpu.memory_space<vmem>> -> memref<128xi32, #tpu.memory_space<vmem>>
      %dma_start3A_556 = arith.constant 0 : i32
      %dma_start3A_557 = arith.constant 0 : i32
      %dma_start3A_558 = tpu.memref_slice %arg2[%dma_start3A_556, %dma_start3A_557] : memref<20000x128xf32, #tpu.memory_space<hbm>> -> memref<20000x128xf32, #tpu.memory_space<hbm>>
      %dma_start3A_559 = tpu.memref_slice %arg15[%dma_start3A_552] : memref<2x!tpu.dma_semaphore, #tpu.memory_space<semaphore_mem>> -> memref<1x!tpu.dma_semaphore, #tpu.memory_space<semaphore_mem>>
      %dma_start3A_560 = tpu.memref_squeeze %dma_start3A_559 : memref<1x!tpu.dma_semaphore, #tpu.memory_space<semaphore_mem>> -> memref<!tpu.dma_semaphore, #tpu.memory_space<semaphore_mem>>
      tpu.enqueue_indirect_dma source(%dma_start3A_558 : memref<20000x128xf32, #tpu.memory_space<hbm>>) target(%arg10 : memref<128x128xf32, #tpu.memory_space<vmem>>) offsets(%dma_start3A_555 : memref<128xi32, #tpu.memory_space<vmem>>) semaphore(%dma_start3A_560 : memref<!tpu.dma_semaphore, #tpu.memory_space<semaphore_mem>>)
      %add3A_561 = arith.constant 1 : i32
      %add3A_562 = arith.addi %mul3A_509, %add3A_561 : i32
      %dma_wait3A_563 = arith.constant 1 : i32
      %dma_wait3A_564 = arith.constant 0 : i32
      %dma_wait3A_565 = arith.constant 1 : i32
      %dma_wait3A_566 = arith.constant 0 : i32
      %dma_wait3A_567 = tpu.memref_slice %arg8[%dma_wait3A_563, %dma_wait3A_564, %dma_wait3A_566] : memref<10x2x128xi32, #tpu.memory_space<vmem>> -> memref<1x1x128xi32, #tpu.memory_space<vmem>>
      %dma_wait3A_568 = tpu.memref_squeeze %dma_wait3A_567 : memref<1x1x128xi32, #tpu.memory_space<vmem>> -> memref<128xi32, #tpu.memory_space<vmem>>
      %dma_wait3A_569 = arith.constant 0 : i32
      %dma_wait3A_570 = arith.constant 0 : i32
      %dma_wait3A_571 = tpu.memref_slice %arg2[%dma_wait3A_569, %dma_wait3A_570] : memref<20000x128xf32, #tpu.memory_space<hbm>> -> memref<20000x128xf32, #tpu.memory_space<hbm>>
      %dma_wait3A_572 = tpu.memref_slice %arg15[%dma_wait3A_565] : memref<2x!tpu.dma_semaphore, #tpu.memory_space<semaphore_mem>> -> memref<1x!tpu.dma_semaphore, #tpu.memory_space<semaphore_mem>>
      %dma_wait3A_573 = tpu.memref_squeeze %dma_wait3A_572 : memref<1x!tpu.dma_semaphore, #tpu.memory_space<semaphore_mem>> -> memref<!tpu.dma_semaphore, #tpu.memory_space<semaphore_mem>>
      tpu.wait_indirect_dma semaphore(%dma_wait3A_573 : memref<!tpu.dma_semaphore, #tpu.memory_space<semaphore_mem>>) src(%dma_wait3A_571 : memref<20000x128xf32, #tpu.memory_space<hbm>>) dst(%arg11 : memref<128x128xf32, #tpu.memory_space<vmem>>)
      %dma_start3A_574 = arith.constant 1 : i32
      %dma_start3A_575 = arith.constant 1 : i32
      %dma_start3A_576 = arith.constant 1 : i32
      %dma_start3A_577 = arith.constant 0 : i32
      %dma_start3A_578 = tpu.memref_slice %arg8[%dma_start3A_574, %dma_start3A_575, %dma_start3A_577] : memref<10x2x128xi32, #tpu.memory_space<vmem>> -> memref<1x1x128xi32, #tpu.memory_space<vmem>>
      %dma_start3A_579 = tpu.memref_squeeze %dma_start3A_578 : memref<1x1x128xi32, #tpu.memory_space<vmem>> -> memref<128xi32, #tpu.memory_space<vmem>>
      %dma_start3A_580 = arith.constant 0 : i32
      %dma_start3A_581 = arith.constant 0 : i32
      %dma_start3A_582 = tpu.memref_slice %arg12[%dma_start3A_580, %dma_start3A_581] : memref<10240x128xf32, #tpu.memory_space<vmem_shared>> -> memref<10240x128xf32, #tpu.memory_space<vmem_shared>>
      %dma_start3A_583 = tpu.memref_slice %arg16[%dma_start3A_576] : memref<2x!tpu.dma_semaphore, #tpu.memory_space<semaphore_mem>> -> memref<1x!tpu.dma_semaphore, #tpu.memory_space<semaphore_mem>>
      %dma_start3A_584 = tpu.memref_squeeze %dma_start3A_583 : memref<1x!tpu.dma_semaphore, #tpu.memory_space<semaphore_mem>> -> memref<!tpu.dma_semaphore, #tpu.memory_space<semaphore_mem>>
      tpu.enqueue_indirect_dma source(%arg11 : memref<128x128xf32, #tpu.memory_space<vmem>>) target(%dma_start3A_582 : memref<10240x128xf32, #tpu.memory_space<vmem_shared>>) offsets(%dma_start3A_579 : memref<128xi32, #tpu.memory_space<vmem>>) semaphore(%dma_start3A_584 : memref<!tpu.dma_semaphore, #tpu.memory_space<semaphore_mem>>) {add = true}
      %eq3A_585 = arith.constant 0 : i32
      %eq3A_586 = arith.cmpi eq, %arg0, %eq3A_585 : i32
      %convert_element_type3A_587 = arith.extui %eq3A_586 : i1 to i32
      %cond3A_588 = arith.constant 0 : i32
      %cond3A_589 = arith.cmpi ne, %convert_element_type3A_587, %cond3A_588 : i32
      scf.if %cond3A_589 {
        %ge3A = arith.constant 4 : i32
        %ge3A_1502 = arith.cmpi sge, %add3A_562, %ge3A : i32
        %convert_element_type3A_1503 = arith.extui %ge3A_1502 : i1 to i32
        %cond3A_1504 = arith.constant 0 : i32
        %cond3A_1505 = arith.cmpi ne, %convert_element_type3A_1503, %cond3A_1504 : i32
        scf.if %cond3A_1505 {
          %dma_wait3A_1513 = arith.constant 1 : i32
          %dma_wait3A_1514 = arith.constant 1 : i32
          %dma_wait3A_1515 = arith.constant 0 : i32
          %dma_wait3A_1516 = tpu.memref_slice %arg8[%dma_wait3A_1513, %dma_wait3A_1514, %dma_wait3A_1515] : memref<10x2x128xi32, #tpu.memory_space<vmem>> -> memref<1x1x128xi32, #tpu.memory_space<vmem>>
          %dma_wait3A_1517 = tpu.memref_squeeze %dma_wait3A_1516 : memref<1x1x128xi32, #tpu.memory_space<vmem>> -> memref<128xi32, #tpu.memory_space<vmem>>
          %dma_wait3A_1518 = arith.constant 0 : i32
          %dma_wait3A_1519 = tpu.memref_slice %arg13[%dma_wait3A_1518] : memref<10240xf32, #tpu.memory_space<vmem_shared>> -> memref<10240xf32, #tpu.memory_space<vmem_shared>>
          tpu.wait_indirect_dma semaphore(%arg17 : memref<!tpu.dma_semaphore, #tpu.memory_space<semaphore_mem>>) src(%arg7 : memref<128xf32, #tpu.memory_space<vmem>>) dst(%dma_wait3A_1519 : memref<10240xf32, #tpu.memory_space<vmem_shared>>)
        } else {
        }
        %dma_start3A_1506 = arith.constant 1 : i32
        %dma_start3A_1507 = arith.constant 1 : i32
        %dma_start3A_1508 = arith.constant 0 : i32
        %dma_start3A_1509 = tpu.memref_slice %arg8[%dma_start3A_1506, %dma_start3A_1507, %dma_start3A_1508] : memref<10x2x128xi32, #tpu.memory_space<vmem>> -> memref<1x1x128xi32, #tpu.memory_space<vmem>>
        %dma_start3A_1510 = tpu.memref_squeeze %dma_start3A_1509 : memref<1x1x128xi32, #tpu.memory_space<vmem>> -> memref<128xi32, #tpu.memory_space<vmem>>
        %dma_start3A_1511 = arith.constant 0 : i32
        %dma_start3A_1512 = tpu.memref_slice %arg13[%dma_start3A_1511] : memref<10240xf32, #tpu.memory_space<vmem_shared>> -> memref<10240xf32, #tpu.memory_space<vmem_shared>>
        tpu.enqueue_indirect_dma source(%arg7 : memref<128xf32, #tpu.memory_space<vmem>>) target(%dma_start3A_1512 : memref<10240xf32, #tpu.memory_space<vmem_shared>>) offsets(%dma_start3A_1510 : memref<128xi32, #tpu.memory_space<vmem>>) semaphore(%arg17 : memref<!tpu.dma_semaphore, #tpu.memory_space<semaphore_mem>>) {add = true}
      } else {
      }
      %dma_wait3A_590 = arith.constant 1 : i32
      %dma_wait3A_591 = arith.constant 1 : i32
      %dma_wait3A_592 = arith.constant 1 : i32
      %dma_wait3A_593 = arith.constant 0 : i32
      %dma_wait3A_594 = tpu.memref_slice %arg8[%dma_wait3A_590, %dma_wait3A_591, %dma_wait3A_593] : memref<10x2x128xi32, #tpu.memory_space<vmem>> -> memref<1x1x128xi32, #tpu.memory_space<vmem>>
      %dma_wait3A_595 = tpu.memref_squeeze %dma_wait3A_594 : memref<1x1x128xi32, #tpu.memory_space<vmem>> -> memref<128xi32, #tpu.memory_space<vmem>>
      %dma_wait3A_596 = arith.constant 0 : i32
      %dma_wait3A_597 = arith.constant 0 : i32
      %dma_wait3A_598 = tpu.memref_slice %arg12[%dma_wait3A_596, %dma_wait3A_597] : memref<10240x128xf32, #tpu.memory_space<vmem_shared>> -> memref<10240x128xf32, #tpu.memory_space<vmem_shared>>
      %dma_wait3A_599 = tpu.memref_slice %arg16[%dma_wait3A_592] : memref<2x!tpu.dma_semaphore, #tpu.memory_space<semaphore_mem>> -> memref<1x!tpu.dma_semaphore, #tpu.memory_space<semaphore_mem>>
      %dma_wait3A_600 = tpu.memref_squeeze %dma_wait3A_599 : memref<1x!tpu.dma_semaphore, #tpu.memory_space<semaphore_mem>> -> memref<!tpu.dma_semaphore, #tpu.memory_space<semaphore_mem>>
      tpu.wait_indirect_dma semaphore(%dma_wait3A_600 : memref<!tpu.dma_semaphore, #tpu.memory_space<semaphore_mem>>) src(%arg11 : memref<128x128xf32, #tpu.memory_space<vmem>>) dst(%dma_wait3A_598 : memref<10240x128xf32, #tpu.memory_space<vmem_shared>>)
      %dma_start3A_601 = arith.constant 3 : i32
      %dma_start3A_602 = arith.constant 0 : i32
      %dma_start3A_603 = arith.constant 1 : i32
      %dma_start3A_604 = arith.constant 0 : i32
      %dma_start3A_605 = tpu.memref_slice %arg8[%dma_start3A_601, %dma_start3A_602, %dma_start3A_604] : memref<10x2x128xi32, #tpu.memory_space<vmem>> -> memref<1x1x128xi32, #tpu.memory_space<vmem>>
      %dma_start3A_606 = tpu.memref_squeeze %dma_start3A_605 : memref<1x1x128xi32, #tpu.memory_space<vmem>> -> memref<128xi32, #tpu.memory_space<vmem>>
      %dma_start3A_607 = arith.constant 0 : i32
      %dma_start3A_608 = arith.constant 0 : i32
      %dma_start3A_609 = tpu.memref_slice %arg2[%dma_start3A_607, %dma_start3A_608] : memref<20000x128xf32, #tpu.memory_space<hbm>> -> memref<20000x128xf32, #tpu.memory_space<hbm>>
      %dma_start3A_610 = tpu.memref_slice %arg15[%dma_start3A_603] : memref<2x!tpu.dma_semaphore, #tpu.memory_space<semaphore_mem>> -> memref<1x!tpu.dma_semaphore, #tpu.memory_space<semaphore_mem>>
      %dma_start3A_611 = tpu.memref_squeeze %dma_start3A_610 : memref<1x!tpu.dma_semaphore, #tpu.memory_space<semaphore_mem>> -> memref<!tpu.dma_semaphore, #tpu.memory_space<semaphore_mem>>
      tpu.enqueue_indirect_dma source(%dma_start3A_609 : memref<20000x128xf32, #tpu.memory_space<hbm>>) target(%arg11 : memref<128x128xf32, #tpu.memory_space<vmem>>) offsets(%dma_start3A_606 : memref<128xi32, #tpu.memory_space<vmem>>) semaphore(%dma_start3A_611 : memref<!tpu.dma_semaphore, #tpu.memory_space<semaphore_mem>>)
      %add3A_612 = arith.constant 2 : i32
      %add3A_613 = arith.addi %mul3A_509, %add3A_612 : i32
      %dma_wait3A_614 = arith.constant 2 : i32
      %dma_wait3A_615 = arith.constant 0 : i32
      %dma_wait3A_616 = arith.constant 0 : i32
      %dma_wait3A_617 = arith.constant 0 : i32
      %dma_wait3A_618 = tpu.memref_slice %arg8[%dma_wait3A_614, %dma_wait3A_615, %dma_wait3A_617] : memref<10x2x128xi32, #tpu.memory_space<vmem>> -> memref<1x1x128xi32, #tpu.memory_space<vmem>>
      %dma_wait3A_619 = tpu.memref_squeeze %dma_wait3A_618 : memref<1x1x128xi32, #tpu.memory_space<vmem>> -> memref<128xi32, #tpu.memory_space<vmem>>
      %dma_wait3A_620 = arith.constant 0 : i32
      %dma_wait3A_621 = arith.constant 0 : i32
      %dma_wait3A_622 = tpu.memref_slice %arg2[%dma_wait3A_620, %dma_wait3A_621] : memref<20000x128xf32, #tpu.memory_space<hbm>> -> memref<20000x128xf32, #tpu.memory_space<hbm>>
      %dma_wait3A_623 = tpu.memref_slice %arg15[%dma_wait3A_616] : memref<2x!tpu.dma_semaphore, #tpu.memory_space<semaphore_mem>> -> memref<1x!tpu.dma_semaphore, #tpu.memory_space<semaphore_mem>>
      %dma_wait3A_624 = tpu.memref_squeeze %dma_wait3A_623 : memref<1x!tpu.dma_semaphore, #tpu.memory_space<semaphore_mem>> -> memref<!tpu.dma_semaphore, #tpu.memory_space<semaphore_mem>>
      tpu.wait_indirect_dma semaphore(%dma_wait3A_624 : memref<!tpu.dma_semaphore, #tpu.memory_space<semaphore_mem>>) src(%dma_wait3A_622 : memref<20000x128xf32, #tpu.memory_space<hbm>>) dst(%arg10 : memref<128x128xf32, #tpu.memory_space<vmem>>)
      %dma_start3A_625 = arith.constant 2 : i32
      %dma_start3A_626 = arith.constant 1 : i32
      %dma_start3A_627 = arith.constant 0 : i32
      %dma_start3A_628 = arith.constant 0 : i32
      %dma_start3A_629 = tpu.memref_slice %arg8[%dma_start3A_625, %dma_start3A_626, %dma_start3A_628] : memref<10x2x128xi32, #tpu.memory_space<vmem>> -> memref<1x1x128xi32, #tpu.memory_space<vmem>>
      %dma_start3A_630 = tpu.memref_squeeze %dma_start3A_629 : memref<1x1x128xi32, #tpu.memory_space<vmem>> -> memref<128xi32, #tpu.memory_space<vmem>>
      %dma_start3A_631 = arith.constant 0 : i32
      %dma_start3A_632 = arith.constant 0 : i32
      %dma_start3A_633 = tpu.memref_slice %arg12[%dma_start3A_631, %dma_start3A_632] : memref<10240x128xf32, #tpu.memory_space<vmem_shared>> -> memref<10240x128xf32, #tpu.memory_space<vmem_shared>>
      %dma_start3A_634 = tpu.memref_slice %arg16[%dma_start3A_627] : memref<2x!tpu.dma_semaphore, #tpu.memory_space<semaphore_mem>> -> memref<1x!tpu.dma_semaphore, #tpu.memory_space<semaphore_mem>>
      %dma_start3A_635 = tpu.memref_squeeze %dma_start3A_634 : memref<1x!tpu.dma_semaphore, #tpu.memory_space<semaphore_mem>> -> memref<!tpu.dma_semaphore, #tpu.memory_space<semaphore_mem>>
      tpu.enqueue_indirect_dma source(%arg10 : memref<128x128xf32, #tpu.memory_space<vmem>>) target(%dma_start3A_633 : memref<10240x128xf32, #tpu.memory_space<vmem_shared>>) offsets(%dma_start3A_630 : memref<128xi32, #tpu.memory_space<vmem>>) semaphore(%dma_start3A_635 : memref<!tpu.dma_semaphore, #tpu.memory_space<semaphore_mem>>) {add = true}
      %eq3A_636 = arith.constant 0 : i32
      %eq3A_637 = arith.cmpi eq, %arg0, %eq3A_636 : i32
      %convert_element_type3A_638 = arith.extui %eq3A_637 : i1 to i32
      %cond3A_639 = arith.constant 0 : i32
      %cond3A_640 = arith.cmpi ne, %convert_element_type3A_638, %cond3A_639 : i32
      scf.if %cond3A_640 {
        %ge3A = arith.constant 4 : i32
        %ge3A_1502 = arith.cmpi sge, %add3A_613, %ge3A : i32
        %convert_element_type3A_1503 = arith.extui %ge3A_1502 : i1 to i32
        %cond3A_1504 = arith.constant 0 : i32
        %cond3A_1505 = arith.cmpi ne, %convert_element_type3A_1503, %cond3A_1504 : i32
        scf.if %cond3A_1505 {
          %dma_wait3A_1513 = arith.constant 2 : i32
          %dma_wait3A_1514 = arith.constant 1 : i32
          %dma_wait3A_1515 = arith.constant 0 : i32
          %dma_wait3A_1516 = tpu.memref_slice %arg8[%dma_wait3A_1513, %dma_wait3A_1514, %dma_wait3A_1515] : memref<10x2x128xi32, #tpu.memory_space<vmem>> -> memref<1x1x128xi32, #tpu.memory_space<vmem>>
          %dma_wait3A_1517 = tpu.memref_squeeze %dma_wait3A_1516 : memref<1x1x128xi32, #tpu.memory_space<vmem>> -> memref<128xi32, #tpu.memory_space<vmem>>
          %dma_wait3A_1518 = arith.constant 0 : i32
          %dma_wait3A_1519 = tpu.memref_slice %arg13[%dma_wait3A_1518] : memref<10240xf32, #tpu.memory_space<vmem_shared>> -> memref<10240xf32, #tpu.memory_space<vmem_shared>>
          tpu.wait_indirect_dma semaphore(%arg17 : memref<!tpu.dma_semaphore, #tpu.memory_space<semaphore_mem>>) src(%arg7 : memref<128xf32, #tpu.memory_space<vmem>>) dst(%dma_wait3A_1519 : memref<10240xf32, #tpu.memory_space<vmem_shared>>)
        } else {
        }
        %dma_start3A_1506 = arith.constant 2 : i32
        %dma_start3A_1507 = arith.constant 1 : i32
        %dma_start3A_1508 = arith.constant 0 : i32
        %dma_start3A_1509 = tpu.memref_slice %arg8[%dma_start3A_1506, %dma_start3A_1507, %dma_start3A_1508] : memref<10x2x128xi32, #tpu.memory_space<vmem>> -> memref<1x1x128xi32, #tpu.memory_space<vmem>>
        %dma_start3A_1510 = tpu.memref_squeeze %dma_start3A_1509 : memref<1x1x128xi32, #tpu.memory_space<vmem>> -> memref<128xi32, #tpu.memory_space<vmem>>
        %dma_start3A_1511 = arith.constant 0 : i32
        %dma_start3A_1512 = tpu.memref_slice %arg13[%dma_start3A_1511] : memref<10240xf32, #tpu.memory_space<vmem_shared>> -> memref<10240xf32, #tpu.memory_space<vmem_shared>>
        tpu.enqueue_indirect_dma source(%arg7 : memref<128xf32, #tpu.memory_space<vmem>>) target(%dma_start3A_1512 : memref<10240xf32, #tpu.memory_space<vmem_shared>>) offsets(%dma_start3A_1510 : memref<128xi32, #tpu.memory_space<vmem>>) semaphore(%arg17 : memref<!tpu.dma_semaphore, #tpu.memory_space<semaphore_mem>>) {add = true}
      } else {
      }
      %dma_wait3A_641 = arith.constant 2 : i32
      %dma_wait3A_642 = arith.constant 1 : i32
      %dma_wait3A_643 = arith.constant 0 : i32
      %dma_wait3A_644 = arith.constant 0 : i32
      %dma_wait3A_645 = tpu.memref_slice %arg8[%dma_wait3A_641, %dma_wait3A_642, %dma_wait3A_644] : memref<10x2x128xi32, #tpu.memory_space<vmem>> -> memref<1x1x128xi32, #tpu.memory_space<vmem>>
      %dma_wait3A_646 = tpu.memref_squeeze %dma_wait3A_645 : memref<1x1x128xi32, #tpu.memory_space<vmem>> -> memref<128xi32, #tpu.memory_space<vmem>>
      %dma_wait3A_647 = arith.constant 0 : i32
      %dma_wait3A_648 = arith.constant 0 : i32
      %dma_wait3A_649 = tpu.memref_slice %arg12[%dma_wait3A_647, %dma_wait3A_648] : memref<10240x128xf32, #tpu.memory_space<vmem_shared>> -> memref<10240x128xf32, #tpu.memory_space<vmem_shared>>
      %dma_wait3A_650 = tpu.memref_slice %arg16[%dma_wait3A_643] : memref<2x!tpu.dma_semaphore, #tpu.memory_space<semaphore_mem>> -> memref<1x!tpu.dma_semaphore, #tpu.memory_space<semaphore_mem>>
      %dma_wait3A_651 = tpu.memref_squeeze %dma_wait3A_650 : memref<1x!tpu.dma_semaphore, #tpu.memory_space<semaphore_mem>> -> memref<!tpu.dma_semaphore, #tpu.memory_space<semaphore_mem>>
      tpu.wait_indirect_dma semaphore(%dma_wait3A_651 : memref<!tpu.dma_semaphore, #tpu.memory_space<semaphore_mem>>) src(%arg10 : memref<128x128xf32, #tpu.memory_space<vmem>>) dst(%dma_wait3A_649 : memref<10240x128xf32, #tpu.memory_space<vmem_shared>>)
      %dma_start3A_652 = arith.constant 4 : i32
      %dma_start3A_653 = arith.constant 0 : i32
      %dma_start3A_654 = arith.constant 0 : i32
      %dma_start3A_655 = arith.constant 0 : i32
      %dma_start3A_656 = tpu.memref_slice %arg8[%dma_start3A_652, %dma_start3A_653, %dma_start3A_655] : memref<10x2x128xi32, #tpu.memory_space<vmem>> -> memref<1x1x128xi32, #tpu.memory_space<vmem>>
      %dma_start3A_657 = tpu.memref_squeeze %dma_start3A_656 : memref<1x1x128xi32, #tpu.memory_space<vmem>> -> memref<128xi32, #tpu.memory_space<vmem>>
      %dma_start3A_658 = arith.constant 0 : i32
      %dma_start3A_659 = arith.constant 0 : i32
      %dma_start3A_660 = tpu.memref_slice %arg2[%dma_start3A_658, %dma_start3A_659] : memref<20000x128xf32, #tpu.memory_space<hbm>> -> memref<20000x128xf32, #tpu.memory_space<hbm>>
      %dma_start3A_661 = tpu.memref_slice %arg15[%dma_start3A_654] : memref<2x!tpu.dma_semaphore, #tpu.memory_space<semaphore_mem>> -> memref<1x!tpu.dma_semaphore, #tpu.memory_space<semaphore_mem>>
      %dma_start3A_662 = tpu.memref_squeeze %dma_start3A_661 : memref<1x!tpu.dma_semaphore, #tpu.memory_space<semaphore_mem>> -> memref<!tpu.dma_semaphore, #tpu.memory_space<semaphore_mem>>
      tpu.enqueue_indirect_dma source(%dma_start3A_660 : memref<20000x128xf32, #tpu.memory_space<hbm>>) target(%arg10 : memref<128x128xf32, #tpu.memory_space<vmem>>) offsets(%dma_start3A_657 : memref<128xi32, #tpu.memory_space<vmem>>) semaphore(%dma_start3A_662 : memref<!tpu.dma_semaphore, #tpu.memory_space<semaphore_mem>>)
      %add3A_663 = arith.constant 3 : i32
      %add3A_664 = arith.addi %mul3A_509, %add3A_663 : i32
      %dma_wait3A_665 = arith.constant 3 : i32
      %dma_wait3A_666 = arith.constant 0 : i32
      %dma_wait3A_667 = arith.constant 1 : i32
      %dma_wait3A_668 = arith.constant 0 : i32
      %dma_wait3A_669 = tpu.memref_slice %arg8[%dma_wait3A_665, %dma_wait3A_666, %dma_wait3A_668] : memref<10x2x128xi32, #tpu.memory_space<vmem>> -> memref<1x1x128xi32, #tpu.memory_space<vmem>>
      %dma_wait3A_670 = tpu.memref_squeeze %dma_wait3A_669 : memref<1x1x128xi32, #tpu.memory_space<vmem>> -> memref<128xi32, #tpu.memory_space<vmem>>
      %dma_wait3A_671 = arith.constant 0 : i32
      %dma_wait3A_672 = arith.constant 0 : i32
      %dma_wait3A_673 = tpu.memref_slice %arg2[%dma_wait3A_671, %dma_wait3A_672] : memref<20000x128xf32, #tpu.memory_space<hbm>> -> memref<20000x128xf32, #tpu.memory_space<hbm>>
      %dma_wait3A_674 = tpu.memref_slice %arg15[%dma_wait3A_667] : memref<2x!tpu.dma_semaphore, #tpu.memory_space<semaphore_mem>> -> memref<1x!tpu.dma_semaphore, #tpu.memory_space<semaphore_mem>>
      %dma_wait3A_675 = tpu.memref_squeeze %dma_wait3A_674 : memref<1x!tpu.dma_semaphore, #tpu.memory_space<semaphore_mem>> -> memref<!tpu.dma_semaphore, #tpu.memory_space<semaphore_mem>>
      tpu.wait_indirect_dma semaphore(%dma_wait3A_675 : memref<!tpu.dma_semaphore, #tpu.memory_space<semaphore_mem>>) src(%dma_wait3A_673 : memref<20000x128xf32, #tpu.memory_space<hbm>>) dst(%arg11 : memref<128x128xf32, #tpu.memory_space<vmem>>)
      %dma_start3A_676 = arith.constant 3 : i32
      %dma_start3A_677 = arith.constant 1 : i32
      %dma_start3A_678 = arith.constant 1 : i32
      %dma_start3A_679 = arith.constant 0 : i32
      %dma_start3A_680 = tpu.memref_slice %arg8[%dma_start3A_676, %dma_start3A_677, %dma_start3A_679] : memref<10x2x128xi32, #tpu.memory_space<vmem>> -> memref<1x1x128xi32, #tpu.memory_space<vmem>>
      %dma_start3A_681 = tpu.memref_squeeze %dma_start3A_680 : memref<1x1x128xi32, #tpu.memory_space<vmem>> -> memref<128xi32, #tpu.memory_space<vmem>>
      %dma_start3A_682 = arith.constant 0 : i32
      %dma_start3A_683 = arith.constant 0 : i32
      %dma_start3A_684 = tpu.memref_slice %arg12[%dma_start3A_682, %dma_start3A_683] : memref<10240x128xf32, #tpu.memory_space<vmem_shared>> -> memref<10240x128xf32, #tpu.memory_space<vmem_shared>>
      %dma_start3A_685 = tpu.memref_slice %arg16[%dma_start3A_678] : memref<2x!tpu.dma_semaphore, #tpu.memory_space<semaphore_mem>> -> memref<1x!tpu.dma_semaphore, #tpu.memory_space<semaphore_mem>>
      %dma_start3A_686 = tpu.memref_squeeze %dma_start3A_685 : memref<1x!tpu.dma_semaphore, #tpu.memory_space<semaphore_mem>> -> memref<!tpu.dma_semaphore, #tpu.memory_space<semaphore_mem>>
      tpu.enqueue_indirect_dma source(%arg11 : memref<128x128xf32, #tpu.memory_space<vmem>>) target(%dma_start3A_684 : memref<10240x128xf32, #tpu.memory_space<vmem_shared>>) offsets(%dma_start3A_681 : memref<128xi32, #tpu.memory_space<vmem>>) semaphore(%dma_start3A_686 : memref<!tpu.dma_semaphore, #tpu.memory_space<semaphore_mem>>) {add = true}
      %eq3A_687 = arith.constant 0 : i32
      %eq3A_688 = arith.cmpi eq, %arg0, %eq3A_687 : i32
      %convert_element_type3A_689 = arith.extui %eq3A_688 : i1 to i32
      %cond3A_690 = arith.constant 0 : i32
      %cond3A_691 = arith.cmpi ne, %convert_element_type3A_689, %cond3A_690 : i32
      scf.if %cond3A_691 {
        %ge3A = arith.constant 4 : i32
        %ge3A_1502 = arith.cmpi sge, %add3A_664, %ge3A : i32
        %convert_element_type3A_1503 = arith.extui %ge3A_1502 : i1 to i32
        %cond3A_1504 = arith.constant 0 : i32
        %cond3A_1505 = arith.cmpi ne, %convert_element_type3A_1503, %cond3A_1504 : i32
        scf.if %cond3A_1505 {
          %dma_wait3A_1513 = arith.constant 3 : i32
          %dma_wait3A_1514 = arith.constant 1 : i32
          %dma_wait3A_1515 = arith.constant 0 : i32
          %dma_wait3A_1516 = tpu.memref_slice %arg8[%dma_wait3A_1513, %dma_wait3A_1514, %dma_wait3A_1515] : memref<10x2x128xi32, #tpu.memory_space<vmem>> -> memref<1x1x128xi32, #tpu.memory_space<vmem>>
          %dma_wait3A_1517 = tpu.memref_squeeze %dma_wait3A_1516 : memref<1x1x128xi32, #tpu.memory_space<vmem>> -> memref<128xi32, #tpu.memory_space<vmem>>
          %dma_wait3A_1518 = arith.constant 0 : i32
          %dma_wait3A_1519 = tpu.memref_slice %arg13[%dma_wait3A_1518] : memref<10240xf32, #tpu.memory_space<vmem_shared>> -> memref<10240xf32, #tpu.memory_space<vmem_shared>>
          tpu.wait_indirect_dma semaphore(%arg17 : memref<!tpu.dma_semaphore, #tpu.memory_space<semaphore_mem>>) src(%arg7 : memref<128xf32, #tpu.memory_space<vmem>>) dst(%dma_wait3A_1519 : memref<10240xf32, #tpu.memory_space<vmem_shared>>)
        } else {
        }
        %dma_start3A_1506 = arith.constant 3 : i32
        %dma_start3A_1507 = arith.constant 1 : i32
        %dma_start3A_1508 = arith.constant 0 : i32
        %dma_start3A_1509 = tpu.memref_slice %arg8[%dma_start3A_1506, %dma_start3A_1507, %dma_start3A_1508] : memref<10x2x128xi32, #tpu.memory_space<vmem>> -> memref<1x1x128xi32, #tpu.memory_space<vmem>>
        %dma_start3A_1510 = tpu.memref_squeeze %dma_start3A_1509 : memref<1x1x128xi32, #tpu.memory_space<vmem>> -> memref<128xi32, #tpu.memory_space<vmem>>
        %dma_start3A_1511 = arith.constant 0 : i32
        %dma_start3A_1512 = tpu.memref_slice %arg13[%dma_start3A_1511] : memref<10240xf32, #tpu.memory_space<vmem_shared>> -> memref<10240xf32, #tpu.memory_space<vmem_shared>>
        tpu.enqueue_indirect_dma source(%arg7 : memref<128xf32, #tpu.memory_space<vmem>>) target(%dma_start3A_1512 : memref<10240xf32, #tpu.memory_space<vmem_shared>>) offsets(%dma_start3A_1510 : memref<128xi32, #tpu.memory_space<vmem>>) semaphore(%arg17 : memref<!tpu.dma_semaphore, #tpu.memory_space<semaphore_mem>>) {add = true}
      } else {
      }
      %dma_wait3A_692 = arith.constant 3 : i32
      %dma_wait3A_693 = arith.constant 1 : i32
      %dma_wait3A_694 = arith.constant 1 : i32
      %dma_wait3A_695 = arith.constant 0 : i32
      %dma_wait3A_696 = tpu.memref_slice %arg8[%dma_wait3A_692, %dma_wait3A_693, %dma_wait3A_695] : memref<10x2x128xi32, #tpu.memory_space<vmem>> -> memref<1x1x128xi32, #tpu.memory_space<vmem>>
      %dma_wait3A_697 = tpu.memref_squeeze %dma_wait3A_696 : memref<1x1x128xi32, #tpu.memory_space<vmem>> -> memref<128xi32, #tpu.memory_space<vmem>>
      %dma_wait3A_698 = arith.constant 0 : i32
      %dma_wait3A_699 = arith.constant 0 : i32
      %dma_wait3A_700 = tpu.memref_slice %arg12[%dma_wait3A_698, %dma_wait3A_699] : memref<10240x128xf32, #tpu.memory_space<vmem_shared>> -> memref<10240x128xf32, #tpu.memory_space<vmem_shared>>
      %dma_wait3A_701 = tpu.memref_slice %arg16[%dma_wait3A_694] : memref<2x!tpu.dma_semaphore, #tpu.memory_space<semaphore_mem>> -> memref<1x!tpu.dma_semaphore, #tpu.memory_space<semaphore_mem>>
      %dma_wait3A_702 = tpu.memref_squeeze %dma_wait3A_701 : memref<1x!tpu.dma_semaphore, #tpu.memory_space<semaphore_mem>> -> memref<!tpu.dma_semaphore, #tpu.memory_space<semaphore_mem>>
      tpu.wait_indirect_dma semaphore(%dma_wait3A_702 : memref<!tpu.dma_semaphore, #tpu.memory_space<semaphore_mem>>) src(%arg11 : memref<128x128xf32, #tpu.memory_space<vmem>>) dst(%dma_wait3A_700 : memref<10240x128xf32, #tpu.memory_space<vmem_shared>>)
      %dma_start3A_703 = arith.constant 5 : i32
      %dma_start3A_704 = arith.constant 0 : i32
      %dma_start3A_705 = arith.constant 1 : i32
      %dma_start3A_706 = arith.constant 0 : i32
      %dma_start3A_707 = tpu.memref_slice %arg8[%dma_start3A_703, %dma_start3A_704, %dma_start3A_706] : memref<10x2x128xi32, #tpu.memory_space<vmem>> -> memref<1x1x128xi32, #tpu.memory_space<vmem>>
      %dma_start3A_708 = tpu.memref_squeeze %dma_start3A_707 : memref<1x1x128xi32, #tpu.memory_space<vmem>> -> memref<128xi32, #tpu.memory_space<vmem>>
      %dma_start3A_709 = arith.constant 0 : i32
      %dma_start3A_710 = arith.constant 0 : i32
      %dma_start3A_711 = tpu.memref_slice %arg2[%dma_start3A_709, %dma_start3A_710] : memref<20000x128xf32, #tpu.memory_space<hbm>> -> memref<20000x128xf32, #tpu.memory_space<hbm>>
      %dma_start3A_712 = tpu.memref_slice %arg15[%dma_start3A_705] : memref<2x!tpu.dma_semaphore, #tpu.memory_space<semaphore_mem>> -> memref<1x!tpu.dma_semaphore, #tpu.memory_space<semaphore_mem>>
      %dma_start3A_713 = tpu.memref_squeeze %dma_start3A_712 : memref<1x!tpu.dma_semaphore, #tpu.memory_space<semaphore_mem>> -> memref<!tpu.dma_semaphore, #tpu.memory_space<semaphore_mem>>
      tpu.enqueue_indirect_dma source(%dma_start3A_711 : memref<20000x128xf32, #tpu.memory_space<hbm>>) target(%arg11 : memref<128x128xf32, #tpu.memory_space<vmem>>) offsets(%dma_start3A_708 : memref<128xi32, #tpu.memory_space<vmem>>) semaphore(%dma_start3A_713 : memref<!tpu.dma_semaphore, #tpu.memory_space<semaphore_mem>>)
      %add3A_714 = arith.constant 4 : i32
      %add3A_715 = arith.addi %mul3A_509, %add3A_714 : i32
      %dma_wait3A_716 = arith.constant 4 : i32
      %dma_wait3A_717 = arith.constant 0 : i32
      %dma_wait3A_718 = arith.constant 0 : i32
      %dma_wait3A_719 = arith.constant 0 : i32
      %dma_wait3A_720 = tpu.memref_slice %arg8[%dma_wait3A_716, %dma_wait3A_717, %dma_wait3A_719] : memref<10x2x128xi32, #tpu.memory_space<vmem>> -> memref<1x1x128xi32, #tpu.memory_space<vmem>>
      %dma_wait3A_721 = tpu.memref_squeeze %dma_wait3A_720 : memref<1x1x128xi32, #tpu.memory_space<vmem>> -> memref<128xi32, #tpu.memory_space<vmem>>
      %dma_wait3A_722 = arith.constant 0 : i32
      %dma_wait3A_723 = arith.constant 0 : i32
      %dma_wait3A_724 = tpu.memref_slice %arg2[%dma_wait3A_722, %dma_wait3A_723] : memref<20000x128xf32, #tpu.memory_space<hbm>> -> memref<20000x128xf32, #tpu.memory_space<hbm>>
      %dma_wait3A_725 = tpu.memref_slice %arg15[%dma_wait3A_718] : memref<2x!tpu.dma_semaphore, #tpu.memory_space<semaphore_mem>> -> memref<1x!tpu.dma_semaphore, #tpu.memory_space<semaphore_mem>>
      %dma_wait3A_726 = tpu.memref_squeeze %dma_wait3A_725 : memref<1x!tpu.dma_semaphore, #tpu.memory_space<semaphore_mem>> -> memref<!tpu.dma_semaphore, #tpu.memory_space<semaphore_mem>>
      tpu.wait_indirect_dma semaphore(%dma_wait3A_726 : memref<!tpu.dma_semaphore, #tpu.memory_space<semaphore_mem>>) src(%dma_wait3A_724 : memref<20000x128xf32, #tpu.memory_space<hbm>>) dst(%arg10 : memref<128x128xf32, #tpu.memory_space<vmem>>)
      %dma_start3A_727 = arith.constant 4 : i32
      %dma_start3A_728 = arith.constant 1 : i32
      %dma_start3A_729 = arith.constant 0 : i32
      %dma_start3A_730 = arith.constant 0 : i32
      %dma_start3A_731 = tpu.memref_slice %arg8[%dma_start3A_727, %dma_start3A_728, %dma_start3A_730] : memref<10x2x128xi32, #tpu.memory_space<vmem>> -> memref<1x1x128xi32, #tpu.memory_space<vmem>>
      %dma_start3A_732 = tpu.memref_squeeze %dma_start3A_731 : memref<1x1x128xi32, #tpu.memory_space<vmem>> -> memref<128xi32, #tpu.memory_space<vmem>>
      %dma_start3A_733 = arith.constant 0 : i32
      %dma_start3A_734 = arith.constant 0 : i32
      %dma_start3A_735 = tpu.memref_slice %arg12[%dma_start3A_733, %dma_start3A_734] : memref<10240x128xf32, #tpu.memory_space<vmem_shared>> -> memref<10240x128xf32, #tpu.memory_space<vmem_shared>>
      %dma_start3A_736 = tpu.memref_slice %arg16[%dma_start3A_729] : memref<2x!tpu.dma_semaphore, #tpu.memory_space<semaphore_mem>> -> memref<1x!tpu.dma_semaphore, #tpu.memory_space<semaphore_mem>>
      %dma_start3A_737 = tpu.memref_squeeze %dma_start3A_736 : memref<1x!tpu.dma_semaphore, #tpu.memory_space<semaphore_mem>> -> memref<!tpu.dma_semaphore, #tpu.memory_space<semaphore_mem>>
      tpu.enqueue_indirect_dma source(%arg10 : memref<128x128xf32, #tpu.memory_space<vmem>>) target(%dma_start3A_735 : memref<10240x128xf32, #tpu.memory_space<vmem_shared>>) offsets(%dma_start3A_732 : memref<128xi32, #tpu.memory_space<vmem>>) semaphore(%dma_start3A_737 : memref<!tpu.dma_semaphore, #tpu.memory_space<semaphore_mem>>) {add = true}
      %eq3A_738 = arith.constant 0 : i32
      %eq3A_739 = arith.cmpi eq, %arg0, %eq3A_738 : i32
      %convert_element_type3A_740 = arith.extui %eq3A_739 : i1 to i32
      %cond3A_741 = arith.constant 0 : i32
      %cond3A_742 = arith.cmpi ne, %convert_element_type3A_740, %cond3A_741 : i32
      scf.if %cond3A_742 {
        %ge3A = arith.constant 4 : i32
        %ge3A_1502 = arith.cmpi sge, %add3A_715, %ge3A : i32
        %convert_element_type3A_1503 = arith.extui %ge3A_1502 : i1 to i32
        %cond3A_1504 = arith.constant 0 : i32
        %cond3A_1505 = arith.cmpi ne, %convert_element_type3A_1503, %cond3A_1504 : i32
        scf.if %cond3A_1505 {
          %dma_wait3A_1513 = arith.constant 4 : i32
          %dma_wait3A_1514 = arith.constant 1 : i32
          %dma_wait3A_1515 = arith.constant 0 : i32
          %dma_wait3A_1516 = tpu.memref_slice %arg8[%dma_wait3A_1513, %dma_wait3A_1514, %dma_wait3A_1515] : memref<10x2x128xi32, #tpu.memory_space<vmem>> -> memref<1x1x128xi32, #tpu.memory_space<vmem>>
          %dma_wait3A_1517 = tpu.memref_squeeze %dma_wait3A_1516 : memref<1x1x128xi32, #tpu.memory_space<vmem>> -> memref<128xi32, #tpu.memory_space<vmem>>
          %dma_wait3A_1518 = arith.constant 0 : i32
          %dma_wait3A_1519 = tpu.memref_slice %arg13[%dma_wait3A_1518] : memref<10240xf32, #tpu.memory_space<vmem_shared>> -> memref<10240xf32, #tpu.memory_space<vmem_shared>>
          tpu.wait_indirect_dma semaphore(%arg17 : memref<!tpu.dma_semaphore, #tpu.memory_space<semaphore_mem>>) src(%arg7 : memref<128xf32, #tpu.memory_space<vmem>>) dst(%dma_wait3A_1519 : memref<10240xf32, #tpu.memory_space<vmem_shared>>)
        } else {
        }
        %dma_start3A_1506 = arith.constant 4 : i32
        %dma_start3A_1507 = arith.constant 1 : i32
        %dma_start3A_1508 = arith.constant 0 : i32
        %dma_start3A_1509 = tpu.memref_slice %arg8[%dma_start3A_1506, %dma_start3A_1507, %dma_start3A_1508] : memref<10x2x128xi32, #tpu.memory_space<vmem>> -> memref<1x1x128xi32, #tpu.memory_space<vmem>>
        %dma_start3A_1510 = tpu.memref_squeeze %dma_start3A_1509 : memref<1x1x128xi32, #tpu.memory_space<vmem>> -> memref<128xi32, #tpu.memory_space<vmem>>
        %dma_start3A_1511 = arith.constant 0 : i32
        %dma_start3A_1512 = tpu.memref_slice %arg13[%dma_start3A_1511] : memref<10240xf32, #tpu.memory_space<vmem_shared>> -> memref<10240xf32, #tpu.memory_space<vmem_shared>>
        tpu.enqueue_indirect_dma source(%arg7 : memref<128xf32, #tpu.memory_space<vmem>>) target(%dma_start3A_1512 : memref<10240xf32, #tpu.memory_space<vmem_shared>>) offsets(%dma_start3A_1510 : memref<128xi32, #tpu.memory_space<vmem>>) semaphore(%arg17 : memref<!tpu.dma_semaphore, #tpu.memory_space<semaphore_mem>>) {add = true}
      } else {
      }
      %dma_wait3A_743 = arith.constant 4 : i32
      %dma_wait3A_744 = arith.constant 1 : i32
      %dma_wait3A_745 = arith.constant 0 : i32
      %dma_wait3A_746 = arith.constant 0 : i32
      %dma_wait3A_747 = tpu.memref_slice %arg8[%dma_wait3A_743, %dma_wait3A_744, %dma_wait3A_746] : memref<10x2x128xi32, #tpu.memory_space<vmem>> -> memref<1x1x128xi32, #tpu.memory_space<vmem>>
      %dma_wait3A_748 = tpu.memref_squeeze %dma_wait3A_747 : memref<1x1x128xi32, #tpu.memory_space<vmem>> -> memref<128xi32, #tpu.memory_space<vmem>>
      %dma_wait3A_749 = arith.constant 0 : i32
      %dma_wait3A_750 = arith.constant 0 : i32
      %dma_wait3A_751 = tpu.memref_slice %arg12[%dma_wait3A_749, %dma_wait3A_750] : memref<10240x128xf32, #tpu.memory_space<vmem_shared>> -> memref<10240x128xf32, #tpu.memory_space<vmem_shared>>
      %dma_wait3A_752 = tpu.memref_slice %arg16[%dma_wait3A_745] : memref<2x!tpu.dma_semaphore, #tpu.memory_space<semaphore_mem>> -> memref<1x!tpu.dma_semaphore, #tpu.memory_space<semaphore_mem>>
      %dma_wait3A_753 = tpu.memref_squeeze %dma_wait3A_752 : memref<1x!tpu.dma_semaphore, #tpu.memory_space<semaphore_mem>> -> memref<!tpu.dma_semaphore, #tpu.memory_space<semaphore_mem>>
      tpu.wait_indirect_dma semaphore(%dma_wait3A_753 : memref<!tpu.dma_semaphore, #tpu.memory_space<semaphore_mem>>) src(%arg10 : memref<128x128xf32, #tpu.memory_space<vmem>>) dst(%dma_wait3A_751 : memref<10240x128xf32, #tpu.memory_space<vmem_shared>>)
      %dma_start3A_754 = arith.constant 6 : i32
      %dma_start3A_755 = arith.constant 0 : i32
      %dma_start3A_756 = arith.constant 0 : i32
      %dma_start3A_757 = arith.constant 0 : i32
      %dma_start3A_758 = tpu.memref_slice %arg8[%dma_start3A_754, %dma_start3A_755, %dma_start3A_757] : memref<10x2x128xi32, #tpu.memory_space<vmem>> -> memref<1x1x128xi32, #tpu.memory_space<vmem>>
      %dma_start3A_759 = tpu.memref_squeeze %dma_start3A_758 : memref<1x1x128xi32, #tpu.memory_space<vmem>> -> memref<128xi32, #tpu.memory_space<vmem>>
      %dma_start3A_760 = arith.constant 0 : i32
      %dma_start3A_761 = arith.constant 0 : i32
      %dma_start3A_762 = tpu.memref_slice %arg2[%dma_start3A_760, %dma_start3A_761] : memref<20000x128xf32, #tpu.memory_space<hbm>> -> memref<20000x128xf32, #tpu.memory_space<hbm>>
      %dma_start3A_763 = tpu.memref_slice %arg15[%dma_start3A_756] : memref<2x!tpu.dma_semaphore, #tpu.memory_space<semaphore_mem>> -> memref<1x!tpu.dma_semaphore, #tpu.memory_space<semaphore_mem>>
      %dma_start3A_764 = tpu.memref_squeeze %dma_start3A_763 : memref<1x!tpu.dma_semaphore, #tpu.memory_space<semaphore_mem>> -> memref<!tpu.dma_semaphore, #tpu.memory_space<semaphore_mem>>
      tpu.enqueue_indirect_dma source(%dma_start3A_762 : memref<20000x128xf32, #tpu.memory_space<hbm>>) target(%arg10 : memref<128x128xf32, #tpu.memory_space<vmem>>) offsets(%dma_start3A_759 : memref<128xi32, #tpu.memory_space<vmem>>) semaphore(%dma_start3A_764 : memref<!tpu.dma_semaphore, #tpu.memory_space<semaphore_mem>>)
      %add3A_765 = arith.constant 5 : i32
      %add3A_766 = arith.addi %mul3A_509, %add3A_765 : i32
      %dma_wait3A_767 = arith.constant 5 : i32
      %dma_wait3A_768 = arith.constant 0 : i32
      %dma_wait3A_769 = arith.constant 1 : i32
      %dma_wait3A_770 = arith.constant 0 : i32
      %dma_wait3A_771 = tpu.memref_slice %arg8[%dma_wait3A_767, %dma_wait3A_768, %dma_wait3A_770] : memref<10x2x128xi32, #tpu.memory_space<vmem>> -> memref<1x1x128xi32, #tpu.memory_space<vmem>>
      %dma_wait3A_772 = tpu.memref_squeeze %dma_wait3A_771 : memref<1x1x128xi32, #tpu.memory_space<vmem>> -> memref<128xi32, #tpu.memory_space<vmem>>
      %dma_wait3A_773 = arith.constant 0 : i32
      %dma_wait3A_774 = arith.constant 0 : i32
      %dma_wait3A_775 = tpu.memref_slice %arg2[%dma_wait3A_773, %dma_wait3A_774] : memref<20000x128xf32, #tpu.memory_space<hbm>> -> memref<20000x128xf32, #tpu.memory_space<hbm>>
      %dma_wait3A_776 = tpu.memref_slice %arg15[%dma_wait3A_769] : memref<2x!tpu.dma_semaphore, #tpu.memory_space<semaphore_mem>> -> memref<1x!tpu.dma_semaphore, #tpu.memory_space<semaphore_mem>>
      %dma_wait3A_777 = tpu.memref_squeeze %dma_wait3A_776 : memref<1x!tpu.dma_semaphore, #tpu.memory_space<semaphore_mem>> -> memref<!tpu.dma_semaphore, #tpu.memory_space<semaphore_mem>>
      tpu.wait_indirect_dma semaphore(%dma_wait3A_777 : memref<!tpu.dma_semaphore, #tpu.memory_space<semaphore_mem>>) src(%dma_wait3A_775 : memref<20000x128xf32, #tpu.memory_space<hbm>>) dst(%arg11 : memref<128x128xf32, #tpu.memory_space<vmem>>)
      %dma_start3A_778 = arith.constant 5 : i32
      %dma_start3A_779 = arith.constant 1 : i32
      %dma_start3A_780 = arith.constant 1 : i32
      %dma_start3A_781 = arith.constant 0 : i32
      %dma_start3A_782 = tpu.memref_slice %arg8[%dma_start3A_778, %dma_start3A_779, %dma_start3A_781] : memref<10x2x128xi32, #tpu.memory_space<vmem>> -> memref<1x1x128xi32, #tpu.memory_space<vmem>>
      %dma_start3A_783 = tpu.memref_squeeze %dma_start3A_782 : memref<1x1x128xi32, #tpu.memory_space<vmem>> -> memref<128xi32, #tpu.memory_space<vmem>>
      %dma_start3A_784 = arith.constant 0 : i32
      %dma_start3A_785 = arith.constant 0 : i32
      %dma_start3A_786 = tpu.memref_slice %arg12[%dma_start3A_784, %dma_start3A_785] : memref<10240x128xf32, #tpu.memory_space<vmem_shared>> -> memref<10240x128xf32, #tpu.memory_space<vmem_shared>>
      %dma_start3A_787 = tpu.memref_slice %arg16[%dma_start3A_780] : memref<2x!tpu.dma_semaphore, #tpu.memory_space<semaphore_mem>> -> memref<1x!tpu.dma_semaphore, #tpu.memory_space<semaphore_mem>>
      %dma_start3A_788 = tpu.memref_squeeze %dma_start3A_787 : memref<1x!tpu.dma_semaphore, #tpu.memory_space<semaphore_mem>> -> memref<!tpu.dma_semaphore, #tpu.memory_space<semaphore_mem>>
      tpu.enqueue_indirect_dma source(%arg11 : memref<128x128xf32, #tpu.memory_space<vmem>>) target(%dma_start3A_786 : memref<10240x128xf32, #tpu.memory_space<vmem_shared>>) offsets(%dma_start3A_783 : memref<128xi32, #tpu.memory_space<vmem>>) semaphore(%dma_start3A_788 : memref<!tpu.dma_semaphore, #tpu.memory_space<semaphore_mem>>) {add = true}
      %eq3A_789 = arith.constant 0 : i32
      %eq3A_790 = arith.cmpi eq, %arg0, %eq3A_789 : i32
      %convert_element_type3A_791 = arith.extui %eq3A_790 : i1 to i32
      %cond3A_792 = arith.constant 0 : i32
      %cond3A_793 = arith.cmpi ne, %convert_element_type3A_791, %cond3A_792 : i32
      scf.if %cond3A_793 {
        %ge3A = arith.constant 4 : i32
        %ge3A_1502 = arith.cmpi sge, %add3A_766, %ge3A : i32
        %convert_element_type3A_1503 = arith.extui %ge3A_1502 : i1 to i32
        %cond3A_1504 = arith.constant 0 : i32
        %cond3A_1505 = arith.cmpi ne, %convert_element_type3A_1503, %cond3A_1504 : i32
        scf.if %cond3A_1505 {
          %dma_wait3A_1513 = arith.constant 5 : i32
          %dma_wait3A_1514 = arith.constant 1 : i32
          %dma_wait3A_1515 = arith.constant 0 : i32
          %dma_wait3A_1516 = tpu.memref_slice %arg8[%dma_wait3A_1513, %dma_wait3A_1514, %dma_wait3A_1515] : memref<10x2x128xi32, #tpu.memory_space<vmem>> -> memref<1x1x128xi32, #tpu.memory_space<vmem>>
          %dma_wait3A_1517 = tpu.memref_squeeze %dma_wait3A_1516 : memref<1x1x128xi32, #tpu.memory_space<vmem>> -> memref<128xi32, #tpu.memory_space<vmem>>
          %dma_wait3A_1518 = arith.constant 0 : i32
          %dma_wait3A_1519 = tpu.memref_slice %arg13[%dma_wait3A_1518] : memref<10240xf32, #tpu.memory_space<vmem_shared>> -> memref<10240xf32, #tpu.memory_space<vmem_shared>>
          tpu.wait_indirect_dma semaphore(%arg17 : memref<!tpu.dma_semaphore, #tpu.memory_space<semaphore_mem>>) src(%arg7 : memref<128xf32, #tpu.memory_space<vmem>>) dst(%dma_wait3A_1519 : memref<10240xf32, #tpu.memory_space<vmem_shared>>)
        } else {
        }
        %dma_start3A_1506 = arith.constant 5 : i32
        %dma_start3A_1507 = arith.constant 1 : i32
        %dma_start3A_1508 = arith.constant 0 : i32
        %dma_start3A_1509 = tpu.memref_slice %arg8[%dma_start3A_1506, %dma_start3A_1507, %dma_start3A_1508] : memref<10x2x128xi32, #tpu.memory_space<vmem>> -> memref<1x1x128xi32, #tpu.memory_space<vmem>>
        %dma_start3A_1510 = tpu.memref_squeeze %dma_start3A_1509 : memref<1x1x128xi32, #tpu.memory_space<vmem>> -> memref<128xi32, #tpu.memory_space<vmem>>
        %dma_start3A_1511 = arith.constant 0 : i32
        %dma_start3A_1512 = tpu.memref_slice %arg13[%dma_start3A_1511] : memref<10240xf32, #tpu.memory_space<vmem_shared>> -> memref<10240xf32, #tpu.memory_space<vmem_shared>>
        tpu.enqueue_indirect_dma source(%arg7 : memref<128xf32, #tpu.memory_space<vmem>>) target(%dma_start3A_1512 : memref<10240xf32, #tpu.memory_space<vmem_shared>>) offsets(%dma_start3A_1510 : memref<128xi32, #tpu.memory_space<vmem>>) semaphore(%arg17 : memref<!tpu.dma_semaphore, #tpu.memory_space<semaphore_mem>>) {add = true}
      } else {
      }
      %dma_wait3A_794 = arith.constant 5 : i32
      %dma_wait3A_795 = arith.constant 1 : i32
      %dma_wait3A_796 = arith.constant 1 : i32
      %dma_wait3A_797 = arith.constant 0 : i32
      %dma_wait3A_798 = tpu.memref_slice %arg8[%dma_wait3A_794, %dma_wait3A_795, %dma_wait3A_797] : memref<10x2x128xi32, #tpu.memory_space<vmem>> -> memref<1x1x128xi32, #tpu.memory_space<vmem>>
      %dma_wait3A_799 = tpu.memref_squeeze %dma_wait3A_798 : memref<1x1x128xi32, #tpu.memory_space<vmem>> -> memref<128xi32, #tpu.memory_space<vmem>>
      %dma_wait3A_800 = arith.constant 0 : i32
      %dma_wait3A_801 = arith.constant 0 : i32
      %dma_wait3A_802 = tpu.memref_slice %arg12[%dma_wait3A_800, %dma_wait3A_801] : memref<10240x128xf32, #tpu.memory_space<vmem_shared>> -> memref<10240x128xf32, #tpu.memory_space<vmem_shared>>
      %dma_wait3A_803 = tpu.memref_slice %arg16[%dma_wait3A_796] : memref<2x!tpu.dma_semaphore, #tpu.memory_space<semaphore_mem>> -> memref<1x!tpu.dma_semaphore, #tpu.memory_space<semaphore_mem>>
      %dma_wait3A_804 = tpu.memref_squeeze %dma_wait3A_803 : memref<1x!tpu.dma_semaphore, #tpu.memory_space<semaphore_mem>> -> memref<!tpu.dma_semaphore, #tpu.memory_space<semaphore_mem>>
      tpu.wait_indirect_dma semaphore(%dma_wait3A_804 : memref<!tpu.dma_semaphore, #tpu.memory_space<semaphore_mem>>) src(%arg11 : memref<128x128xf32, #tpu.memory_space<vmem>>) dst(%dma_wait3A_802 : memref<10240x128xf32, #tpu.memory_space<vmem_shared>>)
      %dma_start3A_805 = arith.constant 7 : i32
      %dma_start3A_806 = arith.constant 0 : i32
      %dma_start3A_807 = arith.constant 1 : i32
      %dma_start3A_808 = arith.constant 0 : i32
      %dma_start3A_809 = tpu.memref_slice %arg8[%dma_start3A_805, %dma_start3A_806, %dma_start3A_808] : memref<10x2x128xi32, #tpu.memory_space<vmem>> -> memref<1x1x128xi32, #tpu.memory_space<vmem>>
      %dma_start3A_810 = tpu.memref_squeeze %dma_start3A_809 : memref<1x1x128xi32, #tpu.memory_space<vmem>> -> memref<128xi32, #tpu.memory_space<vmem>>
      %dma_start3A_811 = arith.constant 0 : i32
      %dma_start3A_812 = arith.constant 0 : i32
      %dma_start3A_813 = tpu.memref_slice %arg2[%dma_start3A_811, %dma_start3A_812] : memref<20000x128xf32, #tpu.memory_space<hbm>> -> memref<20000x128xf32, #tpu.memory_space<hbm>>
      %dma_start3A_814 = tpu.memref_slice %arg15[%dma_start3A_807] : memref<2x!tpu.dma_semaphore, #tpu.memory_space<semaphore_mem>> -> memref<1x!tpu.dma_semaphore, #tpu.memory_space<semaphore_mem>>
      %dma_start3A_815 = tpu.memref_squeeze %dma_start3A_814 : memref<1x!tpu.dma_semaphore, #tpu.memory_space<semaphore_mem>> -> memref<!tpu.dma_semaphore, #tpu.memory_space<semaphore_mem>>
      tpu.enqueue_indirect_dma source(%dma_start3A_813 : memref<20000x128xf32, #tpu.memory_space<hbm>>) target(%arg11 : memref<128x128xf32, #tpu.memory_space<vmem>>) offsets(%dma_start3A_810 : memref<128xi32, #tpu.memory_space<vmem>>) semaphore(%dma_start3A_815 : memref<!tpu.dma_semaphore, #tpu.memory_space<semaphore_mem>>)
      %add3A_816 = arith.constant 6 : i32
      %add3A_817 = arith.addi %mul3A_509, %add3A_816 : i32
      %dma_wait3A_818 = arith.constant 6 : i32
      %dma_wait3A_819 = arith.constant 0 : i32
      %dma_wait3A_820 = arith.constant 0 : i32
      %dma_wait3A_821 = arith.constant 0 : i32
      %dma_wait3A_822 = tpu.memref_slice %arg8[%dma_wait3A_818, %dma_wait3A_819, %dma_wait3A_821] : memref<10x2x128xi32, #tpu.memory_space<vmem>> -> memref<1x1x128xi32, #tpu.memory_space<vmem>>
      %dma_wait3A_823 = tpu.memref_squeeze %dma_wait3A_822 : memref<1x1x128xi32, #tpu.memory_space<vmem>> -> memref<128xi32, #tpu.memory_space<vmem>>
      %dma_wait3A_824 = arith.constant 0 : i32
      %dma_wait3A_825 = arith.constant 0 : i32
      %dma_wait3A_826 = tpu.memref_slice %arg2[%dma_wait3A_824, %dma_wait3A_825] : memref<20000x128xf32, #tpu.memory_space<hbm>> -> memref<20000x128xf32, #tpu.memory_space<hbm>>
      %dma_wait3A_827 = tpu.memref_slice %arg15[%dma_wait3A_820] : memref<2x!tpu.dma_semaphore, #tpu.memory_space<semaphore_mem>> -> memref<1x!tpu.dma_semaphore, #tpu.memory_space<semaphore_mem>>
      %dma_wait3A_828 = tpu.memref_squeeze %dma_wait3A_827 : memref<1x!tpu.dma_semaphore, #tpu.memory_space<semaphore_mem>> -> memref<!tpu.dma_semaphore, #tpu.memory_space<semaphore_mem>>
      tpu.wait_indirect_dma semaphore(%dma_wait3A_828 : memref<!tpu.dma_semaphore, #tpu.memory_space<semaphore_mem>>) src(%dma_wait3A_826 : memref<20000x128xf32, #tpu.memory_space<hbm>>) dst(%arg10 : memref<128x128xf32, #tpu.memory_space<vmem>>)
      %dma_start3A_829 = arith.constant 6 : i32
      %dma_start3A_830 = arith.constant 1 : i32
      %dma_start3A_831 = arith.constant 0 : i32
      %dma_start3A_832 = arith.constant 0 : i32
      %dma_start3A_833 = tpu.memref_slice %arg8[%dma_start3A_829, %dma_start3A_830, %dma_start3A_832] : memref<10x2x128xi32, #tpu.memory_space<vmem>> -> memref<1x1x128xi32, #tpu.memory_space<vmem>>
      %dma_start3A_834 = tpu.memref_squeeze %dma_start3A_833 : memref<1x1x128xi32, #tpu.memory_space<vmem>> -> memref<128xi32, #tpu.memory_space<vmem>>
      %dma_start3A_835 = arith.constant 0 : i32
      %dma_start3A_836 = arith.constant 0 : i32
      %dma_start3A_837 = tpu.memref_slice %arg12[%dma_start3A_835, %dma_start3A_836] : memref<10240x128xf32, #tpu.memory_space<vmem_shared>> -> memref<10240x128xf32, #tpu.memory_space<vmem_shared>>
      %dma_start3A_838 = tpu.memref_slice %arg16[%dma_start3A_831] : memref<2x!tpu.dma_semaphore, #tpu.memory_space<semaphore_mem>> -> memref<1x!tpu.dma_semaphore, #tpu.memory_space<semaphore_mem>>
      %dma_start3A_839 = tpu.memref_squeeze %dma_start3A_838 : memref<1x!tpu.dma_semaphore, #tpu.memory_space<semaphore_mem>> -> memref<!tpu.dma_semaphore, #tpu.memory_space<semaphore_mem>>
      tpu.enqueue_indirect_dma source(%arg10 : memref<128x128xf32, #tpu.memory_space<vmem>>) target(%dma_start3A_837 : memref<10240x128xf32, #tpu.memory_space<vmem_shared>>) offsets(%dma_start3A_834 : memref<128xi32, #tpu.memory_space<vmem>>) semaphore(%dma_start3A_839 : memref<!tpu.dma_semaphore, #tpu.memory_space<semaphore_mem>>) {add = true}
      %eq3A_840 = arith.constant 0 : i32
      %eq3A_841 = arith.cmpi eq, %arg0, %eq3A_840 : i32
      %convert_element_type3A_842 = arith.extui %eq3A_841 : i1 to i32
      %cond3A_843 = arith.constant 0 : i32
      %cond3A_844 = arith.cmpi ne, %convert_element_type3A_842, %cond3A_843 : i32
      scf.if %cond3A_844 {
        %ge3A = arith.constant 4 : i32
        %ge3A_1502 = arith.cmpi sge, %add3A_817, %ge3A : i32
        %convert_element_type3A_1503 = arith.extui %ge3A_1502 : i1 to i32
        %cond3A_1504 = arith.constant 0 : i32
        %cond3A_1505 = arith.cmpi ne, %convert_element_type3A_1503, %cond3A_1504 : i32
        scf.if %cond3A_1505 {
          %dma_wait3A_1513 = arith.constant 6 : i32
          %dma_wait3A_1514 = arith.constant 1 : i32
          %dma_wait3A_1515 = arith.constant 0 : i32
          %dma_wait3A_1516 = tpu.memref_slice %arg8[%dma_wait3A_1513, %dma_wait3A_1514, %dma_wait3A_1515] : memref<10x2x128xi32, #tpu.memory_space<vmem>> -> memref<1x1x128xi32, #tpu.memory_space<vmem>>
          %dma_wait3A_1517 = tpu.memref_squeeze %dma_wait3A_1516 : memref<1x1x128xi32, #tpu.memory_space<vmem>> -> memref<128xi32, #tpu.memory_space<vmem>>
          %dma_wait3A_1518 = arith.constant 0 : i32
          %dma_wait3A_1519 = tpu.memref_slice %arg13[%dma_wait3A_1518] : memref<10240xf32, #tpu.memory_space<vmem_shared>> -> memref<10240xf32, #tpu.memory_space<vmem_shared>>
          tpu.wait_indirect_dma semaphore(%arg17 : memref<!tpu.dma_semaphore, #tpu.memory_space<semaphore_mem>>) src(%arg7 : memref<128xf32, #tpu.memory_space<vmem>>) dst(%dma_wait3A_1519 : memref<10240xf32, #tpu.memory_space<vmem_shared>>)
        } else {
        }
        %dma_start3A_1506 = arith.constant 6 : i32
        %dma_start3A_1507 = arith.constant 1 : i32
        %dma_start3A_1508 = arith.constant 0 : i32
        %dma_start3A_1509 = tpu.memref_slice %arg8[%dma_start3A_1506, %dma_start3A_1507, %dma_start3A_1508] : memref<10x2x128xi32, #tpu.memory_space<vmem>> -> memref<1x1x128xi32, #tpu.memory_space<vmem>>
        %dma_start3A_1510 = tpu.memref_squeeze %dma_start3A_1509 : memref<1x1x128xi32, #tpu.memory_space<vmem>> -> memref<128xi32, #tpu.memory_space<vmem>>
        %dma_start3A_1511 = arith.constant 0 : i32
        %dma_start3A_1512 = tpu.memref_slice %arg13[%dma_start3A_1511] : memref<10240xf32, #tpu.memory_space<vmem_shared>> -> memref<10240xf32, #tpu.memory_space<vmem_shared>>
        tpu.enqueue_indirect_dma source(%arg7 : memref<128xf32, #tpu.memory_space<vmem>>) target(%dma_start3A_1512 : memref<10240xf32, #tpu.memory_space<vmem_shared>>) offsets(%dma_start3A_1510 : memref<128xi32, #tpu.memory_space<vmem>>) semaphore(%arg17 : memref<!tpu.dma_semaphore, #tpu.memory_space<semaphore_mem>>) {add = true}
      } else {
      }
      %dma_wait3A_845 = arith.constant 6 : i32
      %dma_wait3A_846 = arith.constant 1 : i32
      %dma_wait3A_847 = arith.constant 0 : i32
      %dma_wait3A_848 = arith.constant 0 : i32
      %dma_wait3A_849 = tpu.memref_slice %arg8[%dma_wait3A_845, %dma_wait3A_846, %dma_wait3A_848] : memref<10x2x128xi32, #tpu.memory_space<vmem>> -> memref<1x1x128xi32, #tpu.memory_space<vmem>>
      %dma_wait3A_850 = tpu.memref_squeeze %dma_wait3A_849 : memref<1x1x128xi32, #tpu.memory_space<vmem>> -> memref<128xi32, #tpu.memory_space<vmem>>
      %dma_wait3A_851 = arith.constant 0 : i32
      %dma_wait3A_852 = arith.constant 0 : i32
      %dma_wait3A_853 = tpu.memref_slice %arg12[%dma_wait3A_851, %dma_wait3A_852] : memref<10240x128xf32, #tpu.memory_space<vmem_shared>> -> memref<10240x128xf32, #tpu.memory_space<vmem_shared>>
      %dma_wait3A_854 = tpu.memref_slice %arg16[%dma_wait3A_847] : memref<2x!tpu.dma_semaphore, #tpu.memory_space<semaphore_mem>> -> memref<1x!tpu.dma_semaphore, #tpu.memory_space<semaphore_mem>>
      %dma_wait3A_855 = tpu.memref_squeeze %dma_wait3A_854 : memref<1x!tpu.dma_semaphore, #tpu.memory_space<semaphore_mem>> -> memref<!tpu.dma_semaphore, #tpu.memory_space<semaphore_mem>>
      tpu.wait_indirect_dma semaphore(%dma_wait3A_855 : memref<!tpu.dma_semaphore, #tpu.memory_space<semaphore_mem>>) src(%arg10 : memref<128x128xf32, #tpu.memory_space<vmem>>) dst(%dma_wait3A_853 : memref<10240x128xf32, #tpu.memory_space<vmem_shared>>)
      %dma_start3A_856 = arith.constant 8 : i32
      %dma_start3A_857 = arith.constant 0 : i32
      %dma_start3A_858 = arith.constant 0 : i32
      %dma_start3A_859 = arith.constant 0 : i32
      %dma_start3A_860 = tpu.memref_slice %arg8[%dma_start3A_856, %dma_start3A_857, %dma_start3A_859] : memref<10x2x128xi32, #tpu.memory_space<vmem>> -> memref<1x1x128xi32, #tpu.memory_space<vmem>>
      %dma_start3A_861 = tpu.memref_squeeze %dma_start3A_860 : memref<1x1x128xi32, #tpu.memory_space<vmem>> -> memref<128xi32, #tpu.memory_space<vmem>>
      %dma_start3A_862 = arith.constant 0 : i32
      %dma_start3A_863 = arith.constant 0 : i32
      %dma_start3A_864 = tpu.memref_slice %arg2[%dma_start3A_862, %dma_start3A_863] : memref<20000x128xf32, #tpu.memory_space<hbm>> -> memref<20000x128xf32, #tpu.memory_space<hbm>>
      %dma_start3A_865 = tpu.memref_slice %arg15[%dma_start3A_858] : memref<2x!tpu.dma_semaphore, #tpu.memory_space<semaphore_mem>> -> memref<1x!tpu.dma_semaphore, #tpu.memory_space<semaphore_mem>>
      %dma_start3A_866 = tpu.memref_squeeze %dma_start3A_865 : memref<1x!tpu.dma_semaphore, #tpu.memory_space<semaphore_mem>> -> memref<!tpu.dma_semaphore, #tpu.memory_space<semaphore_mem>>
      tpu.enqueue_indirect_dma source(%dma_start3A_864 : memref<20000x128xf32, #tpu.memory_space<hbm>>) target(%arg10 : memref<128x128xf32, #tpu.memory_space<vmem>>) offsets(%dma_start3A_861 : memref<128xi32, #tpu.memory_space<vmem>>) semaphore(%dma_start3A_866 : memref<!tpu.dma_semaphore, #tpu.memory_space<semaphore_mem>>)
      %add3A_867 = arith.constant 7 : i32
      %add3A_868 = arith.addi %mul3A_509, %add3A_867 : i32
      %dma_wait3A_869 = arith.constant 7 : i32
      %dma_wait3A_870 = arith.constant 0 : i32
      %dma_wait3A_871 = arith.constant 1 : i32
      %dma_wait3A_872 = arith.constant 0 : i32
      %dma_wait3A_873 = tpu.memref_slice %arg8[%dma_wait3A_869, %dma_wait3A_870, %dma_wait3A_872] : memref<10x2x128xi32, #tpu.memory_space<vmem>> -> memref<1x1x128xi32, #tpu.memory_space<vmem>>
      %dma_wait3A_874 = tpu.memref_squeeze %dma_wait3A_873 : memref<1x1x128xi32, #tpu.memory_space<vmem>> -> memref<128xi32, #tpu.memory_space<vmem>>
      %dma_wait3A_875 = arith.constant 0 : i32
      %dma_wait3A_876 = arith.constant 0 : i32
      %dma_wait3A_877 = tpu.memref_slice %arg2[%dma_wait3A_875, %dma_wait3A_876] : memref<20000x128xf32, #tpu.memory_space<hbm>> -> memref<20000x128xf32, #tpu.memory_space<hbm>>
      %dma_wait3A_878 = tpu.memref_slice %arg15[%dma_wait3A_871] : memref<2x!tpu.dma_semaphore, #tpu.memory_space<semaphore_mem>> -> memref<1x!tpu.dma_semaphore, #tpu.memory_space<semaphore_mem>>
      %dma_wait3A_879 = tpu.memref_squeeze %dma_wait3A_878 : memref<1x!tpu.dma_semaphore, #tpu.memory_space<semaphore_mem>> -> memref<!tpu.dma_semaphore, #tpu.memory_space<semaphore_mem>>
      tpu.wait_indirect_dma semaphore(%dma_wait3A_879 : memref<!tpu.dma_semaphore, #tpu.memory_space<semaphore_mem>>) src(%dma_wait3A_877 : memref<20000x128xf32, #tpu.memory_space<hbm>>) dst(%arg11 : memref<128x128xf32, #tpu.memory_space<vmem>>)
      %dma_start3A_880 = arith.constant 7 : i32
      %dma_start3A_881 = arith.constant 1 : i32
      %dma_start3A_882 = arith.constant 1 : i32
      %dma_start3A_883 = arith.constant 0 : i32
      %dma_start3A_884 = tpu.memref_slice %arg8[%dma_start3A_880, %dma_start3A_881, %dma_start3A_883] : memref<10x2x128xi32, #tpu.memory_space<vmem>> -> memref<1x1x128xi32, #tpu.memory_space<vmem>>
      %dma_start3A_885 = tpu.memref_squeeze %dma_start3A_884 : memref<1x1x128xi32, #tpu.memory_space<vmem>> -> memref<128xi32, #tpu.memory_space<vmem>>
      %dma_start3A_886 = arith.constant 0 : i32
      %dma_start3A_887 = arith.constant 0 : i32
      %dma_start3A_888 = tpu.memref_slice %arg12[%dma_start3A_886, %dma_start3A_887] : memref<10240x128xf32, #tpu.memory_space<vmem_shared>> -> memref<10240x128xf32, #tpu.memory_space<vmem_shared>>
      %dma_start3A_889 = tpu.memref_slice %arg16[%dma_start3A_882] : memref<2x!tpu.dma_semaphore, #tpu.memory_space<semaphore_mem>> -> memref<1x!tpu.dma_semaphore, #tpu.memory_space<semaphore_mem>>
      %dma_start3A_890 = tpu.memref_squeeze %dma_start3A_889 : memref<1x!tpu.dma_semaphore, #tpu.memory_space<semaphore_mem>> -> memref<!tpu.dma_semaphore, #tpu.memory_space<semaphore_mem>>
      tpu.enqueue_indirect_dma source(%arg11 : memref<128x128xf32, #tpu.memory_space<vmem>>) target(%dma_start3A_888 : memref<10240x128xf32, #tpu.memory_space<vmem_shared>>) offsets(%dma_start3A_885 : memref<128xi32, #tpu.memory_space<vmem>>) semaphore(%dma_start3A_890 : memref<!tpu.dma_semaphore, #tpu.memory_space<semaphore_mem>>) {add = true}
      %eq3A_891 = arith.constant 0 : i32
      %eq3A_892 = arith.cmpi eq, %arg0, %eq3A_891 : i32
      %convert_element_type3A_893 = arith.extui %eq3A_892 : i1 to i32
      %cond3A_894 = arith.constant 0 : i32
      %cond3A_895 = arith.cmpi ne, %convert_element_type3A_893, %cond3A_894 : i32
      scf.if %cond3A_895 {
        %ge3A = arith.constant 4 : i32
        %ge3A_1502 = arith.cmpi sge, %add3A_868, %ge3A : i32
        %convert_element_type3A_1503 = arith.extui %ge3A_1502 : i1 to i32
        %cond3A_1504 = arith.constant 0 : i32
        %cond3A_1505 = arith.cmpi ne, %convert_element_type3A_1503, %cond3A_1504 : i32
        scf.if %cond3A_1505 {
          %dma_wait3A_1513 = arith.constant 7 : i32
          %dma_wait3A_1514 = arith.constant 1 : i32
          %dma_wait3A_1515 = arith.constant 0 : i32
          %dma_wait3A_1516 = tpu.memref_slice %arg8[%dma_wait3A_1513, %dma_wait3A_1514, %dma_wait3A_1515] : memref<10x2x128xi32, #tpu.memory_space<vmem>> -> memref<1x1x128xi32, #tpu.memory_space<vmem>>
          %dma_wait3A_1517 = tpu.memref_squeeze %dma_wait3A_1516 : memref<1x1x128xi32, #tpu.memory_space<vmem>> -> memref<128xi32, #tpu.memory_space<vmem>>
          %dma_wait3A_1518 = arith.constant 0 : i32
          %dma_wait3A_1519 = tpu.memref_slice %arg13[%dma_wait3A_1518] : memref<10240xf32, #tpu.memory_space<vmem_shared>> -> memref<10240xf32, #tpu.memory_space<vmem_shared>>
          tpu.wait_indirect_dma semaphore(%arg17 : memref<!tpu.dma_semaphore, #tpu.memory_space<semaphore_mem>>) src(%arg7 : memref<128xf32, #tpu.memory_space<vmem>>) dst(%dma_wait3A_1519 : memref<10240xf32, #tpu.memory_space<vmem_shared>>)
        } else {
        }
        %dma_start3A_1506 = arith.constant 7 : i32
        %dma_start3A_1507 = arith.constant 1 : i32
        %dma_start3A_1508 = arith.constant 0 : i32
        %dma_start3A_1509 = tpu.memref_slice %arg8[%dma_start3A_1506, %dma_start3A_1507, %dma_start3A_1508] : memref<10x2x128xi32, #tpu.memory_space<vmem>> -> memref<1x1x128xi32, #tpu.memory_space<vmem>>
        %dma_start3A_1510 = tpu.memref_squeeze %dma_start3A_1509 : memref<1x1x128xi32, #tpu.memory_space<vmem>> -> memref<128xi32, #tpu.memory_space<vmem>>
        %dma_start3A_1511 = arith.constant 0 : i32
        %dma_start3A_1512 = tpu.memref_slice %arg13[%dma_start3A_1511] : memref<10240xf32, #tpu.memory_space<vmem_shared>> -> memref<10240xf32, #tpu.memory_space<vmem_shared>>
        tpu.enqueue_indirect_dma source(%arg7 : memref<128xf32, #tpu.memory_space<vmem>>) target(%dma_start3A_1512 : memref<10240xf32, #tpu.memory_space<vmem_shared>>) offsets(%dma_start3A_1510 : memref<128xi32, #tpu.memory_space<vmem>>) semaphore(%arg17 : memref<!tpu.dma_semaphore, #tpu.memory_space<semaphore_mem>>) {add = true}
      } else {
      }
      %dma_wait3A_896 = arith.constant 7 : i32
      %dma_wait3A_897 = arith.constant 1 : i32
      %dma_wait3A_898 = arith.constant 1 : i32
      %dma_wait3A_899 = arith.constant 0 : i32
      %dma_wait3A_900 = tpu.memref_slice %arg8[%dma_wait3A_896, %dma_wait3A_897, %dma_wait3A_899] : memref<10x2x128xi32, #tpu.memory_space<vmem>> -> memref<1x1x128xi32, #tpu.memory_space<vmem>>
      %dma_wait3A_901 = tpu.memref_squeeze %dma_wait3A_900 : memref<1x1x128xi32, #tpu.memory_space<vmem>> -> memref<128xi32, #tpu.memory_space<vmem>>
      %dma_wait3A_902 = arith.constant 0 : i32
      %dma_wait3A_903 = arith.constant 0 : i32
      %dma_wait3A_904 = tpu.memref_slice %arg12[%dma_wait3A_902, %dma_wait3A_903] : memref<10240x128xf32, #tpu.memory_space<vmem_shared>> -> memref<10240x128xf32, #tpu.memory_space<vmem_shared>>
      %dma_wait3A_905 = tpu.memref_slice %arg16[%dma_wait3A_898] : memref<2x!tpu.dma_semaphore, #tpu.memory_space<semaphore_mem>> -> memref<1x!tpu.dma_semaphore, #tpu.memory_space<semaphore_mem>>
      %dma_wait3A_906 = tpu.memref_squeeze %dma_wait3A_905 : memref<1x!tpu.dma_semaphore, #tpu.memory_space<semaphore_mem>> -> memref<!tpu.dma_semaphore, #tpu.memory_space<semaphore_mem>>
      tpu.wait_indirect_dma semaphore(%dma_wait3A_906 : memref<!tpu.dma_semaphore, #tpu.memory_space<semaphore_mem>>) src(%arg11 : memref<128x128xf32, #tpu.memory_space<vmem>>) dst(%dma_wait3A_904 : memref<10240x128xf32, #tpu.memory_space<vmem_shared>>)
      %dma_start3A_907 = arith.constant 9 : i32
      %dma_start3A_908 = arith.constant 0 : i32
      %dma_start3A_909 = arith.constant 1 : i32
      %dma_start3A_910 = arith.constant 0 : i32
      %dma_start3A_911 = tpu.memref_slice %arg8[%dma_start3A_907, %dma_start3A_908, %dma_start3A_910] : memref<10x2x128xi32, #tpu.memory_space<vmem>> -> memref<1x1x128xi32, #tpu.memory_space<vmem>>
      %dma_start3A_912 = tpu.memref_squeeze %dma_start3A_911 : memref<1x1x128xi32, #tpu.memory_space<vmem>> -> memref<128xi32, #tpu.memory_space<vmem>>
      %dma_start3A_913 = arith.constant 0 : i32
      %dma_start3A_914 = arith.constant 0 : i32
      %dma_start3A_915 = tpu.memref_slice %arg2[%dma_start3A_913, %dma_start3A_914] : memref<20000x128xf32, #tpu.memory_space<hbm>> -> memref<20000x128xf32, #tpu.memory_space<hbm>>
      %dma_start3A_916 = tpu.memref_slice %arg15[%dma_start3A_909] : memref<2x!tpu.dma_semaphore, #tpu.memory_space<semaphore_mem>> -> memref<1x!tpu.dma_semaphore, #tpu.memory_space<semaphore_mem>>
      %dma_start3A_917 = tpu.memref_squeeze %dma_start3A_916 : memref<1x!tpu.dma_semaphore, #tpu.memory_space<semaphore_mem>> -> memref<!tpu.dma_semaphore, #tpu.memory_space<semaphore_mem>>
      tpu.enqueue_indirect_dma source(%dma_start3A_915 : memref<20000x128xf32, #tpu.memory_space<hbm>>) target(%arg11 : memref<128x128xf32, #tpu.memory_space<vmem>>) offsets(%dma_start3A_912 : memref<128xi32, #tpu.memory_space<vmem>>) semaphore(%dma_start3A_917 : memref<!tpu.dma_semaphore, #tpu.memory_space<semaphore_mem>>)
      %add3A_918 = arith.constant 8 : i32
      %add3A_919 = arith.addi %mul3A_509, %add3A_918 : i32
      %dma_wait3A_920 = arith.constant 8 : i32
      %dma_wait3A_921 = arith.constant 0 : i32
      %dma_wait3A_922 = arith.constant 0 : i32
      %dma_wait3A_923 = arith.constant 0 : i32
      %dma_wait3A_924 = tpu.memref_slice %arg8[%dma_wait3A_920, %dma_wait3A_921, %dma_wait3A_923] : memref<10x2x128xi32, #tpu.memory_space<vmem>> -> memref<1x1x128xi32, #tpu.memory_space<vmem>>
      %dma_wait3A_925 = tpu.memref_squeeze %dma_wait3A_924 : memref<1x1x128xi32, #tpu.memory_space<vmem>> -> memref<128xi32, #tpu.memory_space<vmem>>
      %dma_wait3A_926 = arith.constant 0 : i32
      %dma_wait3A_927 = arith.constant 0 : i32
      %dma_wait3A_928 = tpu.memref_slice %arg2[%dma_wait3A_926, %dma_wait3A_927] : memref<20000x128xf32, #tpu.memory_space<hbm>> -> memref<20000x128xf32, #tpu.memory_space<hbm>>
      %dma_wait3A_929 = tpu.memref_slice %arg15[%dma_wait3A_922] : memref<2x!tpu.dma_semaphore, #tpu.memory_space<semaphore_mem>> -> memref<1x!tpu.dma_semaphore, #tpu.memory_space<semaphore_mem>>
      %dma_wait3A_930 = tpu.memref_squeeze %dma_wait3A_929 : memref<1x!tpu.dma_semaphore, #tpu.memory_space<semaphore_mem>> -> memref<!tpu.dma_semaphore, #tpu.memory_space<semaphore_mem>>
      tpu.wait_indirect_dma semaphore(%dma_wait3A_930 : memref<!tpu.dma_semaphore, #tpu.memory_space<semaphore_mem>>) src(%dma_wait3A_928 : memref<20000x128xf32, #tpu.memory_space<hbm>>) dst(%arg10 : memref<128x128xf32, #tpu.memory_space<vmem>>)
      %dma_start3A_931 = arith.constant 8 : i32
      %dma_start3A_932 = arith.constant 1 : i32
      %dma_start3A_933 = arith.constant 0 : i32
      %dma_start3A_934 = arith.constant 0 : i32
      %dma_start3A_935 = tpu.memref_slice %arg8[%dma_start3A_931, %dma_start3A_932, %dma_start3A_934] : memref<10x2x128xi32, #tpu.memory_space<vmem>> -> memref<1x1x128xi32, #tpu.memory_space<vmem>>
      %dma_start3A_936 = tpu.memref_squeeze %dma_start3A_935 : memref<1x1x128xi32, #tpu.memory_space<vmem>> -> memref<128xi32, #tpu.memory_space<vmem>>
      %dma_start3A_937 = arith.constant 0 : i32
      %dma_start3A_938 = arith.constant 0 : i32
      %dma_start3A_939 = tpu.memref_slice %arg12[%dma_start3A_937, %dma_start3A_938] : memref<10240x128xf32, #tpu.memory_space<vmem_shared>> -> memref<10240x128xf32, #tpu.memory_space<vmem_shared>>
      %dma_start3A_940 = tpu.memref_slice %arg16[%dma_start3A_933] : memref<2x!tpu.dma_semaphore, #tpu.memory_space<semaphore_mem>> -> memref<1x!tpu.dma_semaphore, #tpu.memory_space<semaphore_mem>>
      %dma_start3A_941 = tpu.memref_squeeze %dma_start3A_940 : memref<1x!tpu.dma_semaphore, #tpu.memory_space<semaphore_mem>> -> memref<!tpu.dma_semaphore, #tpu.memory_space<semaphore_mem>>
      tpu.enqueue_indirect_dma source(%arg10 : memref<128x128xf32, #tpu.memory_space<vmem>>) target(%dma_start3A_939 : memref<10240x128xf32, #tpu.memory_space<vmem_shared>>) offsets(%dma_start3A_936 : memref<128xi32, #tpu.memory_space<vmem>>) semaphore(%dma_start3A_941 : memref<!tpu.dma_semaphore, #tpu.memory_space<semaphore_mem>>) {add = true}
      %eq3A_942 = arith.constant 0 : i32
      %eq3A_943 = arith.cmpi eq, %arg0, %eq3A_942 : i32
      %convert_element_type3A_944 = arith.extui %eq3A_943 : i1 to i32
      %cond3A_945 = arith.constant 0 : i32
      %cond3A_946 = arith.cmpi ne, %convert_element_type3A_944, %cond3A_945 : i32
      scf.if %cond3A_946 {
        %ge3A = arith.constant 4 : i32
        %ge3A_1502 = arith.cmpi sge, %add3A_919, %ge3A : i32
        %convert_element_type3A_1503 = arith.extui %ge3A_1502 : i1 to i32
        %cond3A_1504 = arith.constant 0 : i32
        %cond3A_1505 = arith.cmpi ne, %convert_element_type3A_1503, %cond3A_1504 : i32
        scf.if %cond3A_1505 {
          %dma_wait3A_1513 = arith.constant 8 : i32
          %dma_wait3A_1514 = arith.constant 1 : i32
          %dma_wait3A_1515 = arith.constant 0 : i32
          %dma_wait3A_1516 = tpu.memref_slice %arg8[%dma_wait3A_1513, %dma_wait3A_1514, %dma_wait3A_1515] : memref<10x2x128xi32, #tpu.memory_space<vmem>> -> memref<1x1x128xi32, #tpu.memory_space<vmem>>
          %dma_wait3A_1517 = tpu.memref_squeeze %dma_wait3A_1516 : memref<1x1x128xi32, #tpu.memory_space<vmem>> -> memref<128xi32, #tpu.memory_space<vmem>>
          %dma_wait3A_1518 = arith.constant 0 : i32
          %dma_wait3A_1519 = tpu.memref_slice %arg13[%dma_wait3A_1518] : memref<10240xf32, #tpu.memory_space<vmem_shared>> -> memref<10240xf32, #tpu.memory_space<vmem_shared>>
          tpu.wait_indirect_dma semaphore(%arg17 : memref<!tpu.dma_semaphore, #tpu.memory_space<semaphore_mem>>) src(%arg7 : memref<128xf32, #tpu.memory_space<vmem>>) dst(%dma_wait3A_1519 : memref<10240xf32, #tpu.memory_space<vmem_shared>>)
        } else {
        }
        %dma_start3A_1506 = arith.constant 8 : i32
        %dma_start3A_1507 = arith.constant 1 : i32
        %dma_start3A_1508 = arith.constant 0 : i32
        %dma_start3A_1509 = tpu.memref_slice %arg8[%dma_start3A_1506, %dma_start3A_1507, %dma_start3A_1508] : memref<10x2x128xi32, #tpu.memory_space<vmem>> -> memref<1x1x128xi32, #tpu.memory_space<vmem>>
        %dma_start3A_1510 = tpu.memref_squeeze %dma_start3A_1509 : memref<1x1x128xi32, #tpu.memory_space<vmem>> -> memref<128xi32, #tpu.memory_space<vmem>>
        %dma_start3A_1511 = arith.constant 0 : i32
        %dma_start3A_1512 = tpu.memref_slice %arg13[%dma_start3A_1511] : memref<10240xf32, #tpu.memory_space<vmem_shared>> -> memref<10240xf32, #tpu.memory_space<vmem_shared>>
        tpu.enqueue_indirect_dma source(%arg7 : memref<128xf32, #tpu.memory_space<vmem>>) target(%dma_start3A_1512 : memref<10240xf32, #tpu.memory_space<vmem_shared>>) offsets(%dma_start3A_1510 : memref<128xi32, #tpu.memory_space<vmem>>) semaphore(%arg17 : memref<!tpu.dma_semaphore, #tpu.memory_space<semaphore_mem>>) {add = true}
      } else {
      }
      %dma_wait3A_947 = arith.constant 8 : i32
      %dma_wait3A_948 = arith.constant 1 : i32
      %dma_wait3A_949 = arith.constant 0 : i32
      %dma_wait3A_950 = arith.constant 0 : i32
      %dma_wait3A_951 = tpu.memref_slice %arg8[%dma_wait3A_947, %dma_wait3A_948, %dma_wait3A_950] : memref<10x2x128xi32, #tpu.memory_space<vmem>> -> memref<1x1x128xi32, #tpu.memory_space<vmem>>
      %dma_wait3A_952 = tpu.memref_squeeze %dma_wait3A_951 : memref<1x1x128xi32, #tpu.memory_space<vmem>> -> memref<128xi32, #tpu.memory_space<vmem>>
      %dma_wait3A_953 = arith.constant 0 : i32
      %dma_wait3A_954 = arith.constant 0 : i32
      %dma_wait3A_955 = tpu.memref_slice %arg12[%dma_wait3A_953, %dma_wait3A_954] : memref<10240x128xf32, #tpu.memory_space<vmem_shared>> -> memref<10240x128xf32, #tpu.memory_space<vmem_shared>>
      %dma_wait3A_956 = tpu.memref_slice %arg16[%dma_wait3A_949] : memref<2x!tpu.dma_semaphore, #tpu.memory_space<semaphore_mem>> -> memref<1x!tpu.dma_semaphore, #tpu.memory_space<semaphore_mem>>
      %dma_wait3A_957 = tpu.memref_squeeze %dma_wait3A_956 : memref<1x!tpu.dma_semaphore, #tpu.memory_space<semaphore_mem>> -> memref<!tpu.dma_semaphore, #tpu.memory_space<semaphore_mem>>
      tpu.wait_indirect_dma semaphore(%dma_wait3A_957 : memref<!tpu.dma_semaphore, #tpu.memory_space<semaphore_mem>>) src(%arg10 : memref<128x128xf32, #tpu.memory_space<vmem>>) dst(%dma_wait3A_955 : memref<10240x128xf32, #tpu.memory_space<vmem_shared>>)
      %add3A_958 = arith.constant 9 : i32
      %add3A_959 = arith.addi %mul3A_509, %add3A_958 : i32
      %dma_wait3A_960 = arith.constant 9 : i32
      %dma_wait3A_961 = arith.constant 0 : i32
      %dma_wait3A_962 = arith.constant 1 : i32
      %dma_wait3A_963 = arith.constant 0 : i32
      %dma_wait3A_964 = tpu.memref_slice %arg8[%dma_wait3A_960, %dma_wait3A_961, %dma_wait3A_963] : memref<10x2x128xi32, #tpu.memory_space<vmem>> -> memref<1x1x128xi32, #tpu.memory_space<vmem>>
      %dma_wait3A_965 = tpu.memref_squeeze %dma_wait3A_964 : memref<1x1x128xi32, #tpu.memory_space<vmem>> -> memref<128xi32, #tpu.memory_space<vmem>>
      %dma_wait3A_966 = arith.constant 0 : i32
      %dma_wait3A_967 = arith.constant 0 : i32
      %dma_wait3A_968 = tpu.memref_slice %arg2[%dma_wait3A_966, %dma_wait3A_967] : memref<20000x128xf32, #tpu.memory_space<hbm>> -> memref<20000x128xf32, #tpu.memory_space<hbm>>
      %dma_wait3A_969 = tpu.memref_slice %arg15[%dma_wait3A_962] : memref<2x!tpu.dma_semaphore, #tpu.memory_space<semaphore_mem>> -> memref<1x!tpu.dma_semaphore, #tpu.memory_space<semaphore_mem>>
      %dma_wait3A_970 = tpu.memref_squeeze %dma_wait3A_969 : memref<1x!tpu.dma_semaphore, #tpu.memory_space<semaphore_mem>> -> memref<!tpu.dma_semaphore, #tpu.memory_space<semaphore_mem>>
      tpu.wait_indirect_dma semaphore(%dma_wait3A_970 : memref<!tpu.dma_semaphore, #tpu.memory_space<semaphore_mem>>) src(%dma_wait3A_968 : memref<20000x128xf32, #tpu.memory_space<hbm>>) dst(%arg11 : memref<128x128xf32, #tpu.memory_space<vmem>>)
      %dma_start3A_971 = arith.constant 9 : i32
      %dma_start3A_972 = arith.constant 1 : i32
      %dma_start3A_973 = arith.constant 1 : i32
      %dma_start3A_974 = arith.constant 0 : i32
      %dma_start3A_975 = tpu.memref_slice %arg8[%dma_start3A_971, %dma_start3A_972, %dma_start3A_974] : memref<10x2x128xi32, #tpu.memory_space<vmem>> -> memref<1x1x128xi32, #tpu.memory_space<vmem>>
      %dma_start3A_976 = tpu.memref_squeeze %dma_start3A_975 : memref<1x1x128xi32, #tpu.memory_space<vmem>> -> memref<128xi32, #tpu.memory_space<vmem>>
      %dma_start3A_977 = arith.constant 0 : i32
      %dma_start3A_978 = arith.constant 0 : i32
      %dma_start3A_979 = tpu.memref_slice %arg12[%dma_start3A_977, %dma_start3A_978] : memref<10240x128xf32, #tpu.memory_space<vmem_shared>> -> memref<10240x128xf32, #tpu.memory_space<vmem_shared>>
      %dma_start3A_980 = tpu.memref_slice %arg16[%dma_start3A_973] : memref<2x!tpu.dma_semaphore, #tpu.memory_space<semaphore_mem>> -> memref<1x!tpu.dma_semaphore, #tpu.memory_space<semaphore_mem>>
      %dma_start3A_981 = tpu.memref_squeeze %dma_start3A_980 : memref<1x!tpu.dma_semaphore, #tpu.memory_space<semaphore_mem>> -> memref<!tpu.dma_semaphore, #tpu.memory_space<semaphore_mem>>
      tpu.enqueue_indirect_dma source(%arg11 : memref<128x128xf32, #tpu.memory_space<vmem>>) target(%dma_start3A_979 : memref<10240x128xf32, #tpu.memory_space<vmem_shared>>) offsets(%dma_start3A_976 : memref<128xi32, #tpu.memory_space<vmem>>) semaphore(%dma_start3A_981 : memref<!tpu.dma_semaphore, #tpu.memory_space<semaphore_mem>>) {add = true}
      %eq3A_982 = arith.constant 0 : i32
      %eq3A_983 = arith.cmpi eq, %arg0, %eq3A_982 : i32
      %convert_element_type3A_984 = arith.extui %eq3A_983 : i1 to i32
      %cond3A_985 = arith.constant 0 : i32
      %cond3A_986 = arith.cmpi ne, %convert_element_type3A_984, %cond3A_985 : i32
      scf.if %cond3A_986 {
        %ge3A = arith.constant 4 : i32
        %ge3A_1502 = arith.cmpi sge, %add3A_959, %ge3A : i32
        %convert_element_type3A_1503 = arith.extui %ge3A_1502 : i1 to i32
        %cond3A_1504 = arith.constant 0 : i32
        %cond3A_1505 = arith.cmpi ne, %convert_element_type3A_1503, %cond3A_1504 : i32
        scf.if %cond3A_1505 {
          %dma_wait3A_1513 = arith.constant 9 : i32
          %dma_wait3A_1514 = arith.constant 1 : i32
          %dma_wait3A_1515 = arith.constant 0 : i32
          %dma_wait3A_1516 = tpu.memref_slice %arg8[%dma_wait3A_1513, %dma_wait3A_1514, %dma_wait3A_1515] : memref<10x2x128xi32, #tpu.memory_space<vmem>> -> memref<1x1x128xi32, #tpu.memory_space<vmem>>
          %dma_wait3A_1517 = tpu.memref_squeeze %dma_wait3A_1516 : memref<1x1x128xi32, #tpu.memory_space<vmem>> -> memref<128xi32, #tpu.memory_space<vmem>>
          %dma_wait3A_1518 = arith.constant 0 : i32
          %dma_wait3A_1519 = tpu.memref_slice %arg13[%dma_wait3A_1518] : memref<10240xf32, #tpu.memory_space<vmem_shared>> -> memref<10240xf32, #tpu.memory_space<vmem_shared>>
          tpu.wait_indirect_dma semaphore(%arg17 : memref<!tpu.dma_semaphore, #tpu.memory_space<semaphore_mem>>) src(%arg7 : memref<128xf32, #tpu.memory_space<vmem>>) dst(%dma_wait3A_1519 : memref<10240xf32, #tpu.memory_space<vmem_shared>>)
        } else {
        }
        %dma_start3A_1506 = arith.constant 9 : i32
        %dma_start3A_1507 = arith.constant 1 : i32
        %dma_start3A_1508 = arith.constant 0 : i32
        %dma_start3A_1509 = tpu.memref_slice %arg8[%dma_start3A_1506, %dma_start3A_1507, %dma_start3A_1508] : memref<10x2x128xi32, #tpu.memory_space<vmem>> -> memref<1x1x128xi32, #tpu.memory_space<vmem>>
        %dma_start3A_1510 = tpu.memref_squeeze %dma_start3A_1509 : memref<1x1x128xi32, #tpu.memory_space<vmem>> -> memref<128xi32, #tpu.memory_space<vmem>>
        %dma_start3A_1511 = arith.constant 0 : i32
        %dma_start3A_1512 = tpu.memref_slice %arg13[%dma_start3A_1511] : memref<10240xf32, #tpu.memory_space<vmem_shared>> -> memref<10240xf32, #tpu.memory_space<vmem_shared>>
        tpu.enqueue_indirect_dma source(%arg7 : memref<128xf32, #tpu.memory_space<vmem>>) target(%dma_start3A_1512 : memref<10240xf32, #tpu.memory_space<vmem_shared>>) offsets(%dma_start3A_1510 : memref<128xi32, #tpu.memory_space<vmem>>) semaphore(%arg17 : memref<!tpu.dma_semaphore, #tpu.memory_space<semaphore_mem>>) {add = true}
      } else {
      }
      %dma_wait3A_987 = arith.constant 9 : i32
      %dma_wait3A_988 = arith.constant 1 : i32
      %dma_wait3A_989 = arith.constant 1 : i32
      %dma_wait3A_990 = arith.constant 0 : i32
      %dma_wait3A_991 = tpu.memref_slice %arg8[%dma_wait3A_987, %dma_wait3A_988, %dma_wait3A_990] : memref<10x2x128xi32, #tpu.memory_space<vmem>> -> memref<1x1x128xi32, #tpu.memory_space<vmem>>
      %dma_wait3A_992 = tpu.memref_squeeze %dma_wait3A_991 : memref<1x1x128xi32, #tpu.memory_space<vmem>> -> memref<128xi32, #tpu.memory_space<vmem>>
      %dma_wait3A_993 = arith.constant 0 : i32
      %dma_wait3A_994 = arith.constant 0 : i32
      %dma_wait3A_995 = tpu.memref_slice %arg12[%dma_wait3A_993, %dma_wait3A_994] : memref<10240x128xf32, #tpu.memory_space<vmem_shared>> -> memref<10240x128xf32, #tpu.memory_space<vmem_shared>>
      %dma_wait3A_996 = tpu.memref_slice %arg16[%dma_wait3A_989] : memref<2x!tpu.dma_semaphore, #tpu.memory_space<semaphore_mem>> -> memref<1x!tpu.dma_semaphore, #tpu.memory_space<semaphore_mem>>
      %dma_wait3A_997 = tpu.memref_squeeze %dma_wait3A_996 : memref<1x!tpu.dma_semaphore, #tpu.memory_space<semaphore_mem>> -> memref<!tpu.dma_semaphore, #tpu.memory_space<semaphore_mem>>
      tpu.wait_indirect_dma semaphore(%dma_wait3A_997 : memref<!tpu.dma_semaphore, #tpu.memory_space<semaphore_mem>>) src(%arg11 : memref<128x128xf32, #tpu.memory_space<vmem>>) dst(%dma_wait3A_995 : memref<10240x128xf32, #tpu.memory_space<vmem_shared>>)
      %lt3A = arith.constant 7 : i32
      %lt3A_998 = arith.cmpi slt, %add3A_507, %lt3A : i32
      %convert_element_type3A_999 = arith.extui %lt3A_998 : i1 to i32
      %cond3A_1000 = arith.constant 0 : i32
      %cond3A_1001 = arith.cmpi ne, %convert_element_type3A_999, %cond3A_1000 : i32
      scf.if %cond3A_1001 {
        %add3A_1502 = arith.constant 1 : i32
        %add3A_1503 = arith.addi %add3A_507, %add3A_1502 : i32
        %mul3A_1504 = arith.constant 80 : i32
        %mul3A_1505 = arith.muli %arg1, %mul3A_1504 : i32
        %mul3A_1506 = arith.constant 10 : i32
        %mul3A_1507 = arith.muli %add3A_1503, %mul3A_1506 : i32
        %add3A_1508 = arith.addi %mul3A_1505, %mul3A_1507 : i32
        %dma_wait3A_1509 = arith.constant 1 : i32
        %dma_wait3A_1510 = arith.constant 0 : i32
        %dma_wait3A_1511 = arith.constant 0 : i32
        %dma_wait3A_1512 = tpu.memref_slice %arg3[%arg0, %add3A_1508, %dma_wait3A_1510, %dma_wait3A_1511] : memref<2x1280x2x128xi32, #tpu.memory_space<hbm>> -> memref<1x10x2x128xi32, #tpu.memory_space<hbm>>
        %dma_wait3A_1513 = tpu.memref_squeeze %dma_wait3A_1512 : memref<1x10x2x128xi32, #tpu.memory_space<hbm>> -> memref<10x2x128xi32, #tpu.memory_space<hbm>>
        %dma_wait3A_1514 = tpu.memref_slice %arg14[%dma_wait3A_1509] : memref<2x!tpu.dma_semaphore, #tpu.memory_space<semaphore_mem>> -> memref<1x!tpu.dma_semaphore, #tpu.memory_space<semaphore_mem>>
        %dma_wait3A_1515 = tpu.memref_squeeze %dma_wait3A_1514 : memref<1x!tpu.dma_semaphore, #tpu.memory_space<semaphore_mem>> -> memref<!tpu.dma_semaphore, #tpu.memory_space<semaphore_mem>>
        %dma_wait3A_1516 = arith.constant 0 : i32
        %dma_wait3A_1517 = arith.constant 0 : i32
        %dma_wait3A_1518 = tpu.memref_slice %arg3[%arg0, %add3A_1508, %dma_wait3A_1516, %dma_wait3A_1517] : memref<2x1280x2x128xi32, #tpu.memory_space<hbm>> -> memref<1x10x2x128xi32, #tpu.memory_space<hbm>>
        %dma_wait3A_1519 = tpu.memref_squeeze %dma_wait3A_1518 : memref<1x10x2x128xi32, #tpu.memory_space<hbm>> -> memref<10x2x128xi32, #tpu.memory_space<hbm>>
        tpu.wait_dma2 semaphore(%dma_wait3A_1515 : memref<!tpu.dma_semaphore, #tpu.memory_space<semaphore_mem>>) src(%dma_wait3A_1519 : memref<10x2x128xi32, #tpu.memory_space<hbm>>) dst(%arg9 : memref<10x2x128xi32, #tpu.memory_space<vmem>>)
        %dma_start3A_1520 = arith.constant 0 : i32
        %dma_start3A_1521 = arith.constant 0 : i32
        %dma_start3A_1522 = arith.constant 0 : i32
        %dma_start3A_1523 = arith.constant 0 : i32
        %dma_start3A_1524 = tpu.memref_slice %arg9[%dma_start3A_1520, %dma_start3A_1521, %dma_start3A_1523] : memref<10x2x128xi32, #tpu.memory_space<vmem>> -> memref<1x1x128xi32, #tpu.memory_space<vmem>>
        %dma_start3A_1525 = tpu.memref_squeeze %dma_start3A_1524 : memref<1x1x128xi32, #tpu.memory_space<vmem>> -> memref<128xi32, #tpu.memory_space<vmem>>
        %dma_start3A_1526 = arith.constant 0 : i32
        %dma_start3A_1527 = arith.constant 0 : i32
        %dma_start3A_1528 = tpu.memref_slice %arg2[%dma_start3A_1526, %dma_start3A_1527] : memref<20000x128xf32, #tpu.memory_space<hbm>> -> memref<20000x128xf32, #tpu.memory_space<hbm>>
        %dma_start3A_1529 = tpu.memref_slice %arg15[%dma_start3A_1522] : memref<2x!tpu.dma_semaphore, #tpu.memory_space<semaphore_mem>> -> memref<1x!tpu.dma_semaphore, #tpu.memory_space<semaphore_mem>>
        %dma_start3A_1530 = tpu.memref_squeeze %dma_start3A_1529 : memref<1x!tpu.dma_semaphore, #tpu.memory_space<semaphore_mem>> -> memref<!tpu.dma_semaphore, #tpu.memory_space<semaphore_mem>>
        tpu.enqueue_indirect_dma source(%dma_start3A_1528 : memref<20000x128xf32, #tpu.memory_space<hbm>>) target(%arg10 : memref<128x128xf32, #tpu.memory_space<vmem>>) offsets(%dma_start3A_1525 : memref<128xi32, #tpu.memory_space<vmem>>) semaphore(%dma_start3A_1530 : memref<!tpu.dma_semaphore, #tpu.memory_space<semaphore_mem>>)
        %dma_start3A_1531 = arith.constant 1 : i32
        %dma_start3A_1532 = arith.constant 0 : i32
        %dma_start3A_1533 = arith.constant 1 : i32
        %dma_start3A_1534 = arith.constant 0 : i32
        %dma_start3A_1535 = tpu.memref_slice %arg9[%dma_start3A_1531, %dma_start3A_1532, %dma_start3A_1534] : memref<10x2x128xi32, #tpu.memory_space<vmem>> -> memref<1x1x128xi32, #tpu.memory_space<vmem>>
        %dma_start3A_1536 = tpu.memref_squeeze %dma_start3A_1535 : memref<1x1x128xi32, #tpu.memory_space<vmem>> -> memref<128xi32, #tpu.memory_space<vmem>>
        %dma_start3A_1537 = arith.constant 0 : i32
        %dma_start3A_1538 = arith.constant 0 : i32
        %dma_start3A_1539 = tpu.memref_slice %arg2[%dma_start3A_1537, %dma_start3A_1538] : memref<20000x128xf32, #tpu.memory_space<hbm>> -> memref<20000x128xf32, #tpu.memory_space<hbm>>
        %dma_start3A_1540 = tpu.memref_slice %arg15[%dma_start3A_1533] : memref<2x!tpu.dma_semaphore, #tpu.memory_space<semaphore_mem>> -> memref<1x!tpu.dma_semaphore, #tpu.memory_space<semaphore_mem>>
        %dma_start3A_1541 = tpu.memref_squeeze %dma_start3A_1540 : memref<1x!tpu.dma_semaphore, #tpu.memory_space<semaphore_mem>> -> memref<!tpu.dma_semaphore, #tpu.memory_space<semaphore_mem>>
        tpu.enqueue_indirect_dma source(%dma_start3A_1539 : memref<20000x128xf32, #tpu.memory_space<hbm>>) target(%arg11 : memref<128x128xf32, #tpu.memory_space<vmem>>) offsets(%dma_start3A_1536 : memref<128xi32, #tpu.memory_space<vmem>>) semaphore(%dma_start3A_1541 : memref<!tpu.dma_semaphore, #tpu.memory_space<semaphore_mem>>)
        %lt3A_1542 = arith.constant 6 : i32
        %lt3A_1543 = arith.cmpi slt, %add3A_507, %lt3A_1542 : i32
        %convert_element_type3A_1544 = arith.extui %lt3A_1543 : i1 to i32
        %cond3A_1545 = arith.constant 0 : i32
        %cond3A_1546 = arith.cmpi ne, %convert_element_type3A_1544, %cond3A_1545 : i32
        scf.if %cond3A_1546 {
          %add3A_1547 = arith.constant 2 : i32
          %add3A_1548 = arith.addi %add3A_507, %add3A_1547 : i32
          %mul3A_1549 = arith.constant 80 : i32
          %mul3A_1550 = arith.muli %arg1, %mul3A_1549 : i32
          %mul3A_1551 = arith.constant 10 : i32
          %mul3A_1552 = arith.muli %add3A_1548, %mul3A_1551 : i32
          %add3A_1553 = arith.addi %mul3A_1550, %mul3A_1552 : i32
          %dma_start3A_1554 = arith.constant 0 : i32
          %dma_start3A_1555 = arith.constant 0 : i32
          %dma_start3A_1556 = arith.constant 0 : i32
          %dma_start3A_1557 = tpu.memref_slice %arg3[%arg0, %add3A_1553, %dma_start3A_1555, %dma_start3A_1556] : memref<2x1280x2x128xi32, #tpu.memory_space<hbm>> -> memref<1x10x2x128xi32, #tpu.memory_space<hbm>>
          %dma_start3A_1558 = tpu.memref_squeeze %dma_start3A_1557 : memref<1x10x2x128xi32, #tpu.memory_space<hbm>> -> memref<10x2x128xi32, #tpu.memory_space<hbm>>
          %dma_start3A_1559 = tpu.memref_slice %arg14[%dma_start3A_1554] : memref<2x!tpu.dma_semaphore, #tpu.memory_space<semaphore_mem>> -> memref<1x!tpu.dma_semaphore, #tpu.memory_space<semaphore_mem>>
          %dma_start3A_1560 = tpu.memref_squeeze %dma_start3A_1559 : memref<1x!tpu.dma_semaphore, #tpu.memory_space<semaphore_mem>> -> memref<!tpu.dma_semaphore, #tpu.memory_space<semaphore_mem>>
          %dma_start3A_1561 = arith.constant 0 : i32
          %dma_start3A_1562 = arith.constant 0 : i32
          %dma_start3A_1563 = tpu.memref_slice %arg3[%arg0, %add3A_1553, %dma_start3A_1561, %dma_start3A_1562] : memref<2x1280x2x128xi32, #tpu.memory_space<hbm>> -> memref<1x10x2x128xi32, #tpu.memory_space<hbm>>
          %dma_start3A_1564 = tpu.memref_squeeze %dma_start3A_1563 : memref<1x10x2x128xi32, #tpu.memory_space<hbm>> -> memref<10x2x128xi32, #tpu.memory_space<hbm>>
          tpu.enqueue_dma source(%dma_start3A_1564 : memref<10x2x128xi32, #tpu.memory_space<hbm>>) target(%arg8 : memref<10x2x128xi32, #tpu.memory_space<vmem>>) target_semaphore(%dma_start3A_1560 : memref<!tpu.dma_semaphore, #tpu.memory_space<semaphore_mem>>)
        } else {
        }
      } else {
      }
      %mul3A_1002 = arith.constant 2 : i32
      %mul3A_1003 = arith.muli %scan3A_502, %mul3A_1002 : i32
      %add3A_1004 = arith.constant 1 : i32
      %add3A_1005 = arith.addi %mul3A_1003, %add3A_1004 : i32
      %mul3A_1006 = arith.constant 10 : i32
      %mul3A_1007 = arith.muli %add3A_1005, %mul3A_1006 : i32
      %add3A_1008 = arith.constant 0 : i32
      %add3A_1009 = arith.addi %mul3A_1007, %add3A_1008 : i32
      %dma_wait3A_1010 = arith.constant 0 : i32
      %dma_wait3A_1011 = arith.constant 0 : i32
      %dma_wait3A_1012 = arith.constant 0 : i32
      %dma_wait3A_1013 = arith.constant 0 : i32
      %dma_wait3A_1014 = tpu.memref_slice %arg9[%dma_wait3A_1010, %dma_wait3A_1011, %dma_wait3A_1013] : memref<10x2x128xi32, #tpu.memory_space<vmem>> -> memref<1x1x128xi32, #tpu.memory_space<vmem>>
      %dma_wait3A_1015 = tpu.memref_squeeze %dma_wait3A_1014 : memref<1x1x128xi32, #tpu.memory_space<vmem>> -> memref<128xi32, #tpu.memory_space<vmem>>
      %dma_wait3A_1016 = arith.constant 0 : i32
      %dma_wait3A_1017 = arith.constant 0 : i32
      %dma_wait3A_1018 = tpu.memref_slice %arg2[%dma_wait3A_1016, %dma_wait3A_1017] : memref<20000x128xf32, #tpu.memory_space<hbm>> -> memref<20000x128xf32, #tpu.memory_space<hbm>>
      %dma_wait3A_1019 = tpu.memref_slice %arg15[%dma_wait3A_1012] : memref<2x!tpu.dma_semaphore, #tpu.memory_space<semaphore_mem>> -> memref<1x!tpu.dma_semaphore, #tpu.memory_space<semaphore_mem>>
      %dma_wait3A_1020 = tpu.memref_squeeze %dma_wait3A_1019 : memref<1x!tpu.dma_semaphore, #tpu.memory_space<semaphore_mem>> -> memref<!tpu.dma_semaphore, #tpu.memory_space<semaphore_mem>>
      tpu.wait_indirect_dma semaphore(%dma_wait3A_1020 : memref<!tpu.dma_semaphore, #tpu.memory_space<semaphore_mem>>) src(%dma_wait3A_1018 : memref<20000x128xf32, #tpu.memory_space<hbm>>) dst(%arg10 : memref<128x128xf32, #tpu.memory_space<vmem>>)
      %dma_start3A_1021 = arith.constant 0 : i32
      %dma_start3A_1022 = arith.constant 1 : i32
      %dma_start3A_1023 = arith.constant 0 : i32
      %dma_start3A_1024 = arith.constant 0 : i32
      %dma_start3A_1025 = tpu.memref_slice %arg9[%dma_start3A_1021, %dma_start3A_1022, %dma_start3A_1024] : memref<10x2x128xi32, #tpu.memory_space<vmem>> -> memref<1x1x128xi32, #tpu.memory_space<vmem>>
      %dma_start3A_1026 = tpu.memref_squeeze %dma_start3A_1025 : memref<1x1x128xi32, #tpu.memory_space<vmem>> -> memref<128xi32, #tpu.memory_space<vmem>>
      %dma_start3A_1027 = arith.constant 0 : i32
      %dma_start3A_1028 = arith.constant 0 : i32
      %dma_start3A_1029 = tpu.memref_slice %arg12[%dma_start3A_1027, %dma_start3A_1028] : memref<10240x128xf32, #tpu.memory_space<vmem_shared>> -> memref<10240x128xf32, #tpu.memory_space<vmem_shared>>
      %dma_start3A_1030 = tpu.memref_slice %arg16[%dma_start3A_1023] : memref<2x!tpu.dma_semaphore, #tpu.memory_space<semaphore_mem>> -> memref<1x!tpu.dma_semaphore, #tpu.memory_space<semaphore_mem>>
      %dma_start3A_1031 = tpu.memref_squeeze %dma_start3A_1030 : memref<1x!tpu.dma_semaphore, #tpu.memory_space<semaphore_mem>> -> memref<!tpu.dma_semaphore, #tpu.memory_space<semaphore_mem>>
      tpu.enqueue_indirect_dma source(%arg10 : memref<128x128xf32, #tpu.memory_space<vmem>>) target(%dma_start3A_1029 : memref<10240x128xf32, #tpu.memory_space<vmem_shared>>) offsets(%dma_start3A_1026 : memref<128xi32, #tpu.memory_space<vmem>>) semaphore(%dma_start3A_1031 : memref<!tpu.dma_semaphore, #tpu.memory_space<semaphore_mem>>) {add = true}
      %eq3A_1032 = arith.constant 0 : i32
      %eq3A_1033 = arith.cmpi eq, %arg0, %eq3A_1032 : i32
      %convert_element_type3A_1034 = arith.extui %eq3A_1033 : i1 to i32
      %cond3A_1035 = arith.constant 0 : i32
      %cond3A_1036 = arith.cmpi ne, %convert_element_type3A_1034, %cond3A_1035 : i32
      scf.if %cond3A_1036 {
        %ge3A = arith.constant 4 : i32
        %ge3A_1502 = arith.cmpi sge, %add3A_1009, %ge3A : i32
        %convert_element_type3A_1503 = arith.extui %ge3A_1502 : i1 to i32
        %cond3A_1504 = arith.constant 0 : i32
        %cond3A_1505 = arith.cmpi ne, %convert_element_type3A_1503, %cond3A_1504 : i32
        scf.if %cond3A_1505 {
          %dma_wait3A_1513 = arith.constant 0 : i32
          %dma_wait3A_1514 = arith.constant 1 : i32
          %dma_wait3A_1515 = arith.constant 0 : i32
          %dma_wait3A_1516 = tpu.memref_slice %arg9[%dma_wait3A_1513, %dma_wait3A_1514, %dma_wait3A_1515] : memref<10x2x128xi32, #tpu.memory_space<vmem>> -> memref<1x1x128xi32, #tpu.memory_space<vmem>>
          %dma_wait3A_1517 = tpu.memref_squeeze %dma_wait3A_1516 : memref<1x1x128xi32, #tpu.memory_space<vmem>> -> memref<128xi32, #tpu.memory_space<vmem>>
          %dma_wait3A_1518 = arith.constant 0 : i32
          %dma_wait3A_1519 = tpu.memref_slice %arg13[%dma_wait3A_1518] : memref<10240xf32, #tpu.memory_space<vmem_shared>> -> memref<10240xf32, #tpu.memory_space<vmem_shared>>
          tpu.wait_indirect_dma semaphore(%arg17 : memref<!tpu.dma_semaphore, #tpu.memory_space<semaphore_mem>>) src(%arg7 : memref<128xf32, #tpu.memory_space<vmem>>) dst(%dma_wait3A_1519 : memref<10240xf32, #tpu.memory_space<vmem_shared>>)
        } else {
        }
        %dma_start3A_1506 = arith.constant 0 : i32
        %dma_start3A_1507 = arith.constant 1 : i32
        %dma_start3A_1508 = arith.constant 0 : i32
        %dma_start3A_1509 = tpu.memref_slice %arg9[%dma_start3A_1506, %dma_start3A_1507, %dma_start3A_1508] : memref<10x2x128xi32, #tpu.memory_space<vmem>> -> memref<1x1x128xi32, #tpu.memory_space<vmem>>
        %dma_start3A_1510 = tpu.memref_squeeze %dma_start3A_1509 : memref<1x1x128xi32, #tpu.memory_space<vmem>> -> memref<128xi32, #tpu.memory_space<vmem>>
        %dma_start3A_1511 = arith.constant 0 : i32
        %dma_start3A_1512 = tpu.memref_slice %arg13[%dma_start3A_1511] : memref<10240xf32, #tpu.memory_space<vmem_shared>> -> memref<10240xf32, #tpu.memory_space<vmem_shared>>
        tpu.enqueue_indirect_dma source(%arg7 : memref<128xf32, #tpu.memory_space<vmem>>) target(%dma_start3A_1512 : memref<10240xf32, #tpu.memory_space<vmem_shared>>) offsets(%dma_start3A_1510 : memref<128xi32, #tpu.memory_space<vmem>>) semaphore(%arg17 : memref<!tpu.dma_semaphore, #tpu.memory_space<semaphore_mem>>) {add = true}
      } else {
      }
      %dma_wait3A_1037 = arith.constant 0 : i32
      %dma_wait3A_1038 = arith.constant 1 : i32
      %dma_wait3A_1039 = arith.constant 0 : i32
      %dma_wait3A_1040 = arith.constant 0 : i32
      %dma_wait3A_1041 = tpu.memref_slice %arg9[%dma_wait3A_1037, %dma_wait3A_1038, %dma_wait3A_1040] : memref<10x2x128xi32, #tpu.memory_space<vmem>> -> memref<1x1x128xi32, #tpu.memory_space<vmem>>
      %dma_wait3A_1042 = tpu.memref_squeeze %dma_wait3A_1041 : memref<1x1x128xi32, #tpu.memory_space<vmem>> -> memref<128xi32, #tpu.memory_space<vmem>>
      %dma_wait3A_1043 = arith.constant 0 : i32
      %dma_wait3A_1044 = arith.constant 0 : i32
      %dma_wait3A_1045 = tpu.memref_slice %arg12[%dma_wait3A_1043, %dma_wait3A_1044] : memref<10240x128xf32, #tpu.memory_space<vmem_shared>> -> memref<10240x128xf32, #tpu.memory_space<vmem_shared>>
      %dma_wait3A_1046 = tpu.memref_slice %arg16[%dma_wait3A_1039] : memref<2x!tpu.dma_semaphore, #tpu.memory_space<semaphore_mem>> -> memref<1x!tpu.dma_semaphore, #tpu.memory_space<semaphore_mem>>
      %dma_wait3A_1047 = tpu.memref_squeeze %dma_wait3A_1046 : memref<1x!tpu.dma_semaphore, #tpu.memory_space<semaphore_mem>> -> memref<!tpu.dma_semaphore, #tpu.memory_space<semaphore_mem>>
      tpu.wait_indirect_dma semaphore(%dma_wait3A_1047 : memref<!tpu.dma_semaphore, #tpu.memory_space<semaphore_mem>>) src(%arg10 : memref<128x128xf32, #tpu.memory_space<vmem>>) dst(%dma_wait3A_1045 : memref<10240x128xf32, #tpu.memory_space<vmem_shared>>)
      %dma_start3A_1048 = arith.constant 2 : i32
      %dma_start3A_1049 = arith.constant 0 : i32
      %dma_start3A_1050 = arith.constant 0 : i32
      %dma_start3A_1051 = arith.constant 0 : i32
      %dma_start3A_1052 = tpu.memref_slice %arg9[%dma_start3A_1048, %dma_start3A_1049, %dma_start3A_1051] : memref<10x2x128xi32, #tpu.memory_space<vmem>> -> memref<1x1x128xi32, #tpu.memory_space<vmem>>
      %dma_start3A_1053 = tpu.memref_squeeze %dma_start3A_1052 : memref<1x1x128xi32, #tpu.memory_space<vmem>> -> memref<128xi32, #tpu.memory_space<vmem>>
      %dma_start3A_1054 = arith.constant 0 : i32
      %dma_start3A_1055 = arith.constant 0 : i32
      %dma_start3A_1056 = tpu.memref_slice %arg2[%dma_start3A_1054, %dma_start3A_1055] : memref<20000x128xf32, #tpu.memory_space<hbm>> -> memref<20000x128xf32, #tpu.memory_space<hbm>>
      %dma_start3A_1057 = tpu.memref_slice %arg15[%dma_start3A_1050] : memref<2x!tpu.dma_semaphore, #tpu.memory_space<semaphore_mem>> -> memref<1x!tpu.dma_semaphore, #tpu.memory_space<semaphore_mem>>
      %dma_start3A_1058 = tpu.memref_squeeze %dma_start3A_1057 : memref<1x!tpu.dma_semaphore, #tpu.memory_space<semaphore_mem>> -> memref<!tpu.dma_semaphore, #tpu.memory_space<semaphore_mem>>
      tpu.enqueue_indirect_dma source(%dma_start3A_1056 : memref<20000x128xf32, #tpu.memory_space<hbm>>) target(%arg10 : memref<128x128xf32, #tpu.memory_space<vmem>>) offsets(%dma_start3A_1053 : memref<128xi32, #tpu.memory_space<vmem>>) semaphore(%dma_start3A_1058 : memref<!tpu.dma_semaphore, #tpu.memory_space<semaphore_mem>>)
      %add3A_1059 = arith.constant 1 : i32
      %add3A_1060 = arith.addi %mul3A_1007, %add3A_1059 : i32
      %dma_wait3A_1061 = arith.constant 1 : i32
      %dma_wait3A_1062 = arith.constant 0 : i32
      %dma_wait3A_1063 = arith.constant 1 : i32
      %dma_wait3A_1064 = arith.constant 0 : i32
      %dma_wait3A_1065 = tpu.memref_slice %arg9[%dma_wait3A_1061, %dma_wait3A_1062, %dma_wait3A_1064] : memref<10x2x128xi32, #tpu.memory_space<vmem>> -> memref<1x1x128xi32, #tpu.memory_space<vmem>>
      %dma_wait3A_1066 = tpu.memref_squeeze %dma_wait3A_1065 : memref<1x1x128xi32, #tpu.memory_space<vmem>> -> memref<128xi32, #tpu.memory_space<vmem>>
      %dma_wait3A_1067 = arith.constant 0 : i32
      %dma_wait3A_1068 = arith.constant 0 : i32
      %dma_wait3A_1069 = tpu.memref_slice %arg2[%dma_wait3A_1067, %dma_wait3A_1068] : memref<20000x128xf32, #tpu.memory_space<hbm>> -> memref<20000x128xf32, #tpu.memory_space<hbm>>
      %dma_wait3A_1070 = tpu.memref_slice %arg15[%dma_wait3A_1063] : memref<2x!tpu.dma_semaphore, #tpu.memory_space<semaphore_mem>> -> memref<1x!tpu.dma_semaphore, #tpu.memory_space<semaphore_mem>>
      %dma_wait3A_1071 = tpu.memref_squeeze %dma_wait3A_1070 : memref<1x!tpu.dma_semaphore, #tpu.memory_space<semaphore_mem>> -> memref<!tpu.dma_semaphore, #tpu.memory_space<semaphore_mem>>
      tpu.wait_indirect_dma semaphore(%dma_wait3A_1071 : memref<!tpu.dma_semaphore, #tpu.memory_space<semaphore_mem>>) src(%dma_wait3A_1069 : memref<20000x128xf32, #tpu.memory_space<hbm>>) dst(%arg11 : memref<128x128xf32, #tpu.memory_space<vmem>>)
      %dma_start3A_1072 = arith.constant 1 : i32
      %dma_start3A_1073 = arith.constant 1 : i32
      %dma_start3A_1074 = arith.constant 1 : i32
      %dma_start3A_1075 = arith.constant 0 : i32
      %dma_start3A_1076 = tpu.memref_slice %arg9[%dma_start3A_1072, %dma_start3A_1073, %dma_start3A_1075] : memref<10x2x128xi32, #tpu.memory_space<vmem>> -> memref<1x1x128xi32, #tpu.memory_space<vmem>>
      %dma_start3A_1077 = tpu.memref_squeeze %dma_start3A_1076 : memref<1x1x128xi32, #tpu.memory_space<vmem>> -> memref<128xi32, #tpu.memory_space<vmem>>
      %dma_start3A_1078 = arith.constant 0 : i32
      %dma_start3A_1079 = arith.constant 0 : i32
      %dma_start3A_1080 = tpu.memref_slice %arg12[%dma_start3A_1078, %dma_start3A_1079] : memref<10240x128xf32, #tpu.memory_space<vmem_shared>> -> memref<10240x128xf32, #tpu.memory_space<vmem_shared>>
      %dma_start3A_1081 = tpu.memref_slice %arg16[%dma_start3A_1074] : memref<2x!tpu.dma_semaphore, #tpu.memory_space<semaphore_mem>> -> memref<1x!tpu.dma_semaphore, #tpu.memory_space<semaphore_mem>>
      %dma_start3A_1082 = tpu.memref_squeeze %dma_start3A_1081 : memref<1x!tpu.dma_semaphore, #tpu.memory_space<semaphore_mem>> -> memref<!tpu.dma_semaphore, #tpu.memory_space<semaphore_mem>>
      tpu.enqueue_indirect_dma source(%arg11 : memref<128x128xf32, #tpu.memory_space<vmem>>) target(%dma_start3A_1080 : memref<10240x128xf32, #tpu.memory_space<vmem_shared>>) offsets(%dma_start3A_1077 : memref<128xi32, #tpu.memory_space<vmem>>) semaphore(%dma_start3A_1082 : memref<!tpu.dma_semaphore, #tpu.memory_space<semaphore_mem>>) {add = true}
      %eq3A_1083 = arith.constant 0 : i32
      %eq3A_1084 = arith.cmpi eq, %arg0, %eq3A_1083 : i32
      %convert_element_type3A_1085 = arith.extui %eq3A_1084 : i1 to i32
      %cond3A_1086 = arith.constant 0 : i32
      %cond3A_1087 = arith.cmpi ne, %convert_element_type3A_1085, %cond3A_1086 : i32
      scf.if %cond3A_1087 {
        %ge3A = arith.constant 4 : i32
        %ge3A_1502 = arith.cmpi sge, %add3A_1060, %ge3A : i32
        %convert_element_type3A_1503 = arith.extui %ge3A_1502 : i1 to i32
        %cond3A_1504 = arith.constant 0 : i32
        %cond3A_1505 = arith.cmpi ne, %convert_element_type3A_1503, %cond3A_1504 : i32
        scf.if %cond3A_1505 {
          %dma_wait3A_1513 = arith.constant 1 : i32
          %dma_wait3A_1514 = arith.constant 1 : i32
          %dma_wait3A_1515 = arith.constant 0 : i32
          %dma_wait3A_1516 = tpu.memref_slice %arg9[%dma_wait3A_1513, %dma_wait3A_1514, %dma_wait3A_1515] : memref<10x2x128xi32, #tpu.memory_space<vmem>> -> memref<1x1x128xi32, #tpu.memory_space<vmem>>
          %dma_wait3A_1517 = tpu.memref_squeeze %dma_wait3A_1516 : memref<1x1x128xi32, #tpu.memory_space<vmem>> -> memref<128xi32, #tpu.memory_space<vmem>>
          %dma_wait3A_1518 = arith.constant 0 : i32
          %dma_wait3A_1519 = tpu.memref_slice %arg13[%dma_wait3A_1518] : memref<10240xf32, #tpu.memory_space<vmem_shared>> -> memref<10240xf32, #tpu.memory_space<vmem_shared>>
          tpu.wait_indirect_dma semaphore(%arg17 : memref<!tpu.dma_semaphore, #tpu.memory_space<semaphore_mem>>) src(%arg7 : memref<128xf32, #tpu.memory_space<vmem>>) dst(%dma_wait3A_1519 : memref<10240xf32, #tpu.memory_space<vmem_shared>>)
        } else {
        }
        %dma_start3A_1506 = arith.constant 1 : i32
        %dma_start3A_1507 = arith.constant 1 : i32
        %dma_start3A_1508 = arith.constant 0 : i32
        %dma_start3A_1509 = tpu.memref_slice %arg9[%dma_start3A_1506, %dma_start3A_1507, %dma_start3A_1508] : memref<10x2x128xi32, #tpu.memory_space<vmem>> -> memref<1x1x128xi32, #tpu.memory_space<vmem>>
        %dma_start3A_1510 = tpu.memref_squeeze %dma_start3A_1509 : memref<1x1x128xi32, #tpu.memory_space<vmem>> -> memref<128xi32, #tpu.memory_space<vmem>>
        %dma_start3A_1511 = arith.constant 0 : i32
        %dma_start3A_1512 = tpu.memref_slice %arg13[%dma_start3A_1511] : memref<10240xf32, #tpu.memory_space<vmem_shared>> -> memref<10240xf32, #tpu.memory_space<vmem_shared>>
        tpu.enqueue_indirect_dma source(%arg7 : memref<128xf32, #tpu.memory_space<vmem>>) target(%dma_start3A_1512 : memref<10240xf32, #tpu.memory_space<vmem_shared>>) offsets(%dma_start3A_1510 : memref<128xi32, #tpu.memory_space<vmem>>) semaphore(%arg17 : memref<!tpu.dma_semaphore, #tpu.memory_space<semaphore_mem>>) {add = true}
      } else {
      }
      %dma_wait3A_1088 = arith.constant 1 : i32
      %dma_wait3A_1089 = arith.constant 1 : i32
      %dma_wait3A_1090 = arith.constant 1 : i32
      %dma_wait3A_1091 = arith.constant 0 : i32
      %dma_wait3A_1092 = tpu.memref_slice %arg9[%dma_wait3A_1088, %dma_wait3A_1089, %dma_wait3A_1091] : memref<10x2x128xi32, #tpu.memory_space<vmem>> -> memref<1x1x128xi32, #tpu.memory_space<vmem>>
      %dma_wait3A_1093 = tpu.memref_squeeze %dma_wait3A_1092 : memref<1x1x128xi32, #tpu.memory_space<vmem>> -> memref<128xi32, #tpu.memory_space<vmem>>
      %dma_wait3A_1094 = arith.constant 0 : i32
      %dma_wait3A_1095 = arith.constant 0 : i32
      %dma_wait3A_1096 = tpu.memref_slice %arg12[%dma_wait3A_1094, %dma_wait3A_1095] : memref<10240x128xf32, #tpu.memory_space<vmem_shared>> -> memref<10240x128xf32, #tpu.memory_space<vmem_shared>>
      %dma_wait3A_1097 = tpu.memref_slice %arg16[%dma_wait3A_1090] : memref<2x!tpu.dma_semaphore, #tpu.memory_space<semaphore_mem>> -> memref<1x!tpu.dma_semaphore, #tpu.memory_space<semaphore_mem>>
      %dma_wait3A_1098 = tpu.memref_squeeze %dma_wait3A_1097 : memref<1x!tpu.dma_semaphore, #tpu.memory_space<semaphore_mem>> -> memref<!tpu.dma_semaphore, #tpu.memory_space<semaphore_mem>>
      tpu.wait_indirect_dma semaphore(%dma_wait3A_1098 : memref<!tpu.dma_semaphore, #tpu.memory_space<semaphore_mem>>) src(%arg11 : memref<128x128xf32, #tpu.memory_space<vmem>>) dst(%dma_wait3A_1096 : memref<10240x128xf32, #tpu.memory_space<vmem_shared>>)
      %dma_start3A_1099 = arith.constant 3 : i32
      %dma_start3A_1100 = arith.constant 0 : i32
      %dma_start3A_1101 = arith.constant 1 : i32
      %dma_start3A_1102 = arith.constant 0 : i32
      %dma_start3A_1103 = tpu.memref_slice %arg9[%dma_start3A_1099, %dma_start3A_1100, %dma_start3A_1102] : memref<10x2x128xi32, #tpu.memory_space<vmem>> -> memref<1x1x128xi32, #tpu.memory_space<vmem>>
      %dma_start3A_1104 = tpu.memref_squeeze %dma_start3A_1103 : memref<1x1x128xi32, #tpu.memory_space<vmem>> -> memref<128xi32, #tpu.memory_space<vmem>>
      %dma_start3A_1105 = arith.constant 0 : i32
      %dma_start3A_1106 = arith.constant 0 : i32
      %dma_start3A_1107 = tpu.memref_slice %arg2[%dma_start3A_1105, %dma_start3A_1106] : memref<20000x128xf32, #tpu.memory_space<hbm>> -> memref<20000x128xf32, #tpu.memory_space<hbm>>
      %dma_start3A_1108 = tpu.memref_slice %arg15[%dma_start3A_1101] : memref<2x!tpu.dma_semaphore, #tpu.memory_space<semaphore_mem>> -> memref<1x!tpu.dma_semaphore, #tpu.memory_space<semaphore_mem>>
      %dma_start3A_1109 = tpu.memref_squeeze %dma_start3A_1108 : memref<1x!tpu.dma_semaphore, #tpu.memory_space<semaphore_mem>> -> memref<!tpu.dma_semaphore, #tpu.memory_space<semaphore_mem>>
      tpu.enqueue_indirect_dma source(%dma_start3A_1107 : memref<20000x128xf32, #tpu.memory_space<hbm>>) target(%arg11 : memref<128x128xf32, #tpu.memory_space<vmem>>) offsets(%dma_start3A_1104 : memref<128xi32, #tpu.memory_space<vmem>>) semaphore(%dma_start3A_1109 : memref<!tpu.dma_semaphore, #tpu.memory_space<semaphore_mem>>)
      %add3A_1110 = arith.constant 2 : i32
      %add3A_1111 = arith.addi %mul3A_1007, %add3A_1110 : i32
      %dma_wait3A_1112 = arith.constant 2 : i32
      %dma_wait3A_1113 = arith.constant 0 : i32
      %dma_wait3A_1114 = arith.constant 0 : i32
      %dma_wait3A_1115 = arith.constant 0 : i32
      %dma_wait3A_1116 = tpu.memref_slice %arg9[%dma_wait3A_1112, %dma_wait3A_1113, %dma_wait3A_1115] : memref<10x2x128xi32, #tpu.memory_space<vmem>> -> memref<1x1x128xi32, #tpu.memory_space<vmem>>
      %dma_wait3A_1117 = tpu.memref_squeeze %dma_wait3A_1116 : memref<1x1x128xi32, #tpu.memory_space<vmem>> -> memref<128xi32, #tpu.memory_space<vmem>>
      %dma_wait3A_1118 = arith.constant 0 : i32
      %dma_wait3A_1119 = arith.constant 0 : i32
      %dma_wait3A_1120 = tpu.memref_slice %arg2[%dma_wait3A_1118, %dma_wait3A_1119] : memref<20000x128xf32, #tpu.memory_space<hbm>> -> memref<20000x128xf32, #tpu.memory_space<hbm>>
      %dma_wait3A_1121 = tpu.memref_slice %arg15[%dma_wait3A_1114] : memref<2x!tpu.dma_semaphore, #tpu.memory_space<semaphore_mem>> -> memref<1x!tpu.dma_semaphore, #tpu.memory_space<semaphore_mem>>
      %dma_wait3A_1122 = tpu.memref_squeeze %dma_wait3A_1121 : memref<1x!tpu.dma_semaphore, #tpu.memory_space<semaphore_mem>> -> memref<!tpu.dma_semaphore, #tpu.memory_space<semaphore_mem>>
      tpu.wait_indirect_dma semaphore(%dma_wait3A_1122 : memref<!tpu.dma_semaphore, #tpu.memory_space<semaphore_mem>>) src(%dma_wait3A_1120 : memref<20000x128xf32, #tpu.memory_space<hbm>>) dst(%arg10 : memref<128x128xf32, #tpu.memory_space<vmem>>)
      %dma_start3A_1123 = arith.constant 2 : i32
      %dma_start3A_1124 = arith.constant 1 : i32
      %dma_start3A_1125 = arith.constant 0 : i32
      %dma_start3A_1126 = arith.constant 0 : i32
      %dma_start3A_1127 = tpu.memref_slice %arg9[%dma_start3A_1123, %dma_start3A_1124, %dma_start3A_1126] : memref<10x2x128xi32, #tpu.memory_space<vmem>> -> memref<1x1x128xi32, #tpu.memory_space<vmem>>
      %dma_start3A_1128 = tpu.memref_squeeze %dma_start3A_1127 : memref<1x1x128xi32, #tpu.memory_space<vmem>> -> memref<128xi32, #tpu.memory_space<vmem>>
      %dma_start3A_1129 = arith.constant 0 : i32
      %dma_start3A_1130 = arith.constant 0 : i32
      %dma_start3A_1131 = tpu.memref_slice %arg12[%dma_start3A_1129, %dma_start3A_1130] : memref<10240x128xf32, #tpu.memory_space<vmem_shared>> -> memref<10240x128xf32, #tpu.memory_space<vmem_shared>>
      %dma_start3A_1132 = tpu.memref_slice %arg16[%dma_start3A_1125] : memref<2x!tpu.dma_semaphore, #tpu.memory_space<semaphore_mem>> -> memref<1x!tpu.dma_semaphore, #tpu.memory_space<semaphore_mem>>
      %dma_start3A_1133 = tpu.memref_squeeze %dma_start3A_1132 : memref<1x!tpu.dma_semaphore, #tpu.memory_space<semaphore_mem>> -> memref<!tpu.dma_semaphore, #tpu.memory_space<semaphore_mem>>
      tpu.enqueue_indirect_dma source(%arg10 : memref<128x128xf32, #tpu.memory_space<vmem>>) target(%dma_start3A_1131 : memref<10240x128xf32, #tpu.memory_space<vmem_shared>>) offsets(%dma_start3A_1128 : memref<128xi32, #tpu.memory_space<vmem>>) semaphore(%dma_start3A_1133 : memref<!tpu.dma_semaphore, #tpu.memory_space<semaphore_mem>>) {add = true}
      %eq3A_1134 = arith.constant 0 : i32
      %eq3A_1135 = arith.cmpi eq, %arg0, %eq3A_1134 : i32
      %convert_element_type3A_1136 = arith.extui %eq3A_1135 : i1 to i32
      %cond3A_1137 = arith.constant 0 : i32
      %cond3A_1138 = arith.cmpi ne, %convert_element_type3A_1136, %cond3A_1137 : i32
      scf.if %cond3A_1138 {
        %ge3A = arith.constant 4 : i32
        %ge3A_1502 = arith.cmpi sge, %add3A_1111, %ge3A : i32
        %convert_element_type3A_1503 = arith.extui %ge3A_1502 : i1 to i32
        %cond3A_1504 = arith.constant 0 : i32
        %cond3A_1505 = arith.cmpi ne, %convert_element_type3A_1503, %cond3A_1504 : i32
        scf.if %cond3A_1505 {
          %dma_wait3A_1513 = arith.constant 2 : i32
          %dma_wait3A_1514 = arith.constant 1 : i32
          %dma_wait3A_1515 = arith.constant 0 : i32
          %dma_wait3A_1516 = tpu.memref_slice %arg9[%dma_wait3A_1513, %dma_wait3A_1514, %dma_wait3A_1515] : memref<10x2x128xi32, #tpu.memory_space<vmem>> -> memref<1x1x128xi32, #tpu.memory_space<vmem>>
          %dma_wait3A_1517 = tpu.memref_squeeze %dma_wait3A_1516 : memref<1x1x128xi32, #tpu.memory_space<vmem>> -> memref<128xi32, #tpu.memory_space<vmem>>
          %dma_wait3A_1518 = arith.constant 0 : i32
          %dma_wait3A_1519 = tpu.memref_slice %arg13[%dma_wait3A_1518] : memref<10240xf32, #tpu.memory_space<vmem_shared>> -> memref<10240xf32, #tpu.memory_space<vmem_shared>>
          tpu.wait_indirect_dma semaphore(%arg17 : memref<!tpu.dma_semaphore, #tpu.memory_space<semaphore_mem>>) src(%arg7 : memref<128xf32, #tpu.memory_space<vmem>>) dst(%dma_wait3A_1519 : memref<10240xf32, #tpu.memory_space<vmem_shared>>)
        } else {
        }
        %dma_start3A_1506 = arith.constant 2 : i32
        %dma_start3A_1507 = arith.constant 1 : i32
        %dma_start3A_1508 = arith.constant 0 : i32
        %dma_start3A_1509 = tpu.memref_slice %arg9[%dma_start3A_1506, %dma_start3A_1507, %dma_start3A_1508] : memref<10x2x128xi32, #tpu.memory_space<vmem>> -> memref<1x1x128xi32, #tpu.memory_space<vmem>>
        %dma_start3A_1510 = tpu.memref_squeeze %dma_start3A_1509 : memref<1x1x128xi32, #tpu.memory_space<vmem>> -> memref<128xi32, #tpu.memory_space<vmem>>
        %dma_start3A_1511 = arith.constant 0 : i32
        %dma_start3A_1512 = tpu.memref_slice %arg13[%dma_start3A_1511] : memref<10240xf32, #tpu.memory_space<vmem_shared>> -> memref<10240xf32, #tpu.memory_space<vmem_shared>>
        tpu.enqueue_indirect_dma source(%arg7 : memref<128xf32, #tpu.memory_space<vmem>>) target(%dma_start3A_1512 : memref<10240xf32, #tpu.memory_space<vmem_shared>>) offsets(%dma_start3A_1510 : memref<128xi32, #tpu.memory_space<vmem>>) semaphore(%arg17 : memref<!tpu.dma_semaphore, #tpu.memory_space<semaphore_mem>>) {add = true}
      } else {
      }
      %dma_wait3A_1139 = arith.constant 2 : i32
      %dma_wait3A_1140 = arith.constant 1 : i32
      %dma_wait3A_1141 = arith.constant 0 : i32
      %dma_wait3A_1142 = arith.constant 0 : i32
      %dma_wait3A_1143 = tpu.memref_slice %arg9[%dma_wait3A_1139, %dma_wait3A_1140, %dma_wait3A_1142] : memref<10x2x128xi32, #tpu.memory_space<vmem>> -> memref<1x1x128xi32, #tpu.memory_space<vmem>>
      %dma_wait3A_1144 = tpu.memref_squeeze %dma_wait3A_1143 : memref<1x1x128xi32, #tpu.memory_space<vmem>> -> memref<128xi32, #tpu.memory_space<vmem>>
      %dma_wait3A_1145 = arith.constant 0 : i32
      %dma_wait3A_1146 = arith.constant 0 : i32
      %dma_wait3A_1147 = tpu.memref_slice %arg12[%dma_wait3A_1145, %dma_wait3A_1146] : memref<10240x128xf32, #tpu.memory_space<vmem_shared>> -> memref<10240x128xf32, #tpu.memory_space<vmem_shared>>
      %dma_wait3A_1148 = tpu.memref_slice %arg16[%dma_wait3A_1141] : memref<2x!tpu.dma_semaphore, #tpu.memory_space<semaphore_mem>> -> memref<1x!tpu.dma_semaphore, #tpu.memory_space<semaphore_mem>>
      %dma_wait3A_1149 = tpu.memref_squeeze %dma_wait3A_1148 : memref<1x!tpu.dma_semaphore, #tpu.memory_space<semaphore_mem>> -> memref<!tpu.dma_semaphore, #tpu.memory_space<semaphore_mem>>
      tpu.wait_indirect_dma semaphore(%dma_wait3A_1149 : memref<!tpu.dma_semaphore, #tpu.memory_space<semaphore_mem>>) src(%arg10 : memref<128x128xf32, #tpu.memory_space<vmem>>) dst(%dma_wait3A_1147 : memref<10240x128xf32, #tpu.memory_space<vmem_shared>>)
      %dma_start3A_1150 = arith.constant 4 : i32
      %dma_start3A_1151 = arith.constant 0 : i32
      %dma_start3A_1152 = arith.constant 0 : i32
      %dma_start3A_1153 = arith.constant 0 : i32
      %dma_start3A_1154 = tpu.memref_slice %arg9[%dma_start3A_1150, %dma_start3A_1151, %dma_start3A_1153] : memref<10x2x128xi32, #tpu.memory_space<vmem>> -> memref<1x1x128xi32, #tpu.memory_space<vmem>>
      %dma_start3A_1155 = tpu.memref_squeeze %dma_start3A_1154 : memref<1x1x128xi32, #tpu.memory_space<vmem>> -> memref<128xi32, #tpu.memory_space<vmem>>
      %dma_start3A_1156 = arith.constant 0 : i32
      %dma_start3A_1157 = arith.constant 0 : i32
      %dma_start3A_1158 = tpu.memref_slice %arg2[%dma_start3A_1156, %dma_start3A_1157] : memref<20000x128xf32, #tpu.memory_space<hbm>> -> memref<20000x128xf32, #tpu.memory_space<hbm>>
      %dma_start3A_1159 = tpu.memref_slice %arg15[%dma_start3A_1152] : memref<2x!tpu.dma_semaphore, #tpu.memory_space<semaphore_mem>> -> memref<1x!tpu.dma_semaphore, #tpu.memory_space<semaphore_mem>>
      %dma_start3A_1160 = tpu.memref_squeeze %dma_start3A_1159 : memref<1x!tpu.dma_semaphore, #tpu.memory_space<semaphore_mem>> -> memref<!tpu.dma_semaphore, #tpu.memory_space<semaphore_mem>>
      tpu.enqueue_indirect_dma source(%dma_start3A_1158 : memref<20000x128xf32, #tpu.memory_space<hbm>>) target(%arg10 : memref<128x128xf32, #tpu.memory_space<vmem>>) offsets(%dma_start3A_1155 : memref<128xi32, #tpu.memory_space<vmem>>) semaphore(%dma_start3A_1160 : memref<!tpu.dma_semaphore, #tpu.memory_space<semaphore_mem>>)
      %add3A_1161 = arith.constant 3 : i32
      %add3A_1162 = arith.addi %mul3A_1007, %add3A_1161 : i32
      %dma_wait3A_1163 = arith.constant 3 : i32
      %dma_wait3A_1164 = arith.constant 0 : i32
      %dma_wait3A_1165 = arith.constant 1 : i32
      %dma_wait3A_1166 = arith.constant 0 : i32
      %dma_wait3A_1167 = tpu.memref_slice %arg9[%dma_wait3A_1163, %dma_wait3A_1164, %dma_wait3A_1166] : memref<10x2x128xi32, #tpu.memory_space<vmem>> -> memref<1x1x128xi32, #tpu.memory_space<vmem>>
      %dma_wait3A_1168 = tpu.memref_squeeze %dma_wait3A_1167 : memref<1x1x128xi32, #tpu.memory_space<vmem>> -> memref<128xi32, #tpu.memory_space<vmem>>
      %dma_wait3A_1169 = arith.constant 0 : i32
      %dma_wait3A_1170 = arith.constant 0 : i32
      %dma_wait3A_1171 = tpu.memref_slice %arg2[%dma_wait3A_1169, %dma_wait3A_1170] : memref<20000x128xf32, #tpu.memory_space<hbm>> -> memref<20000x128xf32, #tpu.memory_space<hbm>>
      %dma_wait3A_1172 = tpu.memref_slice %arg15[%dma_wait3A_1165] : memref<2x!tpu.dma_semaphore, #tpu.memory_space<semaphore_mem>> -> memref<1x!tpu.dma_semaphore, #tpu.memory_space<semaphore_mem>>
      %dma_wait3A_1173 = tpu.memref_squeeze %dma_wait3A_1172 : memref<1x!tpu.dma_semaphore, #tpu.memory_space<semaphore_mem>> -> memref<!tpu.dma_semaphore, #tpu.memory_space<semaphore_mem>>
      tpu.wait_indirect_dma semaphore(%dma_wait3A_1173 : memref<!tpu.dma_semaphore, #tpu.memory_space<semaphore_mem>>) src(%dma_wait3A_1171 : memref<20000x128xf32, #tpu.memory_space<hbm>>) dst(%arg11 : memref<128x128xf32, #tpu.memory_space<vmem>>)
      %dma_start3A_1174 = arith.constant 3 : i32
      %dma_start3A_1175 = arith.constant 1 : i32
      %dma_start3A_1176 = arith.constant 1 : i32
      %dma_start3A_1177 = arith.constant 0 : i32
      %dma_start3A_1178 = tpu.memref_slice %arg9[%dma_start3A_1174, %dma_start3A_1175, %dma_start3A_1177] : memref<10x2x128xi32, #tpu.memory_space<vmem>> -> memref<1x1x128xi32, #tpu.memory_space<vmem>>
      %dma_start3A_1179 = tpu.memref_squeeze %dma_start3A_1178 : memref<1x1x128xi32, #tpu.memory_space<vmem>> -> memref<128xi32, #tpu.memory_space<vmem>>
      %dma_start3A_1180 = arith.constant 0 : i32
      %dma_start3A_1181 = arith.constant 0 : i32
      %dma_start3A_1182 = tpu.memref_slice %arg12[%dma_start3A_1180, %dma_start3A_1181] : memref<10240x128xf32, #tpu.memory_space<vmem_shared>> -> memref<10240x128xf32, #tpu.memory_space<vmem_shared>>
      %dma_start3A_1183 = tpu.memref_slice %arg16[%dma_start3A_1176] : memref<2x!tpu.dma_semaphore, #tpu.memory_space<semaphore_mem>> -> memref<1x!tpu.dma_semaphore, #tpu.memory_space<semaphore_mem>>
      %dma_start3A_1184 = tpu.memref_squeeze %dma_start3A_1183 : memref<1x!tpu.dma_semaphore, #tpu.memory_space<semaphore_mem>> -> memref<!tpu.dma_semaphore, #tpu.memory_space<semaphore_mem>>
      tpu.enqueue_indirect_dma source(%arg11 : memref<128x128xf32, #tpu.memory_space<vmem>>) target(%dma_start3A_1182 : memref<10240x128xf32, #tpu.memory_space<vmem_shared>>) offsets(%dma_start3A_1179 : memref<128xi32, #tpu.memory_space<vmem>>) semaphore(%dma_start3A_1184 : memref<!tpu.dma_semaphore, #tpu.memory_space<semaphore_mem>>) {add = true}
      %eq3A_1185 = arith.constant 0 : i32
      %eq3A_1186 = arith.cmpi eq, %arg0, %eq3A_1185 : i32
      %convert_element_type3A_1187 = arith.extui %eq3A_1186 : i1 to i32
      %cond3A_1188 = arith.constant 0 : i32
      %cond3A_1189 = arith.cmpi ne, %convert_element_type3A_1187, %cond3A_1188 : i32
      scf.if %cond3A_1189 {
        %ge3A = arith.constant 4 : i32
        %ge3A_1502 = arith.cmpi sge, %add3A_1162, %ge3A : i32
        %convert_element_type3A_1503 = arith.extui %ge3A_1502 : i1 to i32
        %cond3A_1504 = arith.constant 0 : i32
        %cond3A_1505 = arith.cmpi ne, %convert_element_type3A_1503, %cond3A_1504 : i32
        scf.if %cond3A_1505 {
          %dma_wait3A_1513 = arith.constant 3 : i32
          %dma_wait3A_1514 = arith.constant 1 : i32
          %dma_wait3A_1515 = arith.constant 0 : i32
          %dma_wait3A_1516 = tpu.memref_slice %arg9[%dma_wait3A_1513, %dma_wait3A_1514, %dma_wait3A_1515] : memref<10x2x128xi32, #tpu.memory_space<vmem>> -> memref<1x1x128xi32, #tpu.memory_space<vmem>>
          %dma_wait3A_1517 = tpu.memref_squeeze %dma_wait3A_1516 : memref<1x1x128xi32, #tpu.memory_space<vmem>> -> memref<128xi32, #tpu.memory_space<vmem>>
          %dma_wait3A_1518 = arith.constant 0 : i32
          %dma_wait3A_1519 = tpu.memref_slice %arg13[%dma_wait3A_1518] : memref<10240xf32, #tpu.memory_space<vmem_shared>> -> memref<10240xf32, #tpu.memory_space<vmem_shared>>
          tpu.wait_indirect_dma semaphore(%arg17 : memref<!tpu.dma_semaphore, #tpu.memory_space<semaphore_mem>>) src(%arg7 : memref<128xf32, #tpu.memory_space<vmem>>) dst(%dma_wait3A_1519 : memref<10240xf32, #tpu.memory_space<vmem_shared>>)
        } else {
        }
        %dma_start3A_1506 = arith.constant 3 : i32
        %dma_start3A_1507 = arith.constant 1 : i32
        %dma_start3A_1508 = arith.constant 0 : i32
        %dma_start3A_1509 = tpu.memref_slice %arg9[%dma_start3A_1506, %dma_start3A_1507, %dma_start3A_1508] : memref<10x2x128xi32, #tpu.memory_space<vmem>> -> memref<1x1x128xi32, #tpu.memory_space<vmem>>
        %dma_start3A_1510 = tpu.memref_squeeze %dma_start3A_1509 : memref<1x1x128xi32, #tpu.memory_space<vmem>> -> memref<128xi32, #tpu.memory_space<vmem>>
        %dma_start3A_1511 = arith.constant 0 : i32
        %dma_start3A_1512 = tpu.memref_slice %arg13[%dma_start3A_1511] : memref<10240xf32, #tpu.memory_space<vmem_shared>> -> memref<10240xf32, #tpu.memory_space<vmem_shared>>
        tpu.enqueue_indirect_dma source(%arg7 : memref<128xf32, #tpu.memory_space<vmem>>) target(%dma_start3A_1512 : memref<10240xf32, #tpu.memory_space<vmem_shared>>) offsets(%dma_start3A_1510 : memref<128xi32, #tpu.memory_space<vmem>>) semaphore(%arg17 : memref<!tpu.dma_semaphore, #tpu.memory_space<semaphore_mem>>) {add = true}
      } else {
      }
      %dma_wait3A_1190 = arith.constant 3 : i32
      %dma_wait3A_1191 = arith.constant 1 : i32
      %dma_wait3A_1192 = arith.constant 1 : i32
      %dma_wait3A_1193 = arith.constant 0 : i32
      %dma_wait3A_1194 = tpu.memref_slice %arg9[%dma_wait3A_1190, %dma_wait3A_1191, %dma_wait3A_1193] : memref<10x2x128xi32, #tpu.memory_space<vmem>> -> memref<1x1x128xi32, #tpu.memory_space<vmem>>
      %dma_wait3A_1195 = tpu.memref_squeeze %dma_wait3A_1194 : memref<1x1x128xi32, #tpu.memory_space<vmem>> -> memref<128xi32, #tpu.memory_space<vmem>>
      %dma_wait3A_1196 = arith.constant 0 : i32
      %dma_wait3A_1197 = arith.constant 0 : i32
      %dma_wait3A_1198 = tpu.memref_slice %arg12[%dma_wait3A_1196, %dma_wait3A_1197] : memref<10240x128xf32, #tpu.memory_space<vmem_shared>> -> memref<10240x128xf32, #tpu.memory_space<vmem_shared>>
      %dma_wait3A_1199 = tpu.memref_slice %arg16[%dma_wait3A_1192] : memref<2x!tpu.dma_semaphore, #tpu.memory_space<semaphore_mem>> -> memref<1x!tpu.dma_semaphore, #tpu.memory_space<semaphore_mem>>
      %dma_wait3A_1200 = tpu.memref_squeeze %dma_wait3A_1199 : memref<1x!tpu.dma_semaphore, #tpu.memory_space<semaphore_mem>> -> memref<!tpu.dma_semaphore, #tpu.memory_space<semaphore_mem>>
      tpu.wait_indirect_dma semaphore(%dma_wait3A_1200 : memref<!tpu.dma_semaphore, #tpu.memory_space<semaphore_mem>>) src(%arg11 : memref<128x128xf32, #tpu.memory_space<vmem>>) dst(%dma_wait3A_1198 : memref<10240x128xf32, #tpu.memory_space<vmem_shared>>)
      %dma_start3A_1201 = arith.constant 5 : i32
      %dma_start3A_1202 = arith.constant 0 : i32
      %dma_start3A_1203 = arith.constant 1 : i32
      %dma_start3A_1204 = arith.constant 0 : i32
      %dma_start3A_1205 = tpu.memref_slice %arg9[%dma_start3A_1201, %dma_start3A_1202, %dma_start3A_1204] : memref<10x2x128xi32, #tpu.memory_space<vmem>> -> memref<1x1x128xi32, #tpu.memory_space<vmem>>
      %dma_start3A_1206 = tpu.memref_squeeze %dma_start3A_1205 : memref<1x1x128xi32, #tpu.memory_space<vmem>> -> memref<128xi32, #tpu.memory_space<vmem>>
      %dma_start3A_1207 = arith.constant 0 : i32
      %dma_start3A_1208 = arith.constant 0 : i32
      %dma_start3A_1209 = tpu.memref_slice %arg2[%dma_start3A_1207, %dma_start3A_1208] : memref<20000x128xf32, #tpu.memory_space<hbm>> -> memref<20000x128xf32, #tpu.memory_space<hbm>>
      %dma_start3A_1210 = tpu.memref_slice %arg15[%dma_start3A_1203] : memref<2x!tpu.dma_semaphore, #tpu.memory_space<semaphore_mem>> -> memref<1x!tpu.dma_semaphore, #tpu.memory_space<semaphore_mem>>
      %dma_start3A_1211 = tpu.memref_squeeze %dma_start3A_1210 : memref<1x!tpu.dma_semaphore, #tpu.memory_space<semaphore_mem>> -> memref<!tpu.dma_semaphore, #tpu.memory_space<semaphore_mem>>
      tpu.enqueue_indirect_dma source(%dma_start3A_1209 : memref<20000x128xf32, #tpu.memory_space<hbm>>) target(%arg11 : memref<128x128xf32, #tpu.memory_space<vmem>>) offsets(%dma_start3A_1206 : memref<128xi32, #tpu.memory_space<vmem>>) semaphore(%dma_start3A_1211 : memref<!tpu.dma_semaphore, #tpu.memory_space<semaphore_mem>>)
      %add3A_1212 = arith.constant 4 : i32
      %add3A_1213 = arith.addi %mul3A_1007, %add3A_1212 : i32
      %dma_wait3A_1214 = arith.constant 4 : i32
      %dma_wait3A_1215 = arith.constant 0 : i32
      %dma_wait3A_1216 = arith.constant 0 : i32
      %dma_wait3A_1217 = arith.constant 0 : i32
      %dma_wait3A_1218 = tpu.memref_slice %arg9[%dma_wait3A_1214, %dma_wait3A_1215, %dma_wait3A_1217] : memref<10x2x128xi32, #tpu.memory_space<vmem>> -> memref<1x1x128xi32, #tpu.memory_space<vmem>>
      %dma_wait3A_1219 = tpu.memref_squeeze %dma_wait3A_1218 : memref<1x1x128xi32, #tpu.memory_space<vmem>> -> memref<128xi32, #tpu.memory_space<vmem>>
      %dma_wait3A_1220 = arith.constant 0 : i32
      %dma_wait3A_1221 = arith.constant 0 : i32
      %dma_wait3A_1222 = tpu.memref_slice %arg2[%dma_wait3A_1220, %dma_wait3A_1221] : memref<20000x128xf32, #tpu.memory_space<hbm>> -> memref<20000x128xf32, #tpu.memory_space<hbm>>
      %dma_wait3A_1223 = tpu.memref_slice %arg15[%dma_wait3A_1216] : memref<2x!tpu.dma_semaphore, #tpu.memory_space<semaphore_mem>> -> memref<1x!tpu.dma_semaphore, #tpu.memory_space<semaphore_mem>>
      %dma_wait3A_1224 = tpu.memref_squeeze %dma_wait3A_1223 : memref<1x!tpu.dma_semaphore, #tpu.memory_space<semaphore_mem>> -> memref<!tpu.dma_semaphore, #tpu.memory_space<semaphore_mem>>
      tpu.wait_indirect_dma semaphore(%dma_wait3A_1224 : memref<!tpu.dma_semaphore, #tpu.memory_space<semaphore_mem>>) src(%dma_wait3A_1222 : memref<20000x128xf32, #tpu.memory_space<hbm>>) dst(%arg10 : memref<128x128xf32, #tpu.memory_space<vmem>>)
      %dma_start3A_1225 = arith.constant 4 : i32
      %dma_start3A_1226 = arith.constant 1 : i32
      %dma_start3A_1227 = arith.constant 0 : i32
      %dma_start3A_1228 = arith.constant 0 : i32
      %dma_start3A_1229 = tpu.memref_slice %arg9[%dma_start3A_1225, %dma_start3A_1226, %dma_start3A_1228] : memref<10x2x128xi32, #tpu.memory_space<vmem>> -> memref<1x1x128xi32, #tpu.memory_space<vmem>>
      %dma_start3A_1230 = tpu.memref_squeeze %dma_start3A_1229 : memref<1x1x128xi32, #tpu.memory_space<vmem>> -> memref<128xi32, #tpu.memory_space<vmem>>
      %dma_start3A_1231 = arith.constant 0 : i32
      %dma_start3A_1232 = arith.constant 0 : i32
      %dma_start3A_1233 = tpu.memref_slice %arg12[%dma_start3A_1231, %dma_start3A_1232] : memref<10240x128xf32, #tpu.memory_space<vmem_shared>> -> memref<10240x128xf32, #tpu.memory_space<vmem_shared>>
      %dma_start3A_1234 = tpu.memref_slice %arg16[%dma_start3A_1227] : memref<2x!tpu.dma_semaphore, #tpu.memory_space<semaphore_mem>> -> memref<1x!tpu.dma_semaphore, #tpu.memory_space<semaphore_mem>>
      %dma_start3A_1235 = tpu.memref_squeeze %dma_start3A_1234 : memref<1x!tpu.dma_semaphore, #tpu.memory_space<semaphore_mem>> -> memref<!tpu.dma_semaphore, #tpu.memory_space<semaphore_mem>>
      tpu.enqueue_indirect_dma source(%arg10 : memref<128x128xf32, #tpu.memory_space<vmem>>) target(%dma_start3A_1233 : memref<10240x128xf32, #tpu.memory_space<vmem_shared>>) offsets(%dma_start3A_1230 : memref<128xi32, #tpu.memory_space<vmem>>) semaphore(%dma_start3A_1235 : memref<!tpu.dma_semaphore, #tpu.memory_space<semaphore_mem>>) {add = true}
      %eq3A_1236 = arith.constant 0 : i32
      %eq3A_1237 = arith.cmpi eq, %arg0, %eq3A_1236 : i32
      %convert_element_type3A_1238 = arith.extui %eq3A_1237 : i1 to i32
      %cond3A_1239 = arith.constant 0 : i32
      %cond3A_1240 = arith.cmpi ne, %convert_element_type3A_1238, %cond3A_1239 : i32
      scf.if %cond3A_1240 {
        %ge3A = arith.constant 4 : i32
        %ge3A_1502 = arith.cmpi sge, %add3A_1213, %ge3A : i32
        %convert_element_type3A_1503 = arith.extui %ge3A_1502 : i1 to i32
        %cond3A_1504 = arith.constant 0 : i32
        %cond3A_1505 = arith.cmpi ne, %convert_element_type3A_1503, %cond3A_1504 : i32
        scf.if %cond3A_1505 {
          %dma_wait3A_1513 = arith.constant 4 : i32
          %dma_wait3A_1514 = arith.constant 1 : i32
          %dma_wait3A_1515 = arith.constant 0 : i32
          %dma_wait3A_1516 = tpu.memref_slice %arg9[%dma_wait3A_1513, %dma_wait3A_1514, %dma_wait3A_1515] : memref<10x2x128xi32, #tpu.memory_space<vmem>> -> memref<1x1x128xi32, #tpu.memory_space<vmem>>
          %dma_wait3A_1517 = tpu.memref_squeeze %dma_wait3A_1516 : memref<1x1x128xi32, #tpu.memory_space<vmem>> -> memref<128xi32, #tpu.memory_space<vmem>>
          %dma_wait3A_1518 = arith.constant 0 : i32
          %dma_wait3A_1519 = tpu.memref_slice %arg13[%dma_wait3A_1518] : memref<10240xf32, #tpu.memory_space<vmem_shared>> -> memref<10240xf32, #tpu.memory_space<vmem_shared>>
          tpu.wait_indirect_dma semaphore(%arg17 : memref<!tpu.dma_semaphore, #tpu.memory_space<semaphore_mem>>) src(%arg7 : memref<128xf32, #tpu.memory_space<vmem>>) dst(%dma_wait3A_1519 : memref<10240xf32, #tpu.memory_space<vmem_shared>>)
        } else {
        }
        %dma_start3A_1506 = arith.constant 4 : i32
        %dma_start3A_1507 = arith.constant 1 : i32
        %dma_start3A_1508 = arith.constant 0 : i32
        %dma_start3A_1509 = tpu.memref_slice %arg9[%dma_start3A_1506, %dma_start3A_1507, %dma_start3A_1508] : memref<10x2x128xi32, #tpu.memory_space<vmem>> -> memref<1x1x128xi32, #tpu.memory_space<vmem>>
        %dma_start3A_1510 = tpu.memref_squeeze %dma_start3A_1509 : memref<1x1x128xi32, #tpu.memory_space<vmem>> -> memref<128xi32, #tpu.memory_space<vmem>>
        %dma_start3A_1511 = arith.constant 0 : i32
        %dma_start3A_1512 = tpu.memref_slice %arg13[%dma_start3A_1511] : memref<10240xf32, #tpu.memory_space<vmem_shared>> -> memref<10240xf32, #tpu.memory_space<vmem_shared>>
        tpu.enqueue_indirect_dma source(%arg7 : memref<128xf32, #tpu.memory_space<vmem>>) target(%dma_start3A_1512 : memref<10240xf32, #tpu.memory_space<vmem_shared>>) offsets(%dma_start3A_1510 : memref<128xi32, #tpu.memory_space<vmem>>) semaphore(%arg17 : memref<!tpu.dma_semaphore, #tpu.memory_space<semaphore_mem>>) {add = true}
      } else {
      }
      %dma_wait3A_1241 = arith.constant 4 : i32
      %dma_wait3A_1242 = arith.constant 1 : i32
      %dma_wait3A_1243 = arith.constant 0 : i32
      %dma_wait3A_1244 = arith.constant 0 : i32
      %dma_wait3A_1245 = tpu.memref_slice %arg9[%dma_wait3A_1241, %dma_wait3A_1242, %dma_wait3A_1244] : memref<10x2x128xi32, #tpu.memory_space<vmem>> -> memref<1x1x128xi32, #tpu.memory_space<vmem>>
      %dma_wait3A_1246 = tpu.memref_squeeze %dma_wait3A_1245 : memref<1x1x128xi32, #tpu.memory_space<vmem>> -> memref<128xi32, #tpu.memory_space<vmem>>
      %dma_wait3A_1247 = arith.constant 0 : i32
      %dma_wait3A_1248 = arith.constant 0 : i32
      %dma_wait3A_1249 = tpu.memref_slice %arg12[%dma_wait3A_1247, %dma_wait3A_1248] : memref<10240x128xf32, #tpu.memory_space<vmem_shared>> -> memref<10240x128xf32, #tpu.memory_space<vmem_shared>>
      %dma_wait3A_1250 = tpu.memref_slice %arg16[%dma_wait3A_1243] : memref<2x!tpu.dma_semaphore, #tpu.memory_space<semaphore_mem>> -> memref<1x!tpu.dma_semaphore, #tpu.memory_space<semaphore_mem>>
      %dma_wait3A_1251 = tpu.memref_squeeze %dma_wait3A_1250 : memref<1x!tpu.dma_semaphore, #tpu.memory_space<semaphore_mem>> -> memref<!tpu.dma_semaphore, #tpu.memory_space<semaphore_mem>>
      tpu.wait_indirect_dma semaphore(%dma_wait3A_1251 : memref<!tpu.dma_semaphore, #tpu.memory_space<semaphore_mem>>) src(%arg10 : memref<128x128xf32, #tpu.memory_space<vmem>>) dst(%dma_wait3A_1249 : memref<10240x128xf32, #tpu.memory_space<vmem_shared>>)
      %dma_start3A_1252 = arith.constant 6 : i32
      %dma_start3A_1253 = arith.constant 0 : i32
      %dma_start3A_1254 = arith.constant 0 : i32
      %dma_start3A_1255 = arith.constant 0 : i32
      %dma_start3A_1256 = tpu.memref_slice %arg9[%dma_start3A_1252, %dma_start3A_1253, %dma_start3A_1255] : memref<10x2x128xi32, #tpu.memory_space<vmem>> -> memref<1x1x128xi32, #tpu.memory_space<vmem>>
      %dma_start3A_1257 = tpu.memref_squeeze %dma_start3A_1256 : memref<1x1x128xi32, #tpu.memory_space<vmem>> -> memref<128xi32, #tpu.memory_space<vmem>>
      %dma_start3A_1258 = arith.constant 0 : i32
      %dma_start3A_1259 = arith.constant 0 : i32
      %dma_start3A_1260 = tpu.memref_slice %arg2[%dma_start3A_1258, %dma_start3A_1259] : memref<20000x128xf32, #tpu.memory_space<hbm>> -> memref<20000x128xf32, #tpu.memory_space<hbm>>
      %dma_start3A_1261 = tpu.memref_slice %arg15[%dma_start3A_1254] : memref<2x!tpu.dma_semaphore, #tpu.memory_space<semaphore_mem>> -> memref<1x!tpu.dma_semaphore, #tpu.memory_space<semaphore_mem>>
      %dma_start3A_1262 = tpu.memref_squeeze %dma_start3A_1261 : memref<1x!tpu.dma_semaphore, #tpu.memory_space<semaphore_mem>> -> memref<!tpu.dma_semaphore, #tpu.memory_space<semaphore_mem>>
      tpu.enqueue_indirect_dma source(%dma_start3A_1260 : memref<20000x128xf32, #tpu.memory_space<hbm>>) target(%arg10 : memref<128x128xf32, #tpu.memory_space<vmem>>) offsets(%dma_start3A_1257 : memref<128xi32, #tpu.memory_space<vmem>>) semaphore(%dma_start3A_1262 : memref<!tpu.dma_semaphore, #tpu.memory_space<semaphore_mem>>)
      %add3A_1263 = arith.constant 5 : i32
      %add3A_1264 = arith.addi %mul3A_1007, %add3A_1263 : i32
      %dma_wait3A_1265 = arith.constant 5 : i32
      %dma_wait3A_1266 = arith.constant 0 : i32
      %dma_wait3A_1267 = arith.constant 1 : i32
      %dma_wait3A_1268 = arith.constant 0 : i32
      %dma_wait3A_1269 = tpu.memref_slice %arg9[%dma_wait3A_1265, %dma_wait3A_1266, %dma_wait3A_1268] : memref<10x2x128xi32, #tpu.memory_space<vmem>> -> memref<1x1x128xi32, #tpu.memory_space<vmem>>
      %dma_wait3A_1270 = tpu.memref_squeeze %dma_wait3A_1269 : memref<1x1x128xi32, #tpu.memory_space<vmem>> -> memref<128xi32, #tpu.memory_space<vmem>>
      %dma_wait3A_1271 = arith.constant 0 : i32
      %dma_wait3A_1272 = arith.constant 0 : i32
      %dma_wait3A_1273 = tpu.memref_slice %arg2[%dma_wait3A_1271, %dma_wait3A_1272] : memref<20000x128xf32, #tpu.memory_space<hbm>> -> memref<20000x128xf32, #tpu.memory_space<hbm>>
      %dma_wait3A_1274 = tpu.memref_slice %arg15[%dma_wait3A_1267] : memref<2x!tpu.dma_semaphore, #tpu.memory_space<semaphore_mem>> -> memref<1x!tpu.dma_semaphore, #tpu.memory_space<semaphore_mem>>
      %dma_wait3A_1275 = tpu.memref_squeeze %dma_wait3A_1274 : memref<1x!tpu.dma_semaphore, #tpu.memory_space<semaphore_mem>> -> memref<!tpu.dma_semaphore, #tpu.memory_space<semaphore_mem>>
      tpu.wait_indirect_dma semaphore(%dma_wait3A_1275 : memref<!tpu.dma_semaphore, #tpu.memory_space<semaphore_mem>>) src(%dma_wait3A_1273 : memref<20000x128xf32, #tpu.memory_space<hbm>>) dst(%arg11 : memref<128x128xf32, #tpu.memory_space<vmem>>)
      %dma_start3A_1276 = arith.constant 5 : i32
      %dma_start3A_1277 = arith.constant 1 : i32
      %dma_start3A_1278 = arith.constant 1 : i32
      %dma_start3A_1279 = arith.constant 0 : i32
      %dma_start3A_1280 = tpu.memref_slice %arg9[%dma_start3A_1276, %dma_start3A_1277, %dma_start3A_1279] : memref<10x2x128xi32, #tpu.memory_space<vmem>> -> memref<1x1x128xi32, #tpu.memory_space<vmem>>
      %dma_start3A_1281 = tpu.memref_squeeze %dma_start3A_1280 : memref<1x1x128xi32, #tpu.memory_space<vmem>> -> memref<128xi32, #tpu.memory_space<vmem>>
      %dma_start3A_1282 = arith.constant 0 : i32
      %dma_start3A_1283 = arith.constant 0 : i32
      %dma_start3A_1284 = tpu.memref_slice %arg12[%dma_start3A_1282, %dma_start3A_1283] : memref<10240x128xf32, #tpu.memory_space<vmem_shared>> -> memref<10240x128xf32, #tpu.memory_space<vmem_shared>>
      %dma_start3A_1285 = tpu.memref_slice %arg16[%dma_start3A_1278] : memref<2x!tpu.dma_semaphore, #tpu.memory_space<semaphore_mem>> -> memref<1x!tpu.dma_semaphore, #tpu.memory_space<semaphore_mem>>
      %dma_start3A_1286 = tpu.memref_squeeze %dma_start3A_1285 : memref<1x!tpu.dma_semaphore, #tpu.memory_space<semaphore_mem>> -> memref<!tpu.dma_semaphore, #tpu.memory_space<semaphore_mem>>
      tpu.enqueue_indirect_dma source(%arg11 : memref<128x128xf32, #tpu.memory_space<vmem>>) target(%dma_start3A_1284 : memref<10240x128xf32, #tpu.memory_space<vmem_shared>>) offsets(%dma_start3A_1281 : memref<128xi32, #tpu.memory_space<vmem>>) semaphore(%dma_start3A_1286 : memref<!tpu.dma_semaphore, #tpu.memory_space<semaphore_mem>>) {add = true}
      %eq3A_1287 = arith.constant 0 : i32
      %eq3A_1288 = arith.cmpi eq, %arg0, %eq3A_1287 : i32
      %convert_element_type3A_1289 = arith.extui %eq3A_1288 : i1 to i32
      %cond3A_1290 = arith.constant 0 : i32
      %cond3A_1291 = arith.cmpi ne, %convert_element_type3A_1289, %cond3A_1290 : i32
      scf.if %cond3A_1291 {
        %ge3A = arith.constant 4 : i32
        %ge3A_1502 = arith.cmpi sge, %add3A_1264, %ge3A : i32
        %convert_element_type3A_1503 = arith.extui %ge3A_1502 : i1 to i32
        %cond3A_1504 = arith.constant 0 : i32
        %cond3A_1505 = arith.cmpi ne, %convert_element_type3A_1503, %cond3A_1504 : i32
        scf.if %cond3A_1505 {
          %dma_wait3A_1513 = arith.constant 5 : i32
          %dma_wait3A_1514 = arith.constant 1 : i32
          %dma_wait3A_1515 = arith.constant 0 : i32
          %dma_wait3A_1516 = tpu.memref_slice %arg9[%dma_wait3A_1513, %dma_wait3A_1514, %dma_wait3A_1515] : memref<10x2x128xi32, #tpu.memory_space<vmem>> -> memref<1x1x128xi32, #tpu.memory_space<vmem>>
          %dma_wait3A_1517 = tpu.memref_squeeze %dma_wait3A_1516 : memref<1x1x128xi32, #tpu.memory_space<vmem>> -> memref<128xi32, #tpu.memory_space<vmem>>
          %dma_wait3A_1518 = arith.constant 0 : i32
          %dma_wait3A_1519 = tpu.memref_slice %arg13[%dma_wait3A_1518] : memref<10240xf32, #tpu.memory_space<vmem_shared>> -> memref<10240xf32, #tpu.memory_space<vmem_shared>>
          tpu.wait_indirect_dma semaphore(%arg17 : memref<!tpu.dma_semaphore, #tpu.memory_space<semaphore_mem>>) src(%arg7 : memref<128xf32, #tpu.memory_space<vmem>>) dst(%dma_wait3A_1519 : memref<10240xf32, #tpu.memory_space<vmem_shared>>)
        } else {
        }
        %dma_start3A_1506 = arith.constant 5 : i32
        %dma_start3A_1507 = arith.constant 1 : i32
        %dma_start3A_1508 = arith.constant 0 : i32
        %dma_start3A_1509 = tpu.memref_slice %arg9[%dma_start3A_1506, %dma_start3A_1507, %dma_start3A_1508] : memref<10x2x128xi32, #tpu.memory_space<vmem>> -> memref<1x1x128xi32, #tpu.memory_space<vmem>>
        %dma_start3A_1510 = tpu.memref_squeeze %dma_start3A_1509 : memref<1x1x128xi32, #tpu.memory_space<vmem>> -> memref<128xi32, #tpu.memory_space<vmem>>
        %dma_start3A_1511 = arith.constant 0 : i32
        %dma_start3A_1512 = tpu.memref_slice %arg13[%dma_start3A_1511] : memref<10240xf32, #tpu.memory_space<vmem_shared>> -> memref<10240xf32, #tpu.memory_space<vmem_shared>>
        tpu.enqueue_indirect_dma source(%arg7 : memref<128xf32, #tpu.memory_space<vmem>>) target(%dma_start3A_1512 : memref<10240xf32, #tpu.memory_space<vmem_shared>>) offsets(%dma_start3A_1510 : memref<128xi32, #tpu.memory_space<vmem>>) semaphore(%arg17 : memref<!tpu.dma_semaphore, #tpu.memory_space<semaphore_mem>>) {add = true}
      } else {
      }
      %dma_wait3A_1292 = arith.constant 5 : i32
      %dma_wait3A_1293 = arith.constant 1 : i32
      %dma_wait3A_1294 = arith.constant 1 : i32
      %dma_wait3A_1295 = arith.constant 0 : i32
      %dma_wait3A_1296 = tpu.memref_slice %arg9[%dma_wait3A_1292, %dma_wait3A_1293, %dma_wait3A_1295] : memref<10x2x128xi32, #tpu.memory_space<vmem>> -> memref<1x1x128xi32, #tpu.memory_space<vmem>>
      %dma_wait3A_1297 = tpu.memref_squeeze %dma_wait3A_1296 : memref<1x1x128xi32, #tpu.memory_space<vmem>> -> memref<128xi32, #tpu.memory_space<vmem>>
      %dma_wait3A_1298 = arith.constant 0 : i32
      %dma_wait3A_1299 = arith.constant 0 : i32
      %dma_wait3A_1300 = tpu.memref_slice %arg12[%dma_wait3A_1298, %dma_wait3A_1299] : memref<10240x128xf32, #tpu.memory_space<vmem_shared>> -> memref<10240x128xf32, #tpu.memory_space<vmem_shared>>
      %dma_wait3A_1301 = tpu.memref_slice %arg16[%dma_wait3A_1294] : memref<2x!tpu.dma_semaphore, #tpu.memory_space<semaphore_mem>> -> memref<1x!tpu.dma_semaphore, #tpu.memory_space<semaphore_mem>>
      %dma_wait3A_1302 = tpu.memref_squeeze %dma_wait3A_1301 : memref<1x!tpu.dma_semaphore, #tpu.memory_space<semaphore_mem>> -> memref<!tpu.dma_semaphore, #tpu.memory_space<semaphore_mem>>
      tpu.wait_indirect_dma semaphore(%dma_wait3A_1302 : memref<!tpu.dma_semaphore, #tpu.memory_space<semaphore_mem>>) src(%arg11 : memref<128x128xf32, #tpu.memory_space<vmem>>) dst(%dma_wait3A_1300 : memref<10240x128xf32, #tpu.memory_space<vmem_shared>>)
      %dma_start3A_1303 = arith.constant 7 : i32
      %dma_start3A_1304 = arith.constant 0 : i32
      %dma_start3A_1305 = arith.constant 1 : i32
      %dma_start3A_1306 = arith.constant 0 : i32
      %dma_start3A_1307 = tpu.memref_slice %arg9[%dma_start3A_1303, %dma_start3A_1304, %dma_start3A_1306] : memref<10x2x128xi32, #tpu.memory_space<vmem>> -> memref<1x1x128xi32, #tpu.memory_space<vmem>>
      %dma_start3A_1308 = tpu.memref_squeeze %dma_start3A_1307 : memref<1x1x128xi32, #tpu.memory_space<vmem>> -> memref<128xi32, #tpu.memory_space<vmem>>
      %dma_start3A_1309 = arith.constant 0 : i32
      %dma_start3A_1310 = arith.constant 0 : i32
      %dma_start3A_1311 = tpu.memref_slice %arg2[%dma_start3A_1309, %dma_start3A_1310] : memref<20000x128xf32, #tpu.memory_space<hbm>> -> memref<20000x128xf32, #tpu.memory_space<hbm>>
      %dma_start3A_1312 = tpu.memref_slice %arg15[%dma_start3A_1305] : memref<2x!tpu.dma_semaphore, #tpu.memory_space<semaphore_mem>> -> memref<1x!tpu.dma_semaphore, #tpu.memory_space<semaphore_mem>>
      %dma_start3A_1313 = tpu.memref_squeeze %dma_start3A_1312 : memref<1x!tpu.dma_semaphore, #tpu.memory_space<semaphore_mem>> -> memref<!tpu.dma_semaphore, #tpu.memory_space<semaphore_mem>>
      tpu.enqueue_indirect_dma source(%dma_start3A_1311 : memref<20000x128xf32, #tpu.memory_space<hbm>>) target(%arg11 : memref<128x128xf32, #tpu.memory_space<vmem>>) offsets(%dma_start3A_1308 : memref<128xi32, #tpu.memory_space<vmem>>) semaphore(%dma_start3A_1313 : memref<!tpu.dma_semaphore, #tpu.memory_space<semaphore_mem>>)
      %add3A_1314 = arith.constant 6 : i32
      %add3A_1315 = arith.addi %mul3A_1007, %add3A_1314 : i32
      %dma_wait3A_1316 = arith.constant 6 : i32
      %dma_wait3A_1317 = arith.constant 0 : i32
      %dma_wait3A_1318 = arith.constant 0 : i32
      %dma_wait3A_1319 = arith.constant 0 : i32
      %dma_wait3A_1320 = tpu.memref_slice %arg9[%dma_wait3A_1316, %dma_wait3A_1317, %dma_wait3A_1319] : memref<10x2x128xi32, #tpu.memory_space<vmem>> -> memref<1x1x128xi32, #tpu.memory_space<vmem>>
      %dma_wait3A_1321 = tpu.memref_squeeze %dma_wait3A_1320 : memref<1x1x128xi32, #tpu.memory_space<vmem>> -> memref<128xi32, #tpu.memory_space<vmem>>
      %dma_wait3A_1322 = arith.constant 0 : i32
      %dma_wait3A_1323 = arith.constant 0 : i32
      %dma_wait3A_1324 = tpu.memref_slice %arg2[%dma_wait3A_1322, %dma_wait3A_1323] : memref<20000x128xf32, #tpu.memory_space<hbm>> -> memref<20000x128xf32, #tpu.memory_space<hbm>>
      %dma_wait3A_1325 = tpu.memref_slice %arg15[%dma_wait3A_1318] : memref<2x!tpu.dma_semaphore, #tpu.memory_space<semaphore_mem>> -> memref<1x!tpu.dma_semaphore, #tpu.memory_space<semaphore_mem>>
      %dma_wait3A_1326 = tpu.memref_squeeze %dma_wait3A_1325 : memref<1x!tpu.dma_semaphore, #tpu.memory_space<semaphore_mem>> -> memref<!tpu.dma_semaphore, #tpu.memory_space<semaphore_mem>>
      tpu.wait_indirect_dma semaphore(%dma_wait3A_1326 : memref<!tpu.dma_semaphore, #tpu.memory_space<semaphore_mem>>) src(%dma_wait3A_1324 : memref<20000x128xf32, #tpu.memory_space<hbm>>) dst(%arg10 : memref<128x128xf32, #tpu.memory_space<vmem>>)
      %dma_start3A_1327 = arith.constant 6 : i32
      %dma_start3A_1328 = arith.constant 1 : i32
      %dma_start3A_1329 = arith.constant 0 : i32
      %dma_start3A_1330 = arith.constant 0 : i32
      %dma_start3A_1331 = tpu.memref_slice %arg9[%dma_start3A_1327, %dma_start3A_1328, %dma_start3A_1330] : memref<10x2x128xi32, #tpu.memory_space<vmem>> -> memref<1x1x128xi32, #tpu.memory_space<vmem>>
      %dma_start3A_1332 = tpu.memref_squeeze %dma_start3A_1331 : memref<1x1x128xi32, #tpu.memory_space<vmem>> -> memref<128xi32, #tpu.memory_space<vmem>>
      %dma_start3A_1333 = arith.constant 0 : i32
      %dma_start3A_1334 = arith.constant 0 : i32
      %dma_start3A_1335 = tpu.memref_slice %arg12[%dma_start3A_1333, %dma_start3A_1334] : memref<10240x128xf32, #tpu.memory_space<vmem_shared>> -> memref<10240x128xf32, #tpu.memory_space<vmem_shared>>
      %dma_start3A_1336 = tpu.memref_slice %arg16[%dma_start3A_1329] : memref<2x!tpu.dma_semaphore, #tpu.memory_space<semaphore_mem>> -> memref<1x!tpu.dma_semaphore, #tpu.memory_space<semaphore_mem>>
      %dma_start3A_1337 = tpu.memref_squeeze %dma_start3A_1336 : memref<1x!tpu.dma_semaphore, #tpu.memory_space<semaphore_mem>> -> memref<!tpu.dma_semaphore, #tpu.memory_space<semaphore_mem>>
      tpu.enqueue_indirect_dma source(%arg10 : memref<128x128xf32, #tpu.memory_space<vmem>>) target(%dma_start3A_1335 : memref<10240x128xf32, #tpu.memory_space<vmem_shared>>) offsets(%dma_start3A_1332 : memref<128xi32, #tpu.memory_space<vmem>>) semaphore(%dma_start3A_1337 : memref<!tpu.dma_semaphore, #tpu.memory_space<semaphore_mem>>) {add = true}
      %eq3A_1338 = arith.constant 0 : i32
      %eq3A_1339 = arith.cmpi eq, %arg0, %eq3A_1338 : i32
      %convert_element_type3A_1340 = arith.extui %eq3A_1339 : i1 to i32
      %cond3A_1341 = arith.constant 0 : i32
      %cond3A_1342 = arith.cmpi ne, %convert_element_type3A_1340, %cond3A_1341 : i32
      scf.if %cond3A_1342 {
        %ge3A = arith.constant 4 : i32
        %ge3A_1502 = arith.cmpi sge, %add3A_1315, %ge3A : i32
        %convert_element_type3A_1503 = arith.extui %ge3A_1502 : i1 to i32
        %cond3A_1504 = arith.constant 0 : i32
        %cond3A_1505 = arith.cmpi ne, %convert_element_type3A_1503, %cond3A_1504 : i32
        scf.if %cond3A_1505 {
          %dma_wait3A_1513 = arith.constant 6 : i32
          %dma_wait3A_1514 = arith.constant 1 : i32
          %dma_wait3A_1515 = arith.constant 0 : i32
          %dma_wait3A_1516 = tpu.memref_slice %arg9[%dma_wait3A_1513, %dma_wait3A_1514, %dma_wait3A_1515] : memref<10x2x128xi32, #tpu.memory_space<vmem>> -> memref<1x1x128xi32, #tpu.memory_space<vmem>>
          %dma_wait3A_1517 = tpu.memref_squeeze %dma_wait3A_1516 : memref<1x1x128xi32, #tpu.memory_space<vmem>> -> memref<128xi32, #tpu.memory_space<vmem>>
          %dma_wait3A_1518 = arith.constant 0 : i32
          %dma_wait3A_1519 = tpu.memref_slice %arg13[%dma_wait3A_1518] : memref<10240xf32, #tpu.memory_space<vmem_shared>> -> memref<10240xf32, #tpu.memory_space<vmem_shared>>
          tpu.wait_indirect_dma semaphore(%arg17 : memref<!tpu.dma_semaphore, #tpu.memory_space<semaphore_mem>>) src(%arg7 : memref<128xf32, #tpu.memory_space<vmem>>) dst(%dma_wait3A_1519 : memref<10240xf32, #tpu.memory_space<vmem_shared>>)
        } else {
        }
        %dma_start3A_1506 = arith.constant 6 : i32
        %dma_start3A_1507 = arith.constant 1 : i32
        %dma_start3A_1508 = arith.constant 0 : i32
        %dma_start3A_1509 = tpu.memref_slice %arg9[%dma_start3A_1506, %dma_start3A_1507, %dma_start3A_1508] : memref<10x2x128xi32, #tpu.memory_space<vmem>> -> memref<1x1x128xi32, #tpu.memory_space<vmem>>
        %dma_start3A_1510 = tpu.memref_squeeze %dma_start3A_1509 : memref<1x1x128xi32, #tpu.memory_space<vmem>> -> memref<128xi32, #tpu.memory_space<vmem>>
        %dma_start3A_1511 = arith.constant 0 : i32
        %dma_start3A_1512 = tpu.memref_slice %arg13[%dma_start3A_1511] : memref<10240xf32, #tpu.memory_space<vmem_shared>> -> memref<10240xf32, #tpu.memory_space<vmem_shared>>
        tpu.enqueue_indirect_dma source(%arg7 : memref<128xf32, #tpu.memory_space<vmem>>) target(%dma_start3A_1512 : memref<10240xf32, #tpu.memory_space<vmem_shared>>) offsets(%dma_start3A_1510 : memref<128xi32, #tpu.memory_space<vmem>>) semaphore(%arg17 : memref<!tpu.dma_semaphore, #tpu.memory_space<semaphore_mem>>) {add = true}
      } else {
      }
      %dma_wait3A_1343 = arith.constant 6 : i32
      %dma_wait3A_1344 = arith.constant 1 : i32
      %dma_wait3A_1345 = arith.constant 0 : i32
      %dma_wait3A_1346 = arith.constant 0 : i32
      %dma_wait3A_1347 = tpu.memref_slice %arg9[%dma_wait3A_1343, %dma_wait3A_1344, %dma_wait3A_1346] : memref<10x2x128xi32, #tpu.memory_space<vmem>> -> memref<1x1x128xi32, #tpu.memory_space<vmem>>
      %dma_wait3A_1348 = tpu.memref_squeeze %dma_wait3A_1347 : memref<1x1x128xi32, #tpu.memory_space<vmem>> -> memref<128xi32, #tpu.memory_space<vmem>>
      %dma_wait3A_1349 = arith.constant 0 : i32
      %dma_wait3A_1350 = arith.constant 0 : i32
      %dma_wait3A_1351 = tpu.memref_slice %arg12[%dma_wait3A_1349, %dma_wait3A_1350] : memref<10240x128xf32, #tpu.memory_space<vmem_shared>> -> memref<10240x128xf32, #tpu.memory_space<vmem_shared>>
      %dma_wait3A_1352 = tpu.memref_slice %arg16[%dma_wait3A_1345] : memref<2x!tpu.dma_semaphore, #tpu.memory_space<semaphore_mem>> -> memref<1x!tpu.dma_semaphore, #tpu.memory_space<semaphore_mem>>
      %dma_wait3A_1353 = tpu.memref_squeeze %dma_wait3A_1352 : memref<1x!tpu.dma_semaphore, #tpu.memory_space<semaphore_mem>> -> memref<!tpu.dma_semaphore, #tpu.memory_space<semaphore_mem>>
      tpu.wait_indirect_dma semaphore(%dma_wait3A_1353 : memref<!tpu.dma_semaphore, #tpu.memory_space<semaphore_mem>>) src(%arg10 : memref<128x128xf32, #tpu.memory_space<vmem>>) dst(%dma_wait3A_1351 : memref<10240x128xf32, #tpu.memory_space<vmem_shared>>)
      %dma_start3A_1354 = arith.constant 8 : i32
      %dma_start3A_1355 = arith.constant 0 : i32
      %dma_start3A_1356 = arith.constant 0 : i32
      %dma_start3A_1357 = arith.constant 0 : i32
      %dma_start3A_1358 = tpu.memref_slice %arg9[%dma_start3A_1354, %dma_start3A_1355, %dma_start3A_1357] : memref<10x2x128xi32, #tpu.memory_space<vmem>> -> memref<1x1x128xi32, #tpu.memory_space<vmem>>
      %dma_start3A_1359 = tpu.memref_squeeze %dma_start3A_1358 : memref<1x1x128xi32, #tpu.memory_space<vmem>> -> memref<128xi32, #tpu.memory_space<vmem>>
      %dma_start3A_1360 = arith.constant 0 : i32
      %dma_start3A_1361 = arith.constant 0 : i32
      %dma_start3A_1362 = tpu.memref_slice %arg2[%dma_start3A_1360, %dma_start3A_1361] : memref<20000x128xf32, #tpu.memory_space<hbm>> -> memref<20000x128xf32, #tpu.memory_space<hbm>>
      %dma_start3A_1363 = tpu.memref_slice %arg15[%dma_start3A_1356] : memref<2x!tpu.dma_semaphore, #tpu.memory_space<semaphore_mem>> -> memref<1x!tpu.dma_semaphore, #tpu.memory_space<semaphore_mem>>
      %dma_start3A_1364 = tpu.memref_squeeze %dma_start3A_1363 : memref<1x!tpu.dma_semaphore, #tpu.memory_space<semaphore_mem>> -> memref<!tpu.dma_semaphore, #tpu.memory_space<semaphore_mem>>
      tpu.enqueue_indirect_dma source(%dma_start3A_1362 : memref<20000x128xf32, #tpu.memory_space<hbm>>) target(%arg10 : memref<128x128xf32, #tpu.memory_space<vmem>>) offsets(%dma_start3A_1359 : memref<128xi32, #tpu.memory_space<vmem>>) semaphore(%dma_start3A_1364 : memref<!tpu.dma_semaphore, #tpu.memory_space<semaphore_mem>>)
      %add3A_1365 = arith.constant 7 : i32
      %add3A_1366 = arith.addi %mul3A_1007, %add3A_1365 : i32
      %dma_wait3A_1367 = arith.constant 7 : i32
      %dma_wait3A_1368 = arith.constant 0 : i32
      %dma_wait3A_1369 = arith.constant 1 : i32
      %dma_wait3A_1370 = arith.constant 0 : i32
      %dma_wait3A_1371 = tpu.memref_slice %arg9[%dma_wait3A_1367, %dma_wait3A_1368, %dma_wait3A_1370] : memref<10x2x128xi32, #tpu.memory_space<vmem>> -> memref<1x1x128xi32, #tpu.memory_space<vmem>>
      %dma_wait3A_1372 = tpu.memref_squeeze %dma_wait3A_1371 : memref<1x1x128xi32, #tpu.memory_space<vmem>> -> memref<128xi32, #tpu.memory_space<vmem>>
      %dma_wait3A_1373 = arith.constant 0 : i32
      %dma_wait3A_1374 = arith.constant 0 : i32
      %dma_wait3A_1375 = tpu.memref_slice %arg2[%dma_wait3A_1373, %dma_wait3A_1374] : memref<20000x128xf32, #tpu.memory_space<hbm>> -> memref<20000x128xf32, #tpu.memory_space<hbm>>
      %dma_wait3A_1376 = tpu.memref_slice %arg15[%dma_wait3A_1369] : memref<2x!tpu.dma_semaphore, #tpu.memory_space<semaphore_mem>> -> memref<1x!tpu.dma_semaphore, #tpu.memory_space<semaphore_mem>>
      %dma_wait3A_1377 = tpu.memref_squeeze %dma_wait3A_1376 : memref<1x!tpu.dma_semaphore, #tpu.memory_space<semaphore_mem>> -> memref<!tpu.dma_semaphore, #tpu.memory_space<semaphore_mem>>
      tpu.wait_indirect_dma semaphore(%dma_wait3A_1377 : memref<!tpu.dma_semaphore, #tpu.memory_space<semaphore_mem>>) src(%dma_wait3A_1375 : memref<20000x128xf32, #tpu.memory_space<hbm>>) dst(%arg11 : memref<128x128xf32, #tpu.memory_space<vmem>>)
      %dma_start3A_1378 = arith.constant 7 : i32
      %dma_start3A_1379 = arith.constant 1 : i32
      %dma_start3A_1380 = arith.constant 1 : i32
      %dma_start3A_1381 = arith.constant 0 : i32
      %dma_start3A_1382 = tpu.memref_slice %arg9[%dma_start3A_1378, %dma_start3A_1379, %dma_start3A_1381] : memref<10x2x128xi32, #tpu.memory_space<vmem>> -> memref<1x1x128xi32, #tpu.memory_space<vmem>>
      %dma_start3A_1383 = tpu.memref_squeeze %dma_start3A_1382 : memref<1x1x128xi32, #tpu.memory_space<vmem>> -> memref<128xi32, #tpu.memory_space<vmem>>
      %dma_start3A_1384 = arith.constant 0 : i32
      %dma_start3A_1385 = arith.constant 0 : i32
      %dma_start3A_1386 = tpu.memref_slice %arg12[%dma_start3A_1384, %dma_start3A_1385] : memref<10240x128xf32, #tpu.memory_space<vmem_shared>> -> memref<10240x128xf32, #tpu.memory_space<vmem_shared>>
      %dma_start3A_1387 = tpu.memref_slice %arg16[%dma_start3A_1380] : memref<2x!tpu.dma_semaphore, #tpu.memory_space<semaphore_mem>> -> memref<1x!tpu.dma_semaphore, #tpu.memory_space<semaphore_mem>>
      %dma_start3A_1388 = tpu.memref_squeeze %dma_start3A_1387 : memref<1x!tpu.dma_semaphore, #tpu.memory_space<semaphore_mem>> -> memref<!tpu.dma_semaphore, #tpu.memory_space<semaphore_mem>>
      tpu.enqueue_indirect_dma source(%arg11 : memref<128x128xf32, #tpu.memory_space<vmem>>) target(%dma_start3A_1386 : memref<10240x128xf32, #tpu.memory_space<vmem_shared>>) offsets(%dma_start3A_1383 : memref<128xi32, #tpu.memory_space<vmem>>) semaphore(%dma_start3A_1388 : memref<!tpu.dma_semaphore, #tpu.memory_space<semaphore_mem>>) {add = true}
      %eq3A_1389 = arith.constant 0 : i32
      %eq3A_1390 = arith.cmpi eq, %arg0, %eq3A_1389 : i32
      %convert_element_type3A_1391 = arith.extui %eq3A_1390 : i1 to i32
      %cond3A_1392 = arith.constant 0 : i32
      %cond3A_1393 = arith.cmpi ne, %convert_element_type3A_1391, %cond3A_1392 : i32
      scf.if %cond3A_1393 {
        %ge3A = arith.constant 4 : i32
        %ge3A_1502 = arith.cmpi sge, %add3A_1366, %ge3A : i32
        %convert_element_type3A_1503 = arith.extui %ge3A_1502 : i1 to i32
        %cond3A_1504 = arith.constant 0 : i32
        %cond3A_1505 = arith.cmpi ne, %convert_element_type3A_1503, %cond3A_1504 : i32
        scf.if %cond3A_1505 {
          %dma_wait3A_1513 = arith.constant 7 : i32
          %dma_wait3A_1514 = arith.constant 1 : i32
          %dma_wait3A_1515 = arith.constant 0 : i32
          %dma_wait3A_1516 = tpu.memref_slice %arg9[%dma_wait3A_1513, %dma_wait3A_1514, %dma_wait3A_1515] : memref<10x2x128xi32, #tpu.memory_space<vmem>> -> memref<1x1x128xi32, #tpu.memory_space<vmem>>
          %dma_wait3A_1517 = tpu.memref_squeeze %dma_wait3A_1516 : memref<1x1x128xi32, #tpu.memory_space<vmem>> -> memref<128xi32, #tpu.memory_space<vmem>>
          %dma_wait3A_1518 = arith.constant 0 : i32
          %dma_wait3A_1519 = tpu.memref_slice %arg13[%dma_wait3A_1518] : memref<10240xf32, #tpu.memory_space<vmem_shared>> -> memref<10240xf32, #tpu.memory_space<vmem_shared>>
          tpu.wait_indirect_dma semaphore(%arg17 : memref<!tpu.dma_semaphore, #tpu.memory_space<semaphore_mem>>) src(%arg7 : memref<128xf32, #tpu.memory_space<vmem>>) dst(%dma_wait3A_1519 : memref<10240xf32, #tpu.memory_space<vmem_shared>>)
        } else {
        }
        %dma_start3A_1506 = arith.constant 7 : i32
        %dma_start3A_1507 = arith.constant 1 : i32
        %dma_start3A_1508 = arith.constant 0 : i32
        %dma_start3A_1509 = tpu.memref_slice %arg9[%dma_start3A_1506, %dma_start3A_1507, %dma_start3A_1508] : memref<10x2x128xi32, #tpu.memory_space<vmem>> -> memref<1x1x128xi32, #tpu.memory_space<vmem>>
        %dma_start3A_1510 = tpu.memref_squeeze %dma_start3A_1509 : memref<1x1x128xi32, #tpu.memory_space<vmem>> -> memref<128xi32, #tpu.memory_space<vmem>>
        %dma_start3A_1511 = arith.constant 0 : i32
        %dma_start3A_1512 = tpu.memref_slice %arg13[%dma_start3A_1511] : memref<10240xf32, #tpu.memory_space<vmem_shared>> -> memref<10240xf32, #tpu.memory_space<vmem_shared>>
        tpu.enqueue_indirect_dma source(%arg7 : memref<128xf32, #tpu.memory_space<vmem>>) target(%dma_start3A_1512 : memref<10240xf32, #tpu.memory_space<vmem_shared>>) offsets(%dma_start3A_1510 : memref<128xi32, #tpu.memory_space<vmem>>) semaphore(%arg17 : memref<!tpu.dma_semaphore, #tpu.memory_space<semaphore_mem>>) {add = true}
      } else {
      }
      %dma_wait3A_1394 = arith.constant 7 : i32
      %dma_wait3A_1395 = arith.constant 1 : i32
      %dma_wait3A_1396 = arith.constant 1 : i32
      %dma_wait3A_1397 = arith.constant 0 : i32
      %dma_wait3A_1398 = tpu.memref_slice %arg9[%dma_wait3A_1394, %dma_wait3A_1395, %dma_wait3A_1397] : memref<10x2x128xi32, #tpu.memory_space<vmem>> -> memref<1x1x128xi32, #tpu.memory_space<vmem>>
      %dma_wait3A_1399 = tpu.memref_squeeze %dma_wait3A_1398 : memref<1x1x128xi32, #tpu.memory_space<vmem>> -> memref<128xi32, #tpu.memory_space<vmem>>
      %dma_wait3A_1400 = arith.constant 0 : i32
      %dma_wait3A_1401 = arith.constant 0 : i32
      %dma_wait3A_1402 = tpu.memref_slice %arg12[%dma_wait3A_1400, %dma_wait3A_1401] : memref<10240x128xf32, #tpu.memory_space<vmem_shared>> -> memref<10240x128xf32, #tpu.memory_space<vmem_shared>>
      %dma_wait3A_1403 = tpu.memref_slice %arg16[%dma_wait3A_1396] : memref<2x!tpu.dma_semaphore, #tpu.memory_space<semaphore_mem>> -> memref<1x!tpu.dma_semaphore, #tpu.memory_space<semaphore_mem>>
      %dma_wait3A_1404 = tpu.memref_squeeze %dma_wait3A_1403 : memref<1x!tpu.dma_semaphore, #tpu.memory_space<semaphore_mem>> -> memref<!tpu.dma_semaphore, #tpu.memory_space<semaphore_mem>>
      tpu.wait_indirect_dma semaphore(%dma_wait3A_1404 : memref<!tpu.dma_semaphore, #tpu.memory_space<semaphore_mem>>) src(%arg11 : memref<128x128xf32, #tpu.memory_space<vmem>>) dst(%dma_wait3A_1402 : memref<10240x128xf32, #tpu.memory_space<vmem_shared>>)
      %dma_start3A_1405 = arith.constant 9 : i32
      %dma_start3A_1406 = arith.constant 0 : i32
      %dma_start3A_1407 = arith.constant 1 : i32
      %dma_start3A_1408 = arith.constant 0 : i32
      %dma_start3A_1409 = tpu.memref_slice %arg9[%dma_start3A_1405, %dma_start3A_1406, %dma_start3A_1408] : memref<10x2x128xi32, #tpu.memory_space<vmem>> -> memref<1x1x128xi32, #tpu.memory_space<vmem>>
      %dma_start3A_1410 = tpu.memref_squeeze %dma_start3A_1409 : memref<1x1x128xi32, #tpu.memory_space<vmem>> -> memref<128xi32, #tpu.memory_space<vmem>>
      %dma_start3A_1411 = arith.constant 0 : i32
      %dma_start3A_1412 = arith.constant 0 : i32
      %dma_start3A_1413 = tpu.memref_slice %arg2[%dma_start3A_1411, %dma_start3A_1412] : memref<20000x128xf32, #tpu.memory_space<hbm>> -> memref<20000x128xf32, #tpu.memory_space<hbm>>
      %dma_start3A_1414 = tpu.memref_slice %arg15[%dma_start3A_1407] : memref<2x!tpu.dma_semaphore, #tpu.memory_space<semaphore_mem>> -> memref<1x!tpu.dma_semaphore, #tpu.memory_space<semaphore_mem>>
      %dma_start3A_1415 = tpu.memref_squeeze %dma_start3A_1414 : memref<1x!tpu.dma_semaphore, #tpu.memory_space<semaphore_mem>> -> memref<!tpu.dma_semaphore, #tpu.memory_space<semaphore_mem>>
      tpu.enqueue_indirect_dma source(%dma_start3A_1413 : memref<20000x128xf32, #tpu.memory_space<hbm>>) target(%arg11 : memref<128x128xf32, #tpu.memory_space<vmem>>) offsets(%dma_start3A_1410 : memref<128xi32, #tpu.memory_space<vmem>>) semaphore(%dma_start3A_1415 : memref<!tpu.dma_semaphore, #tpu.memory_space<semaphore_mem>>)
      %add3A_1416 = arith.constant 8 : i32
      %add3A_1417 = arith.addi %mul3A_1007, %add3A_1416 : i32
      %dma_wait3A_1418 = arith.constant 8 : i32
      %dma_wait3A_1419 = arith.constant 0 : i32
      %dma_wait3A_1420 = arith.constant 0 : i32
      %dma_wait3A_1421 = arith.constant 0 : i32
      %dma_wait3A_1422 = tpu.memref_slice %arg9[%dma_wait3A_1418, %dma_wait3A_1419, %dma_wait3A_1421] : memref<10x2x128xi32, #tpu.memory_space<vmem>> -> memref<1x1x128xi32, #tpu.memory_space<vmem>>
      %dma_wait3A_1423 = tpu.memref_squeeze %dma_wait3A_1422 : memref<1x1x128xi32, #tpu.memory_space<vmem>> -> memref<128xi32, #tpu.memory_space<vmem>>
      %dma_wait3A_1424 = arith.constant 0 : i32
      %dma_wait3A_1425 = arith.constant 0 : i32
      %dma_wait3A_1426 = tpu.memref_slice %arg2[%dma_wait3A_1424, %dma_wait3A_1425] : memref<20000x128xf32, #tpu.memory_space<hbm>> -> memref<20000x128xf32, #tpu.memory_space<hbm>>
      %dma_wait3A_1427 = tpu.memref_slice %arg15[%dma_wait3A_1420] : memref<2x!tpu.dma_semaphore, #tpu.memory_space<semaphore_mem>> -> memref<1x!tpu.dma_semaphore, #tpu.memory_space<semaphore_mem>>
      %dma_wait3A_1428 = tpu.memref_squeeze %dma_wait3A_1427 : memref<1x!tpu.dma_semaphore, #tpu.memory_space<semaphore_mem>> -> memref<!tpu.dma_semaphore, #tpu.memory_space<semaphore_mem>>
      tpu.wait_indirect_dma semaphore(%dma_wait3A_1428 : memref<!tpu.dma_semaphore, #tpu.memory_space<semaphore_mem>>) src(%dma_wait3A_1426 : memref<20000x128xf32, #tpu.memory_space<hbm>>) dst(%arg10 : memref<128x128xf32, #tpu.memory_space<vmem>>)
      %dma_start3A_1429 = arith.constant 8 : i32
      %dma_start3A_1430 = arith.constant 1 : i32
      %dma_start3A_1431 = arith.constant 0 : i32
      %dma_start3A_1432 = arith.constant 0 : i32
      %dma_start3A_1433 = tpu.memref_slice %arg9[%dma_start3A_1429, %dma_start3A_1430, %dma_start3A_1432] : memref<10x2x128xi32, #tpu.memory_space<vmem>> -> memref<1x1x128xi32, #tpu.memory_space<vmem>>
      %dma_start3A_1434 = tpu.memref_squeeze %dma_start3A_1433 : memref<1x1x128xi32, #tpu.memory_space<vmem>> -> memref<128xi32, #tpu.memory_space<vmem>>
      %dma_start3A_1435 = arith.constant 0 : i32
      %dma_start3A_1436 = arith.constant 0 : i32
      %dma_start3A_1437 = tpu.memref_slice %arg12[%dma_start3A_1435, %dma_start3A_1436] : memref<10240x128xf32, #tpu.memory_space<vmem_shared>> -> memref<10240x128xf32, #tpu.memory_space<vmem_shared>>
      %dma_start3A_1438 = tpu.memref_slice %arg16[%dma_start3A_1431] : memref<2x!tpu.dma_semaphore, #tpu.memory_space<semaphore_mem>> -> memref<1x!tpu.dma_semaphore, #tpu.memory_space<semaphore_mem>>
      %dma_start3A_1439 = tpu.memref_squeeze %dma_start3A_1438 : memref<1x!tpu.dma_semaphore, #tpu.memory_space<semaphore_mem>> -> memref<!tpu.dma_semaphore, #tpu.memory_space<semaphore_mem>>
      tpu.enqueue_indirect_dma source(%arg10 : memref<128x128xf32, #tpu.memory_space<vmem>>) target(%dma_start3A_1437 : memref<10240x128xf32, #tpu.memory_space<vmem_shared>>) offsets(%dma_start3A_1434 : memref<128xi32, #tpu.memory_space<vmem>>) semaphore(%dma_start3A_1439 : memref<!tpu.dma_semaphore, #tpu.memory_space<semaphore_mem>>) {add = true}
      %eq3A_1440 = arith.constant 0 : i32
      %eq3A_1441 = arith.cmpi eq, %arg0, %eq3A_1440 : i32
      %convert_element_type3A_1442 = arith.extui %eq3A_1441 : i1 to i32
      %cond3A_1443 = arith.constant 0 : i32
      %cond3A_1444 = arith.cmpi ne, %convert_element_type3A_1442, %cond3A_1443 : i32
      scf.if %cond3A_1444 {
        %ge3A = arith.constant 4 : i32
        %ge3A_1502 = arith.cmpi sge, %add3A_1417, %ge3A : i32
        %convert_element_type3A_1503 = arith.extui %ge3A_1502 : i1 to i32
        %cond3A_1504 = arith.constant 0 : i32
        %cond3A_1505 = arith.cmpi ne, %convert_element_type3A_1503, %cond3A_1504 : i32
        scf.if %cond3A_1505 {
          %dma_wait3A_1513 = arith.constant 8 : i32
          %dma_wait3A_1514 = arith.constant 1 : i32
          %dma_wait3A_1515 = arith.constant 0 : i32
          %dma_wait3A_1516 = tpu.memref_slice %arg9[%dma_wait3A_1513, %dma_wait3A_1514, %dma_wait3A_1515] : memref<10x2x128xi32, #tpu.memory_space<vmem>> -> memref<1x1x128xi32, #tpu.memory_space<vmem>>
          %dma_wait3A_1517 = tpu.memref_squeeze %dma_wait3A_1516 : memref<1x1x128xi32, #tpu.memory_space<vmem>> -> memref<128xi32, #tpu.memory_space<vmem>>
          %dma_wait3A_1518 = arith.constant 0 : i32
          %dma_wait3A_1519 = tpu.memref_slice %arg13[%dma_wait3A_1518] : memref<10240xf32, #tpu.memory_space<vmem_shared>> -> memref<10240xf32, #tpu.memory_space<vmem_shared>>
          tpu.wait_indirect_dma semaphore(%arg17 : memref<!tpu.dma_semaphore, #tpu.memory_space<semaphore_mem>>) src(%arg7 : memref<128xf32, #tpu.memory_space<vmem>>) dst(%dma_wait3A_1519 : memref<10240xf32, #tpu.memory_space<vmem_shared>>)
        } else {
        }
        %dma_start3A_1506 = arith.constant 8 : i32
        %dma_start3A_1507 = arith.constant 1 : i32
        %dma_start3A_1508 = arith.constant 0 : i32
        %dma_start3A_1509 = tpu.memref_slice %arg9[%dma_start3A_1506, %dma_start3A_1507, %dma_start3A_1508] : memref<10x2x128xi32, #tpu.memory_space<vmem>> -> memref<1x1x128xi32, #tpu.memory_space<vmem>>
        %dma_start3A_1510 = tpu.memref_squeeze %dma_start3A_1509 : memref<1x1x128xi32, #tpu.memory_space<vmem>> -> memref<128xi32, #tpu.memory_space<vmem>>
        %dma_start3A_1511 = arith.constant 0 : i32
        %dma_start3A_1512 = tpu.memref_slice %arg13[%dma_start3A_1511] : memref<10240xf32, #tpu.memory_space<vmem_shared>> -> memref<10240xf32, #tpu.memory_space<vmem_shared>>
        tpu.enqueue_indirect_dma source(%arg7 : memref<128xf32, #tpu.memory_space<vmem>>) target(%dma_start3A_1512 : memref<10240xf32, #tpu.memory_space<vmem_shared>>) offsets(%dma_start3A_1510 : memref<128xi32, #tpu.memory_space<vmem>>) semaphore(%arg17 : memref<!tpu.dma_semaphore, #tpu.memory_space<semaphore_mem>>) {add = true}
      } else {
      }
      %dma_wait3A_1445 = arith.constant 8 : i32
      %dma_wait3A_1446 = arith.constant 1 : i32
      %dma_wait3A_1447 = arith.constant 0 : i32
      %dma_wait3A_1448 = arith.constant 0 : i32
      %dma_wait3A_1449 = tpu.memref_slice %arg9[%dma_wait3A_1445, %dma_wait3A_1446, %dma_wait3A_1448] : memref<10x2x128xi32, #tpu.memory_space<vmem>> -> memref<1x1x128xi32, #tpu.memory_space<vmem>>
      %dma_wait3A_1450 = tpu.memref_squeeze %dma_wait3A_1449 : memref<1x1x128xi32, #tpu.memory_space<vmem>> -> memref<128xi32, #tpu.memory_space<vmem>>
      %dma_wait3A_1451 = arith.constant 0 : i32
      %dma_wait3A_1452 = arith.constant 0 : i32
      %dma_wait3A_1453 = tpu.memref_slice %arg12[%dma_wait3A_1451, %dma_wait3A_1452] : memref<10240x128xf32, #tpu.memory_space<vmem_shared>> -> memref<10240x128xf32, #tpu.memory_space<vmem_shared>>
      %dma_wait3A_1454 = tpu.memref_slice %arg16[%dma_wait3A_1447] : memref<2x!tpu.dma_semaphore, #tpu.memory_space<semaphore_mem>> -> memref<1x!tpu.dma_semaphore, #tpu.memory_space<semaphore_mem>>
      %dma_wait3A_1455 = tpu.memref_squeeze %dma_wait3A_1454 : memref<1x!tpu.dma_semaphore, #tpu.memory_space<semaphore_mem>> -> memref<!tpu.dma_semaphore, #tpu.memory_space<semaphore_mem>>
      tpu.wait_indirect_dma semaphore(%dma_wait3A_1455 : memref<!tpu.dma_semaphore, #tpu.memory_space<semaphore_mem>>) src(%arg10 : memref<128x128xf32, #tpu.memory_space<vmem>>) dst(%dma_wait3A_1453 : memref<10240x128xf32, #tpu.memory_space<vmem_shared>>)
      %add3A_1456 = arith.constant 9 : i32
      %add3A_1457 = arith.addi %mul3A_1007, %add3A_1456 : i32
      %dma_wait3A_1458 = arith.constant 9 : i32
      %dma_wait3A_1459 = arith.constant 0 : i32
      %dma_wait3A_1460 = arith.constant 1 : i32
      %dma_wait3A_1461 = arith.constant 0 : i32
      %dma_wait3A_1462 = tpu.memref_slice %arg9[%dma_wait3A_1458, %dma_wait3A_1459, %dma_wait3A_1461] : memref<10x2x128xi32, #tpu.memory_space<vmem>> -> memref<1x1x128xi32, #tpu.memory_space<vmem>>
      %dma_wait3A_1463 = tpu.memref_squeeze %dma_wait3A_1462 : memref<1x1x128xi32, #tpu.memory_space<vmem>> -> memref<128xi32, #tpu.memory_space<vmem>>
      %dma_wait3A_1464 = arith.constant 0 : i32
      %dma_wait3A_1465 = arith.constant 0 : i32
      %dma_wait3A_1466 = tpu.memref_slice %arg2[%dma_wait3A_1464, %dma_wait3A_1465] : memref<20000x128xf32, #tpu.memory_space<hbm>> -> memref<20000x128xf32, #tpu.memory_space<hbm>>
      %dma_wait3A_1467 = tpu.memref_slice %arg15[%dma_wait3A_1460] : memref<2x!tpu.dma_semaphore, #tpu.memory_space<semaphore_mem>> -> memref<1x!tpu.dma_semaphore, #tpu.memory_space<semaphore_mem>>
      %dma_wait3A_1468 = tpu.memref_squeeze %dma_wait3A_1467 : memref<1x!tpu.dma_semaphore, #tpu.memory_space<semaphore_mem>> -> memref<!tpu.dma_semaphore, #tpu.memory_space<semaphore_mem>>
      tpu.wait_indirect_dma semaphore(%dma_wait3A_1468 : memref<!tpu.dma_semaphore, #tpu.memory_space<semaphore_mem>>) src(%dma_wait3A_1466 : memref<20000x128xf32, #tpu.memory_space<hbm>>) dst(%arg11 : memref<128x128xf32, #tpu.memory_space<vmem>>)
      %dma_start3A_1469 = arith.constant 9 : i32
      %dma_start3A_1470 = arith.constant 1 : i32
      %dma_start3A_1471 = arith.constant 1 : i32
      %dma_start3A_1472 = arith.constant 0 : i32
      %dma_start3A_1473 = tpu.memref_slice %arg9[%dma_start3A_1469, %dma_start3A_1470, %dma_start3A_1472] : memref<10x2x128xi32, #tpu.memory_space<vmem>> -> memref<1x1x128xi32, #tpu.memory_space<vmem>>
      %dma_start3A_1474 = tpu.memref_squeeze %dma_start3A_1473 : memref<1x1x128xi32, #tpu.memory_space<vmem>> -> memref<128xi32, #tpu.memory_space<vmem>>
      %dma_start3A_1475 = arith.constant 0 : i32
      %dma_start3A_1476 = arith.constant 0 : i32
      %dma_start3A_1477 = tpu.memref_slice %arg12[%dma_start3A_1475, %dma_start3A_1476] : memref<10240x128xf32, #tpu.memory_space<vmem_shared>> -> memref<10240x128xf32, #tpu.memory_space<vmem_shared>>
      %dma_start3A_1478 = tpu.memref_slice %arg16[%dma_start3A_1471] : memref<2x!tpu.dma_semaphore, #tpu.memory_space<semaphore_mem>> -> memref<1x!tpu.dma_semaphore, #tpu.memory_space<semaphore_mem>>
      %dma_start3A_1479 = tpu.memref_squeeze %dma_start3A_1478 : memref<1x!tpu.dma_semaphore, #tpu.memory_space<semaphore_mem>> -> memref<!tpu.dma_semaphore, #tpu.memory_space<semaphore_mem>>
      tpu.enqueue_indirect_dma source(%arg11 : memref<128x128xf32, #tpu.memory_space<vmem>>) target(%dma_start3A_1477 : memref<10240x128xf32, #tpu.memory_space<vmem_shared>>) offsets(%dma_start3A_1474 : memref<128xi32, #tpu.memory_space<vmem>>) semaphore(%dma_start3A_1479 : memref<!tpu.dma_semaphore, #tpu.memory_space<semaphore_mem>>) {add = true}
      %eq3A_1480 = arith.constant 0 : i32
      %eq3A_1481 = arith.cmpi eq, %arg0, %eq3A_1480 : i32
      %convert_element_type3A_1482 = arith.extui %eq3A_1481 : i1 to i32
      %cond3A_1483 = arith.constant 0 : i32
      %cond3A_1484 = arith.cmpi ne, %convert_element_type3A_1482, %cond3A_1483 : i32
      scf.if %cond3A_1484 {
        %ge3A = arith.constant 4 : i32
        %ge3A_1502 = arith.cmpi sge, %add3A_1457, %ge3A : i32
        %convert_element_type3A_1503 = arith.extui %ge3A_1502 : i1 to i32
        %cond3A_1504 = arith.constant 0 : i32
        %cond3A_1505 = arith.cmpi ne, %convert_element_type3A_1503, %cond3A_1504 : i32
        scf.if %cond3A_1505 {
          %dma_wait3A_1513 = arith.constant 9 : i32
          %dma_wait3A_1514 = arith.constant 1 : i32
          %dma_wait3A_1515 = arith.constant 0 : i32
          %dma_wait3A_1516 = tpu.memref_slice %arg9[%dma_wait3A_1513, %dma_wait3A_1514, %dma_wait3A_1515] : memref<10x2x128xi32, #tpu.memory_space<vmem>> -> memref<1x1x128xi32, #tpu.memory_space<vmem>>
          %dma_wait3A_1517 = tpu.memref_squeeze %dma_wait3A_1516 : memref<1x1x128xi32, #tpu.memory_space<vmem>> -> memref<128xi32, #tpu.memory_space<vmem>>
          %dma_wait3A_1518 = arith.constant 0 : i32
          %dma_wait3A_1519 = tpu.memref_slice %arg13[%dma_wait3A_1518] : memref<10240xf32, #tpu.memory_space<vmem_shared>> -> memref<10240xf32, #tpu.memory_space<vmem_shared>>
          tpu.wait_indirect_dma semaphore(%arg17 : memref<!tpu.dma_semaphore, #tpu.memory_space<semaphore_mem>>) src(%arg7 : memref<128xf32, #tpu.memory_space<vmem>>) dst(%dma_wait3A_1519 : memref<10240xf32, #tpu.memory_space<vmem_shared>>)
        } else {
        }
        %dma_start3A_1506 = arith.constant 9 : i32
        %dma_start3A_1507 = arith.constant 1 : i32
        %dma_start3A_1508 = arith.constant 0 : i32
        %dma_start3A_1509 = tpu.memref_slice %arg9[%dma_start3A_1506, %dma_start3A_1507, %dma_start3A_1508] : memref<10x2x128xi32, #tpu.memory_space<vmem>> -> memref<1x1x128xi32, #tpu.memory_space<vmem>>
        %dma_start3A_1510 = tpu.memref_squeeze %dma_start3A_1509 : memref<1x1x128xi32, #tpu.memory_space<vmem>> -> memref<128xi32, #tpu.memory_space<vmem>>
        %dma_start3A_1511 = arith.constant 0 : i32
        %dma_start3A_1512 = tpu.memref_slice %arg13[%dma_start3A_1511] : memref<10240xf32, #tpu.memory_space<vmem_shared>> -> memref<10240xf32, #tpu.memory_space<vmem_shared>>
        tpu.enqueue_indirect_dma source(%arg7 : memref<128xf32, #tpu.memory_space<vmem>>) target(%dma_start3A_1512 : memref<10240xf32, #tpu.memory_space<vmem_shared>>) offsets(%dma_start3A_1510 : memref<128xi32, #tpu.memory_space<vmem>>) semaphore(%arg17 : memref<!tpu.dma_semaphore, #tpu.memory_space<semaphore_mem>>) {add = true}
      } else {
      }
      %dma_wait3A_1485 = arith.constant 9 : i32
      %dma_wait3A_1486 = arith.constant 1 : i32
      %dma_wait3A_1487 = arith.constant 1 : i32
      %dma_wait3A_1488 = arith.constant 0 : i32
      %dma_wait3A_1489 = tpu.memref_slice %arg9[%dma_wait3A_1485, %dma_wait3A_1486, %dma_wait3A_1488] : memref<10x2x128xi32, #tpu.memory_space<vmem>> -> memref<1x1x128xi32, #tpu.memory_space<vmem>>
      %dma_wait3A_1490 = tpu.memref_squeeze %dma_wait3A_1489 : memref<1x1x128xi32, #tpu.memory_space<vmem>> -> memref<128xi32, #tpu.memory_space<vmem>>
      %dma_wait3A_1491 = arith.constant 0 : i32
      %dma_wait3A_1492 = arith.constant 0 : i32
      %dma_wait3A_1493 = tpu.memref_slice %arg12[%dma_wait3A_1491, %dma_wait3A_1492] : memref<10240x128xf32, #tpu.memory_space<vmem_shared>> -> memref<10240x128xf32, #tpu.memory_space<vmem_shared>>
      %dma_wait3A_1494 = tpu.memref_slice %arg16[%dma_wait3A_1487] : memref<2x!tpu.dma_semaphore, #tpu.memory_space<semaphore_mem>> -> memref<1x!tpu.dma_semaphore, #tpu.memory_space<semaphore_mem>>
      %dma_wait3A_1495 = tpu.memref_squeeze %dma_wait3A_1494 : memref<1x!tpu.dma_semaphore, #tpu.memory_space<semaphore_mem>> -> memref<!tpu.dma_semaphore, #tpu.memory_space<semaphore_mem>>
      tpu.wait_indirect_dma semaphore(%dma_wait3A_1495 : memref<!tpu.dma_semaphore, #tpu.memory_space<semaphore_mem>>) src(%arg11 : memref<128x128xf32, #tpu.memory_space<vmem>>) dst(%dma_wait3A_1493 : memref<10240x128xf32, #tpu.memory_space<vmem_shared>>)
      %lt3A_1496 = arith.constant 7 : i32
      %lt3A_1497 = arith.cmpi slt, %add3A_1005, %lt3A_1496 : i32
      %convert_element_type3A_1498 = arith.extui %lt3A_1497 : i1 to i32
      %cond3A_1499 = arith.constant 0 : i32
      %cond3A_1500 = arith.cmpi ne, %convert_element_type3A_1498, %cond3A_1499 : i32
      scf.if %cond3A_1500 {
        %add3A_1502 = arith.constant 1 : i32
        %add3A_1503 = arith.addi %add3A_1005, %add3A_1502 : i32
        %mul3A_1504 = arith.constant 80 : i32
        %mul3A_1505 = arith.muli %arg1, %mul3A_1504 : i32
        %mul3A_1506 = arith.constant 10 : i32
        %mul3A_1507 = arith.muli %add3A_1503, %mul3A_1506 : i32
        %add3A_1508 = arith.addi %mul3A_1505, %mul3A_1507 : i32
        %dma_wait3A_1509 = arith.constant 0 : i32
        %dma_wait3A_1510 = arith.constant 0 : i32
        %dma_wait3A_1511 = arith.constant 0 : i32
        %dma_wait3A_1512 = tpu.memref_slice %arg3[%arg0, %add3A_1508, %dma_wait3A_1510, %dma_wait3A_1511] : memref<2x1280x2x128xi32, #tpu.memory_space<hbm>> -> memref<1x10x2x128xi32, #tpu.memory_space<hbm>>
        %dma_wait3A_1513 = tpu.memref_squeeze %dma_wait3A_1512 : memref<1x10x2x128xi32, #tpu.memory_space<hbm>> -> memref<10x2x128xi32, #tpu.memory_space<hbm>>
        %dma_wait3A_1514 = tpu.memref_slice %arg14[%dma_wait3A_1509] : memref<2x!tpu.dma_semaphore, #tpu.memory_space<semaphore_mem>> -> memref<1x!tpu.dma_semaphore, #tpu.memory_space<semaphore_mem>>
        %dma_wait3A_1515 = tpu.memref_squeeze %dma_wait3A_1514 : memref<1x!tpu.dma_semaphore, #tpu.memory_space<semaphore_mem>> -> memref<!tpu.dma_semaphore, #tpu.memory_space<semaphore_mem>>
        %dma_wait3A_1516 = arith.constant 0 : i32
        %dma_wait3A_1517 = arith.constant 0 : i32
        %dma_wait3A_1518 = tpu.memref_slice %arg3[%arg0, %add3A_1508, %dma_wait3A_1516, %dma_wait3A_1517] : memref<2x1280x2x128xi32, #tpu.memory_space<hbm>> -> memref<1x10x2x128xi32, #tpu.memory_space<hbm>>
        %dma_wait3A_1519 = tpu.memref_squeeze %dma_wait3A_1518 : memref<1x10x2x128xi32, #tpu.memory_space<hbm>> -> memref<10x2x128xi32, #tpu.memory_space<hbm>>
        tpu.wait_dma2 semaphore(%dma_wait3A_1515 : memref<!tpu.dma_semaphore, #tpu.memory_space<semaphore_mem>>) src(%dma_wait3A_1519 : memref<10x2x128xi32, #tpu.memory_space<hbm>>) dst(%arg8 : memref<10x2x128xi32, #tpu.memory_space<vmem>>)
        %dma_start3A_1520 = arith.constant 0 : i32
        %dma_start3A_1521 = arith.constant 0 : i32
        %dma_start3A_1522 = arith.constant 0 : i32
        %dma_start3A_1523 = arith.constant 0 : i32
        %dma_start3A_1524 = tpu.memref_slice %arg8[%dma_start3A_1520, %dma_start3A_1521, %dma_start3A_1523] : memref<10x2x128xi32, #tpu.memory_space<vmem>> -> memref<1x1x128xi32, #tpu.memory_space<vmem>>
        %dma_start3A_1525 = tpu.memref_squeeze %dma_start3A_1524 : memref<1x1x128xi32, #tpu.memory_space<vmem>> -> memref<128xi32, #tpu.memory_space<vmem>>
        %dma_start3A_1526 = arith.constant 0 : i32
        %dma_start3A_1527 = arith.constant 0 : i32
        %dma_start3A_1528 = tpu.memref_slice %arg2[%dma_start3A_1526, %dma_start3A_1527] : memref<20000x128xf32, #tpu.memory_space<hbm>> -> memref<20000x128xf32, #tpu.memory_space<hbm>>
        %dma_start3A_1529 = tpu.memref_slice %arg15[%dma_start3A_1522] : memref<2x!tpu.dma_semaphore, #tpu.memory_space<semaphore_mem>> -> memref<1x!tpu.dma_semaphore, #tpu.memory_space<semaphore_mem>>
        %dma_start3A_1530 = tpu.memref_squeeze %dma_start3A_1529 : memref<1x!tpu.dma_semaphore, #tpu.memory_space<semaphore_mem>> -> memref<!tpu.dma_semaphore, #tpu.memory_space<semaphore_mem>>
        tpu.enqueue_indirect_dma source(%dma_start3A_1528 : memref<20000x128xf32, #tpu.memory_space<hbm>>) target(%arg10 : memref<128x128xf32, #tpu.memory_space<vmem>>) offsets(%dma_start3A_1525 : memref<128xi32, #tpu.memory_space<vmem>>) semaphore(%dma_start3A_1530 : memref<!tpu.dma_semaphore, #tpu.memory_space<semaphore_mem>>)
        %dma_start3A_1531 = arith.constant 1 : i32
        %dma_start3A_1532 = arith.constant 0 : i32
        %dma_start3A_1533 = arith.constant 1 : i32
        %dma_start3A_1534 = arith.constant 0 : i32
        %dma_start3A_1535 = tpu.memref_slice %arg8[%dma_start3A_1531, %dma_start3A_1532, %dma_start3A_1534] : memref<10x2x128xi32, #tpu.memory_space<vmem>> -> memref<1x1x128xi32, #tpu.memory_space<vmem>>
        %dma_start3A_1536 = tpu.memref_squeeze %dma_start3A_1535 : memref<1x1x128xi32, #tpu.memory_space<vmem>> -> memref<128xi32, #tpu.memory_space<vmem>>
        %dma_start3A_1537 = arith.constant 0 : i32
        %dma_start3A_1538 = arith.constant 0 : i32
        %dma_start3A_1539 = tpu.memref_slice %arg2[%dma_start3A_1537, %dma_start3A_1538] : memref<20000x128xf32, #tpu.memory_space<hbm>> -> memref<20000x128xf32, #tpu.memory_space<hbm>>
        %dma_start3A_1540 = tpu.memref_slice %arg15[%dma_start3A_1533] : memref<2x!tpu.dma_semaphore, #tpu.memory_space<semaphore_mem>> -> memref<1x!tpu.dma_semaphore, #tpu.memory_space<semaphore_mem>>
        %dma_start3A_1541 = tpu.memref_squeeze %dma_start3A_1540 : memref<1x!tpu.dma_semaphore, #tpu.memory_space<semaphore_mem>> -> memref<!tpu.dma_semaphore, #tpu.memory_space<semaphore_mem>>
        tpu.enqueue_indirect_dma source(%dma_start3A_1539 : memref<20000x128xf32, #tpu.memory_space<hbm>>) target(%arg11 : memref<128x128xf32, #tpu.memory_space<vmem>>) offsets(%dma_start3A_1536 : memref<128xi32, #tpu.memory_space<vmem>>) semaphore(%dma_start3A_1541 : memref<!tpu.dma_semaphore, #tpu.memory_space<semaphore_mem>>)
        %lt3A_1542 = arith.constant 6 : i32
        %lt3A_1543 = arith.cmpi slt, %add3A_1005, %lt3A_1542 : i32
        %convert_element_type3A_1544 = arith.extui %lt3A_1543 : i1 to i32
        %cond3A_1545 = arith.constant 0 : i32
        %cond3A_1546 = arith.cmpi ne, %convert_element_type3A_1544, %cond3A_1545 : i32
        scf.if %cond3A_1546 {
          %add3A_1547 = arith.constant 2 : i32
          %add3A_1548 = arith.addi %add3A_1005, %add3A_1547 : i32
          %mul3A_1549 = arith.constant 80 : i32
          %mul3A_1550 = arith.muli %arg1, %mul3A_1549 : i32
          %mul3A_1551 = arith.constant 10 : i32
          %mul3A_1552 = arith.muli %add3A_1548, %mul3A_1551 : i32
          %add3A_1553 = arith.addi %mul3A_1550, %mul3A_1552 : i32
          %dma_start3A_1554 = arith.constant 1 : i32
          %dma_start3A_1555 = arith.constant 0 : i32
          %dma_start3A_1556 = arith.constant 0 : i32
          %dma_start3A_1557 = tpu.memref_slice %arg3[%arg0, %add3A_1553, %dma_start3A_1555, %dma_start3A_1556] : memref<2x1280x2x128xi32, #tpu.memory_space<hbm>> -> memref<1x10x2x128xi32, #tpu.memory_space<hbm>>
          %dma_start3A_1558 = tpu.memref_squeeze %dma_start3A_1557 : memref<1x10x2x128xi32, #tpu.memory_space<hbm>> -> memref<10x2x128xi32, #tpu.memory_space<hbm>>
          %dma_start3A_1559 = tpu.memref_slice %arg14[%dma_start3A_1554] : memref<2x!tpu.dma_semaphore, #tpu.memory_space<semaphore_mem>> -> memref<1x!tpu.dma_semaphore, #tpu.memory_space<semaphore_mem>>
          %dma_start3A_1560 = tpu.memref_squeeze %dma_start3A_1559 : memref<1x!tpu.dma_semaphore, #tpu.memory_space<semaphore_mem>> -> memref<!tpu.dma_semaphore, #tpu.memory_space<semaphore_mem>>
          %dma_start3A_1561 = arith.constant 0 : i32
          %dma_start3A_1562 = arith.constant 0 : i32
          %dma_start3A_1563 = tpu.memref_slice %arg3[%arg0, %add3A_1553, %dma_start3A_1561, %dma_start3A_1562] : memref<2x1280x2x128xi32, #tpu.memory_space<hbm>> -> memref<1x10x2x128xi32, #tpu.memory_space<hbm>>
          %dma_start3A_1564 = tpu.memref_squeeze %dma_start3A_1563 : memref<1x10x2x128xi32, #tpu.memory_space<hbm>> -> memref<10x2x128xi32, #tpu.memory_space<hbm>>
          tpu.enqueue_dma source(%dma_start3A_1564 : memref<10x2x128xi32, #tpu.memory_space<hbm>>) target(%arg9 : memref<10x2x128xi32, #tpu.memory_space<vmem>>) target_semaphore(%dma_start3A_1560 : memref<!tpu.dma_semaphore, #tpu.memory_space<semaphore_mem>>)
        } else {
        }
      } else {
      }
      %scan3A_1501 = arith.constant 0 : i32
      scf.yield %scan3A_1501 : i32
    }
    %scan3A_489 = arith.constant 4 : i32
    %eq3A = arith.constant 0 : i32
    %eq3A_490 = arith.cmpi eq, %arg0, %eq3A : i32
    %convert_element_type3A = arith.extui %eq3A_490 : i1 to i32
    %cond3A = arith.constant 0 : i32
    %cond3A_491 = arith.cmpi ne, %convert_element_type3A, %cond3A : i32
    scf.if %cond3A_491 {
      %dma_wait3A_502 = arith.constant 0 : i32
      %dma_wait3A_503 = arith.constant 1 : i32
      %dma_wait3A_504 = arith.constant 0 : i32
      %dma_wait3A_505 = tpu.memref_slice %arg8[%dma_wait3A_502, %dma_wait3A_503, %dma_wait3A_504] : memref<10x2x128xi32, #tpu.memory_space<vmem>> -> memref<1x1x128xi32, #tpu.memory_space<vmem>>
      %dma_wait3A_506 = tpu.memref_squeeze %dma_wait3A_505 : memref<1x1x128xi32, #tpu.memory_space<vmem>> -> memref<128xi32, #tpu.memory_space<vmem>>
      %dma_wait3A_507 = arith.constant 0 : i32
      %dma_wait3A_508 = tpu.memref_slice %arg13[%dma_wait3A_507] : memref<10240xf32, #tpu.memory_space<vmem_shared>> -> memref<10240xf32, #tpu.memory_space<vmem_shared>>
      tpu.wait_indirect_dma semaphore(%arg17 : memref<!tpu.dma_semaphore, #tpu.memory_space<semaphore_mem>>) src(%arg7 : memref<128xf32, #tpu.memory_space<vmem>>) dst(%dma_wait3A_508 : memref<10240xf32, #tpu.memory_space<vmem_shared>>)
      %dma_wait3A_509 = arith.constant 1 : i32
      %dma_wait3A_510 = arith.constant 1 : i32
      %dma_wait3A_511 = arith.constant 0 : i32
      %dma_wait3A_512 = tpu.memref_slice %arg8[%dma_wait3A_509, %dma_wait3A_510, %dma_wait3A_511] : memref<10x2x128xi32, #tpu.memory_space<vmem>> -> memref<1x1x128xi32, #tpu.memory_space<vmem>>
      %dma_wait3A_513 = tpu.memref_squeeze %dma_wait3A_512 : memref<1x1x128xi32, #tpu.memory_space<vmem>> -> memref<128xi32, #tpu.memory_space<vmem>>
      %dma_wait3A_514 = arith.constant 0 : i32
      %dma_wait3A_515 = tpu.memref_slice %arg13[%dma_wait3A_514] : memref<10240xf32, #tpu.memory_space<vmem_shared>> -> memref<10240xf32, #tpu.memory_space<vmem_shared>>
      tpu.wait_indirect_dma semaphore(%arg17 : memref<!tpu.dma_semaphore, #tpu.memory_space<semaphore_mem>>) src(%arg7 : memref<128xf32, #tpu.memory_space<vmem>>) dst(%dma_wait3A_515 : memref<10240xf32, #tpu.memory_space<vmem_shared>>)
      %dma_wait3A_516 = arith.constant 2 : i32
      %dma_wait3A_517 = arith.constant 1 : i32
      %dma_wait3A_518 = arith.constant 0 : i32
      %dma_wait3A_519 = tpu.memref_slice %arg8[%dma_wait3A_516, %dma_wait3A_517, %dma_wait3A_518] : memref<10x2x128xi32, #tpu.memory_space<vmem>> -> memref<1x1x128xi32, #tpu.memory_space<vmem>>
      %dma_wait3A_520 = tpu.memref_squeeze %dma_wait3A_519 : memref<1x1x128xi32, #tpu.memory_space<vmem>> -> memref<128xi32, #tpu.memory_space<vmem>>
      %dma_wait3A_521 = arith.constant 0 : i32
      %dma_wait3A_522 = tpu.memref_slice %arg13[%dma_wait3A_521] : memref<10240xf32, #tpu.memory_space<vmem_shared>> -> memref<10240xf32, #tpu.memory_space<vmem_shared>>
      tpu.wait_indirect_dma semaphore(%arg17 : memref<!tpu.dma_semaphore, #tpu.memory_space<semaphore_mem>>) src(%arg7 : memref<128xf32, #tpu.memory_space<vmem>>) dst(%dma_wait3A_522 : memref<10240xf32, #tpu.memory_space<vmem_shared>>)
      %dma_wait3A_523 = arith.constant 3 : i32
      %dma_wait3A_524 = arith.constant 1 : i32
      %dma_wait3A_525 = arith.constant 0 : i32
      %dma_wait3A_526 = tpu.memref_slice %arg8[%dma_wait3A_523, %dma_wait3A_524, %dma_wait3A_525] : memref<10x2x128xi32, #tpu.memory_space<vmem>> -> memref<1x1x128xi32, #tpu.memory_space<vmem>>
      %dma_wait3A_527 = tpu.memref_squeeze %dma_wait3A_526 : memref<1x1x128xi32, #tpu.memory_space<vmem>> -> memref<128xi32, #tpu.memory_space<vmem>>
      %dma_wait3A_528 = arith.constant 0 : i32
      %dma_wait3A_529 = tpu.memref_slice %arg13[%dma_wait3A_528] : memref<10240xf32, #tpu.memory_space<vmem_shared>> -> memref<10240xf32, #tpu.memory_space<vmem_shared>>
      tpu.wait_indirect_dma semaphore(%arg17 : memref<!tpu.dma_semaphore, #tpu.memory_space<semaphore_mem>>) src(%arg7 : memref<128xf32, #tpu.memory_space<vmem>>) dst(%dma_wait3A_529 : memref<10240xf32, #tpu.memory_space<vmem_shared>>)
    } else {
    }
    %barrier3A_492 = arith.constant 0 : index
    tpu.barrier barrier_id(%barrier3A_492)
    %mul3A_493 = arith.constant 640 : i32
    %mul3A_494 = arith.muli %arg1, %mul3A_493 : i32
    %mul3A_495 = arith.constant 640 : i32
    %mul3A_496 = arith.muli %arg1, %mul3A_495 : i32
    "tpu.region"() ({
      %run_scoped3A = tpu.sem_alloc : memref<!tpu.dma_semaphore, #tpu.memory_space<semaphore_mem>>
      %dma_start3A_502 = arith.constant 0 : i32
      %dma_start3A_503 = tpu.memref_slice %arg4[%arg0, %mul3A_496, %dma_start3A_502] : memref<2x10240x128xf32, #tpu.memory_space<hbm>> -> memref<1x640x128xf32, #tpu.memory_space<hbm>>
      %dma_start3A_504 = tpu.memref_squeeze %dma_start3A_503 : memref<1x640x128xf32, #tpu.memory_space<hbm>> -> memref<640x128xf32, #tpu.memory_space<hbm>>
      %dma_start3A_505 = arith.constant 0 : i32
      %dma_start3A_506 = tpu.memref_slice %arg12[%mul3A_494, %dma_start3A_505] : memref<10240x128xf32, #tpu.memory_space<vmem_shared>> -> memref<640x128xf32, #tpu.memory_space<vmem_shared>>
      tpu.enqueue_dma source(%dma_start3A_506 : memref<640x128xf32, #tpu.memory_space<vmem_shared>>) target(%dma_start3A_504 : memref<640x128xf32, #tpu.memory_space<hbm>>) target_semaphore(%run_scoped3A : memref<!tpu.dma_semaphore, #tpu.memory_space<semaphore_mem>>)
      %dma_wait3A_507 = arith.constant 0 : i32
      %dma_wait3A_508 = tpu.memref_slice %arg4[%arg0, %mul3A_496, %dma_wait3A_507] : memref<2x10240x128xf32, #tpu.memory_space<hbm>> -> memref<1x640x128xf32, #tpu.memory_space<hbm>>
      %dma_wait3A_509 = tpu.memref_squeeze %dma_wait3A_508 : memref<1x640x128xf32, #tpu.memory_space<hbm>> -> memref<640x128xf32, #tpu.memory_space<hbm>>
      %dma_wait3A_510 = arith.constant 0 : i32
      %dma_wait3A_511 = tpu.memref_slice %arg12[%mul3A_494, %dma_wait3A_510] : memref<10240x128xf32, #tpu.memory_space<vmem_shared>> -> memref<640x128xf32, #tpu.memory_space<vmem_shared>>
      tpu.wait_dma2 semaphore(%run_scoped3A : memref<!tpu.dma_semaphore, #tpu.memory_space<semaphore_mem>>) src(%dma_wait3A_511 : memref<640x128xf32, #tpu.memory_space<vmem_shared>>) dst(%dma_wait3A_509 : memref<640x128xf32, #tpu.memory_space<hbm>>)
      tpu.yield
    }) : () -> ()
    %eq3A_497 = arith.constant 0 : i32
    %eq3A_498 = arith.cmpi eq, %arg0, %eq3A_497 : i32
    %convert_element_type3A_499 = arith.extui %eq3A_498 : i1 to i32
    %cond3A_500 = arith.constant 0 : i32
    %cond3A_501 = arith.cmpi ne, %convert_element_type3A_499, %cond3A_500 : i32
    scf.if %cond3A_501 {
      %mul3A_502 = arith.constant 640 : i32
      %mul3A_503 = arith.muli %arg1, %mul3A_502 : i32
      %mul3A_504 = arith.constant 640 : i32
      %mul3A_505 = arith.muli %arg1, %mul3A_504 : i32
      "tpu.region"() ({
        %run_scoped3A = tpu.sem_alloc : memref<!tpu.dma_semaphore, #tpu.memory_space<semaphore_mem>>
        %dma_start3A_506 = tpu.memref_slice %arg5[%mul3A_505] : memref<10240xf32, #tpu.memory_space<hbm>> -> memref<640xf32, #tpu.memory_space<hbm>>
        %dma_start3A_507 = tpu.memref_slice %arg13[%mul3A_503] : memref<10240xf32, #tpu.memory_space<vmem_shared>> -> memref<640xf32, #tpu.memory_space<vmem_shared>>
        tpu.enqueue_dma source(%dma_start3A_507 : memref<640xf32, #tpu.memory_space<vmem_shared>>) target(%dma_start3A_506 : memref<640xf32, #tpu.memory_space<hbm>>) target_semaphore(%run_scoped3A : memref<!tpu.dma_semaphore, #tpu.memory_space<semaphore_mem>>)
        %dma_wait3A_508 = tpu.memref_slice %arg5[%mul3A_505] : memref<10240xf32, #tpu.memory_space<hbm>> -> memref<640xf32, #tpu.memory_space<hbm>>
        %dma_wait3A_509 = tpu.memref_slice %arg13[%mul3A_503] : memref<10240xf32, #tpu.memory_space<vmem_shared>> -> memref<640xf32, #tpu.memory_space<vmem_shared>>
        tpu.wait_dma2 semaphore(%run_scoped3A : memref<!tpu.dma_semaphore, #tpu.memory_space<semaphore_mem>>) src(%dma_wait3A_509 : memref<640xf32, #tpu.memory_space<vmem_shared>>) dst(%dma_wait3A_508 : memref<640xf32, #tpu.memory_space<hbm>>)
        tpu.yield
      }) : () -> ()
    } else {
    }
    return
  }
}

module attributes {stable_mosaic.version = 14 : i64} {
  func.func @_stage1_body(%arg0: i32, %arg1: memref<1000x256xf32, #tpu.memory_space<vmem>>, %arg2: memref<256x256xf32, #tpu.memory_space<vmem>>, %arg3: memref<1x256xf32, #tpu.memory_space<vmem>>, %arg4: memref<512x256xf32, #tpu.memory_space<vmem>>, %arg5: memref<1000x256xf32, #tpu.memory_space<vmem>>, %arg6: memref<1000x512xf32, #tpu.memory_space<vmem>>) attributes {dimension_semantics = [#tpu.dimension_semantics<arbitrary>], iteration_bounds = array<i64: 10>, scalar_prefetch = 0 : i64, scratch_operands = 0 : i64, tpu.core_type = #tpu.core_type<tc>, window_params = [{transform_indices = @transform_0, window_bounds = array<i64: 1000, 256>}, {pipeline_mode = #tpu.pipeline_mode<synchronous>, transform_indices = @transform_1, window_bounds = array<i64: 256, 256>}, {pipeline_mode = #tpu.pipeline_mode<synchronous>, transform_indices = @transform_2, window_bounds = array<i64: 1, 256>}, {pipeline_mode = #tpu.pipeline_mode<synchronous>, transform_indices = @transform_3, window_bounds = array<i64: 512, 256>}, {transform_indices = @transform_4, window_bounds = array<i64: 1000, 256>}, {transform_indices = @transform_5, window_bounds = array<i64: 1000, 512>}]} {
    %get3A = arith.constant 0 : index
    %get3A_0 = arith.constant 0 : index
    %get3A_1 = vector.load %arg1[%get3A, %get3A_0] : memref<1000x256xf32, #tpu.memory_space<vmem>>, vector<1000x256xf32>
    %get3A_2 = arith.constant 0 : index
    %get3A_3 = arith.constant 0 : index
    %get3A_4 = vector.load %arg2[%get3A_2, %get3A_3] : memref<256x256xf32, #tpu.memory_space<vmem>>, vector<256x256xf32>
    %dot_general3A = arith.constant dense<0.000000e+00> : vector<1000x256xf32>
    %dot_general3A_5 = tpu.matmul %get3A_1, %get3A_4, %dot_general3A {dimension_numbers = #tpu.dot_dimension_numbers<[1], [1], [0], [0], [0, 0, 1, 0], [], []>, transpose_lhs_hint = false} : vector<1000x256xf32>, vector<256x256xf32>, vector<1000x256xf32> -> vector<1000x256xf32>
    %get3A_6 = arith.constant 0 : index
    %get3A_7 = arith.constant 0 : index
    %get3A_8 = vector.load %arg3[%get3A_6, %get3A_7] : memref<1x256xf32, #tpu.memory_space<vmem>>, vector<1x256xf32>
    %add3A = vector.broadcast %get3A_8 : vector<1x256xf32> to vector<1000x256xf32>
    %add3A_9 = arith.addf %dot_general3A_5, %add3A : vector<1000x256xf32>
    %max3A = arith.constant 0.000000e+00 : f32
    %max3A_10 = vector.broadcast %max3A : f32 to vector<1000x256xf32>
    %max3A_11 = arith.maximumf %add3A_9, %max3A_10 : vector<1000x256xf32>
    %swap3A = arith.constant 0 : index
    %swap3A_12 = arith.constant 0 : index
    %swap3A_13 = vector.load %arg5[%swap3A, %swap3A_12] : memref<1000x256xf32, #tpu.memory_space<vmem>>, vector<1000x256xf32>
    tpu.vector_store %arg5[%swap3A, %swap3A_12], %max3A_11 {strides = array<i32>} : memref<1000x256xf32, #tpu.memory_space<vmem>>, vector<1000x256xf32>,
    %get3A_14 = arith.constant 0 : index
    %get3A_15 = arith.constant 0 : index
    %get3A_16 = vector.load %arg4[%get3A_14, %get3A_15] : memref<512x256xf32, #tpu.memory_space<vmem>>, vector<512x256xf32>
    %dot_general3A_17 = arith.constant dense<0.000000e+00> : vector<1000x512xf32>
    %dot_general3A_18 = tpu.matmul %get3A_1, %get3A_16, %dot_general3A_17 {dimension_numbers = #tpu.dot_dimension_numbers<[1], [1], [0], [0], [0, 0, 1, 0], [], []>, transpose_lhs_hint = false} : vector<1000x256xf32>, vector<512x256xf32>, vector<1000x512xf32> -> vector<1000x512xf32>
    %swap3A_19 = arith.constant 0 : index
    %swap3A_20 = arith.constant 0 : index
    %swap3A_21 = vector.load %arg6[%swap3A_19, %swap3A_20] : memref<1000x512xf32, #tpu.memory_space<vmem>>, vector<1000x512xf32>
    tpu.vector_store %arg6[%swap3A_19, %swap3A_20], %dot_general3A_18 {strides = array<i32>} : memref<1000x512xf32, #tpu.memory_space<vmem>>, vector<1000x512xf32>,
    return
  }
  func.func @transform_0(%arg0: i32) -> (i32, i32) {
    %c0_i32 = arith.constant 0 : i32
    %c0_i32_0 = arith.constant 0 : i32
    return %arg0, %c0_i32 : i32, i32
  }
  func.func @transform_1(%arg0: i32) -> (i32, i32) {
    %c0_i32 = arith.constant 0 : i32
    %c0_i32_0 = arith.constant 0 : i32
    %c0_i32_1 = arith.constant 0 : i32
    return %c0_i32, %c0_i32_0 : i32, i32
  }
  func.func @transform_2(%arg0: i32) -> (i32, i32) {
    %c0_i32 = arith.constant 0 : i32
    %c0_i32_0 = arith.constant 0 : i32
    %c0_i32_1 = arith.constant 0 : i32
    return %c0_i32, %c0_i32_0 : i32, i32
  }
  func.func @transform_3(%arg0: i32) -> (i32, i32) {
    %c0_i32 = arith.constant 0 : i32
    %c0_i32_0 = arith.constant 0 : i32
    %c0_i32_1 = arith.constant 0 : i32
    return %c0_i32, %c0_i32_0 : i32, i32
  }
  func.func @transform_4(%arg0: i32) -> (i32, i32) {
    %c0_i32 = arith.constant 0 : i32
    %c0_i32_0 = arith.constant 0 : i32
    return %arg0, %c0_i32 : i32, i32
  }
  func.func @transform_5(%arg0: i32) -> (i32, i32) {
    %c0_i32 = arith.constant 0 : i32
    %c0_i32_0 = arith.constant 0 : i32
    return %arg0, %c0_i32 : i32, i32
  }
}

module attributes {stable_mosaic.version = 14 : i64} {
  func.func @_stage2_body(%arg0: i32, %arg1: memref<1000x128xf32, #tpu.memory_space<vmem>>, %arg2: memref<1000x128xf32, #tpu.memory_space<vmem>>, %arg3: memref<1000x1xf32, #tpu.memory_space<vmem>>, %arg4: memref<1000x512xf32, #tpu.memory_space<vmem>>, %arg5: memref<512x128xf32, #tpu.memory_space<vmem>>, %arg6: memref<512x128xf32, #tpu.memory_space<vmem>>, %arg7: memref<1x512xf32, #tpu.memory_space<vmem>>, %arg8: memref<512x512xf32, #tpu.memory_space<vmem>>, %arg9: memref<1x512xf32, #tpu.memory_space<vmem>>, %arg10: memref<1x512xf32, #tpu.memory_space<vmem>>, %arg11: memref<1x512xf32, #tpu.memory_space<vmem>>, %arg12: memref<1000x1xf32, #tpu.memory_space<vmem>>, %arg13: memref<1000x1xf32, #tpu.memory_space<vmem>>) attributes {dimension_semantics = [#tpu.dimension_semantics<arbitrary>], iteration_bounds = array<i64: 10>, scalar_prefetch = 0 : i64, scratch_operands = 0 : i64, tpu.core_type = #tpu.core_type<tc>, window_params = [{transform_indices = @transform_0, window_bounds = array<i64: 1000, 128>}, {transform_indices = @transform_1, window_bounds = array<i64: 1000, 128>}, {transform_indices = @transform_2, window_bounds = array<i64: 1000, 1>}, {transform_indices = @transform_3, window_bounds = array<i64: 1000, 512>}, {pipeline_mode = #tpu.pipeline_mode<synchronous>, transform_indices = @transform_4, window_bounds = array<i64: 512, 128>}, {pipeline_mode = #tpu.pipeline_mode<synchronous>, transform_indices = @transform_5, window_bounds = array<i64: 512, 128>}, {pipeline_mode = #tpu.pipeline_mode<synchronous>, transform_indices = @transform_6, window_bounds = array<i64: 1, 512>}, {pipeline_mode = #tpu.pipeline_mode<synchronous>, transform_indices = @transform_7, window_bounds = array<i64: 512, 512>}, {pipeline_mode = #tpu.pipeline_mode<synchronous>, transform_indices = @transform_8, window_bounds = array<i64: 1, 512>}, {pipeline_mode = #tpu.pipeline_mode<synchronous>, transform_indices = @transform_9, window_bounds = array<i64: 1, 512>}, {pipeline_mode = #tpu.pipeline_mode<synchronous>, transform_indices = @transform_10, window_bounds = array<i64: 1, 512>}, {transform_indices = @transform_11, window_bounds = array<i64: 1000, 1>}, {transform_indices = @transform_12, window_bounds = array<i64: 1000, 1>}]} {
    %get3A = arith.constant 0 : index
    %get3A_0 = arith.constant 0 : index
    %get3A_1 = vector.load %arg3[%get3A, %get3A_0] : memref<1000x1xf32, #tpu.memory_space<vmem>>, vector<1000x1xf32>
    %max3A = arith.constant 1.000000e+00 : f32
    %max3A_2 = vector.broadcast %max3A : f32 to vector<1000x1xf32>
    %max3A_3 = arith.maximumf %get3A_1, %max3A_2 : vector<1000x1xf32>
    %div3A = arith.constant 1.000000e+00 : f32
    %div3A_4 = vector.broadcast %div3A : f32 to vector<1000x1xf32>
    %div3A_5 = arith.divf %div3A_4, %max3A_3 : vector<1000x1xf32>
    %get3A_6 = arith.constant 0 : index
    %get3A_7 = arith.constant 0 : index
    %get3A_8 = vector.load %arg1[%get3A_6, %get3A_7] : memref<1000x128xf32, #tpu.memory_space<vmem>>, vector<1000x128xf32>
    %get3A_9 = arith.constant 0 : index
    %get3A_10 = arith.constant 0 : index
    %get3A_11 = vector.load %arg5[%get3A_9, %get3A_10] : memref<512x128xf32, #tpu.memory_space<vmem>>, vector<512x128xf32>
    %dot_general3A = arith.constant dense<0.000000e+00> : vector<1000x512xf32>
    %dot_general3A_12 = tpu.matmul %get3A_8, %get3A_11, %dot_general3A {dimension_numbers = #tpu.dot_dimension_numbers<[1], [1], [0], [0], [0, 0, 1, 0], [], []>, transpose_lhs_hint = false} : vector<1000x128xf32>, vector<512x128xf32>, vector<1000x512xf32> -> vector<1000x512xf32>
    %get3A_13 = arith.constant 0 : index
    %get3A_14 = arith.constant 0 : index
    %get3A_15 = vector.load %arg2[%get3A_13, %get3A_14] : memref<1000x128xf32, #tpu.memory_space<vmem>>, vector<1000x128xf32>
    %get3A_16 = arith.constant 0 : index
    %get3A_17 = arith.constant 0 : index
    %get3A_18 = vector.load %arg6[%get3A_16, %get3A_17] : memref<512x128xf32, #tpu.memory_space<vmem>>, vector<512x128xf32>
    %dot_general3A_19 = arith.constant dense<0.000000e+00> : vector<1000x512xf32>
    %dot_general3A_20 = tpu.matmul %get3A_15, %get3A_18, %dot_general3A_19 {dimension_numbers = #tpu.dot_dimension_numbers<[1], [1], [0], [0], [0, 0, 1, 0], [], []>, transpose_lhs_hint = false} : vector<1000x128xf32>, vector<512x128xf32>, vector<1000x512xf32> -> vector<1000x512xf32>
    %add3A = arith.addf %dot_general3A_12, %dot_general3A_20 : vector<1000x512xf32>
    %mul3A = vector.broadcast %div3A_5 : vector<1000x1xf32> to vector<1000x512xf32>
    %mul3A_21 = arith.mulf %add3A, %mul3A : vector<1000x512xf32>
    %get3A_22 = arith.constant 0 : index
    %get3A_23 = arith.constant 0 : index
    %get3A_24 = vector.load %arg7[%get3A_22, %get3A_23] : memref<1x512xf32, #tpu.memory_space<vmem>>, vector<1x512xf32>
    %add3A_25 = vector.broadcast %get3A_24 : vector<1x512xf32> to vector<1000x512xf32>
    %add3A_26 = arith.addf %mul3A_21, %add3A_25 : vector<1000x512xf32>
    %get3A_27 = arith.constant 0 : index
    %get3A_28 = arith.constant 0 : index
    %get3A_29 = vector.load %arg4[%get3A_27, %get3A_28] : memref<1000x512xf32, #tpu.memory_space<vmem>>, vector<1000x512xf32>
    %add3A_30 = arith.addf %add3A_26, %get3A_29 : vector<1000x512xf32>
    %max3A_31 = arith.constant 0.000000e+00 : f32
    %max3A_32 = vector.broadcast %max3A_31 : f32 to vector<1000x512xf32>
    %max3A_33 = arith.maximumf %add3A_30, %max3A_32 : vector<1000x512xf32>
    %get3A_34 = arith.constant 0 : index
    %get3A_35 = arith.constant 0 : index
    %get3A_36 = vector.load %arg8[%get3A_34, %get3A_35] : memref<512x512xf32, #tpu.memory_space<vmem>>, vector<512x512xf32>
    %dot_general3A_37 = arith.constant dense<0.000000e+00> : vector<1000x512xf32>
    %dot_general3A_38 = tpu.matmul %max3A_33, %get3A_36, %dot_general3A_37 {dimension_numbers = #tpu.dot_dimension_numbers<[1], [1], [0], [0], [0, 0, 1, 0], [], []>, transpose_lhs_hint = false} : vector<1000x512xf32>, vector<512x512xf32>, vector<1000x512xf32> -> vector<1000x512xf32>
    %get3A_39 = arith.constant 0 : index
    %get3A_40 = arith.constant 0 : index
    %get3A_41 = vector.load %arg9[%get3A_39, %get3A_40] : memref<1x512xf32, #tpu.memory_space<vmem>>, vector<1x512xf32>
    %add3A_42 = vector.broadcast %get3A_41 : vector<1x512xf32> to vector<1000x512xf32>
    %add3A_43 = arith.addf %dot_general3A_38, %add3A_42 : vector<1000x512xf32>
    %max3A_44 = arith.constant 0.000000e+00 : f32
    %max3A_45 = vector.broadcast %max3A_44 : f32 to vector<1000x512xf32>
    %max3A_46 = arith.maximumf %add3A_43, %max3A_45 : vector<1000x512xf32>
    %get3A_47 = arith.constant 0 : index
    %get3A_48 = arith.constant 0 : index
    %get3A_49 = vector.load %arg10[%get3A_47, %get3A_48] : memref<1x512xf32, #tpu.memory_space<vmem>>, vector<1x512xf32>
    %dot_general3A_50 = arith.constant dense<0.000000e+00> : vector<1000x1xf32>
    %dot_general3A_51 = tpu.matmul %max3A_46, %get3A_49, %dot_general3A_50 {dimension_numbers = #tpu.dot_dimension_numbers<[1], [1], [0], [0], [0, 0, 1, 0], [], []>, transpose_lhs_hint = false} : vector<1000x512xf32>, vector<1x512xf32>, vector<1000x1xf32> -> vector<1000x1xf32>
    %swap3A = arith.constant 0 : index
    %swap3A_52 = arith.constant 0 : index
    %swap3A_53 = vector.load %arg12[%swap3A, %swap3A_52] : memref<1000x1xf32, #tpu.memory_space<vmem>>, vector<1000x1xf32>
    tpu.vector_store %arg12[%swap3A, %swap3A_52], %dot_general3A_51 {strides = array<i32>} : memref<1000x1xf32, #tpu.memory_space<vmem>>, vector<1000x1xf32>,
    %get3A_54 = arith.constant 0 : index
    %get3A_55 = arith.constant 0 : index
    %get3A_56 = vector.load %arg11[%get3A_54, %get3A_55] : memref<1x512xf32, #tpu.memory_space<vmem>>, vector<1x512xf32>
    %dot_general3A_57 = arith.constant dense<0.000000e+00> : vector<1000x1xf32>
    %dot_general3A_58 = tpu.matmul %max3A_33, %get3A_56, %dot_general3A_57 {dimension_numbers = #tpu.dot_dimension_numbers<[1], [1], [0], [0], [0, 0, 1, 0], [], []>, transpose_lhs_hint = false} : vector<1000x512xf32>, vector<1x512xf32>, vector<1000x1xf32> -> vector<1000x1xf32>
    %swap3A_59 = arith.constant 0 : index
    %swap3A_60 = arith.constant 0 : index
    %swap3A_61 = vector.load %arg13[%swap3A_59, %swap3A_60] : memref<1000x1xf32, #tpu.memory_space<vmem>>, vector<1000x1xf32>
    tpu.vector_store %arg13[%swap3A_59, %swap3A_60], %dot_general3A_58 {strides = array<i32>} : memref<1000x1xf32, #tpu.memory_space<vmem>>, vector<1000x1xf32>,
    return
  }
  func.func @transform_0(%arg0: i32) -> (i32, i32) {
    %c0_i32 = arith.constant 0 : i32
    %c0_i32_0 = arith.constant 0 : i32
    return %arg0, %c0_i32 : i32, i32
  }
  func.func @transform_1(%arg0: i32) -> (i32, i32) {
    %c0_i32 = arith.constant 0 : i32
    %c0_i32_0 = arith.constant 0 : i32
    return %arg0, %c0_i32 : i32, i32
  }
  func.func @transform_2(%arg0: i32) -> (i32, i32) {
    %c0_i32 = arith.constant 0 : i32
    %c0_i32_0 = arith.constant 0 : i32
    return %arg0, %c0_i32 : i32, i32
  }
  func.func @transform_3(%arg0: i32) -> (i32, i32) {
    %c0_i32 = arith.constant 0 : i32
    %c0_i32_0 = arith.constant 0 : i32
    return %arg0, %c0_i32 : i32, i32
  }
  func.func @transform_4(%arg0: i32) -> (i32, i32) {
    %c0_i32 = arith.constant 0 : i32
    %c0_i32_0 = arith.constant 0 : i32
    %c0_i32_1 = arith.constant 0 : i32
    return %c0_i32, %c0_i32_0 : i32, i32
  }
  func.func @transform_5(%arg0: i32) -> (i32, i32) {
    %c0_i32 = arith.constant 0 : i32
    %c0_i32_0 = arith.constant 0 : i32
    %c0_i32_1 = arith.constant 0 : i32
    return %c0_i32, %c0_i32_0 : i32, i32
  }
  func.func @transform_6(%arg0: i32) -> (i32, i32) {
    %c0_i32 = arith.constant 0 : i32
    %c0_i32_0 = arith.constant 0 : i32
    %c0_i32_1 = arith.constant 0 : i32
    return %c0_i32, %c0_i32_0 : i32, i32
  }
  func.func @transform_7(%arg0: i32) -> (i32, i32) {
    %c0_i32 = arith.constant 0 : i32
    %c0_i32_0 = arith.constant 0 : i32
    %c0_i32_1 = arith.constant 0 : i32
    return %c0_i32, %c0_i32_0 : i32, i32
  }
  func.func @transform_8(%arg0: i32) -> (i32, i32) {
    %c0_i32 = arith.constant 0 : i32
    %c0_i32_0 = arith.constant 0 : i32
    %c0_i32_1 = arith.constant 0 : i32
    return %c0_i32, %c0_i32_0 : i32, i32
  }
  func.func @transform_9(%arg0: i32) -> (i32, i32) {
    %c0_i32 = arith.constant 0 : i32
    %c0_i32_0 = arith.constant 0 : i32
    %c0_i32_1 = arith.constant 0 : i32
    return %c0_i32, %c0_i32_0 : i32, i32
  }
  func.func @transform_10(%arg0: i32) -> (i32, i32) {
    %c0_i32 = arith.constant 0 : i32
    %c0_i32_0 = arith.constant 0 : i32
    %c0_i32_1 = arith.constant 0 : i32
    return %c0_i32, %c0_i32_0 : i32, i32
  }
  func.func @transform_11(%arg0: i32) -> (i32, i32) {
    %c0_i32 = arith.constant 0 : i32
    %c0_i32_0 = arith.constant 0 : i32
    return %arg0, %c0_i32 : i32, i32
  }
  func.func @transform_12(%arg0: i32) -> (i32, i32) {
    %c0_i32 = arith.constant 0 : i32
    %c0_i32_0 = arith.constant 0 : i32
    return %arg0, %c0_i32 : i32, i32
  }
}

</mosaic_0001>

<sc_bundles>
// kernel: kernel.6.cloned.1.call-start
scs
__scs_entry_jumppad:
0x0: {  	(pc) =	sbr.rel $0x88, $3  }
0x1: {  	(tag) =	ssettag $0x0;
	lr =	simm.s32 $0x1  }
0x2: {  	[smem:$0x3F95] =	sst lr;
	_ =	strace $0xD0000000  }
0x3: {  	_ = 	snop  }
0x4: {  	_ = 	snop  }
0x5: {  	_ = 	snop  }
0x6: {  	_ = 	snop  }
0x7: {  	_ = 	snop  }
__scs_overlays_trampoline_lowered:
0x8: {  	[smem:$0x3FA4] =	sst s0  }
0x9: {  	[smem:$0x3FA5] =	sst s1  }
0xa: {  	[smem:$0x3FA6] =	sst s2  }
0xb: {  	[smem:$0x3FA7] =	sst s3  }
0xc: {  	[smem:$0x3FA8] =	sst s4  }
0xd: {  	[smem:$0x3FA9] =	sst s5  }
0xe: {  	[smem:$0x3FAA] =	sst s6  }
0xf: {  	[smem:$0x3FAB] =	sst s7  }
0x10: {  	[smem:$0x3FAC] =	sst s8  }
0x11: {  	[smem:$0x3FAD] =	sst s9;
	s0 =	simm.s32 @!p0 $0x0  }
0x12: {  	s1 =	sld [smem:$0x3F93];
	s0 =	simm.s32 @p0 $0x1  }
0x13: {  	[smem:$0x3FAE] =	sst s0;
	s0 =	simm.s32 @!p1 $0x0  }
0x14: {  	s2 =	sld [smem:$0x3F92];
	s0 =	simm.s32 @p1 $0x1  }
0x15: {  	[smem:$0x3FAF] =	sst s0;
	s0 =	simm.s32 @!p2 $0x0  }
0x16: {  	s3 =	sld [smem:$0x3FDB];
	s0 =	simm.s32 @p2 $0x1  }
0x17: {  	s4 =	simm.s32 $0x1BF5;
	[smem:$0x3FB1] =	sst s0  }
0x18: {  	s0 =	sld [smem:$0x3F94];
	_ =	swait.ge [sflag:s4], $0x0  }
0x19: {  	s7 =	sld [smem:$0x3F95]  }
0x1a: {  	s8 =	sadd.s32 $0xFFFFE003, lr  }
0x1b: {  	s9 =	sadd.s32 $0xFFFFFEF7, lr;
	s5 =	simm.s32 $0xFFFFFFFF;
	p2 =	slt.u32 s8, $0xFFFFF086  }
0x1c: {  	p1 =	slt.u32 s9, $0xF7A;
	s5 =	simm.s32 @!p2 $0x0  }
0x1d: {  	s5 =	simm.s32 @p1 $0x1;
	p0 =	seq.s32 s7, s2  }
0x1e: {  	s7 =	smul.u32 @!p0 $0xF7A, s2;
	p2 =	seq.s32 @!p0 s5, $0x0  }
0x1f: {  	s9 =	smul.u32 $0xF7A, s1;
	s8 =	simm.s32 @!p0 $0x1BF5;
	p2 =	por !p2, p0  }
0x20: {  	[sflag:s8] =	ssyncset.s32 @!p0 $0xFFFFF086;
	s6 =	sadd.s32 @!p0 s3, s7;
	s7 =	simm.s32 @!p0 $0x108  }
0x21: {  	s3 =	sadd.s32 s3, s9;
	s6 =	sadd.s32 @!p0 $0x88, s6;
	s7 =	simm.s32 @p2 $0x1082  }
0x22: {  	[simem:s7], [sflag:s8] =	dma.local @!p0 [hbm:s6], $0xF7A  }
0x23: {  	s9 =	sor.u32 $0xD0000000, s2;
	s6 =	simm.s32 $0x108;
	_ =	swait.ge @!p0 [sflag:s8], $0x0  }
0x24: {  	s3 =	sadd.s32 $0x88, s3;
	s6 =	simm.s32 @!p1 $0x1082;
	[sflag:s4] =	ssyncset.s32 $0xFFFFF086  }
0x25: {  	[simem:s6], [sflag:s4] =	dma.local [hbm:s3], $0xF7A  }
0x26: {  	[smem:$0x3F95] =	sst s1;
	(tag) =	ssettag s2;
	_ =	strace s9  }
0x27: {  	s1 =	sld [smem:$0x3FA5]  }
0x28: {  	s2 =	sld [smem:$0x3FA6]  }
0x29: {  	s4 =	sld [smem:$0x3FA8]  }
0x2a: {  	p0 =	seq.s32 s5, $0x0;
	s5 =	sld [smem:$0x3FA9]  }
0x2b: {  	s6 =	sld [smem:$0x3FAA]  }
0x2c: {  	s7 =	sld [smem:$0x3FAB]  }
0x2d: {  	s3 =	simm.s32 $0x108;
	s8 =	sld [smem:$0x3FAC]  }
0x2e: {  	s3 =	simm.s32 @!p0 $0x1082;
	s9 =	sld [smem:$0x3FAD]  }
0x2f: {  	lr =	sadd.s32 s0, s3;
	s0 =	sld [smem:$0x3FA4]  }
0x30: {  	s3 =	sld [smem:$0x3FA7]  }
0x31: {  	[smem:$0x3FB0] =	sst s10  }
0x32: {  	s10 =	sld [smem:$0x3FAE];
	_ =	sdelay $0x3  }
0x33: {  	p0 =	seq.s32 s10, $0x1;
	s10 =	sld [smem:$0x3FB0];
	_ =	sdelay $0x3  }
0x34: {  	[smem:$0x3FB0] =	sst s10  }
0x35: {  	s10 =	sld [smem:$0x3FAF];
	_ =	sdelay $0x3  }
0x36: {  	p1 =	seq.s32 s10, $0x1;
	s10 =	sld [smem:$0x3FB0];
	_ =	sdelay $0x3  }
0x37: {  	[smem:$0x3FB0] =	sst s10  }
0x38: {  	s10 =	sld [smem:$0x3FB1]  }
0x39: {  	_ = 	snop;
	(pc) =	sbr.ind lr, $3  }
0x3a: {  	_ = 	snop  }
0x3b: {  	_ = 	snop  }
0x3c: {  	p2 =	seq.s32 s10, $0x1;
	s10 =	sld [smem:$0x3FB0]  }
0x3d: {  	_ =	shalt  }
0x3e: {  	_ =	shalt  }
0x3f: {  	_ =	shalt  }
0x40: {  	_ =	shalt  }
0x41: {  	_ =	shalt  }
0x42: {  	_ =	shalt  }
0x43: {  	_ =	shalt  }
0x44: {  	_ =	shalt  }
0x45: {  	_ =	shalt  }
0x46: {  	_ =	shalt  }
0x47: {  	_ =	shalt  }
0x48: {  	_ =	shalt  }
0x49: {  	_ =	shalt  }
0x4a: {  	_ =	shalt  }
0x4b: {  	_ =	shalt  }
0x4c: {  	_ =	shalt  }
0x4d: {  	_ =	shalt  }
0x4e: {  	_ =	shalt  }
0x4f: {  	_ =	shalt  }
0x50: {  	_ =	shalt  }
0x51: {  	_ =	shalt  }
0x52: {  	_ =	shalt  }
0x53: {  	_ =	shalt  }
0x54: {  	_ =	shalt  }
0x55: {  	_ =	shalt  }
0x56: {  	_ =	shalt  }
0x57: {  	_ =	shalt  }
0x58: {  	_ =	shalt  }
0x59: {  	_ =	shalt  }
0x5a: {  	_ =	shalt  }
0x5b: {  	_ =	shalt  }
0x5c: {  	_ =	shalt  }
0x5d: {  	_ =	shalt  }
0x5e: {  	_ =	shalt  }
0x5f: {  	_ =	shalt  }
0x60: {  	_ =	shalt  }
0x61: {  	_ =	shalt  }
0x62: {  	_ =	shalt  }
0x63: {  	_ =	shalt  }
0x64: {  	_ =	shalt  }
0x65: {  	_ =	shalt  }
0x66: {  	_ =	shalt  }
0x67: {  	_ =	shalt  }
0x68: {  	_ =	shalt  }
0x69: {  	_ =	shalt  }
0x6a: {  	_ =	shalt  }
0x6b: {  	_ =	shalt  }
0x6c: {  	_ =	shalt  }
0x6d: {  	_ =	shalt  }
0x6e: {  	_ =	shalt  }
0x6f: {  	_ =	shalt  }
0x70: {  	_ =	shalt  }
0x71: {  	_ =	shalt  }
0x72: {  	_ =	shalt  }
0x73: {  	_ =	shalt  }
0x74: {  	_ =	shalt  }
0x75: {  	_ =	shalt  }
0x76: {  	_ =	shalt  }
0x77: {  	_ =	shalt  }
0x78: {  	_ =	shalt  }
0x79: {  	_ =	shalt  }
0x7a: {  	_ =	shalt  }
0x7b: {  	_ =	shalt  }
0x7c: {  	_ =	shalt  }
0x7d: {  	_ =	shalt  }
0x7e: {  	_ =	shalt  }
0x7f: {  	_ =	shalt  }
0x80: {  	_ =	shalt  }
0x81: {  	_ =	shalt  }
0x82: {  	_ =	shalt  }
0x83: {  	_ =	shalt  }
0x84: {  	_ =	shalt  }
0x85: {  	_ =	shalt  }
0x86: {  	_ =	shalt  }
0x87: {  	_ =	shalt  }
.Lfunc_end0:
.L_simem_size_0:
called_computation_lowered:
.L_overlay_start_0:
0x88: {  	s2 =	sld [smem:$0x3FD9]  }
0x89: {  	s3 =	sld [smem:$0x3FFE];
	_ =	sdelay $0x1  }
0x8a: {  	s1 =	srdreg.scid  }
0x8b: {  	s0 =	sand.u32 $0x1, s1  }
0x8c: {  	s16 =	sshll.u32 s0, $0xA;
	s2 =	sadd.s32 s3, s2  }
0x8d: {  	s2 =	sadd.s32 s2, s16  }
0x8e: {  	[smem:$0x3FBC] =	sst s2  }
0x8f: {  	_ = 	snop  }
0x90: {  	(tm) =	ssettm $0x1  }
0x91: {  	s17 =	sld [smem:$0x3FFB];
	_ =	sdelay $0x3  }
0x92: {  	_ =	strace s17  }
0x93: {  	s2 =	sld [smem:$0x3FFC];
	_ =	sdelay $0x3  }
0x94: {  	_ =	strace s2  }
0x95: {  	s2 =	sld [smem:$0x3FFD];
	_ =	sdelay $0x3  }
0x96: {  	_ =	strace s2  }
0x97: {  	_ =	strace $0x8FFFFFFF  }
0x98: {  	s18 =	sld [smem:$0x3FDB];
	_ =	sdelay $0x1  }
0x99: {  	s19 =	simm.s32 $_scs_section_size  }
0x9a: {  	s4 =	simm.s32 $_size__tile_overlayer_lowered;
	s5 =	simm.s32 $_tile_overlayer_lowered  }
0x9b: {  	s22 =	simm.s32 $0x1BFF;
	s21 =	sshll.u32 s5, $0x1;
	s2 =	sadd.s32 s19, s18  }
0x9c: {  	s6 =	simm.s32 $0x0;
	s20 =	sshll.u32 s4, $0x1;
	s4 =	sadd.s32 s21, s2  }
0x9d: {  	[timem:s6], [sflag:s22] =	dma.local [hbm:s4], s20  }
0x9e: {  	_ =	swait.ge [sflag:s22], s20  }
0x9f: {  	s3 =	ssub.s32 $0x0, s20;
	[sflag:s22] =	ssyncset.done $0x0  }
0xa0: {  	[sflag:s22] =	ssyncadd.s32 s3;
	_ =	sdelay $0x1  }
0xa1: {  	s23 =	simm.s32 $0x1B8B  }
0xa2: {  	_ =	swait.ge [sflag:s23], $0x1  }
0xa3: {  	[sflag:s23] =	ssyncset.done $0x0  }
0xa4: {  	s25 =	simm.s32 $0x1B8E;
	s24 =	sld [smem:$0x3FFE];
	[sflag:s23] =	ssyncadd.s32 $0xFFFFFFFF  }
0xa5: {  	s26 =	simm.s32 $execute0_lowered;
	[smem:$0x3FD2] =	sst s25  }
0xa6: {  	s4 =	sshll.u32 s26, $0x1;
	_ =	strace $0x80000046;
	[dreg:$0x1] =	wrdreg $0xFFFFFFFF  }
0xa7: {  	s28 =	simm.s32 $_size_execute0_lowered;
	s2 =	sadd.s32 s2, s4;
	[dreg:$0x0] =	wrdreg $0x0  }
0xa8: {  	s4 =	sshll.u32 s28, $0x1;
	[dreg:$0x2] =	wrdreg s2  }
0xa9: {  	[dreg:$0x3] =	wrdreg s4  }
0xaa: {  	[dreg:$0x4] =	wrdreg $0xC0  }
0xab: {  	_ =	task [dreg:s6], $0x5FFFF  }
0xac: {  	[dreg:$0x1] =	wrdreg $0xFFFFFFFF  }
0xad: {  	[dreg:$0x0] =	wrdreg $0x60  }
0xae: {  	[dreg:$0x2] =	wrdreg s24  }
0xaf: {  	[dreg:$0x3] =	wrdreg $0xA4800  }
0xb0: {  	[dreg:$0x4] =	wrdreg $0x1E4800  }
0xb1: {  	[dreg:$0x5] =	wrdreg $0x9  }
0xb2: {  	_ =	task.clear_ibuf [dreg:s6], $0x6FFFF;
	_ =	strace $0x90000046  }
0xb3: {  	s29 =	simm.s32 $0x9;
	_ =	strace $0x80000048  }
0xb4: {  	_ =	swait.ge [sflag:s29], $0x1  }
0xb5: {  	[sflag:s29] =	ssyncadd.s32 $0xFFFFFFFF  }
0xb6: {  	_ =	strace $0x90000048  }
0xb7: {  	_ =	sfence  }
0xb8: {  	s30 =	sld [smem:$0x0];
	_ =	sdelay $0x2  }
0xb9: {  	s31 =	sshll.u32 s1, $0xD;
	s1 =	sshrl.u32 s1, $0x2  }
0xba: {  	s3 =	sand.u32 $0x4000, s31;
	s1 =	sadd.s32 s1, s30  }
0xbb: {  	s0 =	sor.u32 s3, s0;
	s1 =	sshll.u32 s1, $0x11  }
0xbc: {  	s0 =	sor.u32 s1, s0  }
0xbd: {  	s0 =	sadd.s32 $0x8F2B, s0  }
0xbe: {  	[sflag:s0] =	ssyncadd.remote.s32 $0x1  }
0xbf: {  	_ =	sfence.sel $0xFFFF  }
0xc0: {  	[dreg:$0x0] =	wrdreg $0xFFFFFFFF;
	(pc) =	sbr.abs _section_cstart, $3  }
0xc1: {  	[dreg:$0x1] =	wrdreg $0xFFFFFFFF  }
0xc2: {  	_ =	task.clear_ibuf [dreg:s6], $0x2FFFF;
	_ =	strace $0x9FFFFFFF  }
0xc3: {  	(tm) =	ssettm $0x7FFFFFFF  }
tec
execute0_lowered:
.L_overlay_start_1:
0x0: {  	(tag) =	ssettag $0x1  }
0x1: {  	s0 =	rddreg [dreg:$0x0];
	s12 =	stileid.u32  }
0x2: {  	s2 =	rddreg [dreg:$0x1];
	s5 =	smul.u32 $0x14000, s12  }
0x3: {  	s1 =	srdreg.scid;
	s7 =	smul.u32 $0x280, s12  }
0x4: {  	s3 =	rddreg [dreg:$0x2];
	s17 =	simm.s32 $0x0;
	s9 =	smul.u32 $0x5000, s12  }
0x5: {  	s1 =	sand.u32 $0x1, s1;
	[smem:$0x7FF] =	sst s17;
	s12 =	smul.u32 $0x50000, s12  }
0x6: {  	s6 =	sadd.s32 $0xF6000, s0;
	s4 =	smul.u32 $0x140000, s1;
	_ =	strace $0x80000047  }
0x7: {  	s8 =	smul.u32 $0x50000, s1;
	s11 =	ssub.s32 $0x2, s1;
	s10 =	sshrl.u32 s7, $0x3  }
0x8: {  	s13 =	sshrl.u32 s11, $0x1;
	s15 =	sshrl.u32 s12, $0x2;
	s21 =	sadd.s32 $0x100, s7  }
0x9: {  	s16 =	sadd.s32 $0x80, s7;
	s22 =	sadd.s32 $0x180, s7;
	s26 =	sadd.s32 s21, s3  }
0xa: {  	s4 =	sadd.s32 s5, s4;
	s29 =	sadd.s32 s22, s3;
	[dreg:$0xf] =	wrdreg s26  }
0xb: {  	s8 =	sadd.s32 s9, s8;
	s18 =	sadd.s32 s15, s2;
	[dreg:$0x10] =	wrdreg s29  }
0xc: {  	s9 =	ssub.s32 s11, s13;
	s11 =	sadd.s32 $0x1000, s18;
	[dreg:$0x6] =	wrdreg s18  }
0xd: {  	s13 =	sshll.u32 s21, $0x7;
	s19 =	sadd.s32 $0x2000, s18;
	[dreg:$0x7] =	wrdreg s11  }
0xe: {  	s15 =	sadd.s32 $0x200, s7;
	s13 =	sadd.s32 s13, s2;
	[dreg:$0x8] =	wrdreg s19  }
0xf: {  	s5 =	sadd.s32 $0xA7E00, s0;
	s30 =	sadd.s32 s15, s3;
	[dreg:$0xa] =	wrdreg s13  }
0x10: {  	s20 =	sshll.u32 s16, $0x7;
	s12 =	sadd.s32 $0x1400, s8;
	[dreg:$0x11] =	wrdreg s30  }
0x11: {  	s24 =	sshll.u32 s15, $0x7;
	s15 =	sadd.s32 $0x5000, s18;
	[dreg:$0x17] =	wrdreg s12  }
0x12: {  	s4 =	sshrl.u32 s4, $0x3;
	s21 =	sadd.s32 $0xA000, s18;
	[dreg:$0x19] =	wrdreg s15  }
0x13: {  	s14 =	sshrl.u32 s8, $0x3;
	s26 =	sadd.s32 $0x11000, s18;
	[dreg:$0x1d] =	wrdreg s21  }
0x14: {  	s29 =	sadd.s32 $0x12000, s18;
	s4 =	sadd.s32 s4, s0;
	[smem:$0x7FB] =	sst s26  }
0x15: {  	s0 =	sadd.s32 s10, s0;
	s10 =	sadd.s32 s6, s14;
	[smem:$0x7FC] =	sst s29  }
0x16: {  	s11 =	sadd.s32 s20, s2;
	[dreg:$0x5] =	wrdreg s10  }
0x17: {  	s13 =	sadd.s32 s24, s2;
	[dreg:$0x9] =	wrdreg s11  }
0x18: {  	s19 =	sadd.s32 $0x7000, s18;
	[dreg:$0xc] =	wrdreg s13  }
0x19: {  	s31 =	simm.s32 $0x4;
	s20 =	sadd.s32 $0x9000, s18;
	[dreg:$0x1b] =	wrdreg s19  }
0x1a: {  	s14 =	sshll.u32 s22, $0x7;
	s22 =	sadd.s32 $0xB000, s18;
	[dreg:$0x1c] =	wrdreg s20  }
0x1b: {  	s28 =	simm.s32 $0x2300;
	s24 =	sadd.s32 $0xE000, s18;
	[dreg:$0x1e] =	wrdreg s22  }
0x1c: {  	p0 =	sne.s32 s1, $0x0;
	s30 =	sadd.s32 $0x13000, s18;
	[smem:$0x7F9] =	sst s24  }
0x1d: {  	s1 =	simm.s32 $0x5;
	s23 =	sadd.s32 s14, s2;
	[smem:$0x7FD] =	sst s30  }
0x1e: {  	s25 =	sor.u32 $0xA00, s8;
	s10 =	sadd.s32 s16, s3;
	[dreg:$0xb] =	wrdreg s23  }
0x1f: {  	s12 =	simm.s32 $0x2;
	s4 =	sadd.s32 $0x10A000, s4;
	[dreg:$0xe] =	wrdreg s10  }
0x20: {  	s26 =	simm.s32 $0x2380;
	s0 =	sadd.s32 $0x15A000, s0;
	[dreg:$0x13] =	wrdreg s4  }
0x21: {  	s13 =	sadd.s32 s7, s3;
	s14 =	sadd.s32 $0x3000, s18;
	[dreg:$0x14] =	wrdreg s0  }
0x22: {  	s7 =	sshrl.u32 s25, $0x3;
	s16 =	sadd.s32 $0x6000, s18;
	[dreg:$0x18] =	wrdreg s14  }
0x23: {  	s25 =	sadd.s32 $0xF000, s18;
	s19 =	simm.s32 $0x80;
	[dreg:$0x1a] =	wrdreg s16  }
0x24: {  	s20 =	simm.s32 $0x2480;
	s22 =	simm.s32 $0x6480;
	[smem:$0x7FA] =	sst s25  }
.Ltmp0:
0x25: {  	s7 =	sadd.s32 s6, s7;
	[dreg:$0xd] =	wrdreg s13;
	(pc) =	sbr.rel .LBB2_1-.Ltmp0, $4  }
0x26: {  	s10 =	smax.u32 s9, $0x1;
	[dreg:$0x12] =	wrdreg s7;
	s7 =	sadd.s32 $0x1E00, s8  }
0x27: {  	s23 =	sadd.s32 $0xD000, s18;
	[dreg:$0x15] =	wrdreg s10;
	s11 =	sshrl.u32 s7, $0x3  }
0x28: {  	s16 =	simm.s32 $0x8;
	[dreg:$0x1f] =	wrdreg s23;
	s0 =	sadd.s32 s11, s6  }
0x29: {  	v0 =	vimm.f32 $0.0e+00;
	v1 =	vimm.f32 $1.000000000e+00;
	s23 =	simm.s32 $0x3;
	s11 =	simm.s32 $0x6;
	[dreg:$0x16] =	wrdreg s0  }
.LBB2_8:
0x2a: {  	s9 =	stileid.u32;
	[bflag:$0x0] =	sbarrier.arrive @p0 $0xFFFF  }
0x2b: {  	s0 =	sshll.u32 @p0 s9, $0x6;
	s18 =	rddreg [dreg:$0x6]  }
0x2c: {  	s10 =	rddreg [dreg:$0x13];
	s0 =	sor.u32 @p0 $0x1C09, s0;
	s4 =	sshrl.u32 @p0 s18, $0x3  }
0x2d: {  	[hbm:s10], [sflag:s0] =	dma.local @p0 [spmem:s4], $0x2800  }
0x2e: {  	s0 =	simm.s32 @p0 $0x9  }
0x2f: {  	_ =	swait.ge @p0 [sflag:s0], $0x2800  }
0x30: {  	[sflag:s0] =	ssyncset.done @p0 $0x0  }
0x31: {  	[sflag:s0] =	ssyncadd.s32 @p0 $0xFFFFD800  }
0x32: {  	_ =	swait.ge @!p0 [sflag:s7], $0x80  }
0x33: {  	[sflag:s7] =	ssyncset.done @!p0 $0x0  }
0x34: {  	[sflag:s7] =	ssyncadd.s32 @!p0 $0xFFFFFF80  }
0x35: {  	_ =	swait.ge @!p0 [sflag:s7], $0x80  }
0x36: {  	[sflag:s7] =	ssyncset.done @!p0 $0x0  }
0x37: {  	[sflag:s7] =	ssyncadd.s32 @!p0 $0xFFFFFF80  }
0x38: {  	_ =	swait.ge @!p0 [sflag:s7], $0x80  }
0x39: {  	[sflag:s7] =	ssyncset.done @!p0 $0x0  }
0x3a: {  	[sflag:s7] =	ssyncadd.s32 @!p0 $0xFFFFFF80  }
0x3b: {  	_ =	swait.ge @!p0 [sflag:s7], $0x80  }
0x3c: {  	[sflag:s7] =	ssyncset.done @!p0 $0x0  }
0x3d: {  	s0 =	sshll.u32 @!p0 s9, $0x6;
	[sflag:s7] =	ssyncadd.s32 @!p0 $0xFFFFFF80  }
0x3e: {  	s4 =	sshrl.u32 @!p0 s18, $0x3;
	s0 =	sor.u32 @!p0 $0x1C09, s0;
	[bflag:$0x0] =	sbarrier.arrive @!p0 $0xFFFF  }
0x3f: {  	[hbm:s10], [sflag:s0] =	dma.local @!p0 [spmem:s4], $0x2800  }
0x40: {  	s4 =	simm.s32 @!p0 $0x9  }
0x41: {  	_ =	swait.ge @!p0 [sflag:s4], $0x2800  }
0x42: {  	[sflag:s4] =	ssyncset.done @!p0 $0x0;
	s13 =	rddreg [dreg:$0xd]  }
0x43: {  	s9 =	rddreg [dreg:$0x14];
	[sflag:s4] =	ssyncadd.s32 @!p0 $0xFFFFD800;
	s7 =	sshrl.u32 @!p0 s13, $0x3  }
0x44: {  	[hbm:s9], [sflag:s0] =	dma.local @!p0 [spmem:s7], $0x50  }
0x45: {  	_ =	swait.ge @!p0 [sflag:s4], $0x50  }
0x46: {  	s17 =	rddreg [dreg:$0x4]  }
0x47: {  	s30 =	rddreg [dreg:$0x15];
	s17 =	sadd.s32 $0x1, s17  }
0x48: {  	p1 =	sne.s32 s17, s30  }
.Ltmp1:
0x49: {  	_ = 	snop;
	(pc) =	sbr.rel @!p1 .LBB2_9-.Ltmp1, $3  }
0x4a: {  	_ =	sdelay $0x1  }
0x4b: {  	[sflag:s4] =	ssyncset.done @!p0 $0x0  }
0x4c: {  	s8 =	stileid.u32;
	[sflag:s4] =	ssyncadd.s32 @!p0 $0xFFFFFFB0  }
.LBB2_1:
0x4d: {  	[dreg:$0x4] =	wrdreg s17;
	s0 =	simm.s32 $0x0;
	s4 =	simm.s32 $0x200  }
.LBB2_2:
0x4e: {  	p1 =	sne.s32 s4, $0x3E00;
	[tilespmem:s0+$0x70] =	vst v0  }
0x4f: {  	[tilespmem:s0+$0x0] =	vst v0  }
0x50: {  	[tilespmem:s0+$0x10] =	vst v0  }
.Ltmp2:
0x51: {  	[tilespmem:s0+$0x20] =	vst v0;
	(pc) =	sbr.rel @p1 .LBB2_2-.Ltmp2, $4  }
0x52: {  	[tilespmem:s0+$0x30] =	vst v0  }
0x53: {  	[tilespmem:s0+$0x40] =	vst v0  }
0x54: {  	[tilespmem:s0+$0x50] =	vst v0  }
0x55: {  	[tilespmem:s0+$0x60] =	vst v0;
	s0 =	sshra.s32 s4, $0x2;
	s4 =	sadd.s32 $0x200, s4  }
0x56: {  	[tilespmem:s0+$0x70] =	vst v0  }
0x57: {  	[tilespmem:s0+$0x0] =	vst v0  }
0x58: {  	[tilespmem:s0+$0x10] =	vst v0  }
0x59: {  	[tilespmem:s0+$0x20] =	vst v0  }
0x5a: {  	[tilespmem:s0+$0x30] =	vst v0  }
0x5b: {  	[tilespmem:s0+$0x40] =	vst v0  }
0x5c: {  	[tilespmem:s0+$0x50] =	vst v0  }
0x5d: {  	[tilespmem:s0+$0x60] =	vst v0  }
0x5e: {  	[tilespmem:$0x1000] =	vst v1  }
0x5f: {  	[tilespmem:$0x1010] =	vst v1  }
0x60: {  	[tilespmem:$0x1020] =	vst v1  }
0x61: {  	[tilespmem:$0x1030] =	vst v1  }
0x62: {  	[tilespmem:$0x1040] =	vst v1  }
0x63: {  	[tilespmem:$0x1050] =	vst v1  }
0x64: {  	[tilespmem:$0x1060] =	vst v1  }
0x65: {  	s30 =	simm.s32 $0x0;
	s24 =	rddreg [dreg:$0x5];
	s4 =	simm.s32 $0x1080;
	[tilespmem:$0x1070] =	vst v1  }
0x66: {  	[tilespmem:s4], [sflag:$0x1] =	stream.linear.gather [hbm4b:s24+s30], $0xA00, $0x38;
	[tilespmem:$0x1E700] =	vst v63  }
0x67: {  	s25 =	rddreg [dreg:$0x7]  }
0x68: {  	[spmem:s18] =	stream.linear.scatter [tilespmem:s30], [sflag:$0x8], $0x1000, $0x38;
	[tilespmem:$0x1E700] =	vst v63  }
0x69: {  	s29 =	rddreg [dreg:$0x8]  }
0x6a: {  	[spmem:s25] =	stream.linear.scatter [tilespmem:s30], [sflag:$0x8], $0x1000, $0x38;
	[tilespmem:$0x1E700] =	vst v63  }
0x6b: {  	s7 =	rddreg [dreg:$0x18]  }
0x6c: {  	[spmem:s29] =	stream.linear.scatter [tilespmem:s30], [sflag:$0x8], $0x1000, $0x38;
	[tilespmem:$0x1E700] =	vst v63  }
0x6d: {  	s8 =	rddreg [dreg:$0x9]  }
0x6e: {  	[spmem:s7] =	stream.linear.scatter [tilespmem:s30], [sflag:$0x8], $0x1000, $0x38;
	[tilespmem:$0x1E700] =	vst v63  }
0x6f: {  	s9 =	rddreg [dreg:$0x19]  }
0x70: {  	[spmem:s8] =	stream.linear.scatter [tilespmem:s30], [sflag:$0x8], $0x1000, $0x38;
	[tilespmem:$0x1E700] =	vst v63  }
0x71: {  	s10 =	rddreg [dreg:$0x1a]  }
0x72: {  	[spmem:s9] =	stream.linear.scatter [tilespmem:s30], [sflag:$0x8], $0x1000, $0x38;
	[tilespmem:$0x1E700] =	vst v63  }
0x73: {  	s14 =	rddreg [dreg:$0x1b]  }
0x74: {  	[spmem:s10] =	stream.linear.scatter [tilespmem:s30], [sflag:$0x8], $0x1000, $0x38;
	[tilespmem:$0x1E700] =	vst v63  }
0x75: {  	s15 =	rddreg [dreg:$0xa]  }
0x76: {  	[spmem:s14] =	stream.linear.scatter [tilespmem:s30], [sflag:$0x8], $0x1000, $0x38;
	[tilespmem:$0x1E700] =	vst v63  }
0x77: {  	s17 =	rddreg [dreg:$0x1c]  }
0x78: {  	[spmem:s15] =	stream.linear.scatter [tilespmem:s30], [sflag:$0x8], $0x1000, $0x38;
	[tilespmem:$0x1E700] =	vst v63  }
0x79: {  	s21 =	rddreg [dreg:$0x1e]  }
0x7a: {  	[spmem:s17] =	stream.linear.scatter [tilespmem:s30], [sflag:$0x8], $0x1000, $0x38;
	[tilespmem:$0x1E700] =	vst v63  }
0x7b: {  	s18 =	rddreg [dreg:$0x1d]  }
0x7c: {  	[spmem:s18] =	stream.linear.scatter [tilespmem:s30], [sflag:$0x8], $0x1000, $0x38;
	[tilespmem:$0x1E700] =	vst v63  }
0x7d: {  	s24 =	rddreg [dreg:$0xb]  }
0x7e: {  	[spmem:s21] =	stream.linear.scatter [tilespmem:s30], [sflag:$0x8], $0x1000, $0x38;
	[tilespmem:$0x1E700] =	vst v63  }
0x7f: {  	s25 =	rddreg [dreg:$0x1f]  }
0x80: {  	[spmem:s24] =	stream.linear.scatter [tilespmem:s30], [sflag:$0x8], $0x1000, $0x38;
	[tilespmem:$0x1E700] =	vst v63  }
0x81: {  	s29 =	sld [smem:$0x7F9]  }
0x82: {  	[spmem:s25] =	stream.linear.scatter [tilespmem:s30], [sflag:$0x8], $0x1000, $0x38;
	[tilespmem:$0x1E700] =	vst v63  }
0x83: {  	s7 =	sld [smem:$0x7FA]  }
0x84: {  	[spmem:s29] =	stream.linear.scatter [tilespmem:s30], [sflag:$0x8], $0x1000, $0x38;
	[tilespmem:$0x1E700] =	vst v63  }
0x85: {  	s8 =	rddreg [dreg:$0xc]  }
0x86: {  	[spmem:s7] =	stream.linear.scatter [tilespmem:s30], [sflag:$0x8], $0x1000, $0x38;
	[tilespmem:$0x1E700] =	vst v63  }
0x87: {  	s9 =	sld [smem:$0x7FB]  }
0x88: {  	[spmem:s8] =	stream.linear.scatter [tilespmem:s30], [sflag:$0x8], $0x1000, $0x38;
	[tilespmem:$0x1E700] =	vst v63  }
0x89: {  	s10 =	sld [smem:$0x7FC]  }
0x8a: {  	[spmem:s9] =	stream.linear.scatter [tilespmem:s30], [sflag:$0x8], $0x1000, $0x38;
	[tilespmem:$0x1E700] =	vst v63  }
0x8b: {  	s14 =	sld [smem:$0x7FD]  }
0x8c: {  	[spmem:s10] =	stream.linear.scatter [tilespmem:s30], [sflag:$0x8], $0x1000, $0x38;
	[tilespmem:$0x1E700] =	vst v63  }
0x8d: {  	_ = 	snop  }
0x8e: {  	[spmem:s14] =	stream.linear.scatter [tilespmem:s30], [sflag:$0x8], $0x1000, $0x38;
	[tilespmem:$0x1E700] =	vst v63  }
0x8f: {  	_ = 	snop  }
0x90: {  	[spmem:s13] =	stream.linear.scatter [tilespmem:s30], [sflag:$0x8], $0x80, $0x38;
	[tilespmem:$0x1E700] =	vst v63  }
0x91: {  	s15 =	rddreg [dreg:$0xe]  }
0x92: {  	[spmem:s15] =	stream.linear.scatter [tilespmem:s30], [sflag:$0x8], $0x80, $0x38;
	[tilespmem:$0x1E700] =	vst v63  }
0x93: {  	s17 =	rddreg [dreg:$0xf]  }
0x94: {  	[spmem:s17] =	stream.linear.scatter [tilespmem:s30], [sflag:$0x8], $0x80, $0x38;
	[tilespmem:$0x1E700] =	vst v63  }
0x95: {  	s18 =	rddreg [dreg:$0x10]  }
0x96: {  	[spmem:s18] =	stream.linear.scatter [tilespmem:s30], [sflag:$0x8], $0x80, $0x38;
	[tilespmem:$0x1E700] =	vst v63  }
0x97: {  	s21 =	rddreg [dreg:$0x11]  }
0x98: {  	[spmem:s21] =	stream.linear.scatter [tilespmem:s30], [sflag:$0x8], $0x80, $0x38;
	[tilespmem:$0x1E700] =	vst v63  }
0x99: {  	_ =	swait.ge [sflag:s16], $0x1000  }
0x9a: {  	[sflag:s16] =	ssyncset.done $0x0  }
0x9b: {  	[sflag:s16] =	ssyncadd.s32 $0xFFFFF000  }
0x9c: {  	_ =	swait.ge [sflag:s16], $0x1000  }
0x9d: {  	[sflag:s16] =	ssyncset.done $0x0  }
0x9e: {  	[sflag:s16] =	ssyncadd.s32 $0xFFFFF000  }
0x9f: {  	_ =	swait.ge [sflag:s16], $0x1000  }
0xa0: {  	[sflag:s16] =	ssyncset.done $0x0  }
0xa1: {  	[sflag:s16] =	ssyncadd.s32 $0xFFFFF000  }
0xa2: {  	_ =	swait.ge [sflag:s16], $0x1000  }
0xa3: {  	[sflag:s16] =	ssyncset.done $0x0  }
0xa4: {  	[sflag:s16] =	ssyncadd.s32 $0xFFFFF000  }
0xa5: {  	_ =	swait.ge [sflag:s16], $0x1000  }
0xa6: {  	[sflag:s16] =	ssyncset.done $0x0  }
0xa7: {  	[sflag:s16] =	ssyncadd.s32 $0xFFFFF000  }
0xa8: {  	_ =	swait.ge [sflag:s16], $0x1000  }
0xa9: {  	[sflag:s16] =	ssyncset.done $0x0  }
0xaa: {  	[sflag:s16] =	ssyncadd.s32 $0xFFFFF000  }
0xab: {  	_ =	swait.ge [sflag:s16], $0x1000  }
0xac: {  	[sflag:s16] =	ssyncset.done $0x0  }
0xad: {  	[sflag:s16] =	ssyncadd.s32 $0xFFFFF000  }
0xae: {  	_ =	swait.ge [sflag:s16], $0x1000  }
0xaf: {  	[sflag:s16] =	ssyncset.done $0x0  }
0xb0: {  	[sflag:s16] =	ssyncadd.s32 $0xFFFFF000  }
0xb1: {  	_ =	swait.ge [sflag:s16], $0x1000  }
0xb2: {  	[sflag:s16] =	ssyncset.done $0x0  }
0xb3: {  	[sflag:s16] =	ssyncadd.s32 $0xFFFFF000  }
0xb4: {  	_ =	swait.ge [sflag:s16], $0x1000  }
0xb5: {  	[sflag:s16] =	ssyncset.done $0x0  }
0xb6: {  	[sflag:s16] =	ssyncadd.s32 $0xFFFFF000  }
0xb7: {  	_ =	swait.ge [sflag:s16], $0x1000  }
0xb8: {  	[sflag:s16] =	ssyncset.done $0x0  }
0xb9: {  	[sflag:s16] =	ssyncadd.s32 $0xFFFFF000  }
0xba: {  	_ =	swait.ge [sflag:s16], $0x1000  }
0xbb: {  	[sflag:s16] =	ssyncset.done $0x0  }
0xbc: {  	[sflag:s16] =	ssyncadd.s32 $0xFFFFF000  }
0xbd: {  	_ =	swait.ge [sflag:s16], $0x1000  }
0xbe: {  	[sflag:s16] =	ssyncset.done $0x0  }
0xbf: {  	[sflag:s16] =	ssyncadd.s32 $0xFFFFF000  }
0xc0: {  	_ =	swait.ge [sflag:s16], $0x1000  }
0xc1: {  	[sflag:s16] =	ssyncset.done $0x0  }
0xc2: {  	[sflag:s16] =	ssyncadd.s32 $0xFFFFF000  }
0xc3: {  	_ =	swait.ge [sflag:s16], $0x1000  }
0xc4: {  	[sflag:s16] =	ssyncset.done $0x0  }
0xc5: {  	[sflag:s16] =	ssyncadd.s32 $0xFFFFF000  }
0xc6: {  	_ =	swait.ge [sflag:s16], $0x1000  }
0xc7: {  	[sflag:s16] =	ssyncset.done $0x0  }
0xc8: {  	[sflag:s16] =	ssyncadd.s32 $0xFFFFF000  }
0xc9: {  	_ =	swait.ge [sflag:s16], $0x1000  }
0xca: {  	[sflag:s16] =	ssyncset.done $0x0  }
0xcb: {  	[sflag:s16] =	ssyncadd.s32 $0xFFFFF000  }
0xcc: {  	_ =	swait.ge [sflag:s16], $0x1000  }
0xcd: {  	[sflag:s16] =	ssyncset.done $0x0  }
0xce: {  	[sflag:s16] =	ssyncadd.s32 $0xFFFFF000  }
0xcf: {  	_ =	swait.ge [sflag:s16], $0x1000  }
0xd0: {  	[sflag:s16] =	ssyncset.done $0x0  }
0xd1: {  	[sflag:s16] =	ssyncadd.s32 $0xFFFFF000  }
0xd2: {  	_ =	swait.ge [sflag:s16], $0x1000  }
0xd3: {  	[sflag:s16] =	ssyncset.done $0x0  }
0xd4: {  	[sflag:s16] =	ssyncadd.s32 $0xFFFFF000  }
0xd5: {  	_ =	swait.ge [sflag:s16], $0x80  }
0xd6: {  	[sflag:s16] =	ssyncset.done $0x0  }
0xd7: {  	[sflag:s16] =	ssyncadd.s32 $0xFFFFFF80  }
0xd8: {  	_ =	swait.ge [sflag:s16], $0x80  }
0xd9: {  	[sflag:s16] =	ssyncset.done $0x0  }
0xda: {  	[sflag:s16] =	ssyncadd.s32 $0xFFFFFF80  }
0xdb: {  	_ =	swait.ge [sflag:s16], $0x80  }
0xdc: {  	[sflag:s16] =	ssyncset.done $0x0  }
0xdd: {  	[sflag:s16] =	ssyncadd.s32 $0xFFFFFF80  }
0xde: {  	_ =	swait.ge [sflag:s16], $0x80  }
0xdf: {  	[sflag:s16] =	ssyncset.done $0x0  }
0xe0: {  	[sflag:s16] =	ssyncadd.s32 $0xFFFFFF80  }
0xe1: {  	_ =	swait.ge [sflag:s16], $0x80  }
0xe2: {  	[sflag:s16] =	ssyncset.done $0x0  }
0xe3: {  	s24 =	simm.s32 $0x1;
	[sflag:s16] =	ssyncadd.s32 $0xFFFFFF80  }
0xe4: {  	_ =	swait.ge [sflag:s24], $0xA00  }
0xe5: {  	[sflag:s24] =	ssyncset.done $0x0  }
0xe6: {  	s7 =	simm.s32 $0x1A80;
	s25 =	rddreg [dreg:$0x12];
	[sflag:s24] =	ssyncadd.s32 $0xFFFFF600  }
0xe7: {  	[tilespmem:s7], [sflag:$0x2] =	stream.linear.gather [hbm4b:s25+s30], $0xA00, $0x38;
	[tilespmem:$0x1E700] =	vst v63  }
0xe8: {  	_ = 	snop  }
0xe9: {  	[tilespmem:s20], [sflag:$0x3] =	stream.indirect.gather [hbm4b:s5+s19], $0x80, s4, s19, $0xb8;
	[tilespmem:$0x1E700] =	vst v63  }
.Ltmp3:
0xea: {  	s29 =	simm.s32 $0x1180;
	(pc) =	sbr.rel .LBB2_4-.Ltmp3, $4  }
0xeb: {  	[tilespmem:s22], [sflag:$0x4] =	stream.indirect.gather [hbm4b:s5+s19], $0x80, s29, s19, $0xb8;
	[tilespmem:$0x1E700] =	vst v63  }
0xec: {  	[bflag:$0x0] =	sbarrier.arrive $0xFFFF  }
0xed: {  	s0 =	rddreg [dreg:$0x17]  }
0xee: {  	s24 =	rddreg [dreg:$0x16]  }
.LBB2_6:
0xef: {  	_ =	swait.ge [sflag:s1], $0x4000  }
0xf0: {  	[sflag:s1] =	ssyncset.done $0x0  }
0xf1: {  	s4 =	simm.s32 $0x1280;
	[sflag:s1] =	ssyncadd.s32 $0xFFFFC000  }
0xf2: {  	[tilespmem:s20], [sflag:$0x3] =	stream.indirect.gather [hbm4b:s5+s19], $0x80, s4, s19, $0xb8;
	[tilespmem:$0x1E700] =	vst v63  }
0xf3: {  	_ =	swait.ge [sflag:s31], $0x4000  }
0xf4: {  	[sflag:s31] =	ssyncset.done $0x0  }
0xf5: {  	s21 =	simm.s32 $0x1200;
	[sflag:s31] =	ssyncadd.s32 $0xFFFFC000  }
0xf6: {  	[spmem:s2] =	stream.indirect.scatter.add.f32 [tilespmem:s22], [sflag:$0x6], $0x80, s21, s19, $0xb8;
	[tilespmem:$0x1E700] =	vst v63  }
0xf7: {  	_ =	swait.ge [sflag:s11], $0x4000  }
0xf8: {  	[sflag:s11] =	ssyncset.done $0x0  }
0xf9: {  	s25 =	simm.s32 $0x1380;
	[sflag:s11] =	ssyncadd.s32 $0xFFFFC000  }
0xfa: {  	[tilespmem:s22], [sflag:$0x4] =	stream.indirect.gather [hbm4b:s5+s19], $0x80, s25, s19, $0xb8;
	[tilespmem:$0x1E700] =	vst v63  }
0xfb: {  	_ =	swait.ge [sflag:s23], $0x4000  }
0xfc: {  	[sflag:s23] =	ssyncset.done $0x0  }
0xfd: {  	s29 =	simm.s32 $0x1300;
	[sflag:s23] =	ssyncadd.s32 $0xFFFFC000  }
0xfe: {  	[spmem:s2] =	stream.indirect.scatter.add.f32 [tilespmem:s20], [sflag:$0x5], $0x80, s29, s19, $0xb8;
	[tilespmem:$0x1E700] =	vst v63  }
.LBB2_7:
0xff: {  	_ =	swait.ge [sflag:s1], $0x4000  }
0x100: {  	[sflag:s1] =	ssyncset.done $0x0  }
0x101: {  	s4 =	simm.s32 $0x1480;
	[sflag:s1] =	ssyncadd.s32 $0xFFFFC000  }
0x102: {  	[tilespmem:s20], [sflag:$0x3] =	stream.indirect.gather [hbm4b:s5+s19], $0x80, s4, s19, $0xb8;
	[tilespmem:$0x1E700] =	vst v63  }
0x103: {  	_ =	swait.ge [sflag:s31], $0x4000  }
0x104: {  	[sflag:s31] =	ssyncset.done $0x0  }
0x105: {  	s7 =	simm.s32 $0x1400;
	s4 =	simm.s32 @p0 $0x6;
	[sflag:s31] =	ssyncadd.s32 $0xFFFFC000  }
0x106: {  	[spmem:s2] =	stream.indirect.scatter.add.f32 [tilespmem:s22], [sflag:$0x6], $0x80, s7, s19, $0xb8;
	[tilespmem:$0x1E700] =	vst v63  }
0x107: {  	_ =	swait.ge @p0 [sflag:s4], $0x4000  }
0x108: {  	s25 =	simm.s32 @p0 $0x80;
	s10 =	simm.s32 @p0 $0x6480;
	[sflag:s4] =	ssyncset.done @p0 $0x0  }
0x109: {  	s8 =	simm.s32 @p0 $0x3;
	s7 =	simm.s32 @p0 $0x1580;
	[sflag:s4] =	ssyncadd.s32 @p0 $0xFFFFC000  }
0x10a: {  	[tilespmem:s10], [sflag:$0x4] =	stream.indirect.gather @p0 [hbm4b:s5+s25], $0x80, s7, s25, $0xb8;
	[tilespmem:$0x1E700] =	vst v63  }
0x10b: {  	_ =	swait.ge @p0 [sflag:s8], $0x4000  }
0x10c: {  	s18 =	simm.s32 @p0 $0x2480;
	p1 =	seq.s32 @!p0 s30, $0x0;
	[sflag:s8] =	ssyncset.done @p0 $0x0  }
0x10d: {  	p1 =	por p1, p0;
	s7 =	simm.s32 @p0 $0x1500;
	[sflag:s8] =	ssyncadd.s32 @p0 $0xFFFFC000  }
0x10e: {  	[spmem:s2] =	stream.indirect.scatter.add.f32 @p0 [tilespmem:s18], [sflag:$0x5], $0x80, s7, s25, $0xb8;
	[tilespmem:$0x1E700] =	vst v63  }
0x10f: {  	s7 =	simm.s32 @!p1 $0x7  }
0x110: {  	_ =	swait.ge @!p1 [sflag:s7], $0x80  }
0x111: {  	s9 =	simm.s32 @!p0 $0x80;
	s13 =	simm.s32 @!p0 $0x1000;
	[sflag:s7] =	ssyncset.done @!p1 $0x0  }
0x112: {  	s15 =	simm.s32 @!p0 $0x6;
	[sflag:s7] =	ssyncadd.s32 @!p1 $0xFFFFFF80;
	s7 =	simm.s32 @!p0 $0x1400  }
0x113: {  	[spmem:s3] =	stream.indirect.scatter.add.f32 @!p0 [tilespmem:s13], [sflag:$0x7], $0x1, s7, s9, $0xb8;
	[tilespmem:$0x1E700] =	vst v63  }
0x114: {  	_ =	swait.ge @!p0 [sflag:s15], $0x4000  }
0x115: {  	s14 =	simm.s32 @!p0 $0x6480;
	[sflag:s15] =	ssyncset.done @!p0 $0x0  }
0x116: {  	s21 =	simm.s32 @!p0 $0x3;
	s7 =	simm.s32 @!p0 $0x1580;
	[sflag:s15] =	ssyncadd.s32 @!p0 $0xFFFFC000  }
0x117: {  	[tilespmem:s14], [sflag:$0x4] =	stream.indirect.gather @!p0 [hbm4b:s5+s9], $0x80, s7, s9, $0xb8;
	[tilespmem:$0x1E700] =	vst v63  }
0x118: {  	_ =	swait.ge @!p0 [sflag:s21], $0x4000  }
0x119: {  	s29 =	simm.s32 @!p0 $0x1500;
	[sflag:s21] =	ssyncset.done @!p0 $0x0  }
0x11a: {  	s17 =	simm.s32 @!p0 $0x2480;
	s7 =	simm.s32 @!p0 $0x7;
	[sflag:s21] =	ssyncadd.s32 @!p0 $0xFFFFC000  }
0x11b: {  	[spmem:s2] =	stream.indirect.scatter.add.f32 @!p0 [tilespmem:s17], [sflag:$0x5], $0x80, s29, s9, $0xb8;
	[tilespmem:$0x1E700] =	vst v63  }
0x11c: {  	_ =	swait.ge @!p0 [sflag:s7], $0x80  }
0x11d: {  	[sflag:s7] =	ssyncset.done @!p0 $0x0  }
0x11e: {  	[sflag:s7] =	ssyncadd.s32 @!p0 $0xFFFFFF80  }
0x11f: {  	[spmem:s3] =	stream.indirect.scatter.add.f32 @!p0 [tilespmem:s13], [sflag:$0x7], $0x1, s29, s9, $0xb8;
	[tilespmem:$0x1E700] =	vst v63  }
0x120: {  	_ =	swait.ge [sflag:s1], $0x4000  }
0x121: {  	[sflag:s1] =	ssyncset.done $0x0  }
0x122: {  	s29 =	simm.s32 $0x1680;
	[sflag:s1] =	ssyncadd.s32 $0xFFFFC000  }
0x123: {  	[tilespmem:s20], [sflag:$0x3] =	stream.indirect.gather [hbm4b:s5+s19], $0x80, s29, s19, $0xb8;
	[tilespmem:$0x1E700] =	vst v63  }
0x124: {  	_ =	swait.ge [sflag:s31], $0x4000  }
0x125: {  	[sflag:s31] =	ssyncset.done $0x0  }
0x126: {  	s29 =	simm.s32 $0x1600;
	[sflag:s31] =	ssyncadd.s32 $0xFFFFC000  }
0x127: {  	[spmem:s2] =	stream.indirect.scatter.add.f32 [tilespmem:s22], [sflag:$0x6], $0x80, s29, s19, $0xb8;
	[tilespmem:$0x1E700] =	vst v63  }
0x128: {  	_ =	swait.ge @p0 [sflag:s4], $0x4000  }
0x129: {  	[sflag:s4] =	ssyncset.done @p0 $0x0  }
0x12a: {  	s29 =	simm.s32 @p0 $0x1780;
	[sflag:s4] =	ssyncadd.s32 @p0 $0xFFFFC000  }
0x12b: {  	[tilespmem:s10], [sflag:$0x4] =	stream.indirect.gather @p0 [hbm4b:s5+s25], $0x80, s29, s25, $0xb8;
	[tilespmem:$0x1E700] =	vst v63  }
0x12c: {  	_ =	swait.ge @p0 [sflag:s8], $0x4000  }
0x12d: {  	[sflag:s8] =	ssyncset.done @p0 $0x0  }
0x12e: {  	s29 =	simm.s32 @p0 $0x1700;
	[sflag:s8] =	ssyncadd.s32 @p0 $0xFFFFC000  }
0x12f: {  	[spmem:s2] =	stream.indirect.scatter.add.f32 @p0 [tilespmem:s18], [sflag:$0x5], $0x80, s29, s25, $0xb8;
	[tilespmem:$0x1E700] =	vst v63  }
0x130: {  	_ =	swait.ge @!p0 [sflag:s7], $0x80  }
0x131: {  	[sflag:s7] =	ssyncset.done @!p0 $0x0  }
0x132: {  	s29 =	simm.s32 @!p0 $0x1600;
	[sflag:s7] =	ssyncadd.s32 @!p0 $0xFFFFFF80  }
0x133: {  	[spmem:s3] =	stream.indirect.scatter.add.f32 @!p0 [tilespmem:s13], [sflag:$0x7], $0x1, s29, s9, $0xb8;
	[tilespmem:$0x1E700] =	vst v63  }
0x134: {  	_ =	swait.ge @!p0 [sflag:s15], $0x4000  }
0x135: {  	[sflag:s15] =	ssyncset.done @!p0 $0x0  }
0x136: {  	s29 =	simm.s32 @!p0 $0x1780;
	[sflag:s15] =	ssyncadd.s32 @!p0 $0xFFFFC000  }
0x137: {  	[tilespmem:s14], [sflag:$0x4] =	stream.indirect.gather @!p0 [hbm4b:s5+s9], $0x80, s29, s9, $0xb8;
	[tilespmem:$0x1E700] =	vst v63  }
0x138: {  	_ =	swait.ge @!p0 [sflag:s21], $0x4000  }
0x139: {  	[sflag:s21] =	ssyncset.done @!p0 $0x0  }
0x13a: {  	s29 =	simm.s32 @!p0 $0x1700;
	[sflag:s21] =	ssyncadd.s32 @!p0 $0xFFFFC000  }
0x13b: {  	[spmem:s2] =	stream.indirect.scatter.add.f32 @!p0 [tilespmem:s17], [sflag:$0x5], $0x80, s29, s9, $0xb8;
	[tilespmem:$0x1E700] =	vst v63  }
0x13c: {  	_ =	swait.ge @!p0 [sflag:s7], $0x80  }
0x13d: {  	[sflag:s7] =	ssyncset.done @!p0 $0x0  }
0x13e: {  	[sflag:s7] =	ssyncadd.s32 @!p0 $0xFFFFFF80  }
0x13f: {  	[spmem:s3] =	stream.indirect.scatter.add.f32 @!p0 [tilespmem:s13], [sflag:$0x7], $0x1, s29, s9, $0xb8;
	[tilespmem:$0x1E700] =	vst v63  }
0x140: {  	_ =	swait.ge [sflag:s1], $0x4000  }
0x141: {  	[sflag:s1] =	ssyncset.done $0x0  }
0x142: {  	s29 =	simm.s32 $0x1880;
	[sflag:s1] =	ssyncadd.s32 $0xFFFFC000  }
0x143: {  	[tilespmem:s20], [sflag:$0x3] =	stream.indirect.gather [hbm4b:s5+s19], $0x80, s29, s19, $0xb8;
	[tilespmem:$0x1E700] =	vst v63  }
0x144: {  	_ =	swait.ge [sflag:s31], $0x4000  }
0x145: {  	[sflag:s31] =	ssyncset.done $0x0  }
0x146: {  	s29 =	simm.s32 $0x1800;
	[sflag:s31] =	ssyncadd.s32 $0xFFFFC000  }
0x147: {  	[spmem:s2] =	stream.indirect.scatter.add.f32 [tilespmem:s22], [sflag:$0x6], $0x80, s29, s19, $0xb8;
	[tilespmem:$0x1E700] =	vst v63  }
0x148: {  	_ =	swait.ge @p0 [sflag:s4], $0x4000  }
0x149: {  	[sflag:s4] =	ssyncset.done @p0 $0x0  }
0x14a: {  	[sflag:s4] =	ssyncadd.s32 @p0 $0xFFFFC000;
	s4 =	simm.s32 @p0 $0x1980  }
0x14b: {  	[tilespmem:s10], [sflag:$0x4] =	stream.indirect.gather @p0 [hbm4b:s5+s25], $0x80, s4, s25, $0xb8;
	[tilespmem:$0x1E700] =	vst v63  }
0x14c: {  	_ =	swait.ge @p0 [sflag:s8], $0x4000  }
0x14d: {  	[sflag:s8] =	ssyncset.done @p0 $0x0  }
0x14e: {  	s4 =	simm.s32 @p0 $0x1900;
	[sflag:s8] =	ssyncadd.s32 @p0 $0xFFFFC000  }
0x14f: {  	[spmem:s2] =	stream.indirect.scatter.add.f32 @p0 [tilespmem:s18], [sflag:$0x5], $0x80, s4, s25, $0xb8;
	[tilespmem:$0x1E700] =	vst v63  }
0x150: {  	_ =	swait.ge @!p0 [sflag:s7], $0x80  }
0x151: {  	[sflag:s7] =	ssyncset.done @!p0 $0x0  }
0x152: {  	s4 =	simm.s32 @!p0 $0x1800;
	[sflag:s7] =	ssyncadd.s32 @!p0 $0xFFFFFF80  }
0x153: {  	[spmem:s3] =	stream.indirect.scatter.add.f32 @!p0 [tilespmem:s13], [sflag:$0x7], $0x1, s4, s9, $0xb8;
	[tilespmem:$0x1E700] =	vst v63  }
0x154: {  	_ =	swait.ge @!p0 [sflag:s15], $0x4000  }
0x155: {  	[sflag:s15] =	ssyncset.done @!p0 $0x0  }
0x156: {  	s4 =	simm.s32 @!p0 $0x1980;
	[sflag:s15] =	ssyncadd.s32 @!p0 $0xFFFFC000  }
0x157: {  	[tilespmem:s14], [sflag:$0x4] =	stream.indirect.gather @!p0 [hbm4b:s5+s9], $0x80, s4, s9, $0xb8;
	[tilespmem:$0x1E700] =	vst v63  }
0x158: {  	_ =	swait.ge @!p0 [sflag:s21], $0x4000  }
0x159: {  	[sflag:s21] =	ssyncset.done @!p0 $0x0  }
0x15a: {  	s4 =	simm.s32 @!p0 $0x1900;
	[sflag:s21] =	ssyncadd.s32 @!p0 $0xFFFFC000  }
0x15b: {  	[spmem:s2] =	stream.indirect.scatter.add.f32 @!p0 [tilespmem:s17], [sflag:$0x5], $0x80, s4, s9, $0xb8;
	[tilespmem:$0x1E700] =	vst v63  }
0x15c: {  	_ =	swait.ge @!p0 [sflag:s7], $0x80  }
0x15d: {  	[sflag:s7] =	ssyncset.done @!p0 $0x0  }
0x15e: {  	[sflag:s7] =	ssyncadd.s32 @!p0 $0xFFFFFF80  }
0x15f: {  	[spmem:s3] =	stream.indirect.scatter.add.f32 @!p0 [tilespmem:s13], [sflag:$0x7], $0x1, s4, s9, $0xb8;
	[tilespmem:$0x1E700] =	vst v63  }
0x160: {  	_ =	swait.ge [sflag:s1], $0x4000  }
0x161: {  	[sflag:s1] =	ssyncset.done $0x0  }
0x162: {  	[sflag:s1] =	ssyncadd.s32 $0xFFFFC000  }
0x163: {  	_ =	swait.ge [sflag:s31], $0x4000  }
0x164: {  	[sflag:s31] =	ssyncset.done $0x0  }
0x165: {  	s8 =	simm.s32 $0x1A00;
	[sflag:s31] =	ssyncadd.s32 $0xFFFFC000  }
0x166: {  	[spmem:s2] =	stream.indirect.scatter.add.f32 [tilespmem:s22], [sflag:$0x6], $0x80, s8, s19, $0xb8;
	[tilespmem:$0x1E700] =	vst v63  }
0x167: {  	_ =	swait.ge @!p0 [sflag:s7], $0x80  }
0x168: {  	[sflag:s7] =	ssyncset.done @!p0 $0x0  }
0x169: {  	s4 =	simm.s32 @!p0 $0x1A00;
	[sflag:s7] =	ssyncadd.s32 @!p0 $0xFFFFFF80  }
0x16a: {  	[spmem:s3] =	stream.indirect.scatter.add.f32 @!p0 [tilespmem:s13], [sflag:$0x7], $0x1, s4, s9, $0xb8;
	[tilespmem:$0x1E700] =	vst v63  }
0x16b: {  	_ =	swait.ge [sflag:s11], $0x4000  }
0x16c: {  	[sflag:s11] =	ssyncset.done $0x0  }
0x16d: {  	[sflag:s11] =	ssyncadd.s32 $0xFFFFC000  }
0x16e: {  	_ =	swait.ge [sflag:s12], $0xA00  }
0x16f: {  	[sflag:s12] =	ssyncset.done $0x0  }
0x170: {  	p1 =	seq.s32 s30, $0x3;
	s15 =	simm.s32 $0x1A80;
	[sflag:s12] =	ssyncadd.s32 $0xFFFFF600  }
0x171: {  	[tilespmem:s20], [sflag:$0x3] =	stream.indirect.gather [hbm4b:s5+s19], $0x80, s15, s19, $0xb8;
	[tilespmem:$0x1E700] =	vst v63  }
0x172: {  	s21 =	simm.s32 $0x1B80;
	s4 =	sshrl.u32 @!p1 s0, $0x3  }
0x173: {  	[tilespmem:s22], [sflag:$0x4] =	stream.indirect.gather [hbm4b:s5+s19], $0x80, s21, s19, $0xb8;
	[tilespmem:$0x1E700] =	vst v63  }
0x174: {  	s8 =	simm.s32 @!p1 $0x0;
	s4 =	sadd.s32 @!p1 s6, s4;
	s15 =	simm.s32 @!p1 $0x1080  }
0x175: {  	[tilespmem:s15], [sflag:$0x1] =	stream.linear.gather @!p1 [hbm4b:s4+s8], $0xA00, $0x38;
	[tilespmem:$0x1E700] =	vst v63  }
0x176: {  	_ =	swait.ge [sflag:s23], $0x4000  }
0x177: {  	[sflag:s23] =	ssyncset.done $0x0  }
0x178: {  	s29 =	simm.s32 $0x1B00;
	s15 =	simm.s32 @p0 $0x5;
	[sflag:s23] =	ssyncadd.s32 $0xFFFFC000  }
0x179: {  	[spmem:s2] =	stream.indirect.scatter.add.f32 [tilespmem:s20], [sflag:$0x5], $0x80, s29, s19, $0xb8;
	[tilespmem:$0x1E700] =	vst v63  }
0x17a: {  	_ =	swait.ge @p0 [sflag:s15], $0x4000  }
0x17b: {  	[sflag:s15] =	ssyncset.done @p0 $0x0  }
0x17c: {  	s21 =	simm.s32 @p0 $0x4;
	s4 =	simm.s32 @p0 $0x1C80;
	[sflag:s15] =	ssyncadd.s32 @p0 $0xFFFFC000  }
0x17d: {  	[tilespmem:s18], [sflag:$0x3] =	stream.indirect.gather @p0 [hbm4b:s5+s25], $0x80, s4, s25, $0xb8;
	[tilespmem:$0x1E700] =	vst v63  }
0x17e: {  	_ =	swait.ge @p0 [sflag:s21], $0x4000  }
0x17f: {  	[sflag:s21] =	ssyncset.done @p0 $0x0  }
0x180: {  	s4 =	simm.s32 @p0 $0x1C00;
	[sflag:s21] =	ssyncadd.s32 @p0 $0xFFFFC000  }
0x181: {  	[spmem:s2] =	stream.indirect.scatter.add.f32 @p0 [tilespmem:s10], [sflag:$0x6], $0x80, s4, s25, $0xb8;
	[tilespmem:$0x1E700] =	vst v63  }
0x182: {  	_ =	swait.ge @!p0 [sflag:s7], $0x80  }
0x183: {  	[sflag:s7] =	ssyncset.done @!p0 $0x0  }
0x184: {  	s8 =	simm.s32 @!p0 $0x5;
	s4 =	simm.s32 @!p0 $0x1B00;
	[sflag:s7] =	ssyncadd.s32 @!p0 $0xFFFFFF80  }
0x185: {  	[spmem:s3] =	stream.indirect.scatter.add.f32 @!p0 [tilespmem:s13], [sflag:$0x7], $0x1, s4, s9, $0xb8;
	[tilespmem:$0x1E700] =	vst v63  }
0x186: {  	_ =	swait.ge @!p0 [sflag:s8], $0x4000  }
0x187: {  	[sflag:s8] =	ssyncset.done @!p0 $0x0  }
0x188: {  	s4 =	simm.s32 @!p0 $0x1C80;
	[sflag:s8] =	ssyncadd.s32 @!p0 $0xFFFFC000  }
0x189: {  	[tilespmem:s17], [sflag:$0x3] =	stream.indirect.gather @!p0 [hbm4b:s5+s9], $0x80, s4, s9, $0xb8;
	[tilespmem:$0x1E700] =	vst v63  }
0x18a: {  	s4 =	simm.s32 @!p0 $0x4  }
0x18b: {  	_ =	swait.ge @!p0 [sflag:s4], $0x4000  }
0x18c: {  	[sflag:s4] =	ssyncset.done @!p0 $0x0  }
0x18d: {  	s29 =	simm.s32 @!p0 $0x1C00;
	[sflag:s4] =	ssyncadd.s32 @!p0 $0xFFFFC000  }
0x18e: {  	[spmem:s2] =	stream.indirect.scatter.add.f32 @!p0 [tilespmem:s14], [sflag:$0x6], $0x80, s29, s9, $0xb8;
	[tilespmem:$0x1E700] =	vst v63  }
0x18f: {  	_ =	swait.ge @!p0 [sflag:s7], $0x80  }
0x190: {  	[sflag:s7] =	ssyncset.done @!p0 $0x0  }
0x191: {  	[sflag:s7] =	ssyncadd.s32 @!p0 $0xFFFFFF80  }
0x192: {  	[spmem:s3] =	stream.indirect.scatter.add.f32 @!p0 [tilespmem:s13], [sflag:$0x7], $0x1, s29, s9, $0xb8;
	[tilespmem:$0x1E700] =	vst v63  }
0x193: {  	_ =	swait.ge [sflag:s11], $0x4000  }
0x194: {  	[sflag:s11] =	ssyncset.done $0x0  }
0x195: {  	s29 =	simm.s32 $0x1D80;
	[sflag:s11] =	ssyncadd.s32 $0xFFFFC000  }
0x196: {  	[tilespmem:s22], [sflag:$0x4] =	stream.indirect.gather [hbm4b:s5+s19], $0x80, s29, s19, $0xb8;
	[tilespmem:$0x1E700] =	vst v63  }
0x197: {  	_ =	swait.ge [sflag:s23], $0x4000  }
0x198: {  	[sflag:s23] =	ssyncset.done $0x0  }
0x199: {  	s29 =	simm.s32 $0x1D00;
	[sflag:s23] =	ssyncadd.s32 $0xFFFFC000  }
0x19a: {  	[spmem:s2] =	stream.indirect.scatter.add.f32 [tilespmem:s20], [sflag:$0x5], $0x80, s29, s19, $0xb8;
	[tilespmem:$0x1E700] =	vst v63  }
0x19b: {  	_ =	swait.ge @p0 [sflag:s15], $0x4000  }
0x19c: {  	[sflag:s15] =	ssyncset.done @p0 $0x0  }
0x19d: {  	s29 =	simm.s32 @p0 $0x1E80;
	[sflag:s15] =	ssyncadd.s32 @p0 $0xFFFFC000  }
0x19e: {  	[tilespmem:s18], [sflag:$0x3] =	stream.indirect.gather @p0 [hbm4b:s5+s25], $0x80, s29, s25, $0xb8;
	[tilespmem:$0x1E700] =	vst v63  }
0x19f: {  	_ =	swait.ge @p0 [sflag:s21], $0x4000  }
0x1a0: {  	[sflag:s21] =	ssyncset.done @p0 $0x0  }
0x1a1: {  	s29 =	simm.s32 @p0 $0x1E00;
	[sflag:s21] =	ssyncadd.s32 @p0 $0xFFFFC000  }
0x1a2: {  	[spmem:s2] =	stream.indirect.scatter.add.f32 @p0 [tilespmem:s10], [sflag:$0x6], $0x80, s29, s25, $0xb8;
	[tilespmem:$0x1E700] =	vst v63  }
0x1a3: {  	_ =	swait.ge @!p0 [sflag:s7], $0x80  }
0x1a4: {  	[sflag:s7] =	ssyncset.done @!p0 $0x0  }
0x1a5: {  	s29 =	simm.s32 @!p0 $0x1D00;
	[sflag:s7] =	ssyncadd.s32 @!p0 $0xFFFFFF80  }
0x1a6: {  	[spmem:s3] =	stream.indirect.scatter.add.f32 @!p0 [tilespmem:s13], [sflag:$0x7], $0x1, s29, s9, $0xb8;
	[tilespmem:$0x1E700] =	vst v63  }
0x1a7: {  	_ =	swait.ge @!p0 [sflag:s8], $0x4000  }
0x1a8: {  	[sflag:s8] =	ssyncset.done @!p0 $0x0  }
0x1a9: {  	s29 =	simm.s32 @!p0 $0x1E80;
	[sflag:s8] =	ssyncadd.s32 @!p0 $0xFFFFC000  }
0x1aa: {  	[tilespmem:s17], [sflag:$0x3] =	stream.indirect.gather @!p0 [hbm4b:s5+s9], $0x80, s29, s9, $0xb8;
	[tilespmem:$0x1E700] =	vst v63  }
0x1ab: {  	_ =	swait.ge @!p0 [sflag:s4], $0x4000  }
0x1ac: {  	[sflag:s4] =	ssyncset.done @!p0 $0x0  }
0x1ad: {  	s29 =	simm.s32 @!p0 $0x1E00;
	[sflag:s4] =	ssyncadd.s32 @!p0 $0xFFFFC000  }
0x1ae: {  	[spmem:s2] =	stream.indirect.scatter.add.f32 @!p0 [tilespmem:s14], [sflag:$0x6], $0x80, s29, s9, $0xb8;
	[tilespmem:$0x1E700] =	vst v63  }
0x1af: {  	_ =	swait.ge @!p0 [sflag:s7], $0x80  }
0x1b0: {  	[sflag:s7] =	ssyncset.done @!p0 $0x0  }
0x1b1: {  	[sflag:s7] =	ssyncadd.s32 @!p0 $0xFFFFFF80  }
0x1b2: {  	[spmem:s3] =	stream.indirect.scatter.add.f32 @!p0 [tilespmem:s13], [sflag:$0x7], $0x1, s29, s9, $0xb8;
	[tilespmem:$0x1E700] =	vst v63  }
0x1b3: {  	_ =	swait.ge [sflag:s11], $0x4000  }
0x1b4: {  	[sflag:s11] =	ssyncset.done $0x0  }
0x1b5: {  	s29 =	simm.s32 $0x1F80;
	[sflag:s11] =	ssyncadd.s32 $0xFFFFC000  }
0x1b6: {  	[tilespmem:s22], [sflag:$0x4] =	stream.indirect.gather [hbm4b:s5+s19], $0x80, s29, s19, $0xb8;
	[tilespmem:$0x1E700] =	vst v63  }
0x1b7: {  	_ =	swait.ge [sflag:s23], $0x4000  }
0x1b8: {  	[sflag:s23] =	ssyncset.done $0x0  }
0x1b9: {  	s29 =	simm.s32 $0x1F00;
	[sflag:s23] =	ssyncadd.s32 $0xFFFFC000  }
0x1ba: {  	[spmem:s2] =	stream.indirect.scatter.add.f32 [tilespmem:s20], [sflag:$0x5], $0x80, s29, s19, $0xb8;
	[tilespmem:$0x1E700] =	vst v63  }
0x1bb: {  	_ =	swait.ge @p0 [sflag:s15], $0x4000  }
0x1bc: {  	[sflag:s15] =	ssyncset.done @p0 $0x0  }
0x1bd: {  	s29 =	simm.s32 @p0 $0x2080;
	[sflag:s15] =	ssyncadd.s32 @p0 $0xFFFFC000  }
0x1be: {  	[tilespmem:s18], [sflag:$0x3] =	stream.indirect.gather @p0 [hbm4b:s5+s25], $0x80, s29, s25, $0xb8;
	[tilespmem:$0x1E700] =	vst v63  }
0x1bf: {  	_ =	swait.ge @p0 [sflag:s21], $0x4000  }
0x1c0: {  	[sflag:s21] =	ssyncset.done @p0 $0x0  }
0x1c1: {  	s29 =	simm.s32 @p0 $0x2000;
	[sflag:s21] =	ssyncadd.s32 @p0 $0xFFFFC000  }
0x1c2: {  	[spmem:s2] =	stream.indirect.scatter.add.f32 @p0 [tilespmem:s10], [sflag:$0x6], $0x80, s29, s25, $0xb8;
	[tilespmem:$0x1E700] =	vst v63  }
0x1c3: {  	_ =	swait.ge @!p0 [sflag:s7], $0x80  }
0x1c4: {  	[sflag:s7] =	ssyncset.done @!p0 $0x0  }
0x1c5: {  	s29 =	simm.s32 @!p0 $0x1F00;
	[sflag:s7] =	ssyncadd.s32 @!p0 $0xFFFFFF80  }
0x1c6: {  	[spmem:s3] =	stream.indirect.scatter.add.f32 @!p0 [tilespmem:s13], [sflag:$0x7], $0x1, s29, s9, $0xb8;
	[tilespmem:$0x1E700] =	vst v63  }
0x1c7: {  	_ =	swait.ge @!p0 [sflag:s8], $0x4000  }
0x1c8: {  	[sflag:s8] =	ssyncset.done @!p0 $0x0  }
0x1c9: {  	s29 =	simm.s32 @!p0 $0x2080;
	[sflag:s8] =	ssyncadd.s32 @!p0 $0xFFFFC000  }
0x1ca: {  	[tilespmem:s17], [sflag:$0x3] =	stream.indirect.gather @!p0 [hbm4b:s5+s9], $0x80, s29, s9, $0xb8;
	[tilespmem:$0x1E700] =	vst v63  }
0x1cb: {  	_ =	swait.ge @!p0 [sflag:s4], $0x4000  }
0x1cc: {  	[sflag:s4] =	ssyncset.done @!p0 $0x0  }
0x1cd: {  	s29 =	simm.s32 @!p0 $0x2000;
	[sflag:s4] =	ssyncadd.s32 @!p0 $0xFFFFC000  }
0x1ce: {  	[spmem:s2] =	stream.indirect.scatter.add.f32 @!p0 [tilespmem:s14], [sflag:$0x6], $0x80, s29, s9, $0xb8;
	[tilespmem:$0x1E700] =	vst v63  }
0x1cf: {  	_ =	swait.ge @!p0 [sflag:s7], $0x80  }
0x1d0: {  	[sflag:s7] =	ssyncset.done @!p0 $0x0  }
0x1d1: {  	[sflag:s7] =	ssyncadd.s32 @!p0 $0xFFFFFF80  }
0x1d2: {  	[spmem:s3] =	stream.indirect.scatter.add.f32 @!p0 [tilespmem:s13], [sflag:$0x7], $0x1, s29, s9, $0xb8;
	[tilespmem:$0x1E700] =	vst v63  }
0x1d3: {  	_ =	swait.ge [sflag:s11], $0x4000  }
0x1d4: {  	[sflag:s11] =	ssyncset.done $0x0  }
0x1d5: {  	s29 =	simm.s32 $0x2180;
	[sflag:s11] =	ssyncadd.s32 $0xFFFFC000  }
0x1d6: {  	[tilespmem:s22], [sflag:$0x4] =	stream.indirect.gather [hbm4b:s5+s19], $0x80, s29, s19, $0xb8;
	[tilespmem:$0x1E700] =	vst v63  }
0x1d7: {  	_ =	swait.ge [sflag:s23], $0x4000  }
0x1d8: {  	[sflag:s23] =	ssyncset.done $0x0  }
0x1d9: {  	s29 =	simm.s32 $0x2100;
	[sflag:s23] =	ssyncadd.s32 $0xFFFFC000  }
0x1da: {  	[spmem:s2] =	stream.indirect.scatter.add.f32 [tilespmem:s20], [sflag:$0x5], $0x80, s29, s19, $0xb8;
	[tilespmem:$0x1E700] =	vst v63  }
0x1db: {  	_ =	swait.ge @p0 [sflag:s15], $0x4000  }
0x1dc: {  	[sflag:s15] =	ssyncset.done @p0 $0x0  }
0x1dd: {  	s29 =	simm.s32 @p0 $0x2280;
	[sflag:s15] =	ssyncadd.s32 @p0 $0xFFFFC000  }
0x1de: {  	[tilespmem:s18], [sflag:$0x3] =	stream.indirect.gather @p0 [hbm4b:s5+s25], $0x80, s29, s25, $0xb8;
	[tilespmem:$0x1E700] =	vst v63  }
0x1df: {  	_ =	swait.ge @p0 [sflag:s21], $0x4000  }
0x1e0: {  	[sflag:s21] =	ssyncset.done @p0 $0x0  }
0x1e1: {  	s18 =	simm.s32 @p0 $0x2200;
	[sflag:s21] =	ssyncadd.s32 @p0 $0xFFFFC000  }
0x1e2: {  	[spmem:s2] =	stream.indirect.scatter.add.f32 @p0 [tilespmem:s10], [sflag:$0x6], $0x80, s18, s25, $0xb8;
	[tilespmem:$0x1E700] =	vst v63  }
0x1e3: {  	_ =	swait.ge @!p0 [sflag:s7], $0x80  }
0x1e4: {  	[sflag:s7] =	ssyncset.done @!p0 $0x0  }
0x1e5: {  	s18 =	simm.s32 @!p0 $0x2100;
	[sflag:s7] =	ssyncadd.s32 @!p0 $0xFFFFFF80  }
0x1e6: {  	[spmem:s3] =	stream.indirect.scatter.add.f32 @!p0 [tilespmem:s13], [sflag:$0x7], $0x1, s18, s9, $0xb8;
	[tilespmem:$0x1E700] =	vst v63  }
0x1e7: {  	_ =	swait.ge @!p0 [sflag:s8], $0x4000  }
0x1e8: {  	[sflag:s8] =	ssyncset.done @!p0 $0x0  }
0x1e9: {  	s18 =	simm.s32 @!p0 $0x2280;
	[sflag:s8] =	ssyncadd.s32 @!p0 $0xFFFFC000  }
0x1ea: {  	[tilespmem:s17], [sflag:$0x3] =	stream.indirect.gather @!p0 [hbm4b:s5+s9], $0x80, s18, s9, $0xb8;
	[tilespmem:$0x1E700] =	vst v63  }
0x1eb: {  	_ =	swait.ge @!p0 [sflag:s4], $0x4000  }
0x1ec: {  	[sflag:s4] =	ssyncset.done @!p0 $0x0  }
0x1ed: {  	s17 =	simm.s32 @!p0 $0x2200;
	[sflag:s4] =	ssyncadd.s32 @!p0 $0xFFFFC000  }
0x1ee: {  	[spmem:s2] =	stream.indirect.scatter.add.f32 @!p0 [tilespmem:s14], [sflag:$0x6], $0x80, s17, s9, $0xb8;
	[tilespmem:$0x1E700] =	vst v63  }
0x1ef: {  	_ =	swait.ge @!p0 [sflag:s7], $0x80  }
0x1f0: {  	[sflag:s7] =	ssyncset.done @!p0 $0x0  }
0x1f1: {  	[sflag:s7] =	ssyncadd.s32 @!p0 $0xFFFFFF80  }
0x1f2: {  	[spmem:s3] =	stream.indirect.scatter.add.f32 @!p0 [tilespmem:s13], [sflag:$0x7], $0x1, s17, s9, $0xb8;
	[tilespmem:$0x1E700] =	vst v63  }
0x1f3: {  	_ =	swait.ge [sflag:s11], $0x4000  }
0x1f4: {  	[sflag:s11] =	ssyncset.done $0x0  }
0x1f5: {  	[sflag:s11] =	ssyncadd.s32 $0xFFFFC000  }
0x1f6: {  	[tilespmem:s22], [sflag:$0x4] =	stream.indirect.gather [hbm4b:s5+s19], $0x80, s26, s19, $0xb8;
	[tilespmem:$0x1E700] =	vst v63  }
0x1f7: {  	_ =	swait.ge [sflag:s23], $0x4000  }
0x1f8: {  	[sflag:s23] =	ssyncset.done $0x0  }
0x1f9: {  	[sflag:s23] =	ssyncadd.s32 $0xFFFFC000  }
0x1fa: {  	[spmem:s2] =	stream.indirect.scatter.add.f32 [tilespmem:s20], [sflag:$0x5], $0x80, s28, s19, $0xb8;
	[tilespmem:$0x1E700] =	vst v63  }
0x1fb: {  	_ =	swait.ge @p0 [sflag:s15], $0x4000  }
0x1fc: {  	[sflag:s15] =	ssyncset.done @p0 $0x0  }
0x1fd: {  	[sflag:s15] =	ssyncadd.s32 @p0 $0xFFFFC000  }
0x1fe: {  	_ =	swait.ge @p0 [sflag:s21], $0x4000  }
0x1ff: {  	[sflag:s21] =	ssyncset.done @p0 $0x0  }
0x200: {  	s15 =	simm.s32 @p0 $0x2400;
	[sflag:s21] =	ssyncadd.s32 @p0 $0xFFFFC000  }
0x201: {  	[spmem:s2] =	stream.indirect.scatter.add.f32 @p0 [tilespmem:s10], [sflag:$0x6], $0x80, s15, s25, $0xb8;
	[tilespmem:$0x1E700] =	vst v63  }
0x202: {  	_ =	swait.ge @!p0 [sflag:s7], $0x80  }
0x203: {  	[sflag:s7] =	ssyncset.done @!p0 $0x0  }
0x204: {  	s10 =	simm.s32 @!p0 $0x2300;
	[sflag:s7] =	ssyncadd.s32 @!p0 $0xFFFFFF80  }
0x205: {  	[spmem:s3] =	stream.indirect.scatter.add.f32 @!p0 [tilespmem:s13], [sflag:$0x7], $0x1, s10, s9, $0xb8;
	[tilespmem:$0x1E700] =	vst v63  }
0x206: {  	_ =	swait.ge @!p0 [sflag:s8], $0x4000  }
0x207: {  	[sflag:s8] =	ssyncset.done @!p0 $0x0  }
0x208: {  	[sflag:s8] =	ssyncadd.s32 @!p0 $0xFFFFC000  }
0x209: {  	_ =	swait.ge @!p0 [sflag:s4], $0x4000  }
0x20a: {  	[sflag:s4] =	ssyncset.done @!p0 $0x0  }
0x20b: {  	[sflag:s4] =	ssyncadd.s32 @!p0 $0xFFFFC000;
	s4 =	simm.s32 @!p0 $0x2400  }
0x20c: {  	[spmem:s2] =	stream.indirect.scatter.add.f32 @!p0 [tilespmem:s14], [sflag:$0x6], $0x80, s4, s9, $0xb8;
	[tilespmem:$0x1E700] =	vst v63  }
0x20d: {  	_ =	swait.ge @!p0 [sflag:s7], $0x80  }
0x20e: {  	[sflag:s7] =	ssyncset.done @!p0 $0x0  }
0x20f: {  	[sflag:s7] =	ssyncadd.s32 @!p0 $0xFFFFFF80  }
0x210: {  	[spmem:s3] =	stream.indirect.scatter.add.f32 @!p0 [tilespmem:s13], [sflag:$0x7], $0x1, s4, s9, $0xb8;
	[tilespmem:$0x1E700] =	vst v63  }
0x211: {  	_ =	swait.ge [sflag:s11], $0x4000  }
0x212: {  	p1 =	sgt.u32 s30, $0x2;
	[sflag:s11] =	ssyncset.done $0x0  }
0x213: {  	s4 =	simm.s32 @!p1 $0x1;
	[sflag:s11] =	ssyncadd.s32 $0xFFFFC000  }
0x214: {  	_ =	swait.ge @!p1 [sflag:s4], $0xA00  }
0x215: {  	s8 =	simm.s32 @!p1 $0x1080;
	[sflag:s4] =	ssyncset.done @!p1 $0x0  }
0x216: {  	s9 =	simm.s32 @!p1 $0x2480;
	[sflag:s4] =	ssyncadd.s32 @!p1 $0xFFFFF600;
	s4 =	simm.s32 @!p1 $0x80  }
0x217: {  	[tilespmem:s9], [sflag:$0x3] =	stream.indirect.gather @!p1 [hbm4b:s5+s4], $0x80, s8, s4, $0xb8;
	[tilespmem:$0x1E700] =	vst v63  }
0x218: {  	s8 =	simm.s32 @!p1 $0x1180;
	s9 =	simm.s32 @!p1 $0x6480  }
0x219: {  	[tilespmem:s9], [sflag:$0x4] =	stream.indirect.gather @!p1 [hbm4b:s5+s4], $0x80, s8, s4, $0xb8;
	[tilespmem:$0x1E700] =	vst v63  }
0x21a: {  	s30 =	sadd.s32 $0x1, s30;
	s4 =	simm.s32 @!p1 $0x0;
	s8 =	simm.s32 @!p1 $0x1A80  }
0x21b: {  	[tilespmem:s8], [sflag:$0x2] =	stream.linear.gather @!p1 [hbm4b:s24+s4], $0xA00, $0x38;
	[tilespmem:$0x1E700] =	vst v63  }
0x21c: {  	p1 =	sne.s32 s30, $0x4  }
.Ltmp4:
0x21d: {  	_ = 	snop;
	(pc) =	sbr.rel @!p1 .LBB2_8-.Ltmp4, $2  }
0x21e: {  	_ =	sdelay $0x2  }
0x21f: {  	s0 =	sadd.s32 $0x1400, s0;
	s24 =	sadd.s32 $0x280, s24  }
.LBB2_4:
.Ltmp5:
0x220: {  	(pc) =	sbr.rel @p0 .LBB2_6-.Ltmp5, $4  }
0x221: {  	_ =	swait.ge [sflag:s23], $0x4000  }
0x222: {  	[sflag:s23] =	ssyncset.done $0x0  }
0x223: {  	s4 =	simm.s32 $0x1100;
	[sflag:s23] =	ssyncadd.s32 $0xFFFFC000  }
0x224: {  	[spmem:s2] =	stream.indirect.scatter.add.f32 [tilespmem:s20], [sflag:$0x5], $0x80, s4, s19, $0xb8;
	[tilespmem:$0x1E700] =	vst v63  }
0x225: {  	p1 =	seq.s32 s30, $0x0  }
0x226: {  	s4 =	simm.s32 @p1 $0x80;
	s7 =	simm.s32 @p1 $0x1100;
	s8 =	simm.s32 @p1 $0x1000  }
0x227: {  	[spmem:s3] =	stream.indirect.scatter.add.f32 @p1 [tilespmem:s8], [sflag:$0x7], $0x1, s7, s4, $0xb8;
	[tilespmem:$0x1E700] =	vst v63  }
0x228: {  	s7 =	simm.s32 @p1 $0x5  }
0x229: {  	_ =	swait.ge @p1 [sflag:s7], $0x4000  }
0x22a: {  	[sflag:s7] =	ssyncset.done @p1 $0x0  }
0x22b: {  	s9 =	simm.s32 @p1 $0x2480;
	[sflag:s7] =	ssyncadd.s32 @p1 $0xFFFFC000;
	s7 =	simm.s32 @p1 $0x1280  }
0x22c: {  	[tilespmem:s9], [sflag:$0x3] =	stream.indirect.gather @p1 [hbm4b:s5+s4], $0x80, s7, s4, $0xb8;
	[tilespmem:$0x1E700] =	vst v63  }
0x22d: {  	s7 =	simm.s32 @p1 $0x4  }
0x22e: {  	_ =	swait.ge @p1 [sflag:s7], $0x4000  }
0x22f: {  	[sflag:s7] =	ssyncset.done @p1 $0x0  }
0x230: {  	s10 =	simm.s32 @p1 $0x6480;
	[sflag:s7] =	ssyncadd.s32 @p1 $0xFFFFC000;
	s7 =	simm.s32 @p1 $0x1200  }
0x231: {  	[spmem:s2] =	stream.indirect.scatter.add.f32 @p1 [tilespmem:s10], [sflag:$0x6], $0x80, s7, s4, $0xb8;
	[tilespmem:$0x1E700] =	vst v63  }
0x232: {  	_ = 	snop  }
0x233: {  	[spmem:s3] =	stream.indirect.scatter.add.f32 @p1 [tilespmem:s8], [sflag:$0x7], $0x1, s7, s4, $0xb8;
	[tilespmem:$0x1E700] =	vst v63  }
0x234: {  	s7 =	simm.s32 @p1 $0x6  }
0x235: {  	_ =	swait.ge @p1 [sflag:s7], $0x4000  }
0x236: {  	[sflag:s7] =	ssyncset.done @p1 $0x0  }
0x237: {  	[sflag:s7] =	ssyncadd.s32 @p1 $0xFFFFC000;
	s7 =	simm.s32 @p1 $0x1380  }
0x238: {  	[tilespmem:s10], [sflag:$0x4] =	stream.indirect.gather @p1 [hbm4b:s5+s4], $0x80, s7, s4, $0xb8;
	[tilespmem:$0x1E700] =	vst v63  }
0x239: {  	s7 =	simm.s32 @p1 $0x3  }
0x23a: {  	_ =	swait.ge @p1 [sflag:s7], $0x4000  }
0x23b: {  	[sflag:s7] =	ssyncset.done @p1 $0x0  }
0x23c: {  	[sflag:s7] =	ssyncadd.s32 @p1 $0xFFFFC000;
	s7 =	simm.s32 @p1 $0x1300  }
0x23d: {  	[spmem:s2] =	stream.indirect.scatter.add.f32 @p1 [tilespmem:s9], [sflag:$0x5], $0x80, s7, s4, $0xb8;
	[tilespmem:$0x1E700] =	vst v63  }
0x23e: {  	s4 =	simm.s32 @!p1 $0x7  }
0x23f: {  	_ =	swait.ge @!p1 [sflag:s4], $0x80  }
0x240: {  	s8 =	simm.s32 @!p1 $0x1100;
	[sflag:s4] =	ssyncset.done @!p1 $0x0  }
0x241: {  	s7 =	simm.s32 @!p1 $0x80;
	s9 =	simm.s32 @!p1 $0x1000;
	[sflag:s4] =	ssyncadd.s32 @!p1 $0xFFFFFF80  }
0x242: {  	[spmem:s3] =	stream.indirect.scatter.add.f32 @!p1 [tilespmem:s9], [sflag:$0x7], $0x1, s8, s7, $0xb8;
	[tilespmem:$0x1E700] =	vst v63  }
0x243: {  	s8 =	simm.s32 @!p1 $0x5  }
0x244: {  	_ =	swait.ge @!p1 [sflag:s8], $0x4000  }
0x245: {  	[sflag:s8] =	ssyncset.done @!p1 $0x0  }
0x246: {  	s10 =	simm.s32 @!p1 $0x2480;
	[sflag:s8] =	ssyncadd.s32 @!p1 $0xFFFFC000;
	s8 =	simm.s32 @!p1 $0x1280  }
0x247: {  	[tilespmem:s10], [sflag:$0x3] =	stream.indirect.gather @!p1 [hbm4b:s5+s7], $0x80, s8, s7, $0xb8;
	[tilespmem:$0x1E700] =	vst v63  }
0x248: {  	s8 =	simm.s32 @!p1 $0x4  }
0x249: {  	_ =	swait.ge @!p1 [sflag:s8], $0x4000  }
0x24a: {  	[sflag:s8] =	ssyncset.done @!p1 $0x0  }
0x24b: {  	s13 =	simm.s32 @!p1 $0x6480;
	[sflag:s8] =	ssyncadd.s32 @!p1 $0xFFFFC000;
	s8 =	simm.s32 @!p1 $0x1200  }
0x24c: {  	[spmem:s2] =	stream.indirect.scatter.add.f32 @!p1 [tilespmem:s13], [sflag:$0x6], $0x80, s8, s7, $0xb8;
	[tilespmem:$0x1E700] =	vst v63  }
0x24d: {  	_ =	swait.ge @!p1 [sflag:s4], $0x80  }
0x24e: {  	[sflag:s4] =	ssyncset.done @!p1 $0x0  }
0x24f: {  	[sflag:s4] =	ssyncadd.s32 @!p1 $0xFFFFFF80  }
0x250: {  	[spmem:s3] =	stream.indirect.scatter.add.f32 @!p1 [tilespmem:s9], [sflag:$0x7], $0x1, s8, s7, $0xb8;
	[tilespmem:$0x1E700] =	vst v63  }
0x251: {  	s8 =	simm.s32 @!p1 $0x6  }
0x252: {  	_ =	swait.ge @!p1 [sflag:s8], $0x4000  }
0x253: {  	[sflag:s8] =	ssyncset.done @!p1 $0x0  }
0x254: {  	[sflag:s8] =	ssyncadd.s32 @!p1 $0xFFFFC000;
	s8 =	simm.s32 @!p1 $0x1380  }
0x255: {  	[tilespmem:s13], [sflag:$0x4] =	stream.indirect.gather @!p1 [hbm4b:s5+s7], $0x80, s8, s7, $0xb8;
	[tilespmem:$0x1E700] =	vst v63  }
0x256: {  	s8 =	simm.s32 @!p1 $0x3  }
0x257: {  	_ =	swait.ge @!p1 [sflag:s8], $0x4000  }
0x258: {  	[sflag:s8] =	ssyncset.done @!p1 $0x0  }
0x259: {  	[sflag:s8] =	ssyncadd.s32 @!p1 $0xFFFFC000;
	s8 =	simm.s32 @!p1 $0x1300  }
0x25a: {  	[spmem:s2] =	stream.indirect.scatter.add.f32 @!p1 [tilespmem:s10], [sflag:$0x5], $0x80, s8, s7, $0xb8;
	[tilespmem:$0x1E700] =	vst v63  }
.Ltmp6:
0x25b: {  	_ = 	snop;
	(pc) =	sbr.rel .LBB2_7-.Ltmp6, $4  }
0x25c: {  	_ =	swait.ge @!p1 [sflag:s4], $0x80  }
0x25d: {  	[sflag:s4] =	ssyncset.done @!p1 $0x0  }
0x25e: {  	s25 =	simm.s32 $0x1300;
	s29 =	simm.s32 $0x1000;
	[sflag:s4] =	ssyncadd.s32 @!p1 $0xFFFFFF80  }
0x25f: {  	[spmem:s3] =	stream.indirect.scatter.add.f32 [tilespmem:s29], [sflag:$0x7], $0x1, s25, s19, $0xb8;
	[tilespmem:$0x1E700] =	vst v63  }
.LBB2_9:
0x260: {  	_ =	sfence.sel $0x180000  }
0x261: {  	[bflag:$0x0] =	sbarrier.arrive $0xFFFF  }
0x262: {  	_ =	strace $0x90000047  }
0x263: {  	[bflag:$0x2] =	sbarrier.arrive $0xFFFF  }
0x264: {  	p0 =	sne.s32 s8, $0x0;
	s0 =	rddreg [dreg:$0x3]  }
0x265: {  	s0 =	sadd.s32 @!p0 $0x100000, s0  }
0x266: {  	[sflag:s0] =	ssyncadd.tile.s32 @!p0 $0x1;
	_ =	shalt  }
.Lfunc_end2:
_tile_overlayer_lowered:
.L_overlay_start_2:
0x267: {  	(tag) =	ssettag $0x2  }
0x268: {  	s0 =	rddreg [dreg:$0x0];
	s2 =	stileid.u32  }
0x269: {  	s1 =	rddreg [dreg:$0x1];
	p0 =	sne.s32 s2, $0x0  }
0x26a: {  	s3 =	rddreg [dreg:$0x2];
	[bflag:$0x3] =	sbarrier.arrive $0xFFFF;
	s2 =	simm.s32 @!p0 $0x1C09  }
0x26b: {  	[timem:s3], [sflag:s2] =	dma.local @!p0 [hbm:s0], s1  }
0x26c: {  	s0 =	simm.s32 @!p0 $0x9  }
0x26d: {  	_ =	swait.ge @!p0 [sflag:s0], s1  }
0x26e: {  	s1 =	ssub.s32 @!p0 $0x0, s1;
	[sflag:s0] =	ssyncset.done @!p0 $0x0  }
0x26f: {  	[sflag:s0] =	ssyncadd.s32 @!p0 s1  }
0x270: {  	[bflag:$0x3] =	sbarrier.arrive $0xFFFF  }
0x271: {  	_ =	shalt  }

// kernel: kernel.9.cloned.1.call-start
scs
__scs_entry_jumppad:
0x0: {  	(pc) =	sbr.rel $0x88, $3  }
0x1: {  	(tag) =	ssettag $0x0;
	lr =	simm.s32 $0x1  }
0x2: {  	[smem:$0x3F95] =	sst lr;
	_ =	strace $0xD0000000  }
0x3: {  	_ = 	snop  }
0x4: {  	_ = 	snop  }
0x5: {  	_ = 	snop  }
0x6: {  	_ = 	snop  }
0x7: {  	_ = 	snop  }
__scs_overlays_trampoline_lowered:
0x8: {  	[smem:$0x3FA4] =	sst s0  }
0x9: {  	[smem:$0x3FA5] =	sst s1  }
0xa: {  	[smem:$0x3FA6] =	sst s2  }
0xb: {  	[smem:$0x3FA7] =	sst s3  }
0xc: {  	[smem:$0x3FA8] =	sst s4  }
0xd: {  	[smem:$0x3FA9] =	sst s5  }
0xe: {  	[smem:$0x3FAA] =	sst s6  }
0xf: {  	[smem:$0x3FAB] =	sst s7  }
0x10: {  	[smem:$0x3FAC] =	sst s8  }
0x11: {  	[smem:$0x3FAD] =	sst s9;
	s0 =	simm.s32 @!p0 $0x0  }
0x12: {  	s1 =	sld [smem:$0x3F93];
	s0 =	simm.s32 @p0 $0x1  }
0x13: {  	[smem:$0x3FAE] =	sst s0;
	s0 =	simm.s32 @!p1 $0x0  }
0x14: {  	s2 =	sld [smem:$0x3F92];
	s0 =	simm.s32 @p1 $0x1  }
0x15: {  	[smem:$0x3FAF] =	sst s0;
	s0 =	simm.s32 @!p2 $0x0  }
0x16: {  	s3 =	sld [smem:$0x3FDB];
	s0 =	simm.s32 @p2 $0x1  }
0x17: {  	s4 =	simm.s32 $0x1BF5;
	[smem:$0x3FB1] =	sst s0  }
0x18: {  	s0 =	sld [smem:$0x3F94];
	_ =	swait.ge [sflag:s4], $0x0  }
0x19: {  	s7 =	sld [smem:$0x3F95]  }
0x1a: {  	s8 =	sadd.s32 $0xFFFFE003, lr  }
0x1b: {  	s9 =	sadd.s32 $0xFFFFFEF7, lr;
	s5 =	simm.s32 $0xFFFFFFFF;
	p2 =	slt.u32 s8, $0xFFFFF086  }
0x1c: {  	p1 =	slt.u32 s9, $0xF7A;
	s5 =	simm.s32 @!p2 $0x0  }
0x1d: {  	s5 =	simm.s32 @p1 $0x1;
	p0 =	seq.s32 s7, s2  }
0x1e: {  	s7 =	smul.u32 @!p0 $0xF7A, s2;
	p2 =	seq.s32 @!p0 s5, $0x0  }
0x1f: {  	s9 =	smul.u32 $0xF7A, s1;
	s8 =	simm.s32 @!p0 $0x1BF5;
	p2 =	por !p2, p0  }
0x20: {  	[sflag:s8] =	ssyncset.s32 @!p0 $0xFFFFF086;
	s6 =	sadd.s32 @!p0 s3, s7;
	s7 =	simm.s32 @!p0 $0x108  }
0x21: {  	s3 =	sadd.s32 s3, s9;
	s6 =	sadd.s32 @!p0 $0x88, s6;
	s7 =	simm.s32 @p2 $0x1082  }
0x22: {  	[simem:s7], [sflag:s8] =	dma.local @!p0 [hbm:s6], $0xF7A  }
0x23: {  	s9 =	sor.u32 $0xD0000000, s2;
	s6 =	simm.s32 $0x108;
	_ =	swait.ge @!p0 [sflag:s8], $0x0  }
0x24: {  	s3 =	sadd.s32 $0x88, s3;
	s6 =	simm.s32 @!p1 $0x1082;
	[sflag:s4] =	ssyncset.s32 $0xFFFFF086  }
0x25: {  	[simem:s6], [sflag:s4] =	dma.local [hbm:s3], $0xF7A  }
0x26: {  	[smem:$0x3F95] =	sst s1;
	(tag) =	ssettag s2;
	_ =	strace s9  }
0x27: {  	s1 =	sld [smem:$0x3FA5]  }
0x28: {  	s2 =	sld [smem:$0x3FA6]  }
0x29: {  	s4 =	sld [smem:$0x3FA8]  }
0x2a: {  	p0 =	seq.s32 s5, $0x0;
	s5 =	sld [smem:$0x3FA9]  }
0x2b: {  	s6 =	sld [smem:$0x3FAA]  }
0x2c: {  	s7 =	sld [smem:$0x3FAB]  }
0x2d: {  	s3 =	simm.s32 $0x108;
	s8 =	sld [smem:$0x3FAC]  }
0x2e: {  	s3 =	simm.s32 @!p0 $0x1082;
	s9 =	sld [smem:$0x3FAD]  }
0x2f: {  	lr =	sadd.s32 s0, s3;
	s0 =	sld [smem:$0x3FA4]  }
0x30: {  	s3 =	sld [smem:$0x3FA7]  }
0x31: {  	[smem:$0x3FB0] =	sst s10  }
0x32: {  	s10 =	sld [smem:$0x3FAE];
	_ =	sdelay $0x3  }
0x33: {  	p0 =	seq.s32 s10, $0x1;
	s10 =	sld [smem:$0x3FB0];
	_ =	sdelay $0x3  }
0x34: {  	[smem:$0x3FB0] =	sst s10  }
0x35: {  	s10 =	sld [smem:$0x3FAF];
	_ =	sdelay $0x3  }
0x36: {  	p1 =	seq.s32 s10, $0x1;
	s10 =	sld [smem:$0x3FB0];
	_ =	sdelay $0x3  }
0x37: {  	[smem:$0x3FB0] =	sst s10  }
0x38: {  	s10 =	sld [smem:$0x3FB1]  }
0x39: {  	_ = 	snop;
	(pc) =	sbr.ind lr, $3  }
0x3a: {  	_ = 	snop  }
0x3b: {  	_ = 	snop  }
0x3c: {  	p2 =	seq.s32 s10, $0x1;
	s10 =	sld [smem:$0x3FB0]  }
0x3d: {  	_ =	shalt  }
0x3e: {  	_ =	shalt  }
0x3f: {  	_ =	shalt  }
0x40: {  	_ =	shalt  }
0x41: {  	_ =	shalt  }
0x42: {  	_ =	shalt  }
0x43: {  	_ =	shalt  }
0x44: {  	_ =	shalt  }
0x45: {  	_ =	shalt  }
0x46: {  	_ =	shalt  }
0x47: {  	_ =	shalt  }
0x48: {  	_ =	shalt  }
0x49: {  	_ =	shalt  }
0x4a: {  	_ =	shalt  }
0x4b: {  	_ =	shalt  }
0x4c: {  	_ =	shalt  }
0x4d: {  	_ =	shalt  }
0x4e: {  	_ =	shalt  }
0x4f: {  	_ =	shalt  }
0x50: {  	_ =	shalt  }
0x51: {  	_ =	shalt  }
0x52: {  	_ =	shalt  }
0x53: {  	_ =	shalt  }
0x54: {  	_ =	shalt  }
0x55: {  	_ =	shalt  }
0x56: {  	_ =	shalt  }
0x57: {  	_ =	shalt  }
0x58: {  	_ =	shalt  }
0x59: {  	_ =	shalt  }
0x5a: {  	_ =	shalt  }
0x5b: {  	_ =	shalt  }
0x5c: {  	_ =	shalt  }
0x5d: {  	_ =	shalt  }
0x5e: {  	_ =	shalt  }
0x5f: {  	_ =	shalt  }
0x60: {  	_ =	shalt  }
0x61: {  	_ =	shalt  }
0x62: {  	_ =	shalt  }
0x63: {  	_ =	shalt  }
0x64: {  	_ =	shalt  }
0x65: {  	_ =	shalt  }
0x66: {  	_ =	shalt  }
0x67: {  	_ =	shalt  }
0x68: {  	_ =	shalt  }
0x69: {  	_ =	shalt  }
0x6a: {  	_ =	shalt  }
0x6b: {  	_ =	shalt  }
0x6c: {  	_ =	shalt  }
0x6d: {  	_ =	shalt  }
0x6e: {  	_ =	shalt  }
0x6f: {  	_ =	shalt  }
0x70: {  	_ =	shalt  }
0x71: {  	_ =	shalt  }
0x72: {  	_ =	shalt  }
0x73: {  	_ =	shalt  }
0x74: {  	_ =	shalt  }
0x75: {  	_ =	shalt  }
0x76: {  	_ =	shalt  }
0x77: {  	_ =	shalt  }
0x78: {  	_ =	shalt  }
0x79: {  	_ =	shalt  }
0x7a: {  	_ =	shalt  }
0x7b: {  	_ =	shalt  }
0x7c: {  	_ =	shalt  }
0x7d: {  	_ =	shalt  }
0x7e: {  	_ =	shalt  }
0x7f: {  	_ =	shalt  }
0x80: {  	_ =	shalt  }
0x81: {  	_ =	shalt  }
0x82: {  	_ =	shalt  }
0x83: {  	_ =	shalt  }
0x84: {  	_ =	shalt  }
0x85: {  	_ =	shalt  }
0x86: {  	_ =	shalt  }
0x87: {  	_ =	shalt  }
.Lfunc_end0:
.L_simem_size_0:
called_computation.1_lowered:
.L_overlay_start_0:
0x88: {  	s2 =	sld [smem:$0x3FD9]  }
0x89: {  	s3 =	sld [smem:$0x3FFE];
	_ =	sdelay $0x1  }
0x8a: {  	s1 =	srdreg.scid  }
0x8b: {  	s0 =	sand.u32 $0x1, s1  }
0x8c: {  	s16 =	sshll.u32 s0, $0xA;
	s2 =	sadd.s32 s3, s2  }
0x8d: {  	s2 =	sadd.s32 s2, s16  }
0x8e: {  	[smem:$0x3FBC] =	sst s2  }
0x8f: {  	_ = 	snop  }
0x90: {  	(tm) =	ssettm $0x1  }
0x91: {  	s17 =	sld [smem:$0x3FFB];
	_ =	sdelay $0x3  }
0x92: {  	_ =	strace s17  }
0x93: {  	s2 =	sld [smem:$0x3FFC];
	_ =	sdelay $0x3  }
0x94: {  	_ =	strace s2  }
0x95: {  	s2 =	sld [smem:$0x3FFD];
	_ =	sdelay $0x3  }
0x96: {  	_ =	strace s2  }
0x97: {  	_ =	strace $0x8FFFFFFF  }
0x98: {  	s18 =	sld [smem:$0x3FDB];
	_ =	sdelay $0x1  }
0x99: {  	s19 =	simm.s32 $_scs_section_size  }
0x9a: {  	s4 =	simm.s32 $_size__tile_overlayer_lowered;
	s5 =	simm.s32 $_tile_overlayer_lowered  }
0x9b: {  	s22 =	simm.s32 $0x1BFF;
	s21 =	sshll.u32 s5, $0x1;
	s2 =	sadd.s32 s19, s18  }
0x9c: {  	s6 =	simm.s32 $0x0;
	s20 =	sshll.u32 s4, $0x1;
	s4 =	sadd.s32 s21, s2  }
0x9d: {  	[timem:s6], [sflag:s22] =	dma.local [hbm:s4], s20  }
0x9e: {  	_ =	swait.ge [sflag:s22], s20  }
0x9f: {  	s3 =	ssub.s32 $0x0, s20;
	[sflag:s22] =	ssyncset.done $0x0  }
0xa0: {  	[sflag:s22] =	ssyncadd.s32 s3;
	_ =	sdelay $0x1  }
0xa1: {  	s23 =	simm.s32 $0x1B8B  }
0xa2: {  	_ =	swait.ge [sflag:s23], $0x1  }
0xa3: {  	[sflag:s23] =	ssyncset.done $0x0  }
0xa4: {  	s25 =	simm.s32 $0x1B8E;
	s24 =	sld [smem:$0x3FFE];
	[sflag:s23] =	ssyncadd.s32 $0xFFFFFFFF  }
0xa5: {  	s26 =	simm.s32 $execute0_lowered;
	[smem:$0x3FD2] =	sst s25  }
0xa6: {  	s4 =	sshll.u32 s26, $0x1;
	_ =	strace $0x80000049;
	[dreg:$0x1] =	wrdreg $0xFFFFFFFF  }
0xa7: {  	s28 =	simm.s32 $_size_execute0_lowered;
	s2 =	sadd.s32 s2, s4;
	[dreg:$0x0] =	wrdreg $0x0  }
0xa8: {  	s4 =	sshll.u32 s28, $0x1;
	[dreg:$0x2] =	wrdreg s2  }
0xa9: {  	[dreg:$0x3] =	wrdreg s4  }
0xaa: {  	[dreg:$0x4] =	wrdreg $0xC0  }
0xab: {  	_ =	task [dreg:s6], $0x5FFFF  }
0xac: {  	[dreg:$0x1] =	wrdreg $0xFFFFFFFF  }
0xad: {  	[dreg:$0x0] =	wrdreg $0x60  }
0xae: {  	[dreg:$0x2] =	wrdreg s24  }
0xaf: {  	[dreg:$0x3] =	wrdreg $0x87000  }
0xb0: {  	[dreg:$0x4] =	wrdreg $0x9  }
0xb1: {  	_ =	task.clear_ibuf [dreg:s6], $0x5FFFF;
	_ =	strace $0x90000049  }
0xb2: {  	s29 =	simm.s32 $0x9;
	_ =	strace $0x8000004B  }
0xb3: {  	_ =	swait.ge [sflag:s29], $0x1  }
0xb4: {  	[sflag:s29] =	ssyncadd.s32 $0xFFFFFFFF  }
0xb5: {  	_ =	strace $0x9000004B  }
0xb6: {  	_ =	sfence  }
0xb7: {  	s30 =	sld [smem:$0x0];
	_ =	sdelay $0x2  }
0xb8: {  	s31 =	sshll.u32 s1, $0xD;
	s1 =	sshrl.u32 s1, $0x2  }
0xb9: {  	s3 =	sand.u32 $0x4000, s31;
	s1 =	sadd.s32 s1, s30  }
0xba: {  	s0 =	sor.u32 s3, s0;
	s1 =	sshll.u32 s1, $0x11  }
0xbb: {  	s0 =	sor.u32 s1, s0  }
0xbc: {  	s0 =	sadd.s32 $0x8F2B, s0  }
0xbd: {  	[sflag:s0] =	ssyncadd.remote.s32 $0x1  }
0xbe: {  	_ =	sfence.sel $0xFFFF  }
0xbf: {  	[dreg:$0x0] =	wrdreg $0xFFFFFFFF;
	(pc) =	sbr.abs _section_cstart, $3  }
0xc0: {  	[dreg:$0x1] =	wrdreg $0xFFFFFFFF  }
0xc1: {  	_ =	task.clear_ibuf [dreg:s6], $0x2FFFF;
	_ =	strace $0x9FFFFFFF  }
0xc2: {  	(tm) =	ssettm $0x7FFFFFFF  }
0xc3: {  	_ =	shalt  }
tec
execute0_lowered:
.L_overlay_start_1:
0x0: {  	(tag) =	ssettag $0x1  }
0x1: {  	s0 =	rddreg [dreg:$0x0]  }
0x2: {  	s2 =	rddreg [dreg:$0x1];
	s1 =	simm.s32 $0x0;
	s8 =	stileid.u32  }
0x3: {  	s22 =	srdreg.scid;
	s15 =	simm.s32 $0x280;
	s16 =	simm.s32 $0xB  }
0x4: {  	s17 =	simm.s32 $0x1;
	s18 =	simm.s32 $0x2;
	s19 =	simm.s32 $0x3  }
0x5: {  	s20 =	simm.s32 $0x80;
	s21 =	simm.s32 $0x7A80;
	s28 =	simm.s32 $0x7  }
0x6: {  	s29 =	simm.s32 $0x8;
	s30 =	simm.s32 $0x9;
	s3 =	smul.u32 $0x280, s8  }
0x7: {  	s31 =	simm.s32 $0xA;
	[smem:$0x7FF] =	sst s1;
	s23 =	smul.u32 $0x500, s8  }
0x8: {  	s1 =	sand.u32 $0x1, s22;
	s4 =	sadd.s32 $0xBA00, s0;
	s8 =	smul.u32 $0xA00, s8  }
0x9: {  	s22 =	simm.s32 $0x7B00;
	_ =	strace $0x8000004A;
	[dreg:$0x3] =	wrdreg s4  }
0xa: {  	s5 =	ssub.s32 $0x2, s1;
	p0 =	sne.s32 s1, $0x0;
	s6 =	sshrl.u32 s3, $0x3  }
0xb: {  	s7 =	sshrl.u32 s5, $0x1;
	s4 =	sadd.s32 s23, s0;
	s25 =	sshrl.u32 s8, $0x2  }
0xc: {  	s3 =	sadd.s32 s3, s2;
	s23 =	simm.s32 $0x7B80;
	s0 =	sadd.s32 s6, s0  }
0xd: {  	s5 =	ssub.s32 s5, s7;
	s24 =	sadd.s32 $0x1A00, s4;
	[dreg:$0x7] =	wrdreg s3  }
.Ltmp0:
0xe: {  	s4 =	sadd.s32 $0x6A00, s4;
	[dreg:$0x4] =	wrdreg s24;
	(pc) =	sbr.rel .LBB2_1-.Ltmp0, $4  }
0xf: {  	s3 =	simm.s32 $0x0;
	[dreg:$0x5] =	wrdreg s4;
	s4 =	sadd.s32 s25, s2  }
0x10: {  	s26 =	sadd.s32 $0x15A000, s0;
	s10 =	sadd.s32 $0xC000, s0;
	s11 =	sadd.s32 $0xC600, s0  }
0x11: {  	s12 =	smax.u32 s5, $0x1;
	s24 =	simm.s32 $0x7C00;
	[dreg:$0x6] =	wrdreg s4  }
0x12: {  	v0 =	vimm.f32 $0.0e+00;
	s25 =	simm.s32 $0x7C80;
	[dreg:$0x8] =	wrdreg s26;
	s26 =	simm.s32 $0x6  }
.LBB2_9:
0x13: {  	[bflag:$0x0] =	sbarrier.arrive $0xFFFF  }
0x14: {  	[bflag:$0x0] =	sbarrier.arrive $0xFFFF  }
.LBB2_7:
0x15: {  	s3 =	sadd.s32 $0x1, s3  }
0x16: {  	p1 =	sne.s32 s3, s12  }
.Ltmp1:
0x17: {  	_ = 	snop;
	(pc) =	sbr.rel @!p1 .LBB2_8-.Ltmp1, $1  }
0x18: {  	_ =	sdelay $0x3  }
.LBB2_1:
.Ltmp2:
0x19: {  	(pc) =	sbr.rel @p0 .LBB2_9-.Ltmp2, $1  }
0x1a: {  	_ =	sdelay $0x3  }
0x1b: {  	[tilespmem:$0x0] =	vst v0  }
0x1c: {  	[tilespmem:$0x10] =	vst v0  }
0x1d: {  	[tilespmem:$0x20] =	vst v0  }
0x1e: {  	[tilespmem:$0x30] =	vst v0  }
0x1f: {  	[tilespmem:$0x40] =	vst v0  }
0x20: {  	[tilespmem:$0x50] =	vst v0  }
0x21: {  	[tilespmem:$0x60] =	vst v0  }
0x22: {  	[tilespmem:$0x70] =	vst v0  }
0x23: {  	[tilespmem:$0x80] =	vst v0  }
0x24: {  	[tilespmem:$0x90] =	vst v0  }
0x25: {  	[tilespmem:$0xA0] =	vst v0  }
0x26: {  	[tilespmem:$0xB0] =	vst v0  }
0x27: {  	[tilespmem:$0xC0] =	vst v0  }
0x28: {  	[tilespmem:$0xD0] =	vst v0  }
0x29: {  	[tilespmem:$0xE0] =	vst v0  }
0x2a: {  	[tilespmem:$0xF0] =	vst v0  }
0x2b: {  	[tilespmem:$0x100] =	vst v0  }
0x2c: {  	[tilespmem:$0x110] =	vst v0  }
0x2d: {  	[tilespmem:$0x120] =	vst v0  }
0x2e: {  	[tilespmem:$0x130] =	vst v0  }
0x2f: {  	[tilespmem:$0x140] =	vst v0  }
0x30: {  	[tilespmem:$0x150] =	vst v0  }
0x31: {  	[tilespmem:$0x160] =	vst v0  }
0x32: {  	[tilespmem:$0x170] =	vst v0  }
0x33: {  	[tilespmem:$0x180] =	vst v0  }
0x34: {  	[tilespmem:$0x190] =	vst v0  }
0x35: {  	[tilespmem:$0x1A0] =	vst v0  }
0x36: {  	[tilespmem:$0x1B0] =	vst v0  }
0x37: {  	[tilespmem:$0x1C0] =	vst v0  }
0x38: {  	[tilespmem:$0x1D0] =	vst v0  }
0x39: {  	[tilespmem:$0x1E0] =	vst v0  }
0x3a: {  	[tilespmem:$0x1F0] =	vst v0  }
0x3b: {  	[tilespmem:$0x200] =	vst v0  }
0x3c: {  	[tilespmem:$0x210] =	vst v0  }
0x3d: {  	[tilespmem:$0x220] =	vst v0  }
0x3e: {  	[tilespmem:$0x230] =	vst v0  }
0x3f: {  	[tilespmem:$0x240] =	vst v0  }
0x40: {  	[tilespmem:$0x250] =	vst v0  }
0x41: {  	[tilespmem:$0x260] =	vst v0  }
0x42: {  	[tilespmem:$0x270] =	vst v0;
	s0 =	simm.s32 $0x0;
	s1 =	rddreg [dreg:$0x4];
	s4 =	simm.s32 $0x2A80  }
0x43: {  	[tilespmem:s4], [sflag:$0x1] =	stream.linear.gather [hbm4b:s1+s0], $0x2800, $0x38;
	[tilespmem:$0x8980] =	vst v63  }
0x44: {  	s8 =	rddreg [dreg:$0x5];
	s9 =	simm.s32 $0x5280  }
0x45: {  	[tilespmem:s9], [sflag:$0x2] =	stream.linear.gather [hbm4b:s8+s0], $0x2800, $0x38;
	[tilespmem:$0x8980] =	vst v63  }
0x46: {  	s13 =	rddreg [dreg:$0x3]  }
0x47: {  	[tilespmem:s15], [sflag:$0x3] =	stream.linear.gather [hbm4b:s13+s0], $0x2800, $0x38;
	[tilespmem:$0x8980] =	vst v63  }
0x48: {  	s14 =	rddreg [dreg:$0x6]  }
0x49: {  	[spmem:s14] =	stream.linear.scatter [tilespmem:s0], [sflag:$0xB], $0x280, $0x38;
	[tilespmem:$0x8980] =	vst v63  }
0x4a: {  	_ =	swait.ge [sflag:s16], $0x280  }
0x4b: {  	[sflag:s16] =	ssyncset.done $0x0  }
0x4c: {  	[sflag:s16] =	ssyncadd.s32 $0xFFFFFD80  }
0x4d: {  	_ =	swait.ge [sflag:s17], $0x2800  }
0x4e: {  	[sflag:s17] =	ssyncset.done $0x0  }
0x4f: {  	[sflag:s17] =	ssyncadd.s32 $0xFFFFD800  }
0x50: {  	_ =	swait.ge [sflag:s18], $0x2800  }
0x51: {  	[sflag:s18] =	ssyncset.done $0x0  }
0x52: {  	[sflag:s18] =	ssyncadd.s32 $0xFFFFD800  }
0x53: {  	_ =	swait.ge [sflag:s19], $0x2800  }
0x54: {  	[sflag:s19] =	ssyncset.done $0x0  }
0x55: {  	[sflag:s19] =	ssyncadd.s32 $0xFFFFD800  }
0x56: {  	[bflag:$0x0] =	sbarrier.arrive $0xFFFF  }
.LBB2_3:
0x57: {  	p1 =	seq.s32 s0, $0x0  }
0x58: {  	s1 =	simm.s32 @!p1 $0x6  }
0x59: {  	_ =	swait.ge @!p1 [sflag:s1], $0x80  }
0x5a: {  	[sflag:s1] =	ssyncset.done @!p1 $0x0  }
0x5b: {  	s8 =	sshra.s32 s0, $0x2;
	[sflag:s1] =	ssyncadd.s32 @!p1 $0xFFFFFF80  }
0x5c: {  	v1 =	vld [tilespmem:s8+$0x2A80];
	_ =	sdelay $0x7  }
0x5d: {  	v1 =	vld.idx.msk [tilespmem:v1+s15+$0x0], $0xffff;
	_ =	sdelay $0x4  }
0x5e: {  	[tilespmem:$0x7A80] =	vst v1  }
0x5f: {  	v1 =	vld [tilespmem:s8+$0x2A90];
	_ =	sdelay $0x7  }
0x60: {  	v1 =	vld.idx.msk [tilespmem:v1+s15+$0x0], $0xffff;
	_ =	sdelay $0x4  }
0x61: {  	[tilespmem:$0x7A90] =	vst v1  }
0x62: {  	v1 =	vld [tilespmem:s8+$0x2AA0];
	_ =	sdelay $0x7  }
0x63: {  	v1 =	vld.idx.msk [tilespmem:v1+s15+$0x0], $0xffff;
	_ =	sdelay $0x4  }
0x64: {  	[tilespmem:$0x7AA0] =	vst v1  }
0x65: {  	v1 =	vld [tilespmem:s8+$0x2AB0];
	_ =	sdelay $0x7  }
0x66: {  	v1 =	vld.idx.msk [tilespmem:v1+s15+$0x0], $0xffff;
	_ =	sdelay $0x4  }
0x67: {  	[tilespmem:$0x7AB0] =	vst v1  }
0x68: {  	v1 =	vld [tilespmem:s8+$0x2AC0];
	_ =	sdelay $0x7  }
0x69: {  	v1 =	vld.idx.msk [tilespmem:v1+s15+$0x0], $0xffff;
	_ =	sdelay $0x4  }
0x6a: {  	[tilespmem:$0x7AC0] =	vst v1  }
0x6b: {  	v1 =	vld [tilespmem:s8+$0x2AD0];
	_ =	sdelay $0x7  }
0x6c: {  	v1 =	vld.idx.msk [tilespmem:v1+s15+$0x0], $0xffff;
	_ =	sdelay $0x4  }
0x6d: {  	[tilespmem:$0x7AD0] =	vst v1  }
0x6e: {  	v1 =	vld [tilespmem:s8+$0x2AE0];
	_ =	sdelay $0x7  }
0x6f: {  	v1 =	vld.idx.msk [tilespmem:v1+s15+$0x0], $0xffff;
	_ =	sdelay $0x4  }
0x70: {  	[tilespmem:$0x7AE0] =	vst v1  }
0x71: {  	v1 =	vld [tilespmem:s8+$0x2AF0];
	_ =	sdelay $0x7  }
0x72: {  	v1 =	vld.idx.msk [tilespmem:v1+s15+$0x0], $0xffff;
	_ =	sdelay $0x4  }
0x73: {  	s4 =	sadd.s32 $0x5280, s8;
	[tilespmem:$0x7AF0] =	vst v1  }
0x74: {  	[spmem:s2] =	stream.indirect.scatter.add.f32 [tilespmem:s21], [sflag:$0x6], $0x1, s4, s20, $0xb8;
	[tilespmem:$0x8980] =	vst v63  }
0x75: {  	s4 =	simm.s32 @!p1 $0x7  }
0x76: {  	_ =	swait.ge @!p1 [sflag:s4], $0x80  }
0x77: {  	[sflag:s4] =	ssyncset.done @!p1 $0x0  }
0x78: {  	[sflag:s4] =	ssyncadd.s32 @!p1 $0xFFFFFF80  }
0x79: {  	v1 =	vld [tilespmem:s8+$0x2B00];
	_ =	sdelay $0x7  }
0x7a: {  	v1 =	vld.idx.msk [tilespmem:v1+s15+$0x0], $0xffff;
	_ =	sdelay $0x4  }
0x7b: {  	[tilespmem:$0x7B00] =	vst v1  }
0x7c: {  	v1 =	vld [tilespmem:s8+$0x2B10];
	_ =	sdelay $0x7  }
0x7d: {  	v1 =	vld.idx.msk [tilespmem:v1+s15+$0x0], $0xffff;
	_ =	sdelay $0x4  }
0x7e: {  	[tilespmem:$0x7B10] =	vst v1  }
0x7f: {  	v1 =	vld [tilespmem:s8+$0x2B20];
	_ =	sdelay $0x7  }
0x80: {  	v1 =	vld.idx.msk [tilespmem:v1+s15+$0x0], $0xffff;
	_ =	sdelay $0x4  }
0x81: {  	[tilespmem:$0x7B20] =	vst v1  }
0x82: {  	v1 =	vld [tilespmem:s8+$0x2B30];
	_ =	sdelay $0x7  }
0x83: {  	v1 =	vld.idx.msk [tilespmem:v1+s15+$0x0], $0xffff;
	_ =	sdelay $0x4  }
0x84: {  	[tilespmem:$0x7B30] =	vst v1  }
0x85: {  	v1 =	vld [tilespmem:s8+$0x2B40];
	_ =	sdelay $0x7  }
0x86: {  	v1 =	vld.idx.msk [tilespmem:v1+s15+$0x0], $0xffff;
	_ =	sdelay $0x4  }
0x87: {  	[tilespmem:$0x7B40] =	vst v1  }
0x88: {  	v1 =	vld [tilespmem:s8+$0x2B50];
	_ =	sdelay $0x7  }
0x89: {  	v1 =	vld.idx.msk [tilespmem:v1+s15+$0x0], $0xffff;
	_ =	sdelay $0x4  }
0x8a: {  	[tilespmem:$0x7B50] =	vst v1  }
0x8b: {  	v1 =	vld [tilespmem:s8+$0x2B60];
	_ =	sdelay $0x7  }
0x8c: {  	v1 =	vld.idx.msk [tilespmem:v1+s15+$0x0], $0xffff;
	_ =	sdelay $0x4  }
0x8d: {  	[tilespmem:$0x7B60] =	vst v1  }
0x8e: {  	v1 =	vld [tilespmem:s8+$0x2B70];
	_ =	sdelay $0x7  }
0x8f: {  	v1 =	vld.idx.msk [tilespmem:v1+s15+$0x0], $0xffff;
	_ =	sdelay $0x4  }
0x90: {  	s9 =	sadd.s32 $0x5300, s8;
	s4 =	simm.s32 @!p1 $0x8;
	[tilespmem:$0x7B70] =	vst v1  }
0x91: {  	[spmem:s2] =	stream.indirect.scatter.add.f32 [tilespmem:s22], [sflag:$0x7], $0x1, s9, s20, $0xb8;
	[tilespmem:$0x8980] =	vst v63  }
0x92: {  	_ =	swait.ge @!p1 [sflag:s4], $0x80  }
0x93: {  	[sflag:s4] =	ssyncset.done @!p1 $0x0  }
0x94: {  	[sflag:s4] =	ssyncadd.s32 @!p1 $0xFFFFFF80  }
0x95: {  	v1 =	vld [tilespmem:s8+$0x2B80];
	_ =	sdelay $0x7  }
0x96: {  	v1 =	vld.idx.msk [tilespmem:v1+s15+$0x0], $0xffff;
	_ =	sdelay $0x4  }
0x97: {  	[tilespmem:$0x7B80] =	vst v1  }
0x98: {  	v1 =	vld [tilespmem:s8+$0x2B90];
	_ =	sdelay $0x7  }
0x99: {  	v1 =	vld.idx.msk [tilespmem:v1+s15+$0x0], $0xffff;
	_ =	sdelay $0x4  }
0x9a: {  	[tilespmem:$0x7B90] =	vst v1  }
0x9b: {  	v1 =	vld [tilespmem:s8+$0x2BA0];
	_ =	sdelay $0x7  }
0x9c: {  	v1 =	vld.idx.msk [tilespmem:v1+s15+$0x0], $0xffff;
	_ =	sdelay $0x4  }
0x9d: {  	[tilespmem:$0x7BA0] =	vst v1  }
0x9e: {  	v1 =	vld [tilespmem:s8+$0x2BB0];
	_ =	sdelay $0x7  }
0x9f: {  	v1 =	vld.idx.msk [tilespmem:v1+s15+$0x0], $0xffff;
	_ =	sdelay $0x4  }
0xa0: {  	[tilespmem:$0x7BB0] =	vst v1  }
0xa1: {  	v1 =	vld [tilespmem:s8+$0x2BC0];
	_ =	sdelay $0x7  }
0xa2: {  	v1 =	vld.idx.msk [tilespmem:v1+s15+$0x0], $0xffff;
	_ =	sdelay $0x4  }
0xa3: {  	[tilespmem:$0x7BC0] =	vst v1  }
0xa4: {  	v1 =	vld [tilespmem:s8+$0x2BD0];
	_ =	sdelay $0x7  }
0xa5: {  	v1 =	vld.idx.msk [tilespmem:v1+s15+$0x0], $0xffff;
	_ =	sdelay $0x4  }
0xa6: {  	[tilespmem:$0x7BD0] =	vst v1  }
0xa7: {  	v1 =	vld [tilespmem:s8+$0x2BE0];
	_ =	sdelay $0x7  }
0xa8: {  	v1 =	vld.idx.msk [tilespmem:v1+s15+$0x0], $0xffff;
	_ =	sdelay $0x4  }
0xa9: {  	[tilespmem:$0x7BE0] =	vst v1  }
0xaa: {  	v1 =	vld [tilespmem:s8+$0x2BF0];
	_ =	sdelay $0x7  }
0xab: {  	v1 =	vld.idx.msk [tilespmem:v1+s15+$0x0], $0xffff;
	_ =	sdelay $0x4  }
0xac: {  	s13 =	sadd.s32 $0x5380, s8;
	s4 =	simm.s32 @!p1 $0x9;
	[tilespmem:$0x7BF0] =	vst v1  }
0xad: {  	[spmem:s2] =	stream.indirect.scatter.add.f32 [tilespmem:s23], [sflag:$0x8], $0x1, s13, s20, $0xb8;
	[tilespmem:$0x8980] =	vst v63  }
0xae: {  	_ =	swait.ge @!p1 [sflag:s4], $0x80  }
0xaf: {  	[sflag:s4] =	ssyncset.done @!p1 $0x0  }
0xb0: {  	[sflag:s4] =	ssyncadd.s32 @!p1 $0xFFFFFF80  }
0xb1: {  	v1 =	vld [tilespmem:s8+$0x2C00];
	_ =	sdelay $0x7  }
0xb2: {  	v1 =	vld.idx.msk [tilespmem:v1+s15+$0x0], $0xffff;
	_ =	sdelay $0x4  }
0xb3: {  	[tilespmem:$0x7C00] =	vst v1  }
0xb4: {  	v1 =	vld [tilespmem:s8+$0x2C10];
	_ =	sdelay $0x7  }
0xb5: {  	v1 =	vld.idx.msk [tilespmem:v1+s15+$0x0], $0xffff;
	_ =	sdelay $0x4  }
0xb6: {  	[tilespmem:$0x7C10] =	vst v1  }
0xb7: {  	v1 =	vld [tilespmem:s8+$0x2C20];
	_ =	sdelay $0x7  }
0xb8: {  	v1 =	vld.idx.msk [tilespmem:v1+s15+$0x0], $0xffff;
	_ =	sdelay $0x4  }
0xb9: {  	[tilespmem:$0x7C20] =	vst v1  }
0xba: {  	v1 =	vld [tilespmem:s8+$0x2C30];
	_ =	sdelay $0x7  }
0xbb: {  	v1 =	vld.idx.msk [tilespmem:v1+s15+$0x0], $0xffff;
	_ =	sdelay $0x4  }
0xbc: {  	[tilespmem:$0x7C30] =	vst v1  }
0xbd: {  	v1 =	vld [tilespmem:s8+$0x2C40];
	_ =	sdelay $0x7  }
0xbe: {  	v1 =	vld.idx.msk [tilespmem:v1+s15+$0x0], $0xffff;
	_ =	sdelay $0x4  }
0xbf: {  	[tilespmem:$0x7C40] =	vst v1  }
0xc0: {  	v1 =	vld [tilespmem:s8+$0x2C50];
	_ =	sdelay $0x7  }
0xc1: {  	v1 =	vld.idx.msk [tilespmem:v1+s15+$0x0], $0xffff;
	_ =	sdelay $0x4  }
0xc2: {  	[tilespmem:$0x7C50] =	vst v1  }
0xc3: {  	v1 =	vld [tilespmem:s8+$0x2C60];
	_ =	sdelay $0x7  }
0xc4: {  	v1 =	vld.idx.msk [tilespmem:v1+s15+$0x0], $0xffff;
	_ =	sdelay $0x4  }
0xc5: {  	[tilespmem:$0x7C60] =	vst v1  }
0xc6: {  	v1 =	vld [tilespmem:s8+$0x2C70];
	_ =	sdelay $0x7  }
0xc7: {  	v1 =	vld.idx.msk [tilespmem:v1+s15+$0x0], $0xffff;
	_ =	sdelay $0x4  }
0xc8: {  	s14 =	sadd.s32 $0x5400, s8;
	s4 =	simm.s32 @!p1 $0xA;
	[tilespmem:$0x7C70] =	vst v1  }
0xc9: {  	[spmem:s2] =	stream.indirect.scatter.add.f32 [tilespmem:s24], [sflag:$0x9], $0x1, s14, s20, $0xb8;
	[tilespmem:$0x8980] =	vst v63  }
0xca: {  	_ =	swait.ge @!p1 [sflag:s4], $0x80  }
0xcb: {  	[sflag:s4] =	ssyncset.done @!p1 $0x0  }
0xcc: {  	[sflag:s4] =	ssyncadd.s32 @!p1 $0xFFFFFF80  }
0xcd: {  	v1 =	vld [tilespmem:s8+$0x2C80];
	_ =	sdelay $0x7  }
0xce: {  	v1 =	vld.idx.msk [tilespmem:v1+s15+$0x0], $0xffff;
	_ =	sdelay $0x4  }
0xcf: {  	[tilespmem:$0x7C80] =	vst v1  }
0xd0: {  	v1 =	vld [tilespmem:s8+$0x2C90];
	_ =	sdelay $0x7  }
0xd1: {  	v1 =	vld.idx.msk [tilespmem:v1+s15+$0x0], $0xffff;
	_ =	sdelay $0x4  }
0xd2: {  	[tilespmem:$0x7C90] =	vst v1  }
0xd3: {  	v1 =	vld [tilespmem:s8+$0x2CA0];
	_ =	sdelay $0x7  }
0xd4: {  	v1 =	vld.idx.msk [tilespmem:v1+s15+$0x0], $0xffff;
	_ =	sdelay $0x4  }
0xd5: {  	[tilespmem:$0x7CA0] =	vst v1  }
0xd6: {  	v1 =	vld [tilespmem:s8+$0x2CB0];
	_ =	sdelay $0x7  }
0xd7: {  	v1 =	vld.idx.msk [tilespmem:v1+s15+$0x0], $0xffff;
	_ =	sdelay $0x4  }
0xd8: {  	[tilespmem:$0x7CB0] =	vst v1  }
0xd9: {  	v1 =	vld [tilespmem:s8+$0x2CC0];
	_ =	sdelay $0x7  }
0xda: {  	v1 =	vld.idx.msk [tilespmem:v1+s15+$0x0], $0xffff;
	_ =	sdelay $0x4  }
0xdb: {  	[tilespmem:$0x7CC0] =	vst v1  }
0xdc: {  	v1 =	vld [tilespmem:s8+$0x2CD0];
	_ =	sdelay $0x7  }
0xdd: {  	v1 =	vld.idx.msk [tilespmem:v1+s15+$0x0], $0xffff;
	_ =	sdelay $0x4  }
0xde: {  	[tilespmem:$0x7CD0] =	vst v1  }
0xdf: {  	v1 =	vld [tilespmem:s8+$0x2CE0];
	_ =	sdelay $0x7  }
0xe0: {  	v1 =	vld.idx.msk [tilespmem:v1+s15+$0x0], $0xffff;
	_ =	sdelay $0x4  }
0xe1: {  	[tilespmem:$0x7CE0] =	vst v1  }
0xe2: {  	v1 =	vld [tilespmem:s8+$0x2CF0];
	_ =	sdelay $0x7  }
0xe3: {  	s0 =	sadd.s32 $0xA00, s0;
	v1 =	vld.idx.msk [tilespmem:v1+s15+$0x0], $0xffff  }
0xe4: {  	p1 =	seq.s32 s0, $0xA000  }
.Ltmp3:
0xe5: {  	_ = 	snop;
	(pc) =	sbr.rel @!p1 .LBB2_3-.Ltmp3, $3  }
0xe6: {  	_ =	sdelay $0x1  }
0xe7: {  	s1 =	sadd.s32 $0x5480, s8;
	[tilespmem:$0x7CF0] =	vst v1  }
0xe8: {  	[spmem:s2] =	stream.indirect.scatter.add.f32 [tilespmem:s25], [sflag:$0xA], $0x1, s1, s20, $0xb8;
	[tilespmem:$0x8980] =	vst v63  }
0xe9: {  	_ =	swait.ge [sflag:s26], $0x80  }
0xea: {  	[sflag:s26] =	ssyncset.done $0x0  }
0xeb: {  	[sflag:s26] =	ssyncadd.s32 $0xFFFFFF80  }
0xec: {  	_ =	swait.ge [sflag:s28], $0x80  }
0xed: {  	[sflag:s28] =	ssyncset.done $0x0  }
0xee: {  	[sflag:s28] =	ssyncadd.s32 $0xFFFFFF80  }
0xef: {  	_ =	swait.ge [sflag:s29], $0x80  }
0xf0: {  	[sflag:s29] =	ssyncset.done $0x0  }
0xf1: {  	[sflag:s29] =	ssyncadd.s32 $0xFFFFFF80  }
0xf2: {  	_ =	swait.ge [sflag:s30], $0x80  }
0xf3: {  	[sflag:s30] =	ssyncset.done $0x0  }
0xf4: {  	[sflag:s30] =	ssyncadd.s32 $0xFFFFFF80  }
0xf5: {  	_ =	swait.ge [sflag:s31], $0x80  }
0xf6: {  	[sflag:s31] =	ssyncset.done $0x0  }
0xf7: {  	[sflag:s31] =	ssyncadd.s32 $0xFFFFFF80  }
0xf8: {  	[bflag:$0x0] =	sbarrier.arrive $0xFFFF  }
0xf9: {  	s1 =	simm.s32 $0x7D00;
	s0 =	rddreg [dreg:$0x7]  }
0xfa: {  	[tilespmem:s1], [sflag:$0xB] =	stream.linear.gather [spmem:s0], $0x280, $0x38;
	[tilespmem:$0x8980] =	vst v63  }
0xfb: {  	_ =	swait.ge [sflag:s16], $0x280  }
0xfc: {  	s9 =	simm.s32 $0x0;
	[sflag:s16] =	ssyncset.done $0x0  }
0xfd: {  	s4 =	simm.s32 $0x7F80;
	s13 =	rddreg [dreg:$0x8];
	[sflag:s16] =	ssyncadd.s32 $0xFFFFFD80  }
0xfe: {  	[tilespmem:s4], [sflag:$0xB] =	stream.linear.gather [hbm4b:s13+s9], $0x280, $0x38;
	[tilespmem:$0x8980] =	vst v63  }
0xff: {  	_ =	swait.ge [sflag:s16], $0x280  }
0x100: {  	[sflag:s16] =	ssyncset.done $0x0  }
0x101: {  	s14 =	simm.s32 $0x8200;
	[sflag:s16] =	ssyncadd.s32 $0xFFFFFD80  }
0x102: {  	[tilespmem:s14], [sflag:$0xB] =	stream.linear.gather [hbm4b:s10+s9], $0x280, $0x38;
	[tilespmem:$0x8980] =	vst v63  }
0x103: {  	_ =	swait.ge [sflag:s16], $0x280  }
0x104: {  	[sflag:s16] =	ssyncset.done $0x0  }
0x105: {  	s5 =	simm.s32 $0x0;
	[sflag:s16] =	ssyncadd.s32 $0xFFFFFD80  }
0x106: {  	v1 =	vld [tilespmem:s5+$0x7F80];
	_ =	sdelay $0x3  }
0x107: {  	s4 =	simm.s32 $0x10  }
0x108: {  	v2 =	vld [tilespmem:s4+$0x7F80];
	v1 =	vmax.f32 v1, $1.000000000e+00  }
0x109: {  	(erf) = vrcp.f32 v1;
	_ =	sdelay $0x1  }
0x10a: {  	s0 =	simm.s32 $0x20  }
0x10b: {  	v1 =	vld [tilespmem:s0+$0x7F80]  }
0x10c: {  	v2 =	vmax.f32 v2, $1.000000000e+00  }
0x10d: {  	(erf) = vrcp.f32 v2;
	v2 =	vld [tilespmem:s5+$0x7D00];
	_ =	sdelay $0x1  }
0x10e: {  	v3 =	vld [tilespmem:s5+$0x8200]  }
0x10f: {  	s1 =	simm.s32 $0x30;
	v1 =	vmax.f32 v1, $1.000000000e+00  }
0x110: {  	v4 =	vld [tilespmem:s1+$0x7F80];
	(erf) = vrcp.f32 v1;
	v5 =	vpop (erf)  }
0x111: {  	v1 =	vld [tilespmem:s4+$0x7D00];
	v2 =	vmul.f32 v5, v2;
	_ =	sdelay $0x1  }
0x112: {  	v5 =	vld [tilespmem:s4+$0x8200];
	v2 =	vadd.f32 v2, v3;
	_ =	sdelay $0x1  }
0x113: {  	s13 =	simm.s32 $0x40;
	v6 =	vld [tilespmem:s0+$0x7D00];
	v3 =	vpop (erf);
	v2 =	vsub.f32 $0.0e+00, v2  }
0x114: {  	v7 =	vld [tilespmem:s13+$0x7F80];
	v4 =	vmax.f32 v4, $1.000000000e+00;
	v1 =	vmul.f32 v3, v1  }
0x115: {  	(erf) = vrcp.f32 v4;
	v3 =	vld [tilespmem:s0+$0x8200];
	v2 =	vmul.f32 $1.442695020e+00, v2  }
0x116: {  	v1 =	vadd.f32 v1, v5  }
0x117: {  	v4 =	vpop (erf);
	(erf) = vpow2.f32 v2  }
0x118: {  	s14 =	simm.s32 $0x50;
	v4 =	vmul.f32 v4, v6;
	v1 =	vsub.f32 $0.0e+00, v1  }
0x119: {  	v5 =	vld [tilespmem:s14+$0x7F80]  }
0x11a: {  	v2 =	vmax.f32 v7, $1.000000000e+00;
	v3 =	vadd.f32 v4, v3;
	v4 =	vld [tilespmem:s1+$0x7D00];
	v1 =	vmul.f32 $1.442695020e+00, v1  }
0x11b: {  	(erf) = vrcp.f32 v2  }
0x11c: {  	v2 =	vsub.f32 $0.0e+00, v3;
	(erf) = vpow2.f32 v1;
	v1 =	vld [tilespmem:s1+$0x8200];
	_ =	sdelay $0x1  }
0x11d: {  	v3 =	vmax.f32 v5, $1.000000000e+00;
	v5 =	vpop (erf);
	v2 =	vmul.f32 $1.442695020e+00, v2  }
0x11e: {  	s6 =	simm.s32 $0x60;
	(erf) = vrcp.f32 v3;
	v3 =	vld [tilespmem:s13+$0x7D00];
	v4 =	vmul.f32 v5, v4  }
0x11f: {  	(erf) = vpow2.f32 v2;
	v2 =	vld [tilespmem:s6+$0x7F80];
	v5 =	vpop (erf)  }
0x120: {  	v1 =	vadd.f32 v4, v1;
	v5 =	vadd.f32 $1.000000000e+00, v5  }
0x121: {  	v4 =	vld [tilespmem:s13+$0x8200]  }
0x122: {  	v1 =	vsub.f32 $0.0e+00, v1;
	(erf) = vrcp.f32 v5  }
0x123: {  	v6 =	vpop (erf)  }
0x124: {  	v3 =	vmul.f32 v6, v3;
	v2 =	vmax.f32 v2, $1.000000000e+00;
	v6 =	vmul.f32 $1.442695020e+00, v1;
	v5 =	vpop (erf)  }
0x125: {  	s7 =	simm.s32 $0x70;
	v1 =	vld [tilespmem:s14+$0x7D00];
	(erf) = vrcp.f32 v2;
	v7 =	vadd.f32 $1.000000000e+00, v5  }
0x126: {  	v4 =	vadd.f32 v3, v4;
	v3 =	vld [tilespmem:s7+$0x7F80];
	(erf) = vpow2.f32 v6  }
0x127: {  	(erf) = vrcp.f32 v7  }
0x128: {  	v2 =	vld [tilespmem:s14+$0x8200]  }
0x129: {  	v5 =	vpop (erf);
	v6 =	vsub.f32 $0.0e+00, v4  }
0x12a: {  	s8 =	simm.s32 $0x200;
	v4 =	vpop (erf)  }
.LBB2_5:
0x12b: {  	s9 =	sshra.s32 s8, $0x2;
	v7 =	vmax.f32 v3, $1.000000000e+00;
	v5 =	vmul.f32 v5, v1;
	v1 =	vld [tilespmem:s6+$0x7D00];
	v6 =	vmul.f32 $1.442695020e+00, v6;
	v8 =	vpop (erf);
	p1 =	sne.s32 s8, $0x9C0  }
.Ltmp4:
0x12c: {  	v4 =	vadd.f32 $1.000000000e+00, v4;
	v3 =	vld [tilespmem:s9+$0x7F80];
	(erf) = vrcp.f32 v7;
	[tilespmem:s5+$0x8480] =	vst v8;
	s5 =	smov.u32 s4;
	s4 =	smov.u32 s0;
	(pc) =	sbr.rel @p1 .LBB2_5-.Ltmp4, $4  }
0x12d: {  	s8 =	sadd.s32 $0x40, s8;
	s0 =	smov.u32 s1;
	v7 =	vadd.f32 v5, v2;
	(erf) = vpow2.f32 v6  }
0x12e: {  	s1 =	smov.u32 s13;
	s13 =	smov.u32 s14;
	s14 =	smov.u32 s6;
	v2 =	vld [tilespmem:s6+$0x8200];
	(erf) = vrcp.f32 v4  }
0x12f: {  	s6 =	smov.u32 s7;
	s7 =	smov.u32 s9;
	v5 =	vpop (erf);
	v6 =	vsub.f32 $0.0e+00, v7  }
0x130: {  	v4 =	vpop (erf)  }
0x131: {  	v3 =	vmax.f32 v3, $1.000000000e+00  }
0x132: {  	(erf) = vrcp.f32 v3;
	_ =	sdelay $0x1  }
0x133: {  	v7 =	vpop (erf)  }
0x134: {  	v6 =	vmul.f32 $1.442695020e+00, v6;
	v3 =	vld [tilespmem:s6+$0x7D00];
	[tilespmem:s5+$0x8480] =	vst v7;
	v57 =	vpop (erf)  }
0x135: {  	v1 =	vmul.f32 v5, v1;
	v8 =	vld [tilespmem:s6+$0x8200];
	v9 =	vpop (erf)  }
0x136: {  	(erf) = vpow2.f32 v6;
	v58 =	vld [tilespmem:s7+$0x7D00];
	v10 =	vpop (erf)  }
0x137: {  	v1 =	vadd.f32 v1, v2;
	[tilespmem:s4+$0x8480] =	vst v10  }
0x138: {  	v59 =	vld [tilespmem:s7+$0x8200]  }
0x139: {  	v1 =	vsub.f32 $0.0e+00, v1;
	v2 =	vmul.f32 v57, v3  }
0x13a: {  	v3 =	vpop (erf)  }
0x13b: {  	v1 =	vmul.f32 $1.442695020e+00, v1;
	v2 =	vadd.f32 v2, v8;
	v3 =	vmul.f32 v3, v58  }
0x13c: {  	v4 =	vadd.f32 $1.000000000e+00, v4  }
0x13d: {  	v2 =	vsub.f32 $0.0e+00, v2;
	v3 =	vadd.f32 v3, v59  }
0x13e: {  	(erf) = vrcp.f32 v4;
	v60 =	vadd.f32 $1.000000000e+00, v9  }
0x13f: {  	(erf) = vpow2.f32 v1;
	v1 =	vpop (erf);
	v2 =	vmul.f32 $1.442695020e+00, v2;
	v3 =	vsub.f32 $0.0e+00, v3  }
0x140: {  	(erf) = vrcp.f32 v60;
	v1 =	vadd.f32 $1.000000000e+00, v1  }
0x141: {  	(erf) = vpow2.f32 v2;
	v2 =	vmul.f32 $1.442695020e+00, v3  }
0x142: {  	(erf) = vrcp.f32 v1  }
0x143: {  	(erf) = vpow2.f32 v2;
	_ =	sdelay $0x3  }
0x144: {  	v1 =	vpop (erf)  }
0x145: {  	v2 =	vpop (erf)  }
0x146: {  	v3 =	vpop (erf)  }
0x147: {  	v61 =	vpop (erf)  }
0x148: {  	v2 =	vadd.f32 $1.000000000e+00, v2;
	v62 =	vpop (erf)  }
0x149: {  	v4 =	vadd.f32 $1.000000000e+00, v61;
	v63 =	vpop (erf)  }
0x14a: {  	(erf) = vrcp.f32 v2;
	v2 =	vadd.f32 $1.000000000e+00, v63  }
0x14b: {  	(erf) = vrcp.f32 v4  }
0x14c: {  	(erf) = vrcp.f32 v2;
	_ =	sdelay $0x4  }
0x14d: {  	[tilespmem:s0+$0x8480] =	vst v1  }
0x14e: {  	[tilespmem:s1+$0x8480] =	vst v3  }
0x14f: {  	[tilespmem:s13+$0x8480] =	vst v62;
	v1 =	vpop (erf)  }
0x150: {  	[tilespmem:s14+$0x8480] =	vst v1;
	v1 =	vpop (erf)  }
0x151: {  	[tilespmem:s6+$0x8480] =	vst v1;
	v1 =	vpop (erf)  }
.Ltmp5:
0x152: {  	s13 =	simm.s32 $0x0;
	s14 =	simm.s32 $0x8480;
	[tilespmem:s7+$0x8480] =	vst v1;
	(pc) =	sbr.rel .LBB2_7-.Ltmp5, $4  }
0x153: {  	[hbm4b:s11+s13] =	stream.linear.scatter [tilespmem:s14], [sflag:$0xB], $0x280, $0x38;
	[tilespmem:$0x8980] =	vst v63  }
0x154: {  	_ =	swait.ge [sflag:s16], $0x280  }
0x155: {  	[sflag:s16] =	ssyncset.done $0x0  }
0x156: {  	[sflag:s16] =	ssyncadd.s32 $0xFFFFFD80  }
.LBB2_8:
0x157: {  	_ =	sfence.sel $0x180000  }
0x158: {  	[bflag:$0x0] =	sbarrier.arrive $0xFFFF  }
0x159: {  	_ =	strace $0x9000004A  }
0x15a: {  	s0 =	stileid.u32;
	[bflag:$0x2] =	sbarrier.arrive $0xFFFF  }
0x15b: {  	p0 =	sne.s32 s0, $0x0;
	s0 =	rddreg [dreg:$0x2]  }
0x15c: {  	s0 =	sadd.s32 @!p0 $0x100000, s0  }
0x15d: {  	[sflag:s0] =	ssyncadd.tile.s32 @!p0 $0x1;
	_ =	shalt  }
.Lfunc_end2:
_tile_overlayer_lowered:
.L_overlay_start_2:
0x15e: {  	(tag) =	ssettag $0x2  }
0x15f: {  	s0 =	rddreg [dreg:$0x0];
	s2 =	stileid.u32  }
0x160: {  	s1 =	rddreg [dreg:$0x1];
	p0 =	sne.s32 s2, $0x0  }
0x161: {  	s3 =	rddreg [dreg:$0x2];
	[bflag:$0x3] =	sbarrier.arrive $0xFFFF;
	s2 =	simm.s32 @!p0 $0x1C0B  }
0x162: {  	[timem:s3], [sflag:s2] =	dma.local @!p0 [hbm:s0], s1  }
0x163: {  	s0 =	simm.s32 @!p0 $0xB  }
0x164: {  	_ =	swait.ge @!p0 [sflag:s0], s1  }
0x165: {  	s1 =	ssub.s32 @!p0 $0x0, s1;
	[sflag:s0] =	ssyncset.done @!p0 $0x0  }
0x166: {  	[sflag:s0] =	ssyncadd.s32 @!p0 s1  }
0x167: {  	[bflag:$0x3] =	sbarrier.arrive $0xFFFF  }
0x168: {  	_ =	shalt  }

</sc_bundles>
